<compile_context>
chip_gen: v7x
topology: tpu7x:2x2x1
jax: 0.10.2.dev20260603
libtpu: 0.0.44.dev20260713+nightly
codegen_flags: <defaults>
</compile_context>

<pallas_src>
import jax
import jax.numpy as jnp
from jax import lax
from jax.experimental import pallas as pl
from jax.experimental.pallas import tpu as pltpu
from jax.experimental.pallas import tpu_sc as plsc

_C = 256
_NPAD = 1024
_NW = 32
_RPW = _NPAD // _NW
_PPW = _RPW * 49
_BATCH = 32
_NB = _PPW // _BATCH
_BASES = (0, 32768, 40960, 43008)
_SCALES = (0.248046875, 0.123046875, 0.060546875, 0.029296875)
_HS = (128, 64, 32, 16)
_T0, _T1, _T2 = 6272.0, 25088.0, 100352.0


def _compute_idx(bb, rois_v, bi_v, idx_ref, wx_ref, wy_ref):
    dyn0 = jnp.minimum(bi_v[pl.ds(0, 16)], 0)
    for g in range(2):
        lane = lax.iota(jnp.int32, 16)
        p = bb * _BATCH + g * 16 + lane + dyn0
        n = p // 49
        r49 = p - n * 49
        j = r49 // 7
        i = r49 - j * 7
        c0 = jnp.zeros((16,), jnp.int32)
        x1 = plsc.load_gather(rois_v, [n, c0])
        y1 = plsc.load_gather(rois_v, [n, c0 + 1])
        x2 = plsc.load_gather(rois_v, [n, c0 + 2])
        y2 = plsc.load_gather(rois_v, [n, c0 + 3])
        b = plsc.load_gather(bi_v, [n])
        hw = (x2 - x1) * (y2 - y1)
        lvl = ((hw >= _T0).astype(jnp.int32) + (hw >= _T1).astype(jnp.int32)
               + (hw >= _T2).astype(jnp.int32))
        scale = jnp.where(lvl == 0, _SCALES[0],
                          jnp.where(lvl == 1, _SCALES[1],
                                    jnp.where(lvl == 2, _SCALES[2], _SCALES[3])))
        hs = jnp.where(lvl == 0, _HS[0],
                       jnp.where(lvl == 1, _HS[1],
                                 jnp.where(lvl == 2, _HS[2], _HS[3])))
        bas = jnp.where(lvl == 0, _BASES[0],
                        jnp.where(lvl == 1, _BASES[1],
                                  jnp.where(lvl == 2, _BASES[2], _BASES[3])))
        in_y = (y1 + (j.astype(jnp.float32) * (1.0 / 6.0)) * (y2 - y1)) * scale
        in_x = (x1 + (i.astype(jnp.float32) * (1.0 / 6.0)) * (x2 - x1)) * scale
        y0 = in_y.astype(jnp.int32)
        x0 = in_x.astype(jnp.int32)
        wy = in_y - y0.astype(jnp.float32)
        wx = in_x - x0.astype(jnp.float32)
        hm1 = hs - 1
        y0c = jnp.minimum(y0, hm1)
        y1c = jnp.minimum(y0 + 1, hm1)
        x0c = jnp.minimum(x0, hm1)
        x1c = jnp.minimum(x0 + 1, hm1)
        common = bas + b * hs * hs
        row0 = common + y0c * hs
        row1 = common + y1c * hs
        idx_ref[pl.ds(g * 16, 16)] = row0 + x0c
        idx_ref[pl.ds(32 + g * 16, 16)] = row0 + x1c
        idx_ref[pl.ds(64 + g * 16, 16)] = row1 + x0c
        idx_ref[pl.ds(96 + g * 16, 16)] = row1 + x1c
        wx_ref[pl.ds(g * 16, 16)] = wx
        wy_ref[pl.ds(g * 16, 16)] = wy


def _combine(rows_ref, wx_ref, wy_ref, out_ref):
    def body(p, carry):
        pv = jnp.broadcast_to(p, (16,)).astype(jnp.int32)
        wxv = plsc.load_gather(wx_ref, [pv])
        wyv = plsc.load_gather(wy_ref, [pv])
        for c in range(_C // 16):
            sl = pl.ds(c * 16, 16)
            tl = rows_ref[p, sl]
            tr = rows_ref[p + 32, sl]
            bl = rows_ref[p + 64, sl]
            br = rows_ref[p + 96, sl]
            top = tl + wxv * (tr - tl)
            bot = bl + wxv * (br - bl)
            out_ref[p, sl] = top + wyv * (bot - top)
        return carry
    lax.fori_loop(0, _BATCH, body, 0)


def _sc_body(table, rois_h, bi_h, out_h, rois_v, bi_v, idx_a, idx_b,
             wx_a, wy_a, wx_b, wy_b, rows_a, rows_b, out_v, sg):
    cid = lax.axis_index("c")
    sid = lax.axis_index("s")
    wid = sid * 2 + cid
    pltpu.sync_copy(rois_h.at[pl.ds(wid * _RPW, _RPW)], rois_v)
    pltpu.sync_copy(bi_h.at[pl.ds(wid * _RPW, _RPW)], bi_v)
    pix0 = wid * _PPW

    def loop_body(g2, carry):
        a = 2 * g2

        @pl.when(g2 == 0)
        def _():
            _compute_idx(a, rois_v, bi_v, idx_a, wx_a, wy_a)
            pltpu.make_async_copy(table.at[idx_a], rows_a, sg).start()

        pltpu.make_async_copy(table.at[idx_a], rows_a, sg).wait()
        _compute_idx(a + 1, rois_v, bi_v, idx_b, wx_b, wy_b)
        pltpu.make_async_copy(table.at[idx_b], rows_b, sg).start()
        _combine(rows_a, wx_a, wy_a, out_v)
        pltpu.sync_copy(out_v, out_h.at[pl.ds(pix0 + a * _BATCH, _BATCH)])

        pltpu.make_async_copy(table.at[idx_b], rows_b, sg).wait()

        @pl.when(a + 2 < _NB)
        def _():
            _compute_idx(a + 2, rois_v, bi_v, idx_a, wx_a, wy_a)
            pltpu.make_async_copy(table.at[idx_a], rows_a, sg).start()
        _combine(rows_b, wx_b, wy_b, out_v)
        pltpu.sync_copy(out_v, out_h.at[pl.ds(pix0 + (a + 1) * _BATCH, _BATCH)])
        return carry

    lax.fori_loop(0, (_NB - 1) // 2, loop_body, 0)
    last = _NB - 1
    pltpu.make_async_copy(table.at[idx_a], rows_a, sg).wait()
    _combine(rows_a, wx_a, wy_a, out_v)
    pltpu.sync_copy(out_v, out_h.at[pl.ds(pix0 + last * _BATCH, _BATCH)])


def kernel(fm2, fm3, fm4, fm5, rois, batch_indices):
    n = rois.shape[0]
    c = fm2.shape[3]
    table = jnp.concatenate(
        [fm2.reshape(-1, c), fm3.reshape(-1, c), fm4.reshape(-1, c),
         fm5.reshape(-1, c)], axis=0)
    rois_p = jnp.pad(rois, ((0, _NPAD - n), (0, 0)))
    bi_p = jnp.pad(batch_indices.astype(jnp.int32), (0, _NPAD - n))

    mesh = plsc.VectorSubcoreMesh(core_axis_name="c", subcore_axis_name="s")
    run = pl.kernel(
        _sc_body,
        out_type=jax.ShapeDtypeStruct((_NPAD * 49, _C), jnp.float32),
        mesh=mesh,
        compiler_params=pltpu.CompilerParams(needs_layout_passes=False),
        scratch_types=[
            pltpu.VMEM((_RPW, 4), jnp.float32),
            pltpu.VMEM((_RPW,), jnp.int32),
            pltpu.VMEM((4 * _BATCH,), jnp.int32),
            pltpu.VMEM((4 * _BATCH,), jnp.int32),
            pltpu.VMEM((_BATCH,), jnp.float32),
            pltpu.VMEM((_BATCH,), jnp.float32),
            pltpu.VMEM((_BATCH,), jnp.float32),
            pltpu.VMEM((_BATCH,), jnp.float32),
            pltpu.VMEM((4 * _BATCH, _C), jnp.float32),
            pltpu.VMEM((4 * _BATCH, _C), jnp.float32),
            pltpu.VMEM((_BATCH, _C), jnp.float32),
            pltpu.SemaphoreType.DMA,
        ],
    )
    out_flat = run(table, rois_p, bi_p)
    roi_features = out_flat[: n * 49].reshape(n, 7, 7, c)
    return (roi_features, batch_indices.astype(jnp.int32))

# --- scband reference (transcript-rebuilt; emitter-appended) ---
"""Pipeline reference for scband-roialign-29755533426740 (READ-ONLY COPY).

The authoritative reference and input builder live on the scoring server;
editing this copy changes nothing except your own understanding.
"""

import jax, jax.numpy as jnp
import numpy as np

OUTPUT_SIZE = 7
FEATURE_STRIDES = [4, 8, 16, 32]
IMG = 512
B = 2
N_ROIS = 1000
C = 256


def setup_inputs(seed: int = 0):
    key = jax.random.key(seed)
    ks = jax.random.split(key, 8)
    inp = {}
    for i, stride in enumerate(FEATURE_STRIDES):
        hw = IMG // stride
        inp['fm%d' % (i + 2)] = jax.random.normal(ks[i], (B, hw, hw, C), dtype=jnp.float32)
    # realistic boxes: log-uniform sizes in [16, 448] so rois spread across FPN levels 2..5
    s = jnp.exp(jax.random.uniform(ks[4], (N_ROIS,), minval=jnp.log(16.0), maxval=jnp.log(448.0)))
    x1 = jax.random.uniform(ks[5], (N_ROIS,)) * (IMG - s)
    y1 = jax.random.uniform(ks[6], (N_ROIS,)) * (IMG - s)
    rois = jnp.stack([x1, y1, x1 + s, y1 + s], axis=1).astype(jnp.float32)
    inp['rois'] = rois
    inp['batch_indices'] = jax.random.randint(ks[7], (N_ROIS,), 0, B, dtype=jnp.int32)
    return inp


def _crop_and_resize(images, boxes, box_indices, crop_h, crop_w):
    # faithful jnp port of tf.image.crop_and_resize (bilinear)
    H = images.shape[1]
    W = images.shape[2]
    y1, x1, y2, x2 = boxes[:, 0], boxes[:, 1], boxes[:, 2], boxes[:, 3]
    gy = jnp.arange(crop_h, dtype=jnp.float32) / float(crop_h - 1)
    gx = jnp.arange(crop_w, dtype=jnp.float32) / float(crop_w - 1)
    in_y = y1[:, None] * (H - 1) + gy[None, :] * ((y2 - y1) * (H - 1))[:, None]
    in_x = x1[:, None] * (W - 1) + gx[None, :] * ((x2 - x1) * (W - 1))[:, None]
    y0f = jnp.floor(in_y)
    x0f = jnp.floor(in_x)
    wy = in_y - y0f
    wx = in_x - x0f
    y0 = jnp.clip(y0f, 0, H - 1).astype(jnp.int32)
    y1i = jnp.clip(y0f + 1, 0, H - 1).astype(jnp.int32)
    x0 = jnp.clip(x0f, 0, W - 1).astype(jnp.int32)
    x1i = jnp.clip(x0f + 1, 0, W - 1).astype(jnp.int32)
    bi = box_indices[:, None, None]
    tl = images[bi, y0[:, :, None], x0[:, None, :], :]
    tr = images[bi, y0[:, :, None], x1i[:, None, :], :]
    bl = images[bi, y1i[:, :, None], x0[:, None, :], :]
    br = images[bi, y1i[:, :, None], x1i[:, None, :], :]
    top = tl + (tr - tl) * wx[:, None, :, None]
    bot = bl + (br - bl) * wx[:, None, :, None]
    return top + (bot - top) * wy[:, :, None, None]


def reference(fm2, fm3, fm4, fm5, rois, batch_indices):
    w = rois[:, 2] - rois[:, 0]
    h = rois[:, 3] - rois[:, 1]
    levels = jnp.log(jnp.sqrt(jnp.maximum(h * w, 1e-12)) / 224.0) / jnp.log(2.0) + 4.0
    levels = jnp.clip(jnp.round(levels).astype(jnp.int32), 2, 5)
    fms = [fm2, fm3, fm4, fm5]
    bi = batch_indices.astype(jnp.int32)
    roi_features = jnp.zeros((rois.shape[0], OUTPUT_SIZE, OUTPUT_SIZE, fm2.shape[3]), dtype=fm2.dtype)
    for i, stride in enumerate(FEATURE_STRIDES):
        fm = fms[i]
        H = fm.shape[1]
        W = fm.shape[2]
        r = rois / float(stride)
        nb = jnp.stack([r[:, 1] / H, r[:, 0] / W, r[:, 3] / H, r[:, 2] / W], axis=1)
        f = _crop_and_resize(fm, nb, bi, OUTPUT_SIZE, OUTPUT_SIZE)
        mask = (levels == i + 2)
        roi_features = jnp.where(mask[:, None, None, None], f, roi_features)
    roi_feature_batch_indices = bi
    return (roi_features, roi_feature_batch_indices)


if False:  # reference __main__ guard neutralized (emitter)
    out = reference(**setup_inputs())
    print(out[0].shape, out[1].shape)

if __name__ == "__main__":
    import jax
    _d = setup_inputs()
    print(jax.jit(kernel)(*tuple(_d.values())))

</pallas_src>

<mosaic_0001>
#map = affine_map<(d0, d1) -> (0, 0)>
#map1 = affine_map<(d0, d1) -> (0)>
module attributes {stable_mosaic.version = 14 : i64} {
  func.func @_sc_body(%arg0: i32, %arg1: i32, %arg2: memref<43520x256xf32, #tpu.memory_space<hbm>>, %arg3: memref<1024x4xf32, #tpu.memory_space<hbm>>, %arg4: memref<1024xi32, #tpu.memory_space<hbm>>, %arg5: memref<50176x256xf32, #tpu.memory_space<hbm>>, %arg6: memref<32x4xf32, #tpu.memory_space<vmem>>, %arg7: memref<32xi32, #tpu.memory_space<vmem>>, %arg8: memref<128xi32, #tpu.memory_space<vmem>>, %arg9: memref<128xi32, #tpu.memory_space<vmem>>, %arg10: memref<32xf32, #tpu.memory_space<vmem>>, %arg11: memref<32xf32, #tpu.memory_space<vmem>>, %arg12: memref<32xf32, #tpu.memory_space<vmem>>, %arg13: memref<32xf32, #tpu.memory_space<vmem>>, %arg14: memref<128x256xf32, #tpu.memory_space<vmem>>, %arg15: memref<128x256xf32, #tpu.memory_space<vmem>>, %arg16: memref<32x256xf32, #tpu.memory_space<vmem>>, %arg17: memref<!tpu.dma_semaphore, #tpu.memory_space<semaphore_mem>>) attributes {dimension_semantics = [#tpu.dimension_semantics<core_parallel>, #tpu.dimension_semantics<subcore_parallel>], iteration_bounds = array<i64: 2, 16>, scalar_prefetch = 0 : i64, scratch_operands = 12 : i64, tpu.core_type = #tpu.core_type<sc_vector_subcore>, window_params = [{transform_indices = #map}, {transform_indices = #map}, {transform_indices = #map1}, {transform_indices = #map}]} {
    %mul3A = arith.constant 2 : i32
    %mul3A_0 = arith.muli %arg1, %mul3A : i32
    %add3A = arith.addi %mul3A_0, %arg0 : i32
    %mul3A_1 = arith.constant 32 : i32
    %mul3A_2 = arith.muli %add3A, %mul3A_1 : i32
    "tpu.region"() ({
      %run_scoped3A = tpu.sem_alloc : memref<!tpu.dma_semaphore, #tpu.memory_space<semaphore_mem>>
      %dma_start3A = arith.constant 0 : i32
      %dma_start3A_22 = tpu.memref_slice %arg3[%mul3A_2, %dma_start3A] : memref<1024x4xf32, #tpu.memory_space<hbm>> -> memref<32x4xf32, #tpu.memory_space<hbm>>
      %dma_start3A_23 = arith.constant 0 : i32
      %dma_start3A_24 = tpu.memref_slice %arg3[%mul3A_2, %dma_start3A_23] : memref<1024x4xf32, #tpu.memory_space<hbm>> -> memref<32x4xf32, #tpu.memory_space<hbm>>
      tpu.enqueue_dma source(%dma_start3A_24 : memref<32x4xf32, #tpu.memory_space<hbm>>) target(%arg6 : memref<32x4xf32, #tpu.memory_space<vmem>>) target_semaphore(%run_scoped3A : memref<!tpu.dma_semaphore, #tpu.memory_space<semaphore_mem>>)
      %dma_wait3A_25 = arith.constant 0 : i32
      %dma_wait3A_26 = tpu.memref_slice %arg3[%mul3A_2, %dma_wait3A_25] : memref<1024x4xf32, #tpu.memory_space<hbm>> -> memref<32x4xf32, #tpu.memory_space<hbm>>
      %dma_wait3A_27 = arith.constant 0 : i32
      %dma_wait3A_28 = tpu.memref_slice %arg3[%mul3A_2, %dma_wait3A_27] : memref<1024x4xf32, #tpu.memory_space<hbm>> -> memref<32x4xf32, #tpu.memory_space<hbm>>
      tpu.wait_dma2 semaphore(%run_scoped3A : memref<!tpu.dma_semaphore, #tpu.memory_space<semaphore_mem>>) src(%dma_wait3A_28 : memref<32x4xf32, #tpu.memory_space<hbm>>) dst(%arg6 : memref<32x4xf32, #tpu.memory_space<vmem>>)
      tpu.yield
    }) : () -> ()
    %mul3A_3 = arith.constant 32 : i32
    %mul3A_4 = arith.muli %add3A, %mul3A_3 : i32
    "tpu.region"() ({
      %run_scoped3A = tpu.sem_alloc : memref<!tpu.dma_semaphore, #tpu.memory_space<semaphore_mem>>
      %dma_start3A = tpu.memref_slice %arg4[%mul3A_4] : memref<1024xi32, #tpu.memory_space<hbm>> -> memref<32xi32, #tpu.memory_space<hbm>>
      %dma_start3A_22 = tpu.memref_slice %arg4[%mul3A_4] : memref<1024xi32, #tpu.memory_space<hbm>> -> memref<32xi32, #tpu.memory_space<hbm>>
      tpu.enqueue_dma source(%dma_start3A_22 : memref<32xi32, #tpu.memory_space<hbm>>) target(%arg7 : memref<32xi32, #tpu.memory_space<vmem>>) target_semaphore(%run_scoped3A : memref<!tpu.dma_semaphore, #tpu.memory_space<semaphore_mem>>)
      %dma_wait3A_23 = tpu.memref_slice %arg4[%mul3A_4] : memref<1024xi32, #tpu.memory_space<hbm>> -> memref<32xi32, #tpu.memory_space<hbm>>
      %dma_wait3A_24 = tpu.memref_slice %arg4[%mul3A_4] : memref<1024xi32, #tpu.memory_space<hbm>> -> memref<32xi32, #tpu.memory_space<hbm>>
      tpu.wait_dma2 semaphore(%run_scoped3A : memref<!tpu.dma_semaphore, #tpu.memory_space<semaphore_mem>>) src(%dma_wait3A_24 : memref<32xi32, #tpu.memory_space<hbm>>) dst(%arg7 : memref<32xi32, #tpu.memory_space<vmem>>)
      tpu.yield
    }) : () -> ()
    %mul3A_5 = arith.constant 1568 : i32
    %mul3A_6 = arith.muli %add3A, %mul3A_5 : i32
    %scan3A = arith.constant 0 : i32
    %scan3A_7 = arith.constant 0 : i32
    %scan3A_8 = arith.constant 24 : i32
    %scan3A_9 = arith.addi %scan3A_7, %scan3A_8 : i32
    %scan3A_10 = arith.constant 1 : i32
    scf.for %scan3A_22 = %scan3A_7 to %scan3A_9 step %scan3A_10  : i32 {
      %mul3A_23 = arith.constant 2 : i32
      %mul3A_24 = arith.muli %mul3A_23, %scan3A_22 : i32
      %eq3A = arith.constant 0 : i32
      %eq3A_25 = arith.cmpi eq, %scan3A_22, %eq3A : i32
      %convert_element_type3A = arith.extui %eq3A_25 : i1 to i32
      %cond3A = arith.constant 0 : i32
      %cond3A_26 = arith.cmpi ne, %convert_element_type3A, %cond3A : i32
      scf.if %cond3A_26 {
        %get3A_511 = arith.constant 0 : index
        %get3A_512 = tpu.vector_load %arg7[%get3A_511] {strides = array<i32>} : memref<32xi32, #tpu.memory_space<vmem>>, vector<16xi32>,
        %min3A_513 = arith.constant 0 : i32
        %min3A_514 = vector.broadcast %min3A_513 : i32 to vector<16xi32>
        %min3A_515 = arith.minsi %get3A_512, %min3A_514 : vector<16xi32>
        %iota3A_516 = tpu.iota {dimensions = array<i32: 0>} : vector<16xi32>
        %mul3A_517 = arith.constant 32 : i32
        %mul3A_518 = arith.muli %mul3A_24, %mul3A_517 : i32
        %add3A_519 = arith.constant 0 : i32
        %add3A_520 = arith.addi %mul3A_518, %add3A_519 : i32
        %add3A_521 = vector.broadcast %add3A_520 : i32 to vector<16xi32>
        %add3A_522 = arith.addi %add3A_521, %iota3A_516 : vector<16xi32>
        %add3A_523 = arith.addi %add3A_522, %min3A_515 : vector<16xi32>
        %jit3A_524 = arith.constant 49 : i32
        %div3A_525 = vector.broadcast %jit3A_524 : i32 to vector<16xi32>
        %div3A_526 = arith.divsi %add3A_523, %div3A_525 : vector<16xi32>
        %sign3A_527 = arith.constant 0 : i32
        %sign3A_528 = vector.broadcast %sign3A_527 : i32 to vector<16xi32>
        %sign3A_529 = arith.cmpi sgt, %add3A_523, %sign3A_528 : vector<16xi32>
        %sign3A_530 = arith.extui %sign3A_529 : vector<16xi1> to vector<16xi32>
        %sign3A_531 = arith.constant 0 : i32
        %sign3A_532 = vector.broadcast %sign3A_531 : i32 to vector<16xi32>
        %sign3A_533 = arith.cmpi slt, %add3A_523, %sign3A_532 : vector<16xi32>
        %sign3A_534 = arith.extui %sign3A_533 : vector<16xi1> to vector<16xi32>
        %sign3A_535 = arith.subi %sign3A_530, %sign3A_534 : vector<16xi32>
        %sign3A_536 = arith.constant 0 : i32
        %sign3A_537 = arith.cmpi sgt, %jit3A_524, %sign3A_536 : i32
        %sign3A_538 = arith.extui %sign3A_537 : i1 to i32
        %sign3A_539 = arith.constant 0 : i32
        %sign3A_540 = arith.cmpi slt, %jit3A_524, %sign3A_539 : i32
        %sign3A_541 = arith.extui %sign3A_540 : i1 to i32
        %sign3A_542 = arith.subi %sign3A_538, %sign3A_541 : i32
        %ne3A_543 = vector.broadcast %sign3A_542 : i32 to vector<16xi32>
        %ne3A_544 = arith.cmpi ne, %sign3A_535, %ne3A_543 : vector<16xi32>
        %rem3A_545 = vector.broadcast %jit3A_524 : i32 to vector<16xi32>
        %rem3A_546 = arith.remsi %add3A_523, %rem3A_545 : vector<16xi32>
        %ne3A_547 = arith.constant 0 : i32
        %ne3A_548 = vector.broadcast %ne3A_547 : i32 to vector<16xi32>
        %ne3A_549 = arith.cmpi ne, %rem3A_546, %ne3A_548 : vector<16xi32>
        %and3A_550 = arith.andi %ne3A_544, %ne3A_549 : vector<16xi1>
        %sub3A_551 = arith.constant 1 : i32
        %sub3A_552 = vector.broadcast %sub3A_551 : i32 to vector<16xi32>
        %sub3A_553 = arith.subi %div3A_526, %sub3A_552 : vector<16xi32>
        %select_n3A_554 = arith.select %and3A_550, %sub3A_553, %div3A_526 : vector<16xi1>, vector<16xi32>
        %mul3A_555 = arith.constant 49 : i32
        %mul3A_556 = vector.broadcast %mul3A_555 : i32 to vector<16xi32>
        %mul3A_557 = arith.muli %select_n3A_554, %mul3A_556 : vector<16xi32>
        %sub3A_558 = arith.subi %add3A_523, %mul3A_557 : vector<16xi32>
        %jit3A_559 = arith.constant 7 : i32
        %div3A_560 = vector.broadcast %jit3A_559 : i32 to vector<16xi32>
        %div3A_561 = arith.divsi %sub3A_558, %div3A_560 : vector<16xi32>
        %sign3A_562 = arith.constant 0 : i32
        %sign3A_563 = vector.broadcast %sign3A_562 : i32 to vector<16xi32>
        %sign3A_564 = arith.cmpi sgt, %sub3A_558, %sign3A_563 : vector<16xi32>
        %sign3A_565 = arith.extui %sign3A_564 : vector<16xi1> to vector<16xi32>
        %sign3A_566 = arith.constant 0 : i32
        %sign3A_567 = vector.broadcast %sign3A_566 : i32 to vector<16xi32>
        %sign3A_568 = arith.cmpi slt, %sub3A_558, %sign3A_567 : vector<16xi32>
        %sign3A_569 = arith.extui %sign3A_568 : vector<16xi1> to vector<16xi32>
        %sign3A_570 = arith.subi %sign3A_565, %sign3A_569 : vector<16xi32>
        %sign3A_571 = arith.constant 0 : i32
        %sign3A_572 = arith.cmpi sgt, %jit3A_559, %sign3A_571 : i32
        %sign3A_573 = arith.extui %sign3A_572 : i1 to i32
        %sign3A_574 = arith.constant 0 : i32
        %sign3A_575 = arith.cmpi slt, %jit3A_559, %sign3A_574 : i32
        %sign3A_576 = arith.extui %sign3A_575 : i1 to i32
        %sign3A_577 = arith.subi %sign3A_573, %sign3A_576 : i32
        %ne3A_578 = vector.broadcast %sign3A_577 : i32 to vector<16xi32>
        %ne3A_579 = arith.cmpi ne, %sign3A_570, %ne3A_578 : vector<16xi32>
        %rem3A_580 = vector.broadcast %jit3A_559 : i32 to vector<16xi32>
        %rem3A_581 = arith.remsi %sub3A_558, %rem3A_580 : vector<16xi32>
        %ne3A_582 = arith.constant 0 : i32
        %ne3A_583 = vector.broadcast %ne3A_582 : i32 to vector<16xi32>
        %ne3A_584 = arith.cmpi ne, %rem3A_581, %ne3A_583 : vector<16xi32>
        %and3A_585 = arith.andi %ne3A_579, %ne3A_584 : vector<16xi1>
        %sub3A_586 = arith.constant 1 : i32
        %sub3A_587 = vector.broadcast %sub3A_586 : i32 to vector<16xi32>
        %sub3A_588 = arith.subi %div3A_561, %sub3A_587 : vector<16xi32>
        %select_n3A_589 = arith.select %and3A_585, %sub3A_588, %div3A_561 : vector<16xi1>, vector<16xi32>
        %mul3A_590 = arith.constant 7 : i32
        %mul3A_591 = vector.broadcast %mul3A_590 : i32 to vector<16xi32>
        %mul3A_592 = arith.muli %select_n3A_589, %mul3A_591 : vector<16xi32>
        %sub3A_593 = arith.subi %sub3A_558, %mul3A_592 : vector<16xi32>
        %broadcast_in_dim3A_594 = arith.constant 0 : i32
        %broadcast_in_dim3A_595 = vector.broadcast %broadcast_in_dim3A_594 : i32 to vector<16xi32>
        %gather3A_596 = tpu.vector_load_idx %arg6[%select_n3A_554, %broadcast_in_dim3A_595] : memref<32x4xf32, #tpu.memory_space<vmem>>[vector<16xi32>, vector<16xi32>], vector<16xf32>,
        %add3A_597 = arith.constant 1 : i32
        %add3A_598 = vector.broadcast %add3A_597 : i32 to vector<16xi32>
        %add3A_599 = arith.addi %broadcast_in_dim3A_595, %add3A_598 : vector<16xi32>
        %gather3A_600 = tpu.vector_load_idx %arg6[%select_n3A_554, %add3A_599] : memref<32x4xf32, #tpu.memory_space<vmem>>[vector<16xi32>, vector<16xi32>], vector<16xf32>,
        %add3A_601 = arith.constant 2 : i32
        %add3A_602 = vector.broadcast %add3A_601 : i32 to vector<16xi32>
        %add3A_603 = arith.addi %broadcast_in_dim3A_595, %add3A_602 : vector<16xi32>
        %gather3A_604 = tpu.vector_load_idx %arg6[%select_n3A_554, %add3A_603] : memref<32x4xf32, #tpu.memory_space<vmem>>[vector<16xi32>, vector<16xi32>], vector<16xf32>,
        %add3A_605 = arith.constant 3 : i32
        %add3A_606 = vector.broadcast %add3A_605 : i32 to vector<16xi32>
        %add3A_607 = arith.addi %broadcast_in_dim3A_595, %add3A_606 : vector<16xi32>
        %gather3A_608 = tpu.vector_load_idx %arg6[%select_n3A_554, %add3A_607] : memref<32x4xf32, #tpu.memory_space<vmem>>[vector<16xi32>, vector<16xi32>], vector<16xf32>,
        %gather3A_609 = tpu.vector_load_idx %arg7[%select_n3A_554] : memref<32xi32, #tpu.memory_space<vmem>>[vector<16xi32>], vector<16xi32>,
        %sub3A_610 = arith.subf %gather3A_604, %gather3A_596 : vector<16xf32>
        %sub3A_611 = arith.subf %gather3A_608, %gather3A_600 : vector<16xf32>
        %mul3A_612 = arith.mulf %sub3A_610, %sub3A_611 : vector<16xf32>
        %ge3A_613 = arith.constant 6.272000e+03 : f32
        %ge3A_614 = vector.broadcast %ge3A_613 : f32 to vector<16xf32>
        %ge3A_615 = arith.cmpf oge, %mul3A_612, %ge3A_614 : vector<16xf32>
        %convert_element_type3A_616 = arith.extui %ge3A_615 : vector<16xi1> to vector<16xi32>
        %ge3A_617 = arith.constant 2.508800e+04 : f32
        %ge3A_618 = vector.broadcast %ge3A_617 : f32 to vector<16xf32>
        %ge3A_619 = arith.cmpf oge, %mul3A_612, %ge3A_618 : vector<16xf32>
        %convert_element_type3A_620 = arith.extui %ge3A_619 : vector<16xi1> to vector<16xi32>
        %add3A_621 = arith.addi %convert_element_type3A_616, %convert_element_type3A_620 : vector<16xi32>
        %ge3A_622 = arith.constant 1.003520e+05 : f32
        %ge3A_623 = vector.broadcast %ge3A_622 : f32 to vector<16xf32>
        %ge3A_624 = arith.cmpf oge, %mul3A_612, %ge3A_623 : vector<16xf32>
        %convert_element_type3A_625 = arith.extui %ge3A_624 : vector<16xi1> to vector<16xi32>
        %add3A_626 = arith.addi %add3A_621, %convert_element_type3A_625 : vector<16xi32>
        %eq3A_627 = arith.constant 0 : i32
        %eq3A_628 = vector.broadcast %eq3A_627 : i32 to vector<16xi32>
        %eq3A_629 = arith.cmpi eq, %add3A_626, %eq3A_628 : vector<16xi32>
        %eq3A_630 = arith.constant 1 : i32
        %eq3A_631 = vector.broadcast %eq3A_630 : i32 to vector<16xi32>
        %eq3A_632 = arith.cmpi eq, %add3A_626, %eq3A_631 : vector<16xi32>
        %eq3A_633 = arith.constant 2 : i32
        %eq3A_634 = vector.broadcast %eq3A_633 : i32 to vector<16xi32>
        %eq3A_635 = arith.cmpi eq, %add3A_626, %eq3A_634 : vector<16xi32>
        %jit3A_636 = arith.constant 0.060546875 : f32
        %jit3A_637 = arith.constant 0.029296875 : f32
        %broadcast_in_dim3A_638 = vector.broadcast %jit3A_636 : f32 to vector<16xf32>
        %broadcast_in_dim3A_639 = vector.broadcast %jit3A_637 : f32 to vector<16xf32>
        %select_n3A_640 = arith.select %eq3A_635, %broadcast_in_dim3A_638, %broadcast_in_dim3A_639 : vector<16xi1>, vector<16xf32>
        %jit3A_641 = arith.constant 0.123046875 : f32
        %broadcast_in_dim3A_642 = vector.broadcast %jit3A_641 : f32 to vector<16xf32>
        %select_n3A_643 = arith.select %eq3A_632, %broadcast_in_dim3A_642, %select_n3A_640 : vector<16xi1>, vector<16xf32>
        %jit3A_644 = arith.constant 0.248046875 : f32
        %broadcast_in_dim3A_645 = vector.broadcast %jit3A_644 : f32 to vector<16xf32>
        %select_n3A_646 = arith.select %eq3A_629, %broadcast_in_dim3A_645, %select_n3A_643 : vector<16xi1>, vector<16xf32>
        %eq3A_647 = arith.constant 0 : i32
        %eq3A_648 = vector.broadcast %eq3A_647 : i32 to vector<16xi32>
        %eq3A_649 = arith.cmpi eq, %add3A_626, %eq3A_648 : vector<16xi32>
        %eq3A_650 = arith.constant 1 : i32
        %eq3A_651 = vector.broadcast %eq3A_650 : i32 to vector<16xi32>
        %eq3A_652 = arith.cmpi eq, %add3A_626, %eq3A_651 : vector<16xi32>
        %eq3A_653 = arith.constant 2 : i32
        %eq3A_654 = vector.broadcast %eq3A_653 : i32 to vector<16xi32>
        %eq3A_655 = arith.cmpi eq, %add3A_626, %eq3A_654 : vector<16xi32>
        %jit3A_656 = arith.constant 32 : i32
        %jit3A_657 = arith.constant 16 : i32
        %broadcast_in_dim3A_658 = vector.broadcast %jit3A_656 : i32 to vector<16xi32>
        %broadcast_in_dim3A_659 = vector.broadcast %jit3A_657 : i32 to vector<16xi32>
        %select_n3A_660 = arith.select %eq3A_655, %broadcast_in_dim3A_658, %broadcast_in_dim3A_659 : vector<16xi1>, vector<16xi32>
        %jit3A_661 = arith.constant 64 : i32
        %broadcast_in_dim3A_662 = vector.broadcast %jit3A_661 : i32 to vector<16xi32>
        %select_n3A_663 = arith.select %eq3A_652, %broadcast_in_dim3A_662, %select_n3A_660 : vector<16xi1>, vector<16xi32>
        %jit3A_664 = arith.constant 128 : i32
        %broadcast_in_dim3A_665 = vector.broadcast %jit3A_664 : i32 to vector<16xi32>
        %select_n3A_666 = arith.select %eq3A_649, %broadcast_in_dim3A_665, %select_n3A_663 : vector<16xi1>, vector<16xi32>
        %eq3A_667 = arith.constant 0 : i32
        %eq3A_668 = vector.broadcast %eq3A_667 : i32 to vector<16xi32>
        %eq3A_669 = arith.cmpi eq, %add3A_626, %eq3A_668 : vector<16xi32>
        %eq3A_670 = arith.constant 1 : i32
        %eq3A_671 = vector.broadcast %eq3A_670 : i32 to vector<16xi32>
        %eq3A_672 = arith.cmpi eq, %add3A_626, %eq3A_671 : vector<16xi32>
        %eq3A_673 = arith.constant 2 : i32
        %eq3A_674 = vector.broadcast %eq3A_673 : i32 to vector<16xi32>
        %eq3A_675 = arith.cmpi eq, %add3A_626, %eq3A_674 : vector<16xi32>
        %jit3A_676 = arith.constant 40960 : i32
        %jit3A_677 = arith.constant 43008 : i32
        %broadcast_in_dim3A_678 = vector.broadcast %jit3A_676 : i32 to vector<16xi32>
        %broadcast_in_dim3A_679 = vector.broadcast %jit3A_677 : i32 to vector<16xi32>
        %select_n3A_680 = arith.select %eq3A_675, %broadcast_in_dim3A_678, %broadcast_in_dim3A_679 : vector<16xi1>, vector<16xi32>
        %jit3A_681 = arith.constant 32768 : i32
        %broadcast_in_dim3A_682 = vector.broadcast %jit3A_681 : i32 to vector<16xi32>
        %select_n3A_683 = arith.select %eq3A_672, %broadcast_in_dim3A_682, %select_n3A_680 : vector<16xi1>, vector<16xi32>
        %jit3A_684 = arith.constant 0 : i32
        %broadcast_in_dim3A_685 = vector.broadcast %jit3A_684 : i32 to vector<16xi32>
        %select_n3A_686 = arith.select %eq3A_669, %broadcast_in_dim3A_685, %select_n3A_683 : vector<16xi1>, vector<16xi32>
        %convert_element_type3A_687 = arith.sitofp %select_n3A_589 : vector<16xi32> to vector<16xf32>
        %mul3A_688 = arith.constant 0.166666672 : f32
        %mul3A_689 = vector.broadcast %mul3A_688 : f32 to vector<16xf32>
        %mul3A_690 = arith.mulf %convert_element_type3A_687, %mul3A_689 : vector<16xf32>
        %sub3A_691 = arith.subf %gather3A_608, %gather3A_600 : vector<16xf32>
        %mul3A_692 = arith.mulf %mul3A_690, %sub3A_691 : vector<16xf32>
        %add3A_693 = arith.addf %gather3A_600, %mul3A_692 : vector<16xf32>
        %mul3A_694 = arith.mulf %add3A_693, %select_n3A_646 : vector<16xf32>
        %convert_element_type3A_695 = arith.sitofp %sub3A_593 : vector<16xi32> to vector<16xf32>
        %mul3A_696 = arith.constant 0.166666672 : f32
        %mul3A_697 = vector.broadcast %mul3A_696 : f32 to vector<16xf32>
        %mul3A_698 = arith.mulf %convert_element_type3A_695, %mul3A_697 : vector<16xf32>
        %sub3A_699 = arith.subf %gather3A_604, %gather3A_596 : vector<16xf32>
        %mul3A_700 = arith.mulf %mul3A_698, %sub3A_699 : vector<16xf32>
        %add3A_701 = arith.addf %gather3A_596, %mul3A_700 : vector<16xf32>
        %mul3A_702 = arith.mulf %add3A_701, %select_n3A_646 : vector<16xf32>
        %convert_element_type3A_703 = arith.fptosi %mul3A_694 : vector<16xf32> to vector<16xi32>
        %convert_element_type3A_704 = arith.fptosi %mul3A_702 : vector<16xf32> to vector<16xi32>
        %convert_element_type3A_705 = arith.sitofp %convert_element_type3A_703 : vector<16xi32> to vector<16xf32>
        %sub3A_706 = arith.subf %mul3A_694, %convert_element_type3A_705 : vector<16xf32>
        %convert_element_type3A_707 = arith.sitofp %convert_element_type3A_704 : vector<16xi32> to vector<16xf32>
        %sub3A_708 = arith.subf %mul3A_702, %convert_element_type3A_707 : vector<16xf32>
        %sub3A_709 = arith.constant 1 : i32
        %sub3A_710 = vector.broadcast %sub3A_709 : i32 to vector<16xi32>
        %sub3A_711 = arith.subi %select_n3A_666, %sub3A_710 : vector<16xi32>
        %min3A_712 = arith.minsi %convert_element_type3A_703, %sub3A_711 : vector<16xi32>
        %add3A_713 = arith.constant 1 : i32
        %add3A_714 = vector.broadcast %add3A_713 : i32 to vector<16xi32>
        %add3A_715 = arith.addi %convert_element_type3A_703, %add3A_714 : vector<16xi32>
        %min3A_716 = arith.minsi %add3A_715, %sub3A_711 : vector<16xi32>
        %min3A_717 = arith.minsi %convert_element_type3A_704, %sub3A_711 : vector<16xi32>
        %add3A_718 = arith.constant 1 : i32
        %add3A_719 = vector.broadcast %add3A_718 : i32 to vector<16xi32>
        %add3A_720 = arith.addi %convert_element_type3A_704, %add3A_719 : vector<16xi32>
        %min3A_721 = arith.minsi %add3A_720, %sub3A_711 : vector<16xi32>
        %mul3A_722 = arith.muli %gather3A_609, %select_n3A_666 : vector<16xi32>
        %mul3A_723 = arith.muli %mul3A_722, %select_n3A_666 : vector<16xi32>
        %add3A_724 = arith.addi %select_n3A_686, %mul3A_723 : vector<16xi32>
        %mul3A_725 = arith.muli %min3A_712, %select_n3A_666 : vector<16xi32>
        %add3A_726 = arith.addi %add3A_724, %mul3A_725 : vector<16xi32>
        %mul3A_727 = arith.muli %min3A_716, %select_n3A_666 : vector<16xi32>
        %add3A_728 = arith.addi %add3A_724, %mul3A_727 : vector<16xi32>
        %add3A_729 = arith.addi %add3A_726, %min3A_717 : vector<16xi32>
        %swap3A_730 = arith.constant 0 : index
        %swap3A_731 = tpu.vector_load %arg8[%swap3A_730] {strides = array<i32>} : memref<128xi32, #tpu.memory_space<vmem>>, vector<16xi32>,
        tpu.vector_store %arg8[%swap3A_730], %add3A_729 {strides = array<i32>} : memref<128xi32, #tpu.memory_space<vmem>>, vector<16xi32>,
        %add3A_732 = arith.addi %add3A_726, %min3A_721 : vector<16xi32>
        %swap3A_733 = arith.constant 32 : index
        %swap3A_734 = tpu.vector_load %arg8[%swap3A_733] {strides = array<i32>} : memref<128xi32, #tpu.memory_space<vmem>>, vector<16xi32>,
        tpu.vector_store %arg8[%swap3A_733], %add3A_732 {strides = array<i32>} : memref<128xi32, #tpu.memory_space<vmem>>, vector<16xi32>,
        %add3A_735 = arith.addi %add3A_728, %min3A_717 : vector<16xi32>
        %swap3A_736 = arith.constant 64 : index
        %swap3A_737 = tpu.vector_load %arg8[%swap3A_736] {strides = array<i32>} : memref<128xi32, #tpu.memory_space<vmem>>, vector<16xi32>,
        tpu.vector_store %arg8[%swap3A_736], %add3A_735 {strides = array<i32>} : memref<128xi32, #tpu.memory_space<vmem>>, vector<16xi32>,
        %add3A_738 = arith.addi %add3A_728, %min3A_721 : vector<16xi32>
        %swap3A_739 = arith.constant 96 : index
        %swap3A_740 = tpu.vector_load %arg8[%swap3A_739] {strides = array<i32>} : memref<128xi32, #tpu.memory_space<vmem>>, vector<16xi32>,
        tpu.vector_store %arg8[%swap3A_739], %add3A_738 {strides = array<i32>} : memref<128xi32, #tpu.memory_space<vmem>>, vector<16xi32>,
        %swap3A_741 = arith.constant 0 : index
        %swap3A_742 = tpu.vector_load %arg10[%swap3A_741] {strides = array<i32>} : memref<32xf32, #tpu.memory_space<vmem>>, vector<16xf32>,
        tpu.vector_store %arg10[%swap3A_741], %sub3A_708 {strides = array<i32>} : memref<32xf32, #tpu.memory_space<vmem>>, vector<16xf32>,
        %swap3A_743 = arith.constant 0 : index
        %swap3A_744 = tpu.vector_load %arg11[%swap3A_743] {strides = array<i32>} : memref<32xf32, #tpu.memory_space<vmem>>, vector<16xf32>,
        tpu.vector_store %arg11[%swap3A_743], %sub3A_706 {strides = array<i32>} : memref<32xf32, #tpu.memory_space<vmem>>, vector<16xf32>,
        %iota3A_745 = tpu.iota {dimensions = array<i32: 0>} : vector<16xi32>
        %mul3A_746 = arith.constant 32 : i32
        %mul3A_747 = arith.muli %mul3A_24, %mul3A_746 : i32
        %add3A_748 = arith.constant 16 : i32
        %add3A_749 = arith.addi %mul3A_747, %add3A_748 : i32
        %add3A_750 = vector.broadcast %add3A_749 : i32 to vector<16xi32>
        %add3A_751 = arith.addi %add3A_750, %iota3A_745 : vector<16xi32>
        %add3A_752 = arith.addi %add3A_751, %min3A_515 : vector<16xi32>
        %jit3A_753 = arith.constant 49 : i32
        %div3A_754 = vector.broadcast %jit3A_753 : i32 to vector<16xi32>
        %div3A_755 = arith.divsi %add3A_752, %div3A_754 : vector<16xi32>
        %sign3A_756 = arith.constant 0 : i32
        %sign3A_757 = vector.broadcast %sign3A_756 : i32 to vector<16xi32>
        %sign3A_758 = arith.cmpi sgt, %add3A_752, %sign3A_757 : vector<16xi32>
        %sign3A_759 = arith.extui %sign3A_758 : vector<16xi1> to vector<16xi32>
        %sign3A_760 = arith.constant 0 : i32
        %sign3A_761 = vector.broadcast %sign3A_760 : i32 to vector<16xi32>
        %sign3A_762 = arith.cmpi slt, %add3A_752, %sign3A_761 : vector<16xi32>
        %sign3A_763 = arith.extui %sign3A_762 : vector<16xi1> to vector<16xi32>
        %sign3A_764 = arith.subi %sign3A_759, %sign3A_763 : vector<16xi32>
        %sign3A_765 = arith.constant 0 : i32
        %sign3A_766 = arith.cmpi sgt, %jit3A_753, %sign3A_765 : i32
        %sign3A_767 = arith.extui %sign3A_766 : i1 to i32
        %sign3A_768 = arith.constant 0 : i32
        %sign3A_769 = arith.cmpi slt, %jit3A_753, %sign3A_768 : i32
        %sign3A_770 = arith.extui %sign3A_769 : i1 to i32
        %sign3A_771 = arith.subi %sign3A_767, %sign3A_770 : i32
        %ne3A_772 = vector.broadcast %sign3A_771 : i32 to vector<16xi32>
        %ne3A_773 = arith.cmpi ne, %sign3A_764, %ne3A_772 : vector<16xi32>
        %rem3A_774 = vector.broadcast %jit3A_753 : i32 to vector<16xi32>
        %rem3A_775 = arith.remsi %add3A_752, %rem3A_774 : vector<16xi32>
        %ne3A_776 = arith.constant 0 : i32
        %ne3A_777 = vector.broadcast %ne3A_776 : i32 to vector<16xi32>
        %ne3A_778 = arith.cmpi ne, %rem3A_775, %ne3A_777 : vector<16xi32>
        %and3A_779 = arith.andi %ne3A_773, %ne3A_778 : vector<16xi1>
        %sub3A_780 = arith.constant 1 : i32
        %sub3A_781 = vector.broadcast %sub3A_780 : i32 to vector<16xi32>
        %sub3A_782 = arith.subi %div3A_755, %sub3A_781 : vector<16xi32>
        %select_n3A_783 = arith.select %and3A_779, %sub3A_782, %div3A_755 : vector<16xi1>, vector<16xi32>
        %mul3A_784 = arith.constant 49 : i32
        %mul3A_785 = vector.broadcast %mul3A_784 : i32 to vector<16xi32>
        %mul3A_786 = arith.muli %select_n3A_783, %mul3A_785 : vector<16xi32>
        %sub3A_787 = arith.subi %add3A_752, %mul3A_786 : vector<16xi32>
        %jit3A_788 = arith.constant 7 : i32
        %div3A_789 = vector.broadcast %jit3A_788 : i32 to vector<16xi32>
        %div3A_790 = arith.divsi %sub3A_787, %div3A_789 : vector<16xi32>
        %sign3A_791 = arith.constant 0 : i32
        %sign3A_792 = vector.broadcast %sign3A_791 : i32 to vector<16xi32>
        %sign3A_793 = arith.cmpi sgt, %sub3A_787, %sign3A_792 : vector<16xi32>
        %sign3A_794 = arith.extui %sign3A_793 : vector<16xi1> to vector<16xi32>
        %sign3A_795 = arith.constant 0 : i32
        %sign3A_796 = vector.broadcast %sign3A_795 : i32 to vector<16xi32>
        %sign3A_797 = arith.cmpi slt, %sub3A_787, %sign3A_796 : vector<16xi32>
        %sign3A_798 = arith.extui %sign3A_797 : vector<16xi1> to vector<16xi32>
        %sign3A_799 = arith.subi %sign3A_794, %sign3A_798 : vector<16xi32>
        %sign3A_800 = arith.constant 0 : i32
        %sign3A_801 = arith.cmpi sgt, %jit3A_788, %sign3A_800 : i32
        %sign3A_802 = arith.extui %sign3A_801 : i1 to i32
        %sign3A_803 = arith.constant 0 : i32
        %sign3A_804 = arith.cmpi slt, %jit3A_788, %sign3A_803 : i32
        %sign3A_805 = arith.extui %sign3A_804 : i1 to i32
        %sign3A_806 = arith.subi %sign3A_802, %sign3A_805 : i32
        %ne3A_807 = vector.broadcast %sign3A_806 : i32 to vector<16xi32>
        %ne3A_808 = arith.cmpi ne, %sign3A_799, %ne3A_807 : vector<16xi32>
        %rem3A_809 = vector.broadcast %jit3A_788 : i32 to vector<16xi32>
        %rem3A_810 = arith.remsi %sub3A_787, %rem3A_809 : vector<16xi32>
        %ne3A_811 = arith.constant 0 : i32
        %ne3A_812 = vector.broadcast %ne3A_811 : i32 to vector<16xi32>
        %ne3A_813 = arith.cmpi ne, %rem3A_810, %ne3A_812 : vector<16xi32>
        %and3A_814 = arith.andi %ne3A_808, %ne3A_813 : vector<16xi1>
        %sub3A_815 = arith.constant 1 : i32
        %sub3A_816 = vector.broadcast %sub3A_815 : i32 to vector<16xi32>
        %sub3A_817 = arith.subi %div3A_790, %sub3A_816 : vector<16xi32>
        %select_n3A_818 = arith.select %and3A_814, %sub3A_817, %div3A_790 : vector<16xi1>, vector<16xi32>
        %mul3A_819 = arith.constant 7 : i32
        %mul3A_820 = vector.broadcast %mul3A_819 : i32 to vector<16xi32>
        %mul3A_821 = arith.muli %select_n3A_818, %mul3A_820 : vector<16xi32>
        %sub3A_822 = arith.subi %sub3A_787, %mul3A_821 : vector<16xi32>
        %broadcast_in_dim3A_823 = arith.constant 0 : i32
        %broadcast_in_dim3A_824 = vector.broadcast %broadcast_in_dim3A_823 : i32 to vector<16xi32>
        %gather3A_825 = tpu.vector_load_idx %arg6[%select_n3A_783, %broadcast_in_dim3A_824] : memref<32x4xf32, #tpu.memory_space<vmem>>[vector<16xi32>, vector<16xi32>], vector<16xf32>,
        %add3A_826 = arith.constant 1 : i32
        %add3A_827 = vector.broadcast %add3A_826 : i32 to vector<16xi32>
        %add3A_828 = arith.addi %broadcast_in_dim3A_824, %add3A_827 : vector<16xi32>
        %gather3A_829 = tpu.vector_load_idx %arg6[%select_n3A_783, %add3A_828] : memref<32x4xf32, #tpu.memory_space<vmem>>[vector<16xi32>, vector<16xi32>], vector<16xf32>,
        %add3A_830 = arith.constant 2 : i32
        %add3A_831 = vector.broadcast %add3A_830 : i32 to vector<16xi32>
        %add3A_832 = arith.addi %broadcast_in_dim3A_824, %add3A_831 : vector<16xi32>
        %gather3A_833 = tpu.vector_load_idx %arg6[%select_n3A_783, %add3A_832] : memref<32x4xf32, #tpu.memory_space<vmem>>[vector<16xi32>, vector<16xi32>], vector<16xf32>,
        %add3A_834 = arith.constant 3 : i32
        %add3A_835 = vector.broadcast %add3A_834 : i32 to vector<16xi32>
        %add3A_836 = arith.addi %broadcast_in_dim3A_824, %add3A_835 : vector<16xi32>
        %gather3A_837 = tpu.vector_load_idx %arg6[%select_n3A_783, %add3A_836] : memref<32x4xf32, #tpu.memory_space<vmem>>[vector<16xi32>, vector<16xi32>], vector<16xf32>,
        %gather3A_838 = tpu.vector_load_idx %arg7[%select_n3A_783] : memref<32xi32, #tpu.memory_space<vmem>>[vector<16xi32>], vector<16xi32>,
        %sub3A_839 = arith.subf %gather3A_833, %gather3A_825 : vector<16xf32>
        %sub3A_840 = arith.subf %gather3A_837, %gather3A_829 : vector<16xf32>
        %mul3A_841 = arith.mulf %sub3A_839, %sub3A_840 : vector<16xf32>
        %ge3A_842 = arith.constant 6.272000e+03 : f32
        %ge3A_843 = vector.broadcast %ge3A_842 : f32 to vector<16xf32>
        %ge3A_844 = arith.cmpf oge, %mul3A_841, %ge3A_843 : vector<16xf32>
        %convert_element_type3A_845 = arith.extui %ge3A_844 : vector<16xi1> to vector<16xi32>
        %ge3A_846 = arith.constant 2.508800e+04 : f32
        %ge3A_847 = vector.broadcast %ge3A_846 : f32 to vector<16xf32>
        %ge3A_848 = arith.cmpf oge, %mul3A_841, %ge3A_847 : vector<16xf32>
        %convert_element_type3A_849 = arith.extui %ge3A_848 : vector<16xi1> to vector<16xi32>
        %add3A_850 = arith.addi %convert_element_type3A_845, %convert_element_type3A_849 : vector<16xi32>
        %ge3A_851 = arith.constant 1.003520e+05 : f32
        %ge3A_852 = vector.broadcast %ge3A_851 : f32 to vector<16xf32>
        %ge3A_853 = arith.cmpf oge, %mul3A_841, %ge3A_852 : vector<16xf32>
        %convert_element_type3A_854 = arith.extui %ge3A_853 : vector<16xi1> to vector<16xi32>
        %add3A_855 = arith.addi %add3A_850, %convert_element_type3A_854 : vector<16xi32>
        %eq3A_856 = arith.constant 0 : i32
        %eq3A_857 = vector.broadcast %eq3A_856 : i32 to vector<16xi32>
        %eq3A_858 = arith.cmpi eq, %add3A_855, %eq3A_857 : vector<16xi32>
        %eq3A_859 = arith.constant 1 : i32
        %eq3A_860 = vector.broadcast %eq3A_859 : i32 to vector<16xi32>
        %eq3A_861 = arith.cmpi eq, %add3A_855, %eq3A_860 : vector<16xi32>
        %eq3A_862 = arith.constant 2 : i32
        %eq3A_863 = vector.broadcast %eq3A_862 : i32 to vector<16xi32>
        %eq3A_864 = arith.cmpi eq, %add3A_855, %eq3A_863 : vector<16xi32>
        %jit3A_865 = arith.constant 0.060546875 : f32
        %jit3A_866 = arith.constant 0.029296875 : f32
        %broadcast_in_dim3A_867 = vector.broadcast %jit3A_865 : f32 to vector<16xf32>
        %broadcast_in_dim3A_868 = vector.broadcast %jit3A_866 : f32 to vector<16xf32>
        %select_n3A_869 = arith.select %eq3A_864, %broadcast_in_dim3A_867, %broadcast_in_dim3A_868 : vector<16xi1>, vector<16xf32>
        %jit3A_870 = arith.constant 0.123046875 : f32
        %broadcast_in_dim3A_871 = vector.broadcast %jit3A_870 : f32 to vector<16xf32>
        %select_n3A_872 = arith.select %eq3A_861, %broadcast_in_dim3A_871, %select_n3A_869 : vector<16xi1>, vector<16xf32>
        %jit3A_873 = arith.constant 0.248046875 : f32
        %broadcast_in_dim3A_874 = vector.broadcast %jit3A_873 : f32 to vector<16xf32>
        %select_n3A_875 = arith.select %eq3A_858, %broadcast_in_dim3A_874, %select_n3A_872 : vector<16xi1>, vector<16xf32>
        %eq3A_876 = arith.constant 0 : i32
        %eq3A_877 = vector.broadcast %eq3A_876 : i32 to vector<16xi32>
        %eq3A_878 = arith.cmpi eq, %add3A_855, %eq3A_877 : vector<16xi32>
        %eq3A_879 = arith.constant 1 : i32
        %eq3A_880 = vector.broadcast %eq3A_879 : i32 to vector<16xi32>
        %eq3A_881 = arith.cmpi eq, %add3A_855, %eq3A_880 : vector<16xi32>
        %eq3A_882 = arith.constant 2 : i32
        %eq3A_883 = vector.broadcast %eq3A_882 : i32 to vector<16xi32>
        %eq3A_884 = arith.cmpi eq, %add3A_855, %eq3A_883 : vector<16xi32>
        %jit3A_885 = arith.constant 32 : i32
        %jit3A_886 = arith.constant 16 : i32
        %broadcast_in_dim3A_887 = vector.broadcast %jit3A_885 : i32 to vector<16xi32>
        %broadcast_in_dim3A_888 = vector.broadcast %jit3A_886 : i32 to vector<16xi32>
        %select_n3A_889 = arith.select %eq3A_884, %broadcast_in_dim3A_887, %broadcast_in_dim3A_888 : vector<16xi1>, vector<16xi32>
        %jit3A_890 = arith.constant 64 : i32
        %broadcast_in_dim3A_891 = vector.broadcast %jit3A_890 : i32 to vector<16xi32>
        %select_n3A_892 = arith.select %eq3A_881, %broadcast_in_dim3A_891, %select_n3A_889 : vector<16xi1>, vector<16xi32>
        %jit3A_893 = arith.constant 128 : i32
        %broadcast_in_dim3A_894 = vector.broadcast %jit3A_893 : i32 to vector<16xi32>
        %select_n3A_895 = arith.select %eq3A_878, %broadcast_in_dim3A_894, %select_n3A_892 : vector<16xi1>, vector<16xi32>
        %eq3A_896 = arith.constant 0 : i32
        %eq3A_897 = vector.broadcast %eq3A_896 : i32 to vector<16xi32>
        %eq3A_898 = arith.cmpi eq, %add3A_855, %eq3A_897 : vector<16xi32>
        %eq3A_899 = arith.constant 1 : i32
        %eq3A_900 = vector.broadcast %eq3A_899 : i32 to vector<16xi32>
        %eq3A_901 = arith.cmpi eq, %add3A_855, %eq3A_900 : vector<16xi32>
        %eq3A_902 = arith.constant 2 : i32
        %eq3A_903 = vector.broadcast %eq3A_902 : i32 to vector<16xi32>
        %eq3A_904 = arith.cmpi eq, %add3A_855, %eq3A_903 : vector<16xi32>
        %jit3A_905 = arith.constant 40960 : i32
        %jit3A_906 = arith.constant 43008 : i32
        %broadcast_in_dim3A_907 = vector.broadcast %jit3A_905 : i32 to vector<16xi32>
        %broadcast_in_dim3A_908 = vector.broadcast %jit3A_906 : i32 to vector<16xi32>
        %select_n3A_909 = arith.select %eq3A_904, %broadcast_in_dim3A_907, %broadcast_in_dim3A_908 : vector<16xi1>, vector<16xi32>
        %jit3A_910 = arith.constant 32768 : i32
        %broadcast_in_dim3A_911 = vector.broadcast %jit3A_910 : i32 to vector<16xi32>
        %select_n3A_912 = arith.select %eq3A_901, %broadcast_in_dim3A_911, %select_n3A_909 : vector<16xi1>, vector<16xi32>
        %jit3A_913 = arith.constant 0 : i32
        %broadcast_in_dim3A_914 = vector.broadcast %jit3A_913 : i32 to vector<16xi32>
        %select_n3A_915 = arith.select %eq3A_898, %broadcast_in_dim3A_914, %select_n3A_912 : vector<16xi1>, vector<16xi32>
        %convert_element_type3A_916 = arith.sitofp %select_n3A_818 : vector<16xi32> to vector<16xf32>
        %mul3A_917 = arith.constant 0.166666672 : f32
        %mul3A_918 = vector.broadcast %mul3A_917 : f32 to vector<16xf32>
        %mul3A_919 = arith.mulf %convert_element_type3A_916, %mul3A_918 : vector<16xf32>
        %sub3A_920 = arith.subf %gather3A_837, %gather3A_829 : vector<16xf32>
        %mul3A_921 = arith.mulf %mul3A_919, %sub3A_920 : vector<16xf32>
        %add3A_922 = arith.addf %gather3A_829, %mul3A_921 : vector<16xf32>
        %mul3A_923 = arith.mulf %add3A_922, %select_n3A_875 : vector<16xf32>
        %convert_element_type3A_924 = arith.sitofp %sub3A_822 : vector<16xi32> to vector<16xf32>
        %mul3A_925 = arith.constant 0.166666672 : f32
        %mul3A_926 = vector.broadcast %mul3A_925 : f32 to vector<16xf32>
        %mul3A_927 = arith.mulf %convert_element_type3A_924, %mul3A_926 : vector<16xf32>
        %sub3A_928 = arith.subf %gather3A_833, %gather3A_825 : vector<16xf32>
        %mul3A_929 = arith.mulf %mul3A_927, %sub3A_928 : vector<16xf32>
        %add3A_930 = arith.addf %gather3A_825, %mul3A_929 : vector<16xf32>
        %mul3A_931 = arith.mulf %add3A_930, %select_n3A_875 : vector<16xf32>
        %convert_element_type3A_932 = arith.fptosi %mul3A_923 : vector<16xf32> to vector<16xi32>
        %convert_element_type3A_933 = arith.fptosi %mul3A_931 : vector<16xf32> to vector<16xi32>
        %convert_element_type3A_934 = arith.sitofp %convert_element_type3A_932 : vector<16xi32> to vector<16xf32>
        %sub3A_935 = arith.subf %mul3A_923, %convert_element_type3A_934 : vector<16xf32>
        %convert_element_type3A_936 = arith.sitofp %convert_element_type3A_933 : vector<16xi32> to vector<16xf32>
        %sub3A_937 = arith.subf %mul3A_931, %convert_element_type3A_936 : vector<16xf32>
        %sub3A_938 = arith.constant 1 : i32
        %sub3A_939 = vector.broadcast %sub3A_938 : i32 to vector<16xi32>
        %sub3A_940 = arith.subi %select_n3A_895, %sub3A_939 : vector<16xi32>
        %min3A_941 = arith.minsi %convert_element_type3A_932, %sub3A_940 : vector<16xi32>
        %add3A_942 = arith.constant 1 : i32
        %add3A_943 = vector.broadcast %add3A_942 : i32 to vector<16xi32>
        %add3A_944 = arith.addi %convert_element_type3A_932, %add3A_943 : vector<16xi32>
        %min3A_945 = arith.minsi %add3A_944, %sub3A_940 : vector<16xi32>
        %min3A_946 = arith.minsi %convert_element_type3A_933, %sub3A_940 : vector<16xi32>
        %add3A_947 = arith.constant 1 : i32
        %add3A_948 = vector.broadcast %add3A_947 : i32 to vector<16xi32>
        %add3A_949 = arith.addi %convert_element_type3A_933, %add3A_948 : vector<16xi32>
        %min3A_950 = arith.minsi %add3A_949, %sub3A_940 : vector<16xi32>
        %mul3A_951 = arith.muli %gather3A_838, %select_n3A_895 : vector<16xi32>
        %mul3A_952 = arith.muli %mul3A_951, %select_n3A_895 : vector<16xi32>
        %add3A_953 = arith.addi %select_n3A_915, %mul3A_952 : vector<16xi32>
        %mul3A_954 = arith.muli %min3A_941, %select_n3A_895 : vector<16xi32>
        %add3A_955 = arith.addi %add3A_953, %mul3A_954 : vector<16xi32>
        %mul3A_956 = arith.muli %min3A_945, %select_n3A_895 : vector<16xi32>
        %add3A_957 = arith.addi %add3A_953, %mul3A_956 : vector<16xi32>
        %add3A_958 = arith.addi %add3A_955, %min3A_946 : vector<16xi32>
        %swap3A_959 = arith.constant 16 : index
        %swap3A_960 = tpu.vector_load %arg8[%swap3A_959] {strides = array<i32>} : memref<128xi32, #tpu.memory_space<vmem>>, vector<16xi32>,
        tpu.vector_store %arg8[%swap3A_959], %add3A_958 {strides = array<i32>} : memref<128xi32, #tpu.memory_space<vmem>>, vector<16xi32>,
        %add3A_961 = arith.addi %add3A_955, %min3A_950 : vector<16xi32>
        %swap3A_962 = arith.constant 48 : index
        %swap3A_963 = tpu.vector_load %arg8[%swap3A_962] {strides = array<i32>} : memref<128xi32, #tpu.memory_space<vmem>>, vector<16xi32>,
        tpu.vector_store %arg8[%swap3A_962], %add3A_961 {strides = array<i32>} : memref<128xi32, #tpu.memory_space<vmem>>, vector<16xi32>,
        %add3A_964 = arith.addi %add3A_957, %min3A_946 : vector<16xi32>
        %swap3A_965 = arith.constant 80 : index
        %swap3A_966 = tpu.vector_load %arg8[%swap3A_965] {strides = array<i32>} : memref<128xi32, #tpu.memory_space<vmem>>, vector<16xi32>,
        tpu.vector_store %arg8[%swap3A_965], %add3A_964 {strides = array<i32>} : memref<128xi32, #tpu.memory_space<vmem>>, vector<16xi32>,
        %add3A_967 = arith.addi %add3A_957, %min3A_950 : vector<16xi32>
        %swap3A_968 = arith.constant 112 : index
        %swap3A_969 = tpu.vector_load %arg8[%swap3A_968] {strides = array<i32>} : memref<128xi32, #tpu.memory_space<vmem>>, vector<16xi32>,
        tpu.vector_store %arg8[%swap3A_968], %add3A_967 {strides = array<i32>} : memref<128xi32, #tpu.memory_space<vmem>>, vector<16xi32>,
        %swap3A_970 = arith.constant 16 : index
        %swap3A_971 = tpu.vector_load %arg10[%swap3A_970] {strides = array<i32>} : memref<32xf32, #tpu.memory_space<vmem>>, vector<16xf32>,
        tpu.vector_store %arg10[%swap3A_970], %sub3A_937 {strides = array<i32>} : memref<32xf32, #tpu.memory_space<vmem>>, vector<16xf32>,
        %swap3A_972 = arith.constant 16 : index
        %swap3A_973 = tpu.vector_load %arg11[%swap3A_972] {strides = array<i32>} : memref<32xf32, #tpu.memory_space<vmem>>, vector<16xf32>,
        tpu.vector_store %arg11[%swap3A_972], %sub3A_935 {strides = array<i32>} : memref<32xf32, #tpu.memory_space<vmem>>, vector<16xf32>,
        %dma_start3A_974 = arith.constant 0 : i32
        %dma_start3A_975 = arith.constant 0 : i32
        %dma_start3A_976 = tpu.memref_slice %arg2[%dma_start3A_974, %dma_start3A_975] : memref<43520x256xf32, #tpu.memory_space<hbm>> -> memref<43520x256xf32, #tpu.memory_space<hbm>>
        tpu.enqueue_indirect_dma source(%dma_start3A_976 : memref<43520x256xf32, #tpu.memory_space<hbm>>) target(%arg14 : memref<128x256xf32, #tpu.memory_space<vmem>>) offsets(%arg8 : memref<128xi32, #tpu.memory_space<vmem>>) semaphore(%arg17 : memref<!tpu.dma_semaphore, #tpu.memory_space<semaphore_mem>>)
      } else {
      }
      %dma_wait3A_27 = arith.constant 0 : i32
      %dma_wait3A_28 = arith.constant 0 : i32
      %dma_wait3A_29 = tpu.memref_slice %arg2[%dma_wait3A_27, %dma_wait3A_28] : memref<43520x256xf32, #tpu.memory_space<hbm>> -> memref<43520x256xf32, #tpu.memory_space<hbm>>
      tpu.wait_indirect_dma semaphore(%arg17 : memref<!tpu.dma_semaphore, #tpu.memory_space<semaphore_mem>>) src(%dma_wait3A_29 : memref<43520x256xf32, #tpu.memory_space<hbm>>) dst(%arg14 : memref<128x256xf32, #tpu.memory_space<vmem>>)
      %add3A_30 = arith.constant 1 : i32
      %add3A_31 = arith.addi %mul3A_24, %add3A_30 : i32
      %get3A = arith.constant 0 : index
      %get3A_32 = tpu.vector_load %arg7[%get3A] {strides = array<i32>} : memref<32xi32, #tpu.memory_space<vmem>>, vector<16xi32>,
      %min3A = arith.constant 0 : i32
      %min3A_33 = vector.broadcast %min3A : i32 to vector<16xi32>
      %min3A_34 = arith.minsi %get3A_32, %min3A_33 : vector<16xi32>
      %iota3A = tpu.iota {dimensions = array<i32: 0>} : vector<16xi32>
      %mul3A_35 = arith.constant 32 : i32
      %mul3A_36 = arith.muli %add3A_31, %mul3A_35 : i32
      %add3A_37 = arith.constant 0 : i32
      %add3A_38 = arith.addi %mul3A_36, %add3A_37 : i32
      %add3A_39 = vector.broadcast %add3A_38 : i32 to vector<16xi32>
      %add3A_40 = arith.addi %add3A_39, %iota3A : vector<16xi32>
      %add3A_41 = arith.addi %add3A_40, %min3A_34 : vector<16xi32>
      %jit3A = arith.constant 49 : i32
      %div3A = vector.broadcast %jit3A : i32 to vector<16xi32>
      %div3A_42 = arith.divsi %add3A_41, %div3A : vector<16xi32>
      %sign3A = arith.constant 0 : i32
      %sign3A_43 = vector.broadcast %sign3A : i32 to vector<16xi32>
      %sign3A_44 = arith.cmpi sgt, %add3A_41, %sign3A_43 : vector<16xi32>
      %sign3A_45 = arith.extui %sign3A_44 : vector<16xi1> to vector<16xi32>
      %sign3A_46 = arith.constant 0 : i32
      %sign3A_47 = vector.broadcast %sign3A_46 : i32 to vector<16xi32>
      %sign3A_48 = arith.cmpi slt, %add3A_41, %sign3A_47 : vector<16xi32>
      %sign3A_49 = arith.extui %sign3A_48 : vector<16xi1> to vector<16xi32>
      %sign3A_50 = arith.subi %sign3A_45, %sign3A_49 : vector<16xi32>
      %sign3A_51 = arith.constant 0 : i32
      %sign3A_52 = arith.cmpi sgt, %jit3A, %sign3A_51 : i32
      %sign3A_53 = arith.extui %sign3A_52 : i1 to i32
      %sign3A_54 = arith.constant 0 : i32
      %sign3A_55 = arith.cmpi slt, %jit3A, %sign3A_54 : i32
      %sign3A_56 = arith.extui %sign3A_55 : i1 to i32
      %sign3A_57 = arith.subi %sign3A_53, %sign3A_56 : i32
      %ne3A = vector.broadcast %sign3A_57 : i32 to vector<16xi32>
      %ne3A_58 = arith.cmpi ne, %sign3A_50, %ne3A : vector<16xi32>
      %rem3A = vector.broadcast %jit3A : i32 to vector<16xi32>
      %rem3A_59 = arith.remsi %add3A_41, %rem3A : vector<16xi32>
      %ne3A_60 = arith.constant 0 : i32
      %ne3A_61 = vector.broadcast %ne3A_60 : i32 to vector<16xi32>
      %ne3A_62 = arith.cmpi ne, %rem3A_59, %ne3A_61 : vector<16xi32>
      %and3A = arith.andi %ne3A_58, %ne3A_62 : vector<16xi1>
      %sub3A = arith.constant 1 : i32
      %sub3A_63 = vector.broadcast %sub3A : i32 to vector<16xi32>
      %sub3A_64 = arith.subi %div3A_42, %sub3A_63 : vector<16xi32>
      %select_n3A = arith.select %and3A, %sub3A_64, %div3A_42 : vector<16xi1>, vector<16xi32>
      %mul3A_65 = arith.constant 49 : i32
      %mul3A_66 = vector.broadcast %mul3A_65 : i32 to vector<16xi32>
      %mul3A_67 = arith.muli %select_n3A, %mul3A_66 : vector<16xi32>
      %sub3A_68 = arith.subi %add3A_41, %mul3A_67 : vector<16xi32>
      %jit3A_69 = arith.constant 7 : i32
      %div3A_70 = vector.broadcast %jit3A_69 : i32 to vector<16xi32>
      %div3A_71 = arith.divsi %sub3A_68, %div3A_70 : vector<16xi32>
      %sign3A_72 = arith.constant 0 : i32
      %sign3A_73 = vector.broadcast %sign3A_72 : i32 to vector<16xi32>
      %sign3A_74 = arith.cmpi sgt, %sub3A_68, %sign3A_73 : vector<16xi32>
      %sign3A_75 = arith.extui %sign3A_74 : vector<16xi1> to vector<16xi32>
      %sign3A_76 = arith.constant 0 : i32
      %sign3A_77 = vector.broadcast %sign3A_76 : i32 to vector<16xi32>
      %sign3A_78 = arith.cmpi slt, %sub3A_68, %sign3A_77 : vector<16xi32>
      %sign3A_79 = arith.extui %sign3A_78 : vector<16xi1> to vector<16xi32>
      %sign3A_80 = arith.subi %sign3A_75, %sign3A_79 : vector<16xi32>
      %sign3A_81 = arith.constant 0 : i32
      %sign3A_82 = arith.cmpi sgt, %jit3A_69, %sign3A_81 : i32
      %sign3A_83 = arith.extui %sign3A_82 : i1 to i32
      %sign3A_84 = arith.constant 0 : i32
      %sign3A_85 = arith.cmpi slt, %jit3A_69, %sign3A_84 : i32
      %sign3A_86 = arith.extui %sign3A_85 : i1 to i32
      %sign3A_87 = arith.subi %sign3A_83, %sign3A_86 : i32
      %ne3A_88 = vector.broadcast %sign3A_87 : i32 to vector<16xi32>
      %ne3A_89 = arith.cmpi ne, %sign3A_80, %ne3A_88 : vector<16xi32>
      %rem3A_90 = vector.broadcast %jit3A_69 : i32 to vector<16xi32>
      %rem3A_91 = arith.remsi %sub3A_68, %rem3A_90 : vector<16xi32>
      %ne3A_92 = arith.constant 0 : i32
      %ne3A_93 = vector.broadcast %ne3A_92 : i32 to vector<16xi32>
      %ne3A_94 = arith.cmpi ne, %rem3A_91, %ne3A_93 : vector<16xi32>
      %and3A_95 = arith.andi %ne3A_89, %ne3A_94 : vector<16xi1>
      %sub3A_96 = arith.constant 1 : i32
      %sub3A_97 = vector.broadcast %sub3A_96 : i32 to vector<16xi32>
      %sub3A_98 = arith.subi %div3A_71, %sub3A_97 : vector<16xi32>
      %select_n3A_99 = arith.select %and3A_95, %sub3A_98, %div3A_71 : vector<16xi1>, vector<16xi32>
      %mul3A_100 = arith.constant 7 : i32
      %mul3A_101 = vector.broadcast %mul3A_100 : i32 to vector<16xi32>
      %mul3A_102 = arith.muli %select_n3A_99, %mul3A_101 : vector<16xi32>
      %sub3A_103 = arith.subi %sub3A_68, %mul3A_102 : vector<16xi32>
      %broadcast_in_dim3A = arith.constant 0 : i32
      %broadcast_in_dim3A_104 = vector.broadcast %broadcast_in_dim3A : i32 to vector<16xi32>
      %gather3A = tpu.vector_load_idx %arg6[%select_n3A, %broadcast_in_dim3A_104] : memref<32x4xf32, #tpu.memory_space<vmem>>[vector<16xi32>, vector<16xi32>], vector<16xf32>,
      %add3A_105 = arith.constant 1 : i32
      %add3A_106 = vector.broadcast %add3A_105 : i32 to vector<16xi32>
      %add3A_107 = arith.addi %broadcast_in_dim3A_104, %add3A_106 : vector<16xi32>
      %gather3A_108 = tpu.vector_load_idx %arg6[%select_n3A, %add3A_107] : memref<32x4xf32, #tpu.memory_space<vmem>>[vector<16xi32>, vector<16xi32>], vector<16xf32>,
      %add3A_109 = arith.constant 2 : i32
      %add3A_110 = vector.broadcast %add3A_109 : i32 to vector<16xi32>
      %add3A_111 = arith.addi %broadcast_in_dim3A_104, %add3A_110 : vector<16xi32>
      %gather3A_112 = tpu.vector_load_idx %arg6[%select_n3A, %add3A_111] : memref<32x4xf32, #tpu.memory_space<vmem>>[vector<16xi32>, vector<16xi32>], vector<16xf32>,
      %add3A_113 = arith.constant 3 : i32
      %add3A_114 = vector.broadcast %add3A_113 : i32 to vector<16xi32>
      %add3A_115 = arith.addi %broadcast_in_dim3A_104, %add3A_114 : vector<16xi32>
      %gather3A_116 = tpu.vector_load_idx %arg6[%select_n3A, %add3A_115] : memref<32x4xf32, #tpu.memory_space<vmem>>[vector<16xi32>, vector<16xi32>], vector<16xf32>,
      %gather3A_117 = tpu.vector_load_idx %arg7[%select_n3A] : memref<32xi32, #tpu.memory_space<vmem>>[vector<16xi32>], vector<16xi32>,
      %sub3A_118 = arith.subf %gather3A_112, %gather3A : vector<16xf32>
      %sub3A_119 = arith.subf %gather3A_116, %gather3A_108 : vector<16xf32>
      %mul3A_120 = arith.mulf %sub3A_118, %sub3A_119 : vector<16xf32>
      %ge3A = arith.constant 6.272000e+03 : f32
      %ge3A_121 = vector.broadcast %ge3A : f32 to vector<16xf32>
      %ge3A_122 = arith.cmpf oge, %mul3A_120, %ge3A_121 : vector<16xf32>
      %convert_element_type3A_123 = arith.extui %ge3A_122 : vector<16xi1> to vector<16xi32>
      %ge3A_124 = arith.constant 2.508800e+04 : f32
      %ge3A_125 = vector.broadcast %ge3A_124 : f32 to vector<16xf32>
      %ge3A_126 = arith.cmpf oge, %mul3A_120, %ge3A_125 : vector<16xf32>
      %convert_element_type3A_127 = arith.extui %ge3A_126 : vector<16xi1> to vector<16xi32>
      %add3A_128 = arith.addi %convert_element_type3A_123, %convert_element_type3A_127 : vector<16xi32>
      %ge3A_129 = arith.constant 1.003520e+05 : f32
      %ge3A_130 = vector.broadcast %ge3A_129 : f32 to vector<16xf32>
      %ge3A_131 = arith.cmpf oge, %mul3A_120, %ge3A_130 : vector<16xf32>
      %convert_element_type3A_132 = arith.extui %ge3A_131 : vector<16xi1> to vector<16xi32>
      %add3A_133 = arith.addi %add3A_128, %convert_element_type3A_132 : vector<16xi32>
      %eq3A_134 = arith.constant 0 : i32
      %eq3A_135 = vector.broadcast %eq3A_134 : i32 to vector<16xi32>
      %eq3A_136 = arith.cmpi eq, %add3A_133, %eq3A_135 : vector<16xi32>
      %eq3A_137 = arith.constant 1 : i32
      %eq3A_138 = vector.broadcast %eq3A_137 : i32 to vector<16xi32>
      %eq3A_139 = arith.cmpi eq, %add3A_133, %eq3A_138 : vector<16xi32>
      %eq3A_140 = arith.constant 2 : i32
      %eq3A_141 = vector.broadcast %eq3A_140 : i32 to vector<16xi32>
      %eq3A_142 = arith.cmpi eq, %add3A_133, %eq3A_141 : vector<16xi32>
      %jit3A_143 = arith.constant 0.060546875 : f32
      %jit3A_144 = arith.constant 0.029296875 : f32
      %broadcast_in_dim3A_145 = vector.broadcast %jit3A_143 : f32 to vector<16xf32>
      %broadcast_in_dim3A_146 = vector.broadcast %jit3A_144 : f32 to vector<16xf32>
      %select_n3A_147 = arith.select %eq3A_142, %broadcast_in_dim3A_145, %broadcast_in_dim3A_146 : vector<16xi1>, vector<16xf32>
      %jit3A_148 = arith.constant 0.123046875 : f32
      %broadcast_in_dim3A_149 = vector.broadcast %jit3A_148 : f32 to vector<16xf32>
      %select_n3A_150 = arith.select %eq3A_139, %broadcast_in_dim3A_149, %select_n3A_147 : vector<16xi1>, vector<16xf32>
      %jit3A_151 = arith.constant 0.248046875 : f32
      %broadcast_in_dim3A_152 = vector.broadcast %jit3A_151 : f32 to vector<16xf32>
      %select_n3A_153 = arith.select %eq3A_136, %broadcast_in_dim3A_152, %select_n3A_150 : vector<16xi1>, vector<16xf32>
      %eq3A_154 = arith.constant 0 : i32
      %eq3A_155 = vector.broadcast %eq3A_154 : i32 to vector<16xi32>
      %eq3A_156 = arith.cmpi eq, %add3A_133, %eq3A_155 : vector<16xi32>
      %eq3A_157 = arith.constant 1 : i32
      %eq3A_158 = vector.broadcast %eq3A_157 : i32 to vector<16xi32>
      %eq3A_159 = arith.cmpi eq, %add3A_133, %eq3A_158 : vector<16xi32>
      %eq3A_160 = arith.constant 2 : i32
      %eq3A_161 = vector.broadcast %eq3A_160 : i32 to vector<16xi32>
      %eq3A_162 = arith.cmpi eq, %add3A_133, %eq3A_161 : vector<16xi32>
      %jit3A_163 = arith.constant 32 : i32
      %jit3A_164 = arith.constant 16 : i32
      %broadcast_in_dim3A_165 = vector.broadcast %jit3A_163 : i32 to vector<16xi32>
      %broadcast_in_dim3A_166 = vector.broadcast %jit3A_164 : i32 to vector<16xi32>
      %select_n3A_167 = arith.select %eq3A_162, %broadcast_in_dim3A_165, %broadcast_in_dim3A_166 : vector<16xi1>, vector<16xi32>
      %jit3A_168 = arith.constant 64 : i32
      %broadcast_in_dim3A_169 = vector.broadcast %jit3A_168 : i32 to vector<16xi32>
      %select_n3A_170 = arith.select %eq3A_159, %broadcast_in_dim3A_169, %select_n3A_167 : vector<16xi1>, vector<16xi32>
      %jit3A_171 = arith.constant 128 : i32
      %broadcast_in_dim3A_172 = vector.broadcast %jit3A_171 : i32 to vector<16xi32>
      %select_n3A_173 = arith.select %eq3A_156, %broadcast_in_dim3A_172, %select_n3A_170 : vector<16xi1>, vector<16xi32>
      %eq3A_174 = arith.constant 0 : i32
      %eq3A_175 = vector.broadcast %eq3A_174 : i32 to vector<16xi32>
      %eq3A_176 = arith.cmpi eq, %add3A_133, %eq3A_175 : vector<16xi32>
      %eq3A_177 = arith.constant 1 : i32
      %eq3A_178 = vector.broadcast %eq3A_177 : i32 to vector<16xi32>
      %eq3A_179 = arith.cmpi eq, %add3A_133, %eq3A_178 : vector<16xi32>
      %eq3A_180 = arith.constant 2 : i32
      %eq3A_181 = vector.broadcast %eq3A_180 : i32 to vector<16xi32>
      %eq3A_182 = arith.cmpi eq, %add3A_133, %eq3A_181 : vector<16xi32>
      %jit3A_183 = arith.constant 40960 : i32
      %jit3A_184 = arith.constant 43008 : i32
      %broadcast_in_dim3A_185 = vector.broadcast %jit3A_183 : i32 to vector<16xi32>
      %broadcast_in_dim3A_186 = vector.broadcast %jit3A_184 : i32 to vector<16xi32>
      %select_n3A_187 = arith.select %eq3A_182, %broadcast_in_dim3A_185, %broadcast_in_dim3A_186 : vector<16xi1>, vector<16xi32>
      %jit3A_188 = arith.constant 32768 : i32
      %broadcast_in_dim3A_189 = vector.broadcast %jit3A_188 : i32 to vector<16xi32>
      %select_n3A_190 = arith.select %eq3A_179, %broadcast_in_dim3A_189, %select_n3A_187 : vector<16xi1>, vector<16xi32>
      %jit3A_191 = arith.constant 0 : i32
      %broadcast_in_dim3A_192 = vector.broadcast %jit3A_191 : i32 to vector<16xi32>
      %select_n3A_193 = arith.select %eq3A_176, %broadcast_in_dim3A_192, %select_n3A_190 : vector<16xi1>, vector<16xi32>
      %convert_element_type3A_194 = arith.sitofp %select_n3A_99 : vector<16xi32> to vector<16xf32>
      %mul3A_195 = arith.constant 0.166666672 : f32
      %mul3A_196 = vector.broadcast %mul3A_195 : f32 to vector<16xf32>
      %mul3A_197 = arith.mulf %convert_element_type3A_194, %mul3A_196 : vector<16xf32>
      %sub3A_198 = arith.subf %gather3A_116, %gather3A_108 : vector<16xf32>
      %mul3A_199 = arith.mulf %mul3A_197, %sub3A_198 : vector<16xf32>
      %add3A_200 = arith.addf %gather3A_108, %mul3A_199 : vector<16xf32>
      %mul3A_201 = arith.mulf %add3A_200, %select_n3A_153 : vector<16xf32>
      %convert_element_type3A_202 = arith.sitofp %sub3A_103 : vector<16xi32> to vector<16xf32>
      %mul3A_203 = arith.constant 0.166666672 : f32
      %mul3A_204 = vector.broadcast %mul3A_203 : f32 to vector<16xf32>
      %mul3A_205 = arith.mulf %convert_element_type3A_202, %mul3A_204 : vector<16xf32>
      %sub3A_206 = arith.subf %gather3A_112, %gather3A : vector<16xf32>
      %mul3A_207 = arith.mulf %mul3A_205, %sub3A_206 : vector<16xf32>
      %add3A_208 = arith.addf %gather3A, %mul3A_207 : vector<16xf32>
      %mul3A_209 = arith.mulf %add3A_208, %select_n3A_153 : vector<16xf32>
      %convert_element_type3A_210 = arith.fptosi %mul3A_201 : vector<16xf32> to vector<16xi32>
      %convert_element_type3A_211 = arith.fptosi %mul3A_209 : vector<16xf32> to vector<16xi32>
      %convert_element_type3A_212 = arith.sitofp %convert_element_type3A_210 : vector<16xi32> to vector<16xf32>
      %sub3A_213 = arith.subf %mul3A_201, %convert_element_type3A_212 : vector<16xf32>
      %convert_element_type3A_214 = arith.sitofp %convert_element_type3A_211 : vector<16xi32> to vector<16xf32>
      %sub3A_215 = arith.subf %mul3A_209, %convert_element_type3A_214 : vector<16xf32>
      %sub3A_216 = arith.constant 1 : i32
      %sub3A_217 = vector.broadcast %sub3A_216 : i32 to vector<16xi32>
      %sub3A_218 = arith.subi %select_n3A_173, %sub3A_217 : vector<16xi32>
      %min3A_219 = arith.minsi %convert_element_type3A_210, %sub3A_218 : vector<16xi32>
      %add3A_220 = arith.constant 1 : i32
      %add3A_221 = vector.broadcast %add3A_220 : i32 to vector<16xi32>
      %add3A_222 = arith.addi %convert_element_type3A_210, %add3A_221 : vector<16xi32>
      %min3A_223 = arith.minsi %add3A_222, %sub3A_218 : vector<16xi32>
      %min3A_224 = arith.minsi %convert_element_type3A_211, %sub3A_218 : vector<16xi32>
      %add3A_225 = arith.constant 1 : i32
      %add3A_226 = vector.broadcast %add3A_225 : i32 to vector<16xi32>
      %add3A_227 = arith.addi %convert_element_type3A_211, %add3A_226 : vector<16xi32>
      %min3A_228 = arith.minsi %add3A_227, %sub3A_218 : vector<16xi32>
      %mul3A_229 = arith.muli %gather3A_117, %select_n3A_173 : vector<16xi32>
      %mul3A_230 = arith.muli %mul3A_229, %select_n3A_173 : vector<16xi32>
      %add3A_231 = arith.addi %select_n3A_193, %mul3A_230 : vector<16xi32>
      %mul3A_232 = arith.muli %min3A_219, %select_n3A_173 : vector<16xi32>
      %add3A_233 = arith.addi %add3A_231, %mul3A_232 : vector<16xi32>
      %mul3A_234 = arith.muli %min3A_223, %select_n3A_173 : vector<16xi32>
      %add3A_235 = arith.addi %add3A_231, %mul3A_234 : vector<16xi32>
      %add3A_236 = arith.addi %add3A_233, %min3A_224 : vector<16xi32>
      %swap3A = arith.constant 0 : index
      %swap3A_237 = tpu.vector_load %arg9[%swap3A] {strides = array<i32>} : memref<128xi32, #tpu.memory_space<vmem>>, vector<16xi32>,
      tpu.vector_store %arg9[%swap3A], %add3A_236 {strides = array<i32>} : memref<128xi32, #tpu.memory_space<vmem>>, vector<16xi32>,
      %add3A_238 = arith.addi %add3A_233, %min3A_228 : vector<16xi32>
      %swap3A_239 = arith.constant 32 : index
      %swap3A_240 = tpu.vector_load %arg9[%swap3A_239] {strides = array<i32>} : memref<128xi32, #tpu.memory_space<vmem>>, vector<16xi32>,
      tpu.vector_store %arg9[%swap3A_239], %add3A_238 {strides = array<i32>} : memref<128xi32, #tpu.memory_space<vmem>>, vector<16xi32>,
      %add3A_241 = arith.addi %add3A_235, %min3A_224 : vector<16xi32>
      %swap3A_242 = arith.constant 64 : index
      %swap3A_243 = tpu.vector_load %arg9[%swap3A_242] {strides = array<i32>} : memref<128xi32, #tpu.memory_space<vmem>>, vector<16xi32>,
      tpu.vector_store %arg9[%swap3A_242], %add3A_241 {strides = array<i32>} : memref<128xi32, #tpu.memory_space<vmem>>, vector<16xi32>,
      %add3A_244 = arith.addi %add3A_235, %min3A_228 : vector<16xi32>
      %swap3A_245 = arith.constant 96 : index
      %swap3A_246 = tpu.vector_load %arg9[%swap3A_245] {strides = array<i32>} : memref<128xi32, #tpu.memory_space<vmem>>, vector<16xi32>,
      tpu.vector_store %arg9[%swap3A_245], %add3A_244 {strides = array<i32>} : memref<128xi32, #tpu.memory_space<vmem>>, vector<16xi32>,
      %swap3A_247 = arith.constant 0 : index
      %swap3A_248 = tpu.vector_load %arg12[%swap3A_247] {strides = array<i32>} : memref<32xf32, #tpu.memory_space<vmem>>, vector<16xf32>,
      tpu.vector_store %arg12[%swap3A_247], %sub3A_215 {strides = array<i32>} : memref<32xf32, #tpu.memory_space<vmem>>, vector<16xf32>,
      %swap3A_249 = arith.constant 0 : index
      %swap3A_250 = tpu.vector_load %arg13[%swap3A_249] {strides = array<i32>} : memref<32xf32, #tpu.memory_space<vmem>>, vector<16xf32>,
      tpu.vector_store %arg13[%swap3A_249], %sub3A_213 {strides = array<i32>} : memref<32xf32, #tpu.memory_space<vmem>>, vector<16xf32>,
      %iota3A_251 = tpu.iota {dimensions = array<i32: 0>} : vector<16xi32>
      %mul3A_252 = arith.constant 32 : i32
      %mul3A_253 = arith.muli %add3A_31, %mul3A_252 : i32
      %add3A_254 = arith.constant 16 : i32
      %add3A_255 = arith.addi %mul3A_253, %add3A_254 : i32
      %add3A_256 = vector.broadcast %add3A_255 : i32 to vector<16xi32>
      %add3A_257 = arith.addi %add3A_256, %iota3A_251 : vector<16xi32>
      %add3A_258 = arith.addi %add3A_257, %min3A_34 : vector<16xi32>
      %jit3A_259 = arith.constant 49 : i32
      %div3A_260 = vector.broadcast %jit3A_259 : i32 to vector<16xi32>
      %div3A_261 = arith.divsi %add3A_258, %div3A_260 : vector<16xi32>
      %sign3A_262 = arith.constant 0 : i32
      %sign3A_263 = vector.broadcast %sign3A_262 : i32 to vector<16xi32>
      %sign3A_264 = arith.cmpi sgt, %add3A_258, %sign3A_263 : vector<16xi32>
      %sign3A_265 = arith.extui %sign3A_264 : vector<16xi1> to vector<16xi32>
      %sign3A_266 = arith.constant 0 : i32
      %sign3A_267 = vector.broadcast %sign3A_266 : i32 to vector<16xi32>
      %sign3A_268 = arith.cmpi slt, %add3A_258, %sign3A_267 : vector<16xi32>
      %sign3A_269 = arith.extui %sign3A_268 : vector<16xi1> to vector<16xi32>
      %sign3A_270 = arith.subi %sign3A_265, %sign3A_269 : vector<16xi32>
      %sign3A_271 = arith.constant 0 : i32
      %sign3A_272 = arith.cmpi sgt, %jit3A_259, %sign3A_271 : i32
      %sign3A_273 = arith.extui %sign3A_272 : i1 to i32
      %sign3A_274 = arith.constant 0 : i32
      %sign3A_275 = arith.cmpi slt, %jit3A_259, %sign3A_274 : i32
      %sign3A_276 = arith.extui %sign3A_275 : i1 to i32
      %sign3A_277 = arith.subi %sign3A_273, %sign3A_276 : i32
      %ne3A_278 = vector.broadcast %sign3A_277 : i32 to vector<16xi32>
      %ne3A_279 = arith.cmpi ne, %sign3A_270, %ne3A_278 : vector<16xi32>
      %rem3A_280 = vector.broadcast %jit3A_259 : i32 to vector<16xi32>
      %rem3A_281 = arith.remsi %add3A_258, %rem3A_280 : vector<16xi32>
      %ne3A_282 = arith.constant 0 : i32
      %ne3A_283 = vector.broadcast %ne3A_282 : i32 to vector<16xi32>
      %ne3A_284 = arith.cmpi ne, %rem3A_281, %ne3A_283 : vector<16xi32>
      %and3A_285 = arith.andi %ne3A_279, %ne3A_284 : vector<16xi1>
      %sub3A_286 = arith.constant 1 : i32
      %sub3A_287 = vector.broadcast %sub3A_286 : i32 to vector<16xi32>
      %sub3A_288 = arith.subi %div3A_261, %sub3A_287 : vector<16xi32>
      %select_n3A_289 = arith.select %and3A_285, %sub3A_288, %div3A_261 : vector<16xi1>, vector<16xi32>
      %mul3A_290 = arith.constant 49 : i32
      %mul3A_291 = vector.broadcast %mul3A_290 : i32 to vector<16xi32>
      %mul3A_292 = arith.muli %select_n3A_289, %mul3A_291 : vector<16xi32>
      %sub3A_293 = arith.subi %add3A_258, %mul3A_292 : vector<16xi32>
      %jit3A_294 = arith.constant 7 : i32
      %div3A_295 = vector.broadcast %jit3A_294 : i32 to vector<16xi32>
      %div3A_296 = arith.divsi %sub3A_293, %div3A_295 : vector<16xi32>
      %sign3A_297 = arith.constant 0 : i32
      %sign3A_298 = vector.broadcast %sign3A_297 : i32 to vector<16xi32>
      %sign3A_299 = arith.cmpi sgt, %sub3A_293, %sign3A_298 : vector<16xi32>
      %sign3A_300 = arith.extui %sign3A_299 : vector<16xi1> to vector<16xi32>
      %sign3A_301 = arith.constant 0 : i32
      %sign3A_302 = vector.broadcast %sign3A_301 : i32 to vector<16xi32>
      %sign3A_303 = arith.cmpi slt, %sub3A_293, %sign3A_302 : vector<16xi32>
      %sign3A_304 = arith.extui %sign3A_303 : vector<16xi1> to vector<16xi32>
      %sign3A_305 = arith.subi %sign3A_300, %sign3A_304 : vector<16xi32>
      %sign3A_306 = arith.constant 0 : i32
      %sign3A_307 = arith.cmpi sgt, %jit3A_294, %sign3A_306 : i32
      %sign3A_308 = arith.extui %sign3A_307 : i1 to i32
      %sign3A_309 = arith.constant 0 : i32
      %sign3A_310 = arith.cmpi slt, %jit3A_294, %sign3A_309 : i32
      %sign3A_311 = arith.extui %sign3A_310 : i1 to i32
      %sign3A_312 = arith.subi %sign3A_308, %sign3A_311 : i32
      %ne3A_313 = vector.broadcast %sign3A_312 : i32 to vector<16xi32>
      %ne3A_314 = arith.cmpi ne, %sign3A_305, %ne3A_313 : vector<16xi32>
      %rem3A_315 = vector.broadcast %jit3A_294 : i32 to vector<16xi32>
      %rem3A_316 = arith.remsi %sub3A_293, %rem3A_315 : vector<16xi32>
      %ne3A_317 = arith.constant 0 : i32
      %ne3A_318 = vector.broadcast %ne3A_317 : i32 to vector<16xi32>
      %ne3A_319 = arith.cmpi ne, %rem3A_316, %ne3A_318 : vector<16xi32>
      %and3A_320 = arith.andi %ne3A_314, %ne3A_319 : vector<16xi1>
      %sub3A_321 = arith.constant 1 : i32
      %sub3A_322 = vector.broadcast %sub3A_321 : i32 to vector<16xi32>
      %sub3A_323 = arith.subi %div3A_296, %sub3A_322 : vector<16xi32>
      %select_n3A_324 = arith.select %and3A_320, %sub3A_323, %div3A_296 : vector<16xi1>, vector<16xi32>
      %mul3A_325 = arith.constant 7 : i32
      %mul3A_326 = vector.broadcast %mul3A_325 : i32 to vector<16xi32>
      %mul3A_327 = arith.muli %select_n3A_324, %mul3A_326 : vector<16xi32>
      %sub3A_328 = arith.subi %sub3A_293, %mul3A_327 : vector<16xi32>
      %broadcast_in_dim3A_329 = arith.constant 0 : i32
      %broadcast_in_dim3A_330 = vector.broadcast %broadcast_in_dim3A_329 : i32 to vector<16xi32>
      %gather3A_331 = tpu.vector_load_idx %arg6[%select_n3A_289, %broadcast_in_dim3A_330] : memref<32x4xf32, #tpu.memory_space<vmem>>[vector<16xi32>, vector<16xi32>], vector<16xf32>,
      %add3A_332 = arith.constant 1 : i32
      %add3A_333 = vector.broadcast %add3A_332 : i32 to vector<16xi32>
      %add3A_334 = arith.addi %broadcast_in_dim3A_330, %add3A_333 : vector<16xi32>
      %gather3A_335 = tpu.vector_load_idx %arg6[%select_n3A_289, %add3A_334] : memref<32x4xf32, #tpu.memory_space<vmem>>[vector<16xi32>, vector<16xi32>], vector<16xf32>,
      %add3A_336 = arith.constant 2 : i32
      %add3A_337 = vector.broadcast %add3A_336 : i32 to vector<16xi32>
      %add3A_338 = arith.addi %broadcast_in_dim3A_330, %add3A_337 : vector<16xi32>
      %gather3A_339 = tpu.vector_load_idx %arg6[%select_n3A_289, %add3A_338] : memref<32x4xf32, #tpu.memory_space<vmem>>[vector<16xi32>, vector<16xi32>], vector<16xf32>,
      %add3A_340 = arith.constant 3 : i32
      %add3A_341 = vector.broadcast %add3A_340 : i32 to vector<16xi32>
      %add3A_342 = arith.addi %broadcast_in_dim3A_330, %add3A_341 : vector<16xi32>
      %gather3A_343 = tpu.vector_load_idx %arg6[%select_n3A_289, %add3A_342] : memref<32x4xf32, #tpu.memory_space<vmem>>[vector<16xi32>, vector<16xi32>], vector<16xf32>,
      %gather3A_344 = tpu.vector_load_idx %arg7[%select_n3A_289] : memref<32xi32, #tpu.memory_space<vmem>>[vector<16xi32>], vector<16xi32>,
      %sub3A_345 = arith.subf %gather3A_339, %gather3A_331 : vector<16xf32>
      %sub3A_346 = arith.subf %gather3A_343, %gather3A_335 : vector<16xf32>
      %mul3A_347 = arith.mulf %sub3A_345, %sub3A_346 : vector<16xf32>
      %ge3A_348 = arith.constant 6.272000e+03 : f32
      %ge3A_349 = vector.broadcast %ge3A_348 : f32 to vector<16xf32>
      %ge3A_350 = arith.cmpf oge, %mul3A_347, %ge3A_349 : vector<16xf32>
      %convert_element_type3A_351 = arith.extui %ge3A_350 : vector<16xi1> to vector<16xi32>
      %ge3A_352 = arith.constant 2.508800e+04 : f32
      %ge3A_353 = vector.broadcast %ge3A_352 : f32 to vector<16xf32>
      %ge3A_354 = arith.cmpf oge, %mul3A_347, %ge3A_353 : vector<16xf32>
      %convert_element_type3A_355 = arith.extui %ge3A_354 : vector<16xi1> to vector<16xi32>
      %add3A_356 = arith.addi %convert_element_type3A_351, %convert_element_type3A_355 : vector<16xi32>
      %ge3A_357 = arith.constant 1.003520e+05 : f32
      %ge3A_358 = vector.broadcast %ge3A_357 : f32 to vector<16xf32>
      %ge3A_359 = arith.cmpf oge, %mul3A_347, %ge3A_358 : vector<16xf32>
      %convert_element_type3A_360 = arith.extui %ge3A_359 : vector<16xi1> to vector<16xi32>
      %add3A_361 = arith.addi %add3A_356, %convert_element_type3A_360 : vector<16xi32>
      %eq3A_362 = arith.constant 0 : i32
      %eq3A_363 = vector.broadcast %eq3A_362 : i32 to vector<16xi32>
      %eq3A_364 = arith.cmpi eq, %add3A_361, %eq3A_363 : vector<16xi32>
      %eq3A_365 = arith.constant 1 : i32
      %eq3A_366 = vector.broadcast %eq3A_365 : i32 to vector<16xi32>
      %eq3A_367 = arith.cmpi eq, %add3A_361, %eq3A_366 : vector<16xi32>
      %eq3A_368 = arith.constant 2 : i32
      %eq3A_369 = vector.broadcast %eq3A_368 : i32 to vector<16xi32>
      %eq3A_370 = arith.cmpi eq, %add3A_361, %eq3A_369 : vector<16xi32>
      %jit3A_371 = arith.constant 0.060546875 : f32
      %jit3A_372 = arith.constant 0.029296875 : f32
      %broadcast_in_dim3A_373 = vector.broadcast %jit3A_371 : f32 to vector<16xf32>
      %broadcast_in_dim3A_374 = vector.broadcast %jit3A_372 : f32 to vector<16xf32>
      %select_n3A_375 = arith.select %eq3A_370, %broadcast_in_dim3A_373, %broadcast_in_dim3A_374 : vector<16xi1>, vector<16xf32>
      %jit3A_376 = arith.constant 0.123046875 : f32
      %broadcast_in_dim3A_377 = vector.broadcast %jit3A_376 : f32 to vector<16xf32>
      %select_n3A_378 = arith.select %eq3A_367, %broadcast_in_dim3A_377, %select_n3A_375 : vector<16xi1>, vector<16xf32>
      %jit3A_379 = arith.constant 0.248046875 : f32
      %broadcast_in_dim3A_380 = vector.broadcast %jit3A_379 : f32 to vector<16xf32>
      %select_n3A_381 = arith.select %eq3A_364, %broadcast_in_dim3A_380, %select_n3A_378 : vector<16xi1>, vector<16xf32>
      %eq3A_382 = arith.constant 0 : i32
      %eq3A_383 = vector.broadcast %eq3A_382 : i32 to vector<16xi32>
      %eq3A_384 = arith.cmpi eq, %add3A_361, %eq3A_383 : vector<16xi32>
      %eq3A_385 = arith.constant 1 : i32
      %eq3A_386 = vector.broadcast %eq3A_385 : i32 to vector<16xi32>
      %eq3A_387 = arith.cmpi eq, %add3A_361, %eq3A_386 : vector<16xi32>
      %eq3A_388 = arith.constant 2 : i32
      %eq3A_389 = vector.broadcast %eq3A_388 : i32 to vector<16xi32>
      %eq3A_390 = arith.cmpi eq, %add3A_361, %eq3A_389 : vector<16xi32>
      %jit3A_391 = arith.constant 32 : i32
      %jit3A_392 = arith.constant 16 : i32
      %broadcast_in_dim3A_393 = vector.broadcast %jit3A_391 : i32 to vector<16xi32>
      %broadcast_in_dim3A_394 = vector.broadcast %jit3A_392 : i32 to vector<16xi32>
      %select_n3A_395 = arith.select %eq3A_390, %broadcast_in_dim3A_393, %broadcast_in_dim3A_394 : vector<16xi1>, vector<16xi32>
      %jit3A_396 = arith.constant 64 : i32
      %broadcast_in_dim3A_397 = vector.broadcast %jit3A_396 : i32 to vector<16xi32>
      %select_n3A_398 = arith.select %eq3A_387, %broadcast_in_dim3A_397, %select_n3A_395 : vector<16xi1>, vector<16xi32>
      %jit3A_399 = arith.constant 128 : i32
      %broadcast_in_dim3A_400 = vector.broadcast %jit3A_399 : i32 to vector<16xi32>
      %select_n3A_401 = arith.select %eq3A_384, %broadcast_in_dim3A_400, %select_n3A_398 : vector<16xi1>, vector<16xi32>
      %eq3A_402 = arith.constant 0 : i32
      %eq3A_403 = vector.broadcast %eq3A_402 : i32 to vector<16xi32>
      %eq3A_404 = arith.cmpi eq, %add3A_361, %eq3A_403 : vector<16xi32>
      %eq3A_405 = arith.constant 1 : i32
      %eq3A_406 = vector.broadcast %eq3A_405 : i32 to vector<16xi32>
      %eq3A_407 = arith.cmpi eq, %add3A_361, %eq3A_406 : vector<16xi32>
      %eq3A_408 = arith.constant 2 : i32
      %eq3A_409 = vector.broadcast %eq3A_408 : i32 to vector<16xi32>
      %eq3A_410 = arith.cmpi eq, %add3A_361, %eq3A_409 : vector<16xi32>
      %jit3A_411 = arith.constant 40960 : i32
      %jit3A_412 = arith.constant 43008 : i32
      %broadcast_in_dim3A_413 = vector.broadcast %jit3A_411 : i32 to vector<16xi32>
      %broadcast_in_dim3A_414 = vector.broadcast %jit3A_412 : i32 to vector<16xi32>
      %select_n3A_415 = arith.select %eq3A_410, %broadcast_in_dim3A_413, %broadcast_in_dim3A_414 : vector<16xi1>, vector<16xi32>
      %jit3A_416 = arith.constant 32768 : i32
      %broadcast_in_dim3A_417 = vector.broadcast %jit3A_416 : i32 to vector<16xi32>
      %select_n3A_418 = arith.select %eq3A_407, %broadcast_in_dim3A_417, %select_n3A_415 : vector<16xi1>, vector<16xi32>
      %jit3A_419 = arith.constant 0 : i32
      %broadcast_in_dim3A_420 = vector.broadcast %jit3A_419 : i32 to vector<16xi32>
      %select_n3A_421 = arith.select %eq3A_404, %broadcast_in_dim3A_420, %select_n3A_418 : vector<16xi1>, vector<16xi32>
      %convert_element_type3A_422 = arith.sitofp %select_n3A_324 : vector<16xi32> to vector<16xf32>
      %mul3A_423 = arith.constant 0.166666672 : f32
      %mul3A_424 = vector.broadcast %mul3A_423 : f32 to vector<16xf32>
      %mul3A_425 = arith.mulf %convert_element_type3A_422, %mul3A_424 : vector<16xf32>
      %sub3A_426 = arith.subf %gather3A_343, %gather3A_335 : vector<16xf32>
      %mul3A_427 = arith.mulf %mul3A_425, %sub3A_426 : vector<16xf32>
      %add3A_428 = arith.addf %gather3A_335, %mul3A_427 : vector<16xf32>
      %mul3A_429 = arith.mulf %add3A_428, %select_n3A_381 : vector<16xf32>
      %convert_element_type3A_430 = arith.sitofp %sub3A_328 : vector<16xi32> to vector<16xf32>
      %mul3A_431 = arith.constant 0.166666672 : f32
      %mul3A_432 = vector.broadcast %mul3A_431 : f32 to vector<16xf32>
      %mul3A_433 = arith.mulf %convert_element_type3A_430, %mul3A_432 : vector<16xf32>
      %sub3A_434 = arith.subf %gather3A_339, %gather3A_331 : vector<16xf32>
      %mul3A_435 = arith.mulf %mul3A_433, %sub3A_434 : vector<16xf32>
      %add3A_436 = arith.addf %gather3A_331, %mul3A_435 : vector<16xf32>
      %mul3A_437 = arith.mulf %add3A_436, %select_n3A_381 : vector<16xf32>
      %convert_element_type3A_438 = arith.fptosi %mul3A_429 : vector<16xf32> to vector<16xi32>
      %convert_element_type3A_439 = arith.fptosi %mul3A_437 : vector<16xf32> to vector<16xi32>
      %convert_element_type3A_440 = arith.sitofp %convert_element_type3A_438 : vector<16xi32> to vector<16xf32>
      %sub3A_441 = arith.subf %mul3A_429, %convert_element_type3A_440 : vector<16xf32>
      %convert_element_type3A_442 = arith.sitofp %convert_element_type3A_439 : vector<16xi32> to vector<16xf32>
      %sub3A_443 = arith.subf %mul3A_437, %convert_element_type3A_442 : vector<16xf32>
      %sub3A_444 = arith.constant 1 : i32
      %sub3A_445 = vector.broadcast %sub3A_444 : i32 to vector<16xi32>
      %sub3A_446 = arith.subi %select_n3A_401, %sub3A_445 : vector<16xi32>
      %min3A_447 = arith.minsi %convert_element_type3A_438, %sub3A_446 : vector<16xi32>
      %add3A_448 = arith.constant 1 : i32
      %add3A_449 = vector.broadcast %add3A_448 : i32 to vector<16xi32>
      %add3A_450 = arith.addi %convert_element_type3A_438, %add3A_449 : vector<16xi32>
      %min3A_451 = arith.minsi %add3A_450, %sub3A_446 : vector<16xi32>
      %min3A_452 = arith.minsi %convert_element_type3A_439, %sub3A_446 : vector<16xi32>
      %add3A_453 = arith.constant 1 : i32
      %add3A_454 = vector.broadcast %add3A_453 : i32 to vector<16xi32>
      %add3A_455 = arith.addi %convert_element_type3A_439, %add3A_454 : vector<16xi32>
      %min3A_456 = arith.minsi %add3A_455, %sub3A_446 : vector<16xi32>
      %mul3A_457 = arith.muli %gather3A_344, %select_n3A_401 : vector<16xi32>
      %mul3A_458 = arith.muli %mul3A_457, %select_n3A_401 : vector<16xi32>
      %add3A_459 = arith.addi %select_n3A_421, %mul3A_458 : vector<16xi32>
      %mul3A_460 = arith.muli %min3A_447, %select_n3A_401 : vector<16xi32>
      %add3A_461 = arith.addi %add3A_459, %mul3A_460 : vector<16xi32>
      %mul3A_462 = arith.muli %min3A_451, %select_n3A_401 : vector<16xi32>
      %add3A_463 = arith.addi %add3A_459, %mul3A_462 : vector<16xi32>
      %add3A_464 = arith.addi %add3A_461, %min3A_452 : vector<16xi32>
      %swap3A_465 = arith.constant 16 : index
      %swap3A_466 = tpu.vector_load %arg9[%swap3A_465] {strides = array<i32>} : memref<128xi32, #tpu.memory_space<vmem>>, vector<16xi32>,
      tpu.vector_store %arg9[%swap3A_465], %add3A_464 {strides = array<i32>} : memref<128xi32, #tpu.memory_space<vmem>>, vector<16xi32>,
      %add3A_467 = arith.addi %add3A_461, %min3A_456 : vector<16xi32>
      %swap3A_468 = arith.constant 48 : index
      %swap3A_469 = tpu.vector_load %arg9[%swap3A_468] {strides = array<i32>} : memref<128xi32, #tpu.memory_space<vmem>>, vector<16xi32>,
      tpu.vector_store %arg9[%swap3A_468], %add3A_467 {strides = array<i32>} : memref<128xi32, #tpu.memory_space<vmem>>, vector<16xi32>,
      %add3A_470 = arith.addi %add3A_463, %min3A_452 : vector<16xi32>
      %swap3A_471 = arith.constant 80 : index
      %swap3A_472 = tpu.vector_load %arg9[%swap3A_471] {strides = array<i32>} : memref<128xi32, #tpu.memory_space<vmem>>, vector<16xi32>,
      tpu.vector_store %arg9[%swap3A_471], %add3A_470 {strides = array<i32>} : memref<128xi32, #tpu.memory_space<vmem>>, vector<16xi32>,
      %add3A_473 = arith.addi %add3A_463, %min3A_456 : vector<16xi32>
      %swap3A_474 = arith.constant 112 : index
      %swap3A_475 = tpu.vector_load %arg9[%swap3A_474] {strides = array<i32>} : memref<128xi32, #tpu.memory_space<vmem>>, vector<16xi32>,
      tpu.vector_store %arg9[%swap3A_474], %add3A_473 {strides = array<i32>} : memref<128xi32, #tpu.memory_space<vmem>>, vector<16xi32>,
      %swap3A_476 = arith.constant 16 : index
      %swap3A_477 = tpu.vector_load %arg12[%swap3A_476] {strides = array<i32>} : memref<32xf32, #tpu.memory_space<vmem>>, vector<16xf32>,
      tpu.vector_store %arg12[%swap3A_476], %sub3A_443 {strides = array<i32>} : memref<32xf32, #tpu.memory_space<vmem>>, vector<16xf32>,
      %swap3A_478 = arith.constant 16 : index
      %swap3A_479 = tpu.vector_load %arg13[%swap3A_478] {strides = array<i32>} : memref<32xf32, #tpu.memory_space<vmem>>, vector<16xf32>,
      tpu.vector_store %arg13[%swap3A_478], %sub3A_441 {strides = array<i32>} : memref<32xf32, #tpu.memory_space<vmem>>, vector<16xf32>,
      %dma_start3A = arith.constant 0 : i32
      %dma_start3A_480 = arith.constant 0 : i32
      %dma_start3A_481 = tpu.memref_slice %arg2[%dma_start3A, %dma_start3A_480] : memref<43520x256xf32, #tpu.memory_space<hbm>> -> memref<43520x256xf32, #tpu.memory_space<hbm>>
      tpu.enqueue_indirect_dma source(%dma_start3A_481 : memref<43520x256xf32, #tpu.memory_space<hbm>>) target(%arg15 : memref<128x256xf32, #tpu.memory_space<vmem>>) offsets(%arg9 : memref<128xi32, #tpu.memory_space<vmem>>) semaphore(%arg17 : memref<!tpu.dma_semaphore, #tpu.memory_space<semaphore_mem>>)
      %scan3A_482 = arith.constant 0 : i32
      %scan3A_483 = arith.constant 0 : i32
      %scan3A_484 = arith.constant 32 : i32
      %scan3A_485 = arith.addi %scan3A_483, %scan3A_484 : i32
      %scan3A_486 = arith.constant 1 : i32
      scf.for %scan3A_511 = %scan3A_483 to %scan3A_485 step %scan3A_486  : i32 {
        %broadcast_in_dim3A_512 = vector.broadcast %scan3A_511 : i32 to vector<16xi32>
        %gather3A_513 = tpu.vector_load_idx %arg10[%broadcast_in_dim3A_512] : memref<32xf32, #tpu.memory_space<vmem>>[vector<16xi32>], vector<16xf32>,
        %gather3A_514 = tpu.vector_load_idx %arg11[%broadcast_in_dim3A_512] : memref<32xf32, #tpu.memory_space<vmem>>[vector<16xi32>], vector<16xf32>,
        %get3A_515 = arith.index_cast %scan3A_511 : i32 to index
        %get3A_516 = arith.constant 0 : index
        %get3A_517 = tpu.vector_load %arg14[%get3A_515, %get3A_516] {strides = array<i32>} : memref<128x256xf32, #tpu.memory_space<vmem>>, vector<16xf32>,
        %add3A_518 = arith.constant 32 : i32
        %add3A_519 = arith.addi %scan3A_511, %add3A_518 : i32
        %get3A_520 = arith.index_cast %add3A_519 : i32 to index
        %get3A_521 = arith.constant 0 : index
        %get3A_522 = tpu.vector_load %arg14[%get3A_520, %get3A_521] {strides = array<i32>} : memref<128x256xf32, #tpu.memory_space<vmem>>, vector<16xf32>,
        %add3A_523 = arith.constant 64 : i32
        %add3A_524 = arith.addi %scan3A_511, %add3A_523 : i32
        %get3A_525 = arith.index_cast %add3A_524 : i32 to index
        %get3A_526 = arith.constant 0 : index
        %get3A_527 = tpu.vector_load %arg14[%get3A_525, %get3A_526] {strides = array<i32>} : memref<128x256xf32, #tpu.memory_space<vmem>>, vector<16xf32>,
        %add3A_528 = arith.constant 96 : i32
        %add3A_529 = arith.addi %scan3A_511, %add3A_528 : i32
        %get3A_530 = arith.index_cast %add3A_529 : i32 to index
        %get3A_531 = arith.constant 0 : index
        %get3A_532 = tpu.vector_load %arg14[%get3A_530, %get3A_531] {strides = array<i32>} : memref<128x256xf32, #tpu.memory_space<vmem>>, vector<16xf32>,
        %sub3A_533 = arith.subf %get3A_522, %get3A_517 : vector<16xf32>
        %mul3A_534 = arith.mulf %gather3A_513, %sub3A_533 : vector<16xf32>
        %add3A_535 = arith.addf %get3A_517, %mul3A_534 : vector<16xf32>
        %sub3A_536 = arith.subf %get3A_532, %get3A_527 : vector<16xf32>
        %mul3A_537 = arith.mulf %gather3A_513, %sub3A_536 : vector<16xf32>
        %add3A_538 = arith.addf %get3A_527, %mul3A_537 : vector<16xf32>
        %sub3A_539 = arith.subf %add3A_538, %add3A_535 : vector<16xf32>
        %mul3A_540 = arith.mulf %gather3A_514, %sub3A_539 : vector<16xf32>
        %add3A_541 = arith.addf %add3A_535, %mul3A_540 : vector<16xf32>
        %swap3A_542 = arith.index_cast %scan3A_511 : i32 to index
        %swap3A_543 = arith.constant 0 : index
        %swap3A_544 = tpu.vector_load %arg16[%swap3A_542, %swap3A_543] {strides = array<i32>} : memref<32x256xf32, #tpu.memory_space<vmem>>, vector<16xf32>,
        tpu.vector_store %arg16[%swap3A_542, %swap3A_543], %add3A_541 {strides = array<i32>} : memref<32x256xf32, #tpu.memory_space<vmem>>, vector<16xf32>,
        %get3A_545 = arith.index_cast %scan3A_511 : i32 to index
        %get3A_546 = arith.constant 16 : index
        %get3A_547 = tpu.vector_load %arg14[%get3A_545, %get3A_546] {strides = array<i32>} : memref<128x256xf32, #tpu.memory_space<vmem>>, vector<16xf32>,
        %add3A_548 = arith.constant 32 : i32
        %add3A_549 = arith.addi %scan3A_511, %add3A_548 : i32
        %get3A_550 = arith.index_cast %add3A_549 : i32 to index
        %get3A_551 = arith.constant 16 : index
        %get3A_552 = tpu.vector_load %arg14[%get3A_550, %get3A_551] {strides = array<i32>} : memref<128x256xf32, #tpu.memory_space<vmem>>, vector<16xf32>,
        %add3A_553 = arith.constant 64 : i32
        %add3A_554 = arith.addi %scan3A_511, %add3A_553 : i32
        %get3A_555 = arith.index_cast %add3A_554 : i32 to index
        %get3A_556 = arith.constant 16 : index
        %get3A_557 = tpu.vector_load %arg14[%get3A_555, %get3A_556] {strides = array<i32>} : memref<128x256xf32, #tpu.memory_space<vmem>>, vector<16xf32>,
        %add3A_558 = arith.constant 96 : i32
        %add3A_559 = arith.addi %scan3A_511, %add3A_558 : i32
        %get3A_560 = arith.index_cast %add3A_559 : i32 to index
        %get3A_561 = arith.constant 16 : index
        %get3A_562 = tpu.vector_load %arg14[%get3A_560, %get3A_561] {strides = array<i32>} : memref<128x256xf32, #tpu.memory_space<vmem>>, vector<16xf32>,
        %sub3A_563 = arith.subf %get3A_552, %get3A_547 : vector<16xf32>
        %mul3A_564 = arith.mulf %gather3A_513, %sub3A_563 : vector<16xf32>
        %add3A_565 = arith.addf %get3A_547, %mul3A_564 : vector<16xf32>
        %sub3A_566 = arith.subf %get3A_562, %get3A_557 : vector<16xf32>
        %mul3A_567 = arith.mulf %gather3A_513, %sub3A_566 : vector<16xf32>
        %add3A_568 = arith.addf %get3A_557, %mul3A_567 : vector<16xf32>
        %sub3A_569 = arith.subf %add3A_568, %add3A_565 : vector<16xf32>
        %mul3A_570 = arith.mulf %gather3A_514, %sub3A_569 : vector<16xf32>
        %add3A_571 = arith.addf %add3A_565, %mul3A_570 : vector<16xf32>
        %swap3A_572 = arith.index_cast %scan3A_511 : i32 to index
        %swap3A_573 = arith.constant 16 : index
        %swap3A_574 = tpu.vector_load %arg16[%swap3A_572, %swap3A_573] {strides = array<i32>} : memref<32x256xf32, #tpu.memory_space<vmem>>, vector<16xf32>,
        tpu.vector_store %arg16[%swap3A_572, %swap3A_573], %add3A_571 {strides = array<i32>} : memref<32x256xf32, #tpu.memory_space<vmem>>, vector<16xf32>,
        %get3A_575 = arith.index_cast %scan3A_511 : i32 to index
        %get3A_576 = arith.constant 32 : index
        %get3A_577 = tpu.vector_load %arg14[%get3A_575, %get3A_576] {strides = array<i32>} : memref<128x256xf32, #tpu.memory_space<vmem>>, vector<16xf32>,
        %add3A_578 = arith.constant 32 : i32
        %add3A_579 = arith.addi %scan3A_511, %add3A_578 : i32
        %get3A_580 = arith.index_cast %add3A_579 : i32 to index
        %get3A_581 = arith.constant 32 : index
        %get3A_582 = tpu.vector_load %arg14[%get3A_580, %get3A_581] {strides = array<i32>} : memref<128x256xf32, #tpu.memory_space<vmem>>, vector<16xf32>,
        %add3A_583 = arith.constant 64 : i32
        %add3A_584 = arith.addi %scan3A_511, %add3A_583 : i32
        %get3A_585 = arith.index_cast %add3A_584 : i32 to index
        %get3A_586 = arith.constant 32 : index
        %get3A_587 = tpu.vector_load %arg14[%get3A_585, %get3A_586] {strides = array<i32>} : memref<128x256xf32, #tpu.memory_space<vmem>>, vector<16xf32>,
        %add3A_588 = arith.constant 96 : i32
        %add3A_589 = arith.addi %scan3A_511, %add3A_588 : i32
        %get3A_590 = arith.index_cast %add3A_589 : i32 to index
        %get3A_591 = arith.constant 32 : index
        %get3A_592 = tpu.vector_load %arg14[%get3A_590, %get3A_591] {strides = array<i32>} : memref<128x256xf32, #tpu.memory_space<vmem>>, vector<16xf32>,
        %sub3A_593 = arith.subf %get3A_582, %get3A_577 : vector<16xf32>
        %mul3A_594 = arith.mulf %gather3A_513, %sub3A_593 : vector<16xf32>
        %add3A_595 = arith.addf %get3A_577, %mul3A_594 : vector<16xf32>
        %sub3A_596 = arith.subf %get3A_592, %get3A_587 : vector<16xf32>
        %mul3A_597 = arith.mulf %gather3A_513, %sub3A_596 : vector<16xf32>
        %add3A_598 = arith.addf %get3A_587, %mul3A_597 : vector<16xf32>
        %sub3A_599 = arith.subf %add3A_598, %add3A_595 : vector<16xf32>
        %mul3A_600 = arith.mulf %gather3A_514, %sub3A_599 : vector<16xf32>
        %add3A_601 = arith.addf %add3A_595, %mul3A_600 : vector<16xf32>
        %swap3A_602 = arith.index_cast %scan3A_511 : i32 to index
        %swap3A_603 = arith.constant 32 : index
        %swap3A_604 = tpu.vector_load %arg16[%swap3A_602, %swap3A_603] {strides = array<i32>} : memref<32x256xf32, #tpu.memory_space<vmem>>, vector<16xf32>,
        tpu.vector_store %arg16[%swap3A_602, %swap3A_603], %add3A_601 {strides = array<i32>} : memref<32x256xf32, #tpu.memory_space<vmem>>, vector<16xf32>,
        %get3A_605 = arith.index_cast %scan3A_511 : i32 to index
        %get3A_606 = arith.constant 48 : index
        %get3A_607 = tpu.vector_load %arg14[%get3A_605, %get3A_606] {strides = array<i32>} : memref<128x256xf32, #tpu.memory_space<vmem>>, vector<16xf32>,
        %add3A_608 = arith.constant 32 : i32
        %add3A_609 = arith.addi %scan3A_511, %add3A_608 : i32
        %get3A_610 = arith.index_cast %add3A_609 : i32 to index
        %get3A_611 = arith.constant 48 : index
        %get3A_612 = tpu.vector_load %arg14[%get3A_610, %get3A_611] {strides = array<i32>} : memref<128x256xf32, #tpu.memory_space<vmem>>, vector<16xf32>,
        %add3A_613 = arith.constant 64 : i32
        %add3A_614 = arith.addi %scan3A_511, %add3A_613 : i32
        %get3A_615 = arith.index_cast %add3A_614 : i32 to index
        %get3A_616 = arith.constant 48 : index
        %get3A_617 = tpu.vector_load %arg14[%get3A_615, %get3A_616] {strides = array<i32>} : memref<128x256xf32, #tpu.memory_space<vmem>>, vector<16xf32>,
        %add3A_618 = arith.constant 96 : i32
        %add3A_619 = arith.addi %scan3A_511, %add3A_618 : i32
        %get3A_620 = arith.index_cast %add3A_619 : i32 to index
        %get3A_621 = arith.constant 48 : index
        %get3A_622 = tpu.vector_load %arg14[%get3A_620, %get3A_621] {strides = array<i32>} : memref<128x256xf32, #tpu.memory_space<vmem>>, vector<16xf32>,
        %sub3A_623 = arith.subf %get3A_612, %get3A_607 : vector<16xf32>
        %mul3A_624 = arith.mulf %gather3A_513, %sub3A_623 : vector<16xf32>
        %add3A_625 = arith.addf %get3A_607, %mul3A_624 : vector<16xf32>
        %sub3A_626 = arith.subf %get3A_622, %get3A_617 : vector<16xf32>
        %mul3A_627 = arith.mulf %gather3A_513, %sub3A_626 : vector<16xf32>
        %add3A_628 = arith.addf %get3A_617, %mul3A_627 : vector<16xf32>
        %sub3A_629 = arith.subf %add3A_628, %add3A_625 : vector<16xf32>
        %mul3A_630 = arith.mulf %gather3A_514, %sub3A_629 : vector<16xf32>
        %add3A_631 = arith.addf %add3A_625, %mul3A_630 : vector<16xf32>
        %swap3A_632 = arith.index_cast %scan3A_511 : i32 to index
        %swap3A_633 = arith.constant 48 : index
        %swap3A_634 = tpu.vector_load %arg16[%swap3A_632, %swap3A_633] {strides = array<i32>} : memref<32x256xf32, #tpu.memory_space<vmem>>, vector<16xf32>,
        tpu.vector_store %arg16[%swap3A_632, %swap3A_633], %add3A_631 {strides = array<i32>} : memref<32x256xf32, #tpu.memory_space<vmem>>, vector<16xf32>,
        %get3A_635 = arith.index_cast %scan3A_511 : i32 to index
        %get3A_636 = arith.constant 64 : index
        %get3A_637 = tpu.vector_load %arg14[%get3A_635, %get3A_636] {strides = array<i32>} : memref<128x256xf32, #tpu.memory_space<vmem>>, vector<16xf32>,
        %add3A_638 = arith.constant 32 : i32
        %add3A_639 = arith.addi %scan3A_511, %add3A_638 : i32
        %get3A_640 = arith.index_cast %add3A_639 : i32 to index
        %get3A_641 = arith.constant 64 : index
        %get3A_642 = tpu.vector_load %arg14[%get3A_640, %get3A_641] {strides = array<i32>} : memref<128x256xf32, #tpu.memory_space<vmem>>, vector<16xf32>,
        %add3A_643 = arith.constant 64 : i32
        %add3A_644 = arith.addi %scan3A_511, %add3A_643 : i32
        %get3A_645 = arith.index_cast %add3A_644 : i32 to index
        %get3A_646 = arith.constant 64 : index
        %get3A_647 = tpu.vector_load %arg14[%get3A_645, %get3A_646] {strides = array<i32>} : memref<128x256xf32, #tpu.memory_space<vmem>>, vector<16xf32>,
        %add3A_648 = arith.constant 96 : i32
        %add3A_649 = arith.addi %scan3A_511, %add3A_648 : i32
        %get3A_650 = arith.index_cast %add3A_649 : i32 to index
        %get3A_651 = arith.constant 64 : index
        %get3A_652 = tpu.vector_load %arg14[%get3A_650, %get3A_651] {strides = array<i32>} : memref<128x256xf32, #tpu.memory_space<vmem>>, vector<16xf32>,
        %sub3A_653 = arith.subf %get3A_642, %get3A_637 : vector<16xf32>
        %mul3A_654 = arith.mulf %gather3A_513, %sub3A_653 : vector<16xf32>
        %add3A_655 = arith.addf %get3A_637, %mul3A_654 : vector<16xf32>
        %sub3A_656 = arith.subf %get3A_652, %get3A_647 : vector<16xf32>
        %mul3A_657 = arith.mulf %gather3A_513, %sub3A_656 : vector<16xf32>
        %add3A_658 = arith.addf %get3A_647, %mul3A_657 : vector<16xf32>
        %sub3A_659 = arith.subf %add3A_658, %add3A_655 : vector<16xf32>
        %mul3A_660 = arith.mulf %gather3A_514, %sub3A_659 : vector<16xf32>
        %add3A_661 = arith.addf %add3A_655, %mul3A_660 : vector<16xf32>
        %swap3A_662 = arith.index_cast %scan3A_511 : i32 to index
        %swap3A_663 = arith.constant 64 : index
        %swap3A_664 = tpu.vector_load %arg16[%swap3A_662, %swap3A_663] {strides = array<i32>} : memref<32x256xf32, #tpu.memory_space<vmem>>, vector<16xf32>,
        tpu.vector_store %arg16[%swap3A_662, %swap3A_663], %add3A_661 {strides = array<i32>} : memref<32x256xf32, #tpu.memory_space<vmem>>, vector<16xf32>,
        %get3A_665 = arith.index_cast %scan3A_511 : i32 to index
        %get3A_666 = arith.constant 80 : index
        %get3A_667 = tpu.vector_load %arg14[%get3A_665, %get3A_666] {strides = array<i32>} : memref<128x256xf32, #tpu.memory_space<vmem>>, vector<16xf32>,
        %add3A_668 = arith.constant 32 : i32
        %add3A_669 = arith.addi %scan3A_511, %add3A_668 : i32
        %get3A_670 = arith.index_cast %add3A_669 : i32 to index
        %get3A_671 = arith.constant 80 : index
        %get3A_672 = tpu.vector_load %arg14[%get3A_670, %get3A_671] {strides = array<i32>} : memref<128x256xf32, #tpu.memory_space<vmem>>, vector<16xf32>,
        %add3A_673 = arith.constant 64 : i32
        %add3A_674 = arith.addi %scan3A_511, %add3A_673 : i32
        %get3A_675 = arith.index_cast %add3A_674 : i32 to index
        %get3A_676 = arith.constant 80 : index
        %get3A_677 = tpu.vector_load %arg14[%get3A_675, %get3A_676] {strides = array<i32>} : memref<128x256xf32, #tpu.memory_space<vmem>>, vector<16xf32>,
        %add3A_678 = arith.constant 96 : i32
        %add3A_679 = arith.addi %scan3A_511, %add3A_678 : i32
        %get3A_680 = arith.index_cast %add3A_679 : i32 to index
        %get3A_681 = arith.constant 80 : index
        %get3A_682 = tpu.vector_load %arg14[%get3A_680, %get3A_681] {strides = array<i32>} : memref<128x256xf32, #tpu.memory_space<vmem>>, vector<16xf32>,
        %sub3A_683 = arith.subf %get3A_672, %get3A_667 : vector<16xf32>
        %mul3A_684 = arith.mulf %gather3A_513, %sub3A_683 : vector<16xf32>
        %add3A_685 = arith.addf %get3A_667, %mul3A_684 : vector<16xf32>
        %sub3A_686 = arith.subf %get3A_682, %get3A_677 : vector<16xf32>
        %mul3A_687 = arith.mulf %gather3A_513, %sub3A_686 : vector<16xf32>
        %add3A_688 = arith.addf %get3A_677, %mul3A_687 : vector<16xf32>
        %sub3A_689 = arith.subf %add3A_688, %add3A_685 : vector<16xf32>
        %mul3A_690 = arith.mulf %gather3A_514, %sub3A_689 : vector<16xf32>
        %add3A_691 = arith.addf %add3A_685, %mul3A_690 : vector<16xf32>
        %swap3A_692 = arith.index_cast %scan3A_511 : i32 to index
        %swap3A_693 = arith.constant 80 : index
        %swap3A_694 = tpu.vector_load %arg16[%swap3A_692, %swap3A_693] {strides = array<i32>} : memref<32x256xf32, #tpu.memory_space<vmem>>, vector<16xf32>,
        tpu.vector_store %arg16[%swap3A_692, %swap3A_693], %add3A_691 {strides = array<i32>} : memref<32x256xf32, #tpu.memory_space<vmem>>, vector<16xf32>,
        %get3A_695 = arith.index_cast %scan3A_511 : i32 to index
        %get3A_696 = arith.constant 96 : index
        %get3A_697 = tpu.vector_load %arg14[%get3A_695, %get3A_696] {strides = array<i32>} : memref<128x256xf32, #tpu.memory_space<vmem>>, vector<16xf32>,
        %add3A_698 = arith.constant 32 : i32
        %add3A_699 = arith.addi %scan3A_511, %add3A_698 : i32
        %get3A_700 = arith.index_cast %add3A_699 : i32 to index
        %get3A_701 = arith.constant 96 : index
        %get3A_702 = tpu.vector_load %arg14[%get3A_700, %get3A_701] {strides = array<i32>} : memref<128x256xf32, #tpu.memory_space<vmem>>, vector<16xf32>,
        %add3A_703 = arith.constant 64 : i32
        %add3A_704 = arith.addi %scan3A_511, %add3A_703 : i32
        %get3A_705 = arith.index_cast %add3A_704 : i32 to index
        %get3A_706 = arith.constant 96 : index
        %get3A_707 = tpu.vector_load %arg14[%get3A_705, %get3A_706] {strides = array<i32>} : memref<128x256xf32, #tpu.memory_space<vmem>>, vector<16xf32>,
        %add3A_708 = arith.constant 96 : i32
        %add3A_709 = arith.addi %scan3A_511, %add3A_708 : i32
        %get3A_710 = arith.index_cast %add3A_709 : i32 to index
        %get3A_711 = arith.constant 96 : index
        %get3A_712 = tpu.vector_load %arg14[%get3A_710, %get3A_711] {strides = array<i32>} : memref<128x256xf32, #tpu.memory_space<vmem>>, vector<16xf32>,
        %sub3A_713 = arith.subf %get3A_702, %get3A_697 : vector<16xf32>
        %mul3A_714 = arith.mulf %gather3A_513, %sub3A_713 : vector<16xf32>
        %add3A_715 = arith.addf %get3A_697, %mul3A_714 : vector<16xf32>
        %sub3A_716 = arith.subf %get3A_712, %get3A_707 : vector<16xf32>
        %mul3A_717 = arith.mulf %gather3A_513, %sub3A_716 : vector<16xf32>
        %add3A_718 = arith.addf %get3A_707, %mul3A_717 : vector<16xf32>
        %sub3A_719 = arith.subf %add3A_718, %add3A_715 : vector<16xf32>
        %mul3A_720 = arith.mulf %gather3A_514, %sub3A_719 : vector<16xf32>
        %add3A_721 = arith.addf %add3A_715, %mul3A_720 : vector<16xf32>
        %swap3A_722 = arith.index_cast %scan3A_511 : i32 to index
        %swap3A_723 = arith.constant 96 : index
        %swap3A_724 = tpu.vector_load %arg16[%swap3A_722, %swap3A_723] {strides = array<i32>} : memref<32x256xf32, #tpu.memory_space<vmem>>, vector<16xf32>,
        tpu.vector_store %arg16[%swap3A_722, %swap3A_723], %add3A_721 {strides = array<i32>} : memref<32x256xf32, #tpu.memory_space<vmem>>, vector<16xf32>,
        %get3A_725 = arith.index_cast %scan3A_511 : i32 to index
        %get3A_726 = arith.constant 112 : index
        %get3A_727 = tpu.vector_load %arg14[%get3A_725, %get3A_726] {strides = array<i32>} : memref<128x256xf32, #tpu.memory_space<vmem>>, vector<16xf32>,
        %add3A_728 = arith.constant 32 : i32
        %add3A_729 = arith.addi %scan3A_511, %add3A_728 : i32
        %get3A_730 = arith.index_cast %add3A_729 : i32 to index
        %get3A_731 = arith.constant 112 : index
        %get3A_732 = tpu.vector_load %arg14[%get3A_730, %get3A_731] {strides = array<i32>} : memref<128x256xf32, #tpu.memory_space<vmem>>, vector<16xf32>,
        %add3A_733 = arith.constant 64 : i32
        %add3A_734 = arith.addi %scan3A_511, %add3A_733 : i32
        %get3A_735 = arith.index_cast %add3A_734 : i32 to index
        %get3A_736 = arith.constant 112 : index
        %get3A_737 = tpu.vector_load %arg14[%get3A_735, %get3A_736] {strides = array<i32>} : memref<128x256xf32, #tpu.memory_space<vmem>>, vector<16xf32>,
        %add3A_738 = arith.constant 96 : i32
        %add3A_739 = arith.addi %scan3A_511, %add3A_738 : i32
        %get3A_740 = arith.index_cast %add3A_739 : i32 to index
        %get3A_741 = arith.constant 112 : index
        %get3A_742 = tpu.vector_load %arg14[%get3A_740, %get3A_741] {strides = array<i32>} : memref<128x256xf32, #tpu.memory_space<vmem>>, vector<16xf32>,
        %sub3A_743 = arith.subf %get3A_732, %get3A_727 : vector<16xf32>
        %mul3A_744 = arith.mulf %gather3A_513, %sub3A_743 : vector<16xf32>
        %add3A_745 = arith.addf %get3A_727, %mul3A_744 : vector<16xf32>
        %sub3A_746 = arith.subf %get3A_742, %get3A_737 : vector<16xf32>
        %mul3A_747 = arith.mulf %gather3A_513, %sub3A_746 : vector<16xf32>
        %add3A_748 = arith.addf %get3A_737, %mul3A_747 : vector<16xf32>
        %sub3A_749 = arith.subf %add3A_748, %add3A_745 : vector<16xf32>
        %mul3A_750 = arith.mulf %gather3A_514, %sub3A_749 : vector<16xf32>
        %add3A_751 = arith.addf %add3A_745, %mul3A_750 : vector<16xf32>
        %swap3A_752 = arith.index_cast %scan3A_511 : i32 to index
        %swap3A_753 = arith.constant 112 : index
        %swap3A_754 = tpu.vector_load %arg16[%swap3A_752, %swap3A_753] {strides = array<i32>} : memref<32x256xf32, #tpu.memory_space<vmem>>, vector<16xf32>,
        tpu.vector_store %arg16[%swap3A_752, %swap3A_753], %add3A_751 {strides = array<i32>} : memref<32x256xf32, #tpu.memory_space<vmem>>, vector<16xf32>,
        %get3A_755 = arith.index_cast %scan3A_511 : i32 to index
        %get3A_756 = arith.constant 128 : index
        %get3A_757 = tpu.vector_load %arg14[%get3A_755, %get3A_756] {strides = array<i32>} : memref<128x256xf32, #tpu.memory_space<vmem>>, vector<16xf32>,
        %add3A_758 = arith.constant 32 : i32
        %add3A_759 = arith.addi %scan3A_511, %add3A_758 : i32
        %get3A_760 = arith.index_cast %add3A_759 : i32 to index
        %get3A_761 = arith.constant 128 : index
        %get3A_762 = tpu.vector_load %arg14[%get3A_760, %get3A_761] {strides = array<i32>} : memref<128x256xf32, #tpu.memory_space<vmem>>, vector<16xf32>,
        %add3A_763 = arith.constant 64 : i32
        %add3A_764 = arith.addi %scan3A_511, %add3A_763 : i32
        %get3A_765 = arith.index_cast %add3A_764 : i32 to index
        %get3A_766 = arith.constant 128 : index
        %get3A_767 = tpu.vector_load %arg14[%get3A_765, %get3A_766] {strides = array<i32>} : memref<128x256xf32, #tpu.memory_space<vmem>>, vector<16xf32>,
        %add3A_768 = arith.constant 96 : i32
        %add3A_769 = arith.addi %scan3A_511, %add3A_768 : i32
        %get3A_770 = arith.index_cast %add3A_769 : i32 to index
        %get3A_771 = arith.constant 128 : index
        %get3A_772 = tpu.vector_load %arg14[%get3A_770, %get3A_771] {strides = array<i32>} : memref<128x256xf32, #tpu.memory_space<vmem>>, vector<16xf32>,
        %sub3A_773 = arith.subf %get3A_762, %get3A_757 : vector<16xf32>
        %mul3A_774 = arith.mulf %gather3A_513, %sub3A_773 : vector<16xf32>
        %add3A_775 = arith.addf %get3A_757, %mul3A_774 : vector<16xf32>
        %sub3A_776 = arith.subf %get3A_772, %get3A_767 : vector<16xf32>
        %mul3A_777 = arith.mulf %gather3A_513, %sub3A_776 : vector<16xf32>
        %add3A_778 = arith.addf %get3A_767, %mul3A_777 : vector<16xf32>
        %sub3A_779 = arith.subf %add3A_778, %add3A_775 : vector<16xf32>
        %mul3A_780 = arith.mulf %gather3A_514, %sub3A_779 : vector<16xf32>
        %add3A_781 = arith.addf %add3A_775, %mul3A_780 : vector<16xf32>
        %swap3A_782 = arith.index_cast %scan3A_511 : i32 to index
        %swap3A_783 = arith.constant 128 : index
        %swap3A_784 = tpu.vector_load %arg16[%swap3A_782, %swap3A_783] {strides = array<i32>} : memref<32x256xf32, #tpu.memory_space<vmem>>, vector<16xf32>,
        tpu.vector_store %arg16[%swap3A_782, %swap3A_783], %add3A_781 {strides = array<i32>} : memref<32x256xf32, #tpu.memory_space<vmem>>, vector<16xf32>,
        %get3A_785 = arith.index_cast %scan3A_511 : i32 to index
        %get3A_786 = arith.constant 144 : index
        %get3A_787 = tpu.vector_load %arg14[%get3A_785, %get3A_786] {strides = array<i32>} : memref<128x256xf32, #tpu.memory_space<vmem>>, vector<16xf32>,
        %add3A_788 = arith.constant 32 : i32
        %add3A_789 = arith.addi %scan3A_511, %add3A_788 : i32
        %get3A_790 = arith.index_cast %add3A_789 : i32 to index
        %get3A_791 = arith.constant 144 : index
        %get3A_792 = tpu.vector_load %arg14[%get3A_790, %get3A_791] {strides = array<i32>} : memref<128x256xf32, #tpu.memory_space<vmem>>, vector<16xf32>,
        %add3A_793 = arith.constant 64 : i32
        %add3A_794 = arith.addi %scan3A_511, %add3A_793 : i32
        %get3A_795 = arith.index_cast %add3A_794 : i32 to index
        %get3A_796 = arith.constant 144 : index
        %get3A_797 = tpu.vector_load %arg14[%get3A_795, %get3A_796] {strides = array<i32>} : memref<128x256xf32, #tpu.memory_space<vmem>>, vector<16xf32>,
        %add3A_798 = arith.constant 96 : i32
        %add3A_799 = arith.addi %scan3A_511, %add3A_798 : i32
        %get3A_800 = arith.index_cast %add3A_799 : i32 to index
        %get3A_801 = arith.constant 144 : index
        %get3A_802 = tpu.vector_load %arg14[%get3A_800, %get3A_801] {strides = array<i32>} : memref<128x256xf32, #tpu.memory_space<vmem>>, vector<16xf32>,
        %sub3A_803 = arith.subf %get3A_792, %get3A_787 : vector<16xf32>
        %mul3A_804 = arith.mulf %gather3A_513, %sub3A_803 : vector<16xf32>
        %add3A_805 = arith.addf %get3A_787, %mul3A_804 : vector<16xf32>
        %sub3A_806 = arith.subf %get3A_802, %get3A_797 : vector<16xf32>
        %mul3A_807 = arith.mulf %gather3A_513, %sub3A_806 : vector<16xf32>
        %add3A_808 = arith.addf %get3A_797, %mul3A_807 : vector<16xf32>
        %sub3A_809 = arith.subf %add3A_808, %add3A_805 : vector<16xf32>
        %mul3A_810 = arith.mulf %gather3A_514, %sub3A_809 : vector<16xf32>
        %add3A_811 = arith.addf %add3A_805, %mul3A_810 : vector<16xf32>
        %swap3A_812 = arith.index_cast %scan3A_511 : i32 to index
        %swap3A_813 = arith.constant 144 : index
        %swap3A_814 = tpu.vector_load %arg16[%swap3A_812, %swap3A_813] {strides = array<i32>} : memref<32x256xf32, #tpu.memory_space<vmem>>, vector<16xf32>,
        tpu.vector_store %arg16[%swap3A_812, %swap3A_813], %add3A_811 {strides = array<i32>} : memref<32x256xf32, #tpu.memory_space<vmem>>, vector<16xf32>,
        %get3A_815 = arith.index_cast %scan3A_511 : i32 to index
        %get3A_816 = arith.constant 160 : index
        %get3A_817 = tpu.vector_load %arg14[%get3A_815, %get3A_816] {strides = array<i32>} : memref<128x256xf32, #tpu.memory_space<vmem>>, vector<16xf32>,
        %add3A_818 = arith.constant 32 : i32
        %add3A_819 = arith.addi %scan3A_511, %add3A_818 : i32
        %get3A_820 = arith.index_cast %add3A_819 : i32 to index
        %get3A_821 = arith.constant 160 : index
        %get3A_822 = tpu.vector_load %arg14[%get3A_820, %get3A_821] {strides = array<i32>} : memref<128x256xf32, #tpu.memory_space<vmem>>, vector<16xf32>,
        %add3A_823 = arith.constant 64 : i32
        %add3A_824 = arith.addi %scan3A_511, %add3A_823 : i32
        %get3A_825 = arith.index_cast %add3A_824 : i32 to index
        %get3A_826 = arith.constant 160 : index
        %get3A_827 = tpu.vector_load %arg14[%get3A_825, %get3A_826] {strides = array<i32>} : memref<128x256xf32, #tpu.memory_space<vmem>>, vector<16xf32>,
        %add3A_828 = arith.constant 96 : i32
        %add3A_829 = arith.addi %scan3A_511, %add3A_828 : i32
        %get3A_830 = arith.index_cast %add3A_829 : i32 to index
        %get3A_831 = arith.constant 160 : index
        %get3A_832 = tpu.vector_load %arg14[%get3A_830, %get3A_831] {strides = array<i32>} : memref<128x256xf32, #tpu.memory_space<vmem>>, vector<16xf32>,
        %sub3A_833 = arith.subf %get3A_822, %get3A_817 : vector<16xf32>
        %mul3A_834 = arith.mulf %gather3A_513, %sub3A_833 : vector<16xf32>
        %add3A_835 = arith.addf %get3A_817, %mul3A_834 : vector<16xf32>
        %sub3A_836 = arith.subf %get3A_832, %get3A_827 : vector<16xf32>
        %mul3A_837 = arith.mulf %gather3A_513, %sub3A_836 : vector<16xf32>
        %add3A_838 = arith.addf %get3A_827, %mul3A_837 : vector<16xf32>
        %sub3A_839 = arith.subf %add3A_838, %add3A_835 : vector<16xf32>
        %mul3A_840 = arith.mulf %gather3A_514, %sub3A_839 : vector<16xf32>
        %add3A_841 = arith.addf %add3A_835, %mul3A_840 : vector<16xf32>
        %swap3A_842 = arith.index_cast %scan3A_511 : i32 to index
        %swap3A_843 = arith.constant 160 : index
        %swap3A_844 = tpu.vector_load %arg16[%swap3A_842, %swap3A_843] {strides = array<i32>} : memref<32x256xf32, #tpu.memory_space<vmem>>, vector<16xf32>,
        tpu.vector_store %arg16[%swap3A_842, %swap3A_843], %add3A_841 {strides = array<i32>} : memref<32x256xf32, #tpu.memory_space<vmem>>, vector<16xf32>,
        %get3A_845 = arith.index_cast %scan3A_511 : i32 to index
        %get3A_846 = arith.constant 176 : index
        %get3A_847 = tpu.vector_load %arg14[%get3A_845, %get3A_846] {strides = array<i32>} : memref<128x256xf32, #tpu.memory_space<vmem>>, vector<16xf32>,
        %add3A_848 = arith.constant 32 : i32
        %add3A_849 = arith.addi %scan3A_511, %add3A_848 : i32
        %get3A_850 = arith.index_cast %add3A_849 : i32 to index
        %get3A_851 = arith.constant 176 : index
        %get3A_852 = tpu.vector_load %arg14[%get3A_850, %get3A_851] {strides = array<i32>} : memref<128x256xf32, #tpu.memory_space<vmem>>, vector<16xf32>,
        %add3A_853 = arith.constant 64 : i32
        %add3A_854 = arith.addi %scan3A_511, %add3A_853 : i32
        %get3A_855 = arith.index_cast %add3A_854 : i32 to index
        %get3A_856 = arith.constant 176 : index
        %get3A_857 = tpu.vector_load %arg14[%get3A_855, %get3A_856] {strides = array<i32>} : memref<128x256xf32, #tpu.memory_space<vmem>>, vector<16xf32>,
        %add3A_858 = arith.constant 96 : i32
        %add3A_859 = arith.addi %scan3A_511, %add3A_858 : i32
        %get3A_860 = arith.index_cast %add3A_859 : i32 to index
        %get3A_861 = arith.constant 176 : index
        %get3A_862 = tpu.vector_load %arg14[%get3A_860, %get3A_861] {strides = array<i32>} : memref<128x256xf32, #tpu.memory_space<vmem>>, vector<16xf32>,
        %sub3A_863 = arith.subf %get3A_852, %get3A_847 : vector<16xf32>
        %mul3A_864 = arith.mulf %gather3A_513, %sub3A_863 : vector<16xf32>
        %add3A_865 = arith.addf %get3A_847, %mul3A_864 : vector<16xf32>
        %sub3A_866 = arith.subf %get3A_862, %get3A_857 : vector<16xf32>
        %mul3A_867 = arith.mulf %gather3A_513, %sub3A_866 : vector<16xf32>
        %add3A_868 = arith.addf %get3A_857, %mul3A_867 : vector<16xf32>
        %sub3A_869 = arith.subf %add3A_868, %add3A_865 : vector<16xf32>
        %mul3A_870 = arith.mulf %gather3A_514, %sub3A_869 : vector<16xf32>
        %add3A_871 = arith.addf %add3A_865, %mul3A_870 : vector<16xf32>
        %swap3A_872 = arith.index_cast %scan3A_511 : i32 to index
        %swap3A_873 = arith.constant 176 : index
        %swap3A_874 = tpu.vector_load %arg16[%swap3A_872, %swap3A_873] {strides = array<i32>} : memref<32x256xf32, #tpu.memory_space<vmem>>, vector<16xf32>,
        tpu.vector_store %arg16[%swap3A_872, %swap3A_873], %add3A_871 {strides = array<i32>} : memref<32x256xf32, #tpu.memory_space<vmem>>, vector<16xf32>,
        %get3A_875 = arith.index_cast %scan3A_511 : i32 to index
        %get3A_876 = arith.constant 192 : index
        %get3A_877 = tpu.vector_load %arg14[%get3A_875, %get3A_876] {strides = array<i32>} : memref<128x256xf32, #tpu.memory_space<vmem>>, vector<16xf32>,
        %add3A_878 = arith.constant 32 : i32
        %add3A_879 = arith.addi %scan3A_511, %add3A_878 : i32
        %get3A_880 = arith.index_cast %add3A_879 : i32 to index
        %get3A_881 = arith.constant 192 : index
        %get3A_882 = tpu.vector_load %arg14[%get3A_880, %get3A_881] {strides = array<i32>} : memref<128x256xf32, #tpu.memory_space<vmem>>, vector<16xf32>,
        %add3A_883 = arith.constant 64 : i32
        %add3A_884 = arith.addi %scan3A_511, %add3A_883 : i32
        %get3A_885 = arith.index_cast %add3A_884 : i32 to index
        %get3A_886 = arith.constant 192 : index
        %get3A_887 = tpu.vector_load %arg14[%get3A_885, %get3A_886] {strides = array<i32>} : memref<128x256xf32, #tpu.memory_space<vmem>>, vector<16xf32>,
        %add3A_888 = arith.constant 96 : i32
        %add3A_889 = arith.addi %scan3A_511, %add3A_888 : i32
        %get3A_890 = arith.index_cast %add3A_889 : i32 to index
        %get3A_891 = arith.constant 192 : index
        %get3A_892 = tpu.vector_load %arg14[%get3A_890, %get3A_891] {strides = array<i32>} : memref<128x256xf32, #tpu.memory_space<vmem>>, vector<16xf32>,
        %sub3A_893 = arith.subf %get3A_882, %get3A_877 : vector<16xf32>
        %mul3A_894 = arith.mulf %gather3A_513, %sub3A_893 : vector<16xf32>
        %add3A_895 = arith.addf %get3A_877, %mul3A_894 : vector<16xf32>
        %sub3A_896 = arith.subf %get3A_892, %get3A_887 : vector<16xf32>
        %mul3A_897 = arith.mulf %gather3A_513, %sub3A_896 : vector<16xf32>
        %add3A_898 = arith.addf %get3A_887, %mul3A_897 : vector<16xf32>
        %sub3A_899 = arith.subf %add3A_898, %add3A_895 : vector<16xf32>
        %mul3A_900 = arith.mulf %gather3A_514, %sub3A_899 : vector<16xf32>
        %add3A_901 = arith.addf %add3A_895, %mul3A_900 : vector<16xf32>
        %swap3A_902 = arith.index_cast %scan3A_511 : i32 to index
        %swap3A_903 = arith.constant 192 : index
        %swap3A_904 = tpu.vector_load %arg16[%swap3A_902, %swap3A_903] {strides = array<i32>} : memref<32x256xf32, #tpu.memory_space<vmem>>, vector<16xf32>,
        tpu.vector_store %arg16[%swap3A_902, %swap3A_903], %add3A_901 {strides = array<i32>} : memref<32x256xf32, #tpu.memory_space<vmem>>, vector<16xf32>,
        %get3A_905 = arith.index_cast %scan3A_511 : i32 to index
        %get3A_906 = arith.constant 208 : index
        %get3A_907 = tpu.vector_load %arg14[%get3A_905, %get3A_906] {strides = array<i32>} : memref<128x256xf32, #tpu.memory_space<vmem>>, vector<16xf32>,
        %add3A_908 = arith.constant 32 : i32
        %add3A_909 = arith.addi %scan3A_511, %add3A_908 : i32
        %get3A_910 = arith.index_cast %add3A_909 : i32 to index
        %get3A_911 = arith.constant 208 : index
        %get3A_912 = tpu.vector_load %arg14[%get3A_910, %get3A_911] {strides = array<i32>} : memref<128x256xf32, #tpu.memory_space<vmem>>, vector<16xf32>,
        %add3A_913 = arith.constant 64 : i32
        %add3A_914 = arith.addi %scan3A_511, %add3A_913 : i32
        %get3A_915 = arith.index_cast %add3A_914 : i32 to index
        %get3A_916 = arith.constant 208 : index
        %get3A_917 = tpu.vector_load %arg14[%get3A_915, %get3A_916] {strides = array<i32>} : memref<128x256xf32, #tpu.memory_space<vmem>>, vector<16xf32>,
        %add3A_918 = arith.constant 96 : i32
        %add3A_919 = arith.addi %scan3A_511, %add3A_918 : i32
        %get3A_920 = arith.index_cast %add3A_919 : i32 to index
        %get3A_921 = arith.constant 208 : index
        %get3A_922 = tpu.vector_load %arg14[%get3A_920, %get3A_921] {strides = array<i32>} : memref<128x256xf32, #tpu.memory_space<vmem>>, vector<16xf32>,
        %sub3A_923 = arith.subf %get3A_912, %get3A_907 : vector<16xf32>
        %mul3A_924 = arith.mulf %gather3A_513, %sub3A_923 : vector<16xf32>
        %add3A_925 = arith.addf %get3A_907, %mul3A_924 : vector<16xf32>
        %sub3A_926 = arith.subf %get3A_922, %get3A_917 : vector<16xf32>
        %mul3A_927 = arith.mulf %gather3A_513, %sub3A_926 : vector<16xf32>
        %add3A_928 = arith.addf %get3A_917, %mul3A_927 : vector<16xf32>
        %sub3A_929 = arith.subf %add3A_928, %add3A_925 : vector<16xf32>
        %mul3A_930 = arith.mulf %gather3A_514, %sub3A_929 : vector<16xf32>
        %add3A_931 = arith.addf %add3A_925, %mul3A_930 : vector<16xf32>
        %swap3A_932 = arith.index_cast %scan3A_511 : i32 to index
        %swap3A_933 = arith.constant 208 : index
        %swap3A_934 = tpu.vector_load %arg16[%swap3A_932, %swap3A_933] {strides = array<i32>} : memref<32x256xf32, #tpu.memory_space<vmem>>, vector<16xf32>,
        tpu.vector_store %arg16[%swap3A_932, %swap3A_933], %add3A_931 {strides = array<i32>} : memref<32x256xf32, #tpu.memory_space<vmem>>, vector<16xf32>,
        %get3A_935 = arith.index_cast %scan3A_511 : i32 to index
        %get3A_936 = arith.constant 224 : index
        %get3A_937 = tpu.vector_load %arg14[%get3A_935, %get3A_936] {strides = array<i32>} : memref<128x256xf32, #tpu.memory_space<vmem>>, vector<16xf32>,
        %add3A_938 = arith.constant 32 : i32
        %add3A_939 = arith.addi %scan3A_511, %add3A_938 : i32
        %get3A_940 = arith.index_cast %add3A_939 : i32 to index
        %get3A_941 = arith.constant 224 : index
        %get3A_942 = tpu.vector_load %arg14[%get3A_940, %get3A_941] {strides = array<i32>} : memref<128x256xf32, #tpu.memory_space<vmem>>, vector<16xf32>,
        %add3A_943 = arith.constant 64 : i32
        %add3A_944 = arith.addi %scan3A_511, %add3A_943 : i32
        %get3A_945 = arith.index_cast %add3A_944 : i32 to index
        %get3A_946 = arith.constant 224 : index
        %get3A_947 = tpu.vector_load %arg14[%get3A_945, %get3A_946] {strides = array<i32>} : memref<128x256xf32, #tpu.memory_space<vmem>>, vector<16xf32>,
        %add3A_948 = arith.constant 96 : i32
        %add3A_949 = arith.addi %scan3A_511, %add3A_948 : i32
        %get3A_950 = arith.index_cast %add3A_949 : i32 to index
        %get3A_951 = arith.constant 224 : index
        %get3A_952 = tpu.vector_load %arg14[%get3A_950, %get3A_951] {strides = array<i32>} : memref<128x256xf32, #tpu.memory_space<vmem>>, vector<16xf32>,
        %sub3A_953 = arith.subf %get3A_942, %get3A_937 : vector<16xf32>
        %mul3A_954 = arith.mulf %gather3A_513, %sub3A_953 : vector<16xf32>
        %add3A_955 = arith.addf %get3A_937, %mul3A_954 : vector<16xf32>
        %sub3A_956 = arith.subf %get3A_952, %get3A_947 : vector<16xf32>
        %mul3A_957 = arith.mulf %gather3A_513, %sub3A_956 : vector<16xf32>
        %add3A_958 = arith.addf %get3A_947, %mul3A_957 : vector<16xf32>
        %sub3A_959 = arith.subf %add3A_958, %add3A_955 : vector<16xf32>
        %mul3A_960 = arith.mulf %gather3A_514, %sub3A_959 : vector<16xf32>
        %add3A_961 = arith.addf %add3A_955, %mul3A_960 : vector<16xf32>
        %swap3A_962 = arith.index_cast %scan3A_511 : i32 to index
        %swap3A_963 = arith.constant 224 : index
        %swap3A_964 = tpu.vector_load %arg16[%swap3A_962, %swap3A_963] {strides = array<i32>} : memref<32x256xf32, #tpu.memory_space<vmem>>, vector<16xf32>,
        tpu.vector_store %arg16[%swap3A_962, %swap3A_963], %add3A_961 {strides = array<i32>} : memref<32x256xf32, #tpu.memory_space<vmem>>, vector<16xf32>,
        %get3A_965 = arith.index_cast %scan3A_511 : i32 to index
        %get3A_966 = arith.constant 240 : index
        %get3A_967 = tpu.vector_load %arg14[%get3A_965, %get3A_966] {strides = array<i32>} : memref<128x256xf32, #tpu.memory_space<vmem>>, vector<16xf32>,
        %add3A_968 = arith.constant 32 : i32
        %add3A_969 = arith.addi %scan3A_511, %add3A_968 : i32
        %get3A_970 = arith.index_cast %add3A_969 : i32 to index
        %get3A_971 = arith.constant 240 : index
        %get3A_972 = tpu.vector_load %arg14[%get3A_970, %get3A_971] {strides = array<i32>} : memref<128x256xf32, #tpu.memory_space<vmem>>, vector<16xf32>,
        %add3A_973 = arith.constant 64 : i32
        %add3A_974 = arith.addi %scan3A_511, %add3A_973 : i32
        %get3A_975 = arith.index_cast %add3A_974 : i32 to index
        %get3A_976 = arith.constant 240 : index
        %get3A_977 = tpu.vector_load %arg14[%get3A_975, %get3A_976] {strides = array<i32>} : memref<128x256xf32, #tpu.memory_space<vmem>>, vector<16xf32>,
        %add3A_978 = arith.constant 96 : i32
        %add3A_979 = arith.addi %scan3A_511, %add3A_978 : i32
        %get3A_980 = arith.index_cast %add3A_979 : i32 to index
        %get3A_981 = arith.constant 240 : index
        %get3A_982 = tpu.vector_load %arg14[%get3A_980, %get3A_981] {strides = array<i32>} : memref<128x256xf32, #tpu.memory_space<vmem>>, vector<16xf32>,
        %sub3A_983 = arith.subf %get3A_972, %get3A_967 : vector<16xf32>
        %mul3A_984 = arith.mulf %gather3A_513, %sub3A_983 : vector<16xf32>
        %add3A_985 = arith.addf %get3A_967, %mul3A_984 : vector<16xf32>
        %sub3A_986 = arith.subf %get3A_982, %get3A_977 : vector<16xf32>
        %mul3A_987 = arith.mulf %gather3A_513, %sub3A_986 : vector<16xf32>
        %add3A_988 = arith.addf %get3A_977, %mul3A_987 : vector<16xf32>
        %sub3A_989 = arith.subf %add3A_988, %add3A_985 : vector<16xf32>
        %mul3A_990 = arith.mulf %gather3A_514, %sub3A_989 : vector<16xf32>
        %add3A_991 = arith.addf %add3A_985, %mul3A_990 : vector<16xf32>
        %swap3A_992 = arith.index_cast %scan3A_511 : i32 to index
        %swap3A_993 = arith.constant 240 : index
        %swap3A_994 = tpu.vector_load %arg16[%swap3A_992, %swap3A_993] {strides = array<i32>} : memref<32x256xf32, #tpu.memory_space<vmem>>, vector<16xf32>,
        tpu.vector_store %arg16[%swap3A_992, %swap3A_993], %add3A_991 {strides = array<i32>} : memref<32x256xf32, #tpu.memory_space<vmem>>, vector<16xf32>,
      }
      %scan3A_487 = arith.constant 32 : i32
      %mul3A_488 = arith.constant 32 : i32
      %mul3A_489 = arith.muli %mul3A_24, %mul3A_488 : i32
      %add3A_490 = arith.addi %mul3A_6, %mul3A_489 : i32
      "tpu.region"() ({
        %run_scoped3A = tpu.sem_alloc : memref<!tpu.dma_semaphore, #tpu.memory_space<semaphore_mem>>
        %dma_start3A_511 = arith.constant 0 : i32
        %dma_start3A_512 = tpu.memref_slice %arg5[%add3A_490, %dma_start3A_511] : memref<50176x256xf32, #tpu.memory_space<hbm>> -> memref<32x256xf32, #tpu.memory_space<hbm>>
        %dma_start3A_513 = arith.constant 0 : i32
        %dma_start3A_514 = tpu.memref_slice %arg5[%add3A_490, %dma_start3A_513] : memref<50176x256xf32, #tpu.memory_space<hbm>> -> memref<32x256xf32, #tpu.memory_space<hbm>>
        tpu.enqueue_dma source(%arg16 : memref<32x256xf32, #tpu.memory_space<vmem>>) target(%dma_start3A_514 : memref<32x256xf32, #tpu.memory_space<hbm>>) target_semaphore(%run_scoped3A : memref<!tpu.dma_semaphore, #tpu.memory_space<semaphore_mem>>)
        %dma_wait3A_515 = arith.constant 0 : i32
        %dma_wait3A_516 = tpu.memref_slice %arg5[%add3A_490, %dma_wait3A_515] : memref<50176x256xf32, #tpu.memory_space<hbm>> -> memref<32x256xf32, #tpu.memory_space<hbm>>
        %dma_wait3A_517 = arith.constant 0 : i32
        %dma_wait3A_518 = tpu.memref_slice %arg5[%add3A_490, %dma_wait3A_517] : memref<50176x256xf32, #tpu.memory_space<hbm>> -> memref<32x256xf32, #tpu.memory_space<hbm>>
        tpu.wait_dma2 semaphore(%run_scoped3A : memref<!tpu.dma_semaphore, #tpu.memory_space<semaphore_mem>>) src(%arg16 : memref<32x256xf32, #tpu.memory_space<vmem>>) dst(%dma_wait3A_518 : memref<32x256xf32, #tpu.memory_space<hbm>>)
        tpu.yield
      }) : () -> ()
      %dma_wait3A_491 = arith.constant 0 : i32
      %dma_wait3A_492 = arith.constant 0 : i32
      %dma_wait3A_493 = tpu.memref_slice %arg2[%dma_wait3A_491, %dma_wait3A_492] : memref<43520x256xf32, #tpu.memory_space<hbm>> -> memref<43520x256xf32, #tpu.memory_space<hbm>>
      tpu.wait_indirect_dma semaphore(%arg17 : memref<!tpu.dma_semaphore, #tpu.memory_space<semaphore_mem>>) src(%dma_wait3A_493 : memref<43520x256xf32, #tpu.memory_space<hbm>>) dst(%arg15 : memref<128x256xf32, #tpu.memory_space<vmem>>)
      %add3A_494 = arith.constant 2 : i32
      %add3A_495 = arith.addi %mul3A_24, %add3A_494 : i32
      %lt3A = arith.constant 49 : i32
      %lt3A_496 = arith.cmpi slt, %add3A_495, %lt3A : i32
      %convert_element_type3A_497 = arith.extui %lt3A_496 : i1 to i32
      %cond3A_498 = arith.constant 0 : i32
      %cond3A_499 = arith.cmpi ne, %convert_element_type3A_497, %cond3A_498 : i32
      scf.if %cond3A_499 {
        %add3A_511 = arith.constant 2 : i32
        %add3A_512 = arith.addi %mul3A_24, %add3A_511 : i32
        %get3A_513 = arith.constant 0 : index
        %get3A_514 = tpu.vector_load %arg7[%get3A_513] {strides = array<i32>} : memref<32xi32, #tpu.memory_space<vmem>>, vector<16xi32>,
        %min3A_515 = arith.constant 0 : i32
        %min3A_516 = vector.broadcast %min3A_515 : i32 to vector<16xi32>
        %min3A_517 = arith.minsi %get3A_514, %min3A_516 : vector<16xi32>
        %iota3A_518 = tpu.iota {dimensions = array<i32: 0>} : vector<16xi32>
        %mul3A_519 = arith.constant 32 : i32
        %mul3A_520 = arith.muli %add3A_512, %mul3A_519 : i32
        %add3A_521 = arith.constant 0 : i32
        %add3A_522 = arith.addi %mul3A_520, %add3A_521 : i32
        %add3A_523 = vector.broadcast %add3A_522 : i32 to vector<16xi32>
        %add3A_524 = arith.addi %add3A_523, %iota3A_518 : vector<16xi32>
        %add3A_525 = arith.addi %add3A_524, %min3A_517 : vector<16xi32>
        %jit3A_526 = arith.constant 49 : i32
        %div3A_527 = vector.broadcast %jit3A_526 : i32 to vector<16xi32>
        %div3A_528 = arith.divsi %add3A_525, %div3A_527 : vector<16xi32>
        %sign3A_529 = arith.constant 0 : i32
        %sign3A_530 = vector.broadcast %sign3A_529 : i32 to vector<16xi32>
        %sign3A_531 = arith.cmpi sgt, %add3A_525, %sign3A_530 : vector<16xi32>
        %sign3A_532 = arith.extui %sign3A_531 : vector<16xi1> to vector<16xi32>
        %sign3A_533 = arith.constant 0 : i32
        %sign3A_534 = vector.broadcast %sign3A_533 : i32 to vector<16xi32>
        %sign3A_535 = arith.cmpi slt, %add3A_525, %sign3A_534 : vector<16xi32>
        %sign3A_536 = arith.extui %sign3A_535 : vector<16xi1> to vector<16xi32>
        %sign3A_537 = arith.subi %sign3A_532, %sign3A_536 : vector<16xi32>
        %sign3A_538 = arith.constant 0 : i32
        %sign3A_539 = arith.cmpi sgt, %jit3A_526, %sign3A_538 : i32
        %sign3A_540 = arith.extui %sign3A_539 : i1 to i32
        %sign3A_541 = arith.constant 0 : i32
        %sign3A_542 = arith.cmpi slt, %jit3A_526, %sign3A_541 : i32
        %sign3A_543 = arith.extui %sign3A_542 : i1 to i32
        %sign3A_544 = arith.subi %sign3A_540, %sign3A_543 : i32
        %ne3A_545 = vector.broadcast %sign3A_544 : i32 to vector<16xi32>
        %ne3A_546 = arith.cmpi ne, %sign3A_537, %ne3A_545 : vector<16xi32>
        %rem3A_547 = vector.broadcast %jit3A_526 : i32 to vector<16xi32>
        %rem3A_548 = arith.remsi %add3A_525, %rem3A_547 : vector<16xi32>
        %ne3A_549 = arith.constant 0 : i32
        %ne3A_550 = vector.broadcast %ne3A_549 : i32 to vector<16xi32>
        %ne3A_551 = arith.cmpi ne, %rem3A_548, %ne3A_550 : vector<16xi32>
        %and3A_552 = arith.andi %ne3A_546, %ne3A_551 : vector<16xi1>
        %sub3A_553 = arith.constant 1 : i32
        %sub3A_554 = vector.broadcast %sub3A_553 : i32 to vector<16xi32>
        %sub3A_555 = arith.subi %div3A_528, %sub3A_554 : vector<16xi32>
        %select_n3A_556 = arith.select %and3A_552, %sub3A_555, %div3A_528 : vector<16xi1>, vector<16xi32>
        %mul3A_557 = arith.constant 49 : i32
        %mul3A_558 = vector.broadcast %mul3A_557 : i32 to vector<16xi32>
        %mul3A_559 = arith.muli %select_n3A_556, %mul3A_558 : vector<16xi32>
        %sub3A_560 = arith.subi %add3A_525, %mul3A_559 : vector<16xi32>
        %jit3A_561 = arith.constant 7 : i32
        %div3A_562 = vector.broadcast %jit3A_561 : i32 to vector<16xi32>
        %div3A_563 = arith.divsi %sub3A_560, %div3A_562 : vector<16xi32>
        %sign3A_564 = arith.constant 0 : i32
        %sign3A_565 = vector.broadcast %sign3A_564 : i32 to vector<16xi32>
        %sign3A_566 = arith.cmpi sgt, %sub3A_560, %sign3A_565 : vector<16xi32>
        %sign3A_567 = arith.extui %sign3A_566 : vector<16xi1> to vector<16xi32>
        %sign3A_568 = arith.constant 0 : i32
        %sign3A_569 = vector.broadcast %sign3A_568 : i32 to vector<16xi32>
        %sign3A_570 = arith.cmpi slt, %sub3A_560, %sign3A_569 : vector<16xi32>
        %sign3A_571 = arith.extui %sign3A_570 : vector<16xi1> to vector<16xi32>
        %sign3A_572 = arith.subi %sign3A_567, %sign3A_571 : vector<16xi32>
        %sign3A_573 = arith.constant 0 : i32
        %sign3A_574 = arith.cmpi sgt, %jit3A_561, %sign3A_573 : i32
        %sign3A_575 = arith.extui %sign3A_574 : i1 to i32
        %sign3A_576 = arith.constant 0 : i32
        %sign3A_577 = arith.cmpi slt, %jit3A_561, %sign3A_576 : i32
        %sign3A_578 = arith.extui %sign3A_577 : i1 to i32
        %sign3A_579 = arith.subi %sign3A_575, %sign3A_578 : i32
        %ne3A_580 = vector.broadcast %sign3A_579 : i32 to vector<16xi32>
        %ne3A_581 = arith.cmpi ne, %sign3A_572, %ne3A_580 : vector<16xi32>
        %rem3A_582 = vector.broadcast %jit3A_561 : i32 to vector<16xi32>
        %rem3A_583 = arith.remsi %sub3A_560, %rem3A_582 : vector<16xi32>
        %ne3A_584 = arith.constant 0 : i32
        %ne3A_585 = vector.broadcast %ne3A_584 : i32 to vector<16xi32>
        %ne3A_586 = arith.cmpi ne, %rem3A_583, %ne3A_585 : vector<16xi32>
        %and3A_587 = arith.andi %ne3A_581, %ne3A_586 : vector<16xi1>
        %sub3A_588 = arith.constant 1 : i32
        %sub3A_589 = vector.broadcast %sub3A_588 : i32 to vector<16xi32>
        %sub3A_590 = arith.subi %div3A_563, %sub3A_589 : vector<16xi32>
        %select_n3A_591 = arith.select %and3A_587, %sub3A_590, %div3A_563 : vector<16xi1>, vector<16xi32>
        %mul3A_592 = arith.constant 7 : i32
        %mul3A_593 = vector.broadcast %mul3A_592 : i32 to vector<16xi32>
        %mul3A_594 = arith.muli %select_n3A_591, %mul3A_593 : vector<16xi32>
        %sub3A_595 = arith.subi %sub3A_560, %mul3A_594 : vector<16xi32>
        %broadcast_in_dim3A_596 = arith.constant 0 : i32
        %broadcast_in_dim3A_597 = vector.broadcast %broadcast_in_dim3A_596 : i32 to vector<16xi32>
        %gather3A_598 = tpu.vector_load_idx %arg6[%select_n3A_556, %broadcast_in_dim3A_597] : memref<32x4xf32, #tpu.memory_space<vmem>>[vector<16xi32>, vector<16xi32>], vector<16xf32>,
        %add3A_599 = arith.constant 1 : i32
        %add3A_600 = vector.broadcast %add3A_599 : i32 to vector<16xi32>
        %add3A_601 = arith.addi %broadcast_in_dim3A_597, %add3A_600 : vector<16xi32>
        %gather3A_602 = tpu.vector_load_idx %arg6[%select_n3A_556, %add3A_601] : memref<32x4xf32, #tpu.memory_space<vmem>>[vector<16xi32>, vector<16xi32>], vector<16xf32>,
        %add3A_603 = arith.constant 2 : i32
        %add3A_604 = vector.broadcast %add3A_603 : i32 to vector<16xi32>
        %add3A_605 = arith.addi %broadcast_in_dim3A_597, %add3A_604 : vector<16xi32>
        %gather3A_606 = tpu.vector_load_idx %arg6[%select_n3A_556, %add3A_605] : memref<32x4xf32, #tpu.memory_space<vmem>>[vector<16xi32>, vector<16xi32>], vector<16xf32>,
        %add3A_607 = arith.constant 3 : i32
        %add3A_608 = vector.broadcast %add3A_607 : i32 to vector<16xi32>
        %add3A_609 = arith.addi %broadcast_in_dim3A_597, %add3A_608 : vector<16xi32>
        %gather3A_610 = tpu.vector_load_idx %arg6[%select_n3A_556, %add3A_609] : memref<32x4xf32, #tpu.memory_space<vmem>>[vector<16xi32>, vector<16xi32>], vector<16xf32>,
        %gather3A_611 = tpu.vector_load_idx %arg7[%select_n3A_556] : memref<32xi32, #tpu.memory_space<vmem>>[vector<16xi32>], vector<16xi32>,
        %sub3A_612 = arith.subf %gather3A_606, %gather3A_598 : vector<16xf32>
        %sub3A_613 = arith.subf %gather3A_610, %gather3A_602 : vector<16xf32>
        %mul3A_614 = arith.mulf %sub3A_612, %sub3A_613 : vector<16xf32>
        %ge3A_615 = arith.constant 6.272000e+03 : f32
        %ge3A_616 = vector.broadcast %ge3A_615 : f32 to vector<16xf32>
        %ge3A_617 = arith.cmpf oge, %mul3A_614, %ge3A_616 : vector<16xf32>
        %convert_element_type3A_618 = arith.extui %ge3A_617 : vector<16xi1> to vector<16xi32>
        %ge3A_619 = arith.constant 2.508800e+04 : f32
        %ge3A_620 = vector.broadcast %ge3A_619 : f32 to vector<16xf32>
        %ge3A_621 = arith.cmpf oge, %mul3A_614, %ge3A_620 : vector<16xf32>
        %convert_element_type3A_622 = arith.extui %ge3A_621 : vector<16xi1> to vector<16xi32>
        %add3A_623 = arith.addi %convert_element_type3A_618, %convert_element_type3A_622 : vector<16xi32>
        %ge3A_624 = arith.constant 1.003520e+05 : f32
        %ge3A_625 = vector.broadcast %ge3A_624 : f32 to vector<16xf32>
        %ge3A_626 = arith.cmpf oge, %mul3A_614, %ge3A_625 : vector<16xf32>
        %convert_element_type3A_627 = arith.extui %ge3A_626 : vector<16xi1> to vector<16xi32>
        %add3A_628 = arith.addi %add3A_623, %convert_element_type3A_627 : vector<16xi32>
        %eq3A_629 = arith.constant 0 : i32
        %eq3A_630 = vector.broadcast %eq3A_629 : i32 to vector<16xi32>
        %eq3A_631 = arith.cmpi eq, %add3A_628, %eq3A_630 : vector<16xi32>
        %eq3A_632 = arith.constant 1 : i32
        %eq3A_633 = vector.broadcast %eq3A_632 : i32 to vector<16xi32>
        %eq3A_634 = arith.cmpi eq, %add3A_628, %eq3A_633 : vector<16xi32>
        %eq3A_635 = arith.constant 2 : i32
        %eq3A_636 = vector.broadcast %eq3A_635 : i32 to vector<16xi32>
        %eq3A_637 = arith.cmpi eq, %add3A_628, %eq3A_636 : vector<16xi32>
        %jit3A_638 = arith.constant 0.060546875 : f32
        %jit3A_639 = arith.constant 0.029296875 : f32
        %broadcast_in_dim3A_640 = vector.broadcast %jit3A_638 : f32 to vector<16xf32>
        %broadcast_in_dim3A_641 = vector.broadcast %jit3A_639 : f32 to vector<16xf32>
        %select_n3A_642 = arith.select %eq3A_637, %broadcast_in_dim3A_640, %broadcast_in_dim3A_641 : vector<16xi1>, vector<16xf32>
        %jit3A_643 = arith.constant 0.123046875 : f32
        %broadcast_in_dim3A_644 = vector.broadcast %jit3A_643 : f32 to vector<16xf32>
        %select_n3A_645 = arith.select %eq3A_634, %broadcast_in_dim3A_644, %select_n3A_642 : vector<16xi1>, vector<16xf32>
        %jit3A_646 = arith.constant 0.248046875 : f32
        %broadcast_in_dim3A_647 = vector.broadcast %jit3A_646 : f32 to vector<16xf32>
        %select_n3A_648 = arith.select %eq3A_631, %broadcast_in_dim3A_647, %select_n3A_645 : vector<16xi1>, vector<16xf32>
        %eq3A_649 = arith.constant 0 : i32
        %eq3A_650 = vector.broadcast %eq3A_649 : i32 to vector<16xi32>
        %eq3A_651 = arith.cmpi eq, %add3A_628, %eq3A_650 : vector<16xi32>
        %eq3A_652 = arith.constant 1 : i32
        %eq3A_653 = vector.broadcast %eq3A_652 : i32 to vector<16xi32>
        %eq3A_654 = arith.cmpi eq, %add3A_628, %eq3A_653 : vector<16xi32>
        %eq3A_655 = arith.constant 2 : i32
        %eq3A_656 = vector.broadcast %eq3A_655 : i32 to vector<16xi32>
        %eq3A_657 = arith.cmpi eq, %add3A_628, %eq3A_656 : vector<16xi32>
        %jit3A_658 = arith.constant 32 : i32
        %jit3A_659 = arith.constant 16 : i32
        %broadcast_in_dim3A_660 = vector.broadcast %jit3A_658 : i32 to vector<16xi32>
        %broadcast_in_dim3A_661 = vector.broadcast %jit3A_659 : i32 to vector<16xi32>
        %select_n3A_662 = arith.select %eq3A_657, %broadcast_in_dim3A_660, %broadcast_in_dim3A_661 : vector<16xi1>, vector<16xi32>
        %jit3A_663 = arith.constant 64 : i32
        %broadcast_in_dim3A_664 = vector.broadcast %jit3A_663 : i32 to vector<16xi32>
        %select_n3A_665 = arith.select %eq3A_654, %broadcast_in_dim3A_664, %select_n3A_662 : vector<16xi1>, vector<16xi32>
        %jit3A_666 = arith.constant 128 : i32
        %broadcast_in_dim3A_667 = vector.broadcast %jit3A_666 : i32 to vector<16xi32>
        %select_n3A_668 = arith.select %eq3A_651, %broadcast_in_dim3A_667, %select_n3A_665 : vector<16xi1>, vector<16xi32>
        %eq3A_669 = arith.constant 0 : i32
        %eq3A_670 = vector.broadcast %eq3A_669 : i32 to vector<16xi32>
        %eq3A_671 = arith.cmpi eq, %add3A_628, %eq3A_670 : vector<16xi32>
        %eq3A_672 = arith.constant 1 : i32
        %eq3A_673 = vector.broadcast %eq3A_672 : i32 to vector<16xi32>
        %eq3A_674 = arith.cmpi eq, %add3A_628, %eq3A_673 : vector<16xi32>
        %eq3A_675 = arith.constant 2 : i32
        %eq3A_676 = vector.broadcast %eq3A_675 : i32 to vector<16xi32>
        %eq3A_677 = arith.cmpi eq, %add3A_628, %eq3A_676 : vector<16xi32>
        %jit3A_678 = arith.constant 40960 : i32
        %jit3A_679 = arith.constant 43008 : i32
        %broadcast_in_dim3A_680 = vector.broadcast %jit3A_678 : i32 to vector<16xi32>
        %broadcast_in_dim3A_681 = vector.broadcast %jit3A_679 : i32 to vector<16xi32>
        %select_n3A_682 = arith.select %eq3A_677, %broadcast_in_dim3A_680, %broadcast_in_dim3A_681 : vector<16xi1>, vector<16xi32>
        %jit3A_683 = arith.constant 32768 : i32
        %broadcast_in_dim3A_684 = vector.broadcast %jit3A_683 : i32 to vector<16xi32>
        %select_n3A_685 = arith.select %eq3A_674, %broadcast_in_dim3A_684, %select_n3A_682 : vector<16xi1>, vector<16xi32>
        %jit3A_686 = arith.constant 0 : i32
        %broadcast_in_dim3A_687 = vector.broadcast %jit3A_686 : i32 to vector<16xi32>
        %select_n3A_688 = arith.select %eq3A_671, %broadcast_in_dim3A_687, %select_n3A_685 : vector<16xi1>, vector<16xi32>
        %convert_element_type3A_689 = arith.sitofp %select_n3A_591 : vector<16xi32> to vector<16xf32>
        %mul3A_690 = arith.constant 0.166666672 : f32
        %mul3A_691 = vector.broadcast %mul3A_690 : f32 to vector<16xf32>
        %mul3A_692 = arith.mulf %convert_element_type3A_689, %mul3A_691 : vector<16xf32>
        %sub3A_693 = arith.subf %gather3A_610, %gather3A_602 : vector<16xf32>
        %mul3A_694 = arith.mulf %mul3A_692, %sub3A_693 : vector<16xf32>
        %add3A_695 = arith.addf %gather3A_602, %mul3A_694 : vector<16xf32>
        %mul3A_696 = arith.mulf %add3A_695, %select_n3A_648 : vector<16xf32>
        %convert_element_type3A_697 = arith.sitofp %sub3A_595 : vector<16xi32> to vector<16xf32>
        %mul3A_698 = arith.constant 0.166666672 : f32
        %mul3A_699 = vector.broadcast %mul3A_698 : f32 to vector<16xf32>
        %mul3A_700 = arith.mulf %convert_element_type3A_697, %mul3A_699 : vector<16xf32>
        %sub3A_701 = arith.subf %gather3A_606, %gather3A_598 : vector<16xf32>
        %mul3A_702 = arith.mulf %mul3A_700, %sub3A_701 : vector<16xf32>
        %add3A_703 = arith.addf %gather3A_598, %mul3A_702 : vector<16xf32>
        %mul3A_704 = arith.mulf %add3A_703, %select_n3A_648 : vector<16xf32>
        %convert_element_type3A_705 = arith.fptosi %mul3A_696 : vector<16xf32> to vector<16xi32>
        %convert_element_type3A_706 = arith.fptosi %mul3A_704 : vector<16xf32> to vector<16xi32>
        %convert_element_type3A_707 = arith.sitofp %convert_element_type3A_705 : vector<16xi32> to vector<16xf32>
        %sub3A_708 = arith.subf %mul3A_696, %convert_element_type3A_707 : vector<16xf32>
        %convert_element_type3A_709 = arith.sitofp %convert_element_type3A_706 : vector<16xi32> to vector<16xf32>
        %sub3A_710 = arith.subf %mul3A_704, %convert_element_type3A_709 : vector<16xf32>
        %sub3A_711 = arith.constant 1 : i32
        %sub3A_712 = vector.broadcast %sub3A_711 : i32 to vector<16xi32>
        %sub3A_713 = arith.subi %select_n3A_668, %sub3A_712 : vector<16xi32>
        %min3A_714 = arith.minsi %convert_element_type3A_705, %sub3A_713 : vector<16xi32>
        %add3A_715 = arith.constant 1 : i32
        %add3A_716 = vector.broadcast %add3A_715 : i32 to vector<16xi32>
        %add3A_717 = arith.addi %convert_element_type3A_705, %add3A_716 : vector<16xi32>
        %min3A_718 = arith.minsi %add3A_717, %sub3A_713 : vector<16xi32>
        %min3A_719 = arith.minsi %convert_element_type3A_706, %sub3A_713 : vector<16xi32>
        %add3A_720 = arith.constant 1 : i32
        %add3A_721 = vector.broadcast %add3A_720 : i32 to vector<16xi32>
        %add3A_722 = arith.addi %convert_element_type3A_706, %add3A_721 : vector<16xi32>
        %min3A_723 = arith.minsi %add3A_722, %sub3A_713 : vector<16xi32>
        %mul3A_724 = arith.muli %gather3A_611, %select_n3A_668 : vector<16xi32>
        %mul3A_725 = arith.muli %mul3A_724, %select_n3A_668 : vector<16xi32>
        %add3A_726 = arith.addi %select_n3A_688, %mul3A_725 : vector<16xi32>
        %mul3A_727 = arith.muli %min3A_714, %select_n3A_668 : vector<16xi32>
        %add3A_728 = arith.addi %add3A_726, %mul3A_727 : vector<16xi32>
        %mul3A_729 = arith.muli %min3A_718, %select_n3A_668 : vector<16xi32>
        %add3A_730 = arith.addi %add3A_726, %mul3A_729 : vector<16xi32>
        %add3A_731 = arith.addi %add3A_728, %min3A_719 : vector<16xi32>
        %swap3A_732 = arith.constant 0 : index
        %swap3A_733 = tpu.vector_load %arg8[%swap3A_732] {strides = array<i32>} : memref<128xi32, #tpu.memory_space<vmem>>, vector<16xi32>,
        tpu.vector_store %arg8[%swap3A_732], %add3A_731 {strides = array<i32>} : memref<128xi32, #tpu.memory_space<vmem>>, vector<16xi32>,
        %add3A_734 = arith.addi %add3A_728, %min3A_723 : vector<16xi32>
        %swap3A_735 = arith.constant 32 : index
        %swap3A_736 = tpu.vector_load %arg8[%swap3A_735] {strides = array<i32>} : memref<128xi32, #tpu.memory_space<vmem>>, vector<16xi32>,
        tpu.vector_store %arg8[%swap3A_735], %add3A_734 {strides = array<i32>} : memref<128xi32, #tpu.memory_space<vmem>>, vector<16xi32>,
        %add3A_737 = arith.addi %add3A_730, %min3A_719 : vector<16xi32>
        %swap3A_738 = arith.constant 64 : index
        %swap3A_739 = tpu.vector_load %arg8[%swap3A_738] {strides = array<i32>} : memref<128xi32, #tpu.memory_space<vmem>>, vector<16xi32>,
        tpu.vector_store %arg8[%swap3A_738], %add3A_737 {strides = array<i32>} : memref<128xi32, #tpu.memory_space<vmem>>, vector<16xi32>,
        %add3A_740 = arith.addi %add3A_730, %min3A_723 : vector<16xi32>
        %swap3A_741 = arith.constant 96 : index
        %swap3A_742 = tpu.vector_load %arg8[%swap3A_741] {strides = array<i32>} : memref<128xi32, #tpu.memory_space<vmem>>, vector<16xi32>,
        tpu.vector_store %arg8[%swap3A_741], %add3A_740 {strides = array<i32>} : memref<128xi32, #tpu.memory_space<vmem>>, vector<16xi32>,
        %swap3A_743 = arith.constant 0 : index
        %swap3A_744 = tpu.vector_load %arg10[%swap3A_743] {strides = array<i32>} : memref<32xf32, #tpu.memory_space<vmem>>, vector<16xf32>,
        tpu.vector_store %arg10[%swap3A_743], %sub3A_710 {strides = array<i32>} : memref<32xf32, #tpu.memory_space<vmem>>, vector<16xf32>,
        %swap3A_745 = arith.constant 0 : index
        %swap3A_746 = tpu.vector_load %arg11[%swap3A_745] {strides = array<i32>} : memref<32xf32, #tpu.memory_space<vmem>>, vector<16xf32>,
        tpu.vector_store %arg11[%swap3A_745], %sub3A_708 {strides = array<i32>} : memref<32xf32, #tpu.memory_space<vmem>>, vector<16xf32>,
        %iota3A_747 = tpu.iota {dimensions = array<i32: 0>} : vector<16xi32>
        %mul3A_748 = arith.constant 32 : i32
        %mul3A_749 = arith.muli %add3A_512, %mul3A_748 : i32
        %add3A_750 = arith.constant 16 : i32
        %add3A_751 = arith.addi %mul3A_749, %add3A_750 : i32
        %add3A_752 = vector.broadcast %add3A_751 : i32 to vector<16xi32>
        %add3A_753 = arith.addi %add3A_752, %iota3A_747 : vector<16xi32>
        %add3A_754 = arith.addi %add3A_753, %min3A_517 : vector<16xi32>
        %jit3A_755 = arith.constant 49 : i32
        %div3A_756 = vector.broadcast %jit3A_755 : i32 to vector<16xi32>
        %div3A_757 = arith.divsi %add3A_754, %div3A_756 : vector<16xi32>
        %sign3A_758 = arith.constant 0 : i32
        %sign3A_759 = vector.broadcast %sign3A_758 : i32 to vector<16xi32>
        %sign3A_760 = arith.cmpi sgt, %add3A_754, %sign3A_759 : vector<16xi32>
        %sign3A_761 = arith.extui %sign3A_760 : vector<16xi1> to vector<16xi32>
        %sign3A_762 = arith.constant 0 : i32
        %sign3A_763 = vector.broadcast %sign3A_762 : i32 to vector<16xi32>
        %sign3A_764 = arith.cmpi slt, %add3A_754, %sign3A_763 : vector<16xi32>
        %sign3A_765 = arith.extui %sign3A_764 : vector<16xi1> to vector<16xi32>
        %sign3A_766 = arith.subi %sign3A_761, %sign3A_765 : vector<16xi32>
        %sign3A_767 = arith.constant 0 : i32
        %sign3A_768 = arith.cmpi sgt, %jit3A_755, %sign3A_767 : i32
        %sign3A_769 = arith.extui %sign3A_768 : i1 to i32
        %sign3A_770 = arith.constant 0 : i32
        %sign3A_771 = arith.cmpi slt, %jit3A_755, %sign3A_770 : i32
        %sign3A_772 = arith.extui %sign3A_771 : i1 to i32
        %sign3A_773 = arith.subi %sign3A_769, %sign3A_772 : i32
        %ne3A_774 = vector.broadcast %sign3A_773 : i32 to vector<16xi32>
        %ne3A_775 = arith.cmpi ne, %sign3A_766, %ne3A_774 : vector<16xi32>
        %rem3A_776 = vector.broadcast %jit3A_755 : i32 to vector<16xi32>
        %rem3A_777 = arith.remsi %add3A_754, %rem3A_776 : vector<16xi32>
        %ne3A_778 = arith.constant 0 : i32
        %ne3A_779 = vector.broadcast %ne3A_778 : i32 to vector<16xi32>
        %ne3A_780 = arith.cmpi ne, %rem3A_777, %ne3A_779 : vector<16xi32>
        %and3A_781 = arith.andi %ne3A_775, %ne3A_780 : vector<16xi1>
        %sub3A_782 = arith.constant 1 : i32
        %sub3A_783 = vector.broadcast %sub3A_782 : i32 to vector<16xi32>
        %sub3A_784 = arith.subi %div3A_757, %sub3A_783 : vector<16xi32>
        %select_n3A_785 = arith.select %and3A_781, %sub3A_784, %div3A_757 : vector<16xi1>, vector<16xi32>
        %mul3A_786 = arith.constant 49 : i32
        %mul3A_787 = vector.broadcast %mul3A_786 : i32 to vector<16xi32>
        %mul3A_788 = arith.muli %select_n3A_785, %mul3A_787 : vector<16xi32>
        %sub3A_789 = arith.subi %add3A_754, %mul3A_788 : vector<16xi32>
        %jit3A_790 = arith.constant 7 : i32
        %div3A_791 = vector.broadcast %jit3A_790 : i32 to vector<16xi32>
        %div3A_792 = arith.divsi %sub3A_789, %div3A_791 : vector<16xi32>
        %sign3A_793 = arith.constant 0 : i32
        %sign3A_794 = vector.broadcast %sign3A_793 : i32 to vector<16xi32>
        %sign3A_795 = arith.cmpi sgt, %sub3A_789, %sign3A_794 : vector<16xi32>
        %sign3A_796 = arith.extui %sign3A_795 : vector<16xi1> to vector<16xi32>
        %sign3A_797 = arith.constant 0 : i32
        %sign3A_798 = vector.broadcast %sign3A_797 : i32 to vector<16xi32>
        %sign3A_799 = arith.cmpi slt, %sub3A_789, %sign3A_798 : vector<16xi32>
        %sign3A_800 = arith.extui %sign3A_799 : vector<16xi1> to vector<16xi32>
        %sign3A_801 = arith.subi %sign3A_796, %sign3A_800 : vector<16xi32>
        %sign3A_802 = arith.constant 0 : i32
        %sign3A_803 = arith.cmpi sgt, %jit3A_790, %sign3A_802 : i32
        %sign3A_804 = arith.extui %sign3A_803 : i1 to i32
        %sign3A_805 = arith.constant 0 : i32
        %sign3A_806 = arith.cmpi slt, %jit3A_790, %sign3A_805 : i32
        %sign3A_807 = arith.extui %sign3A_806 : i1 to i32
        %sign3A_808 = arith.subi %sign3A_804, %sign3A_807 : i32
        %ne3A_809 = vector.broadcast %sign3A_808 : i32 to vector<16xi32>
        %ne3A_810 = arith.cmpi ne, %sign3A_801, %ne3A_809 : vector<16xi32>
        %rem3A_811 = vector.broadcast %jit3A_790 : i32 to vector<16xi32>
        %rem3A_812 = arith.remsi %sub3A_789, %rem3A_811 : vector<16xi32>
        %ne3A_813 = arith.constant 0 : i32
        %ne3A_814 = vector.broadcast %ne3A_813 : i32 to vector<16xi32>
        %ne3A_815 = arith.cmpi ne, %rem3A_812, %ne3A_814 : vector<16xi32>
        %and3A_816 = arith.andi %ne3A_810, %ne3A_815 : vector<16xi1>
        %sub3A_817 = arith.constant 1 : i32
        %sub3A_818 = vector.broadcast %sub3A_817 : i32 to vector<16xi32>
        %sub3A_819 = arith.subi %div3A_792, %sub3A_818 : vector<16xi32>
        %select_n3A_820 = arith.select %and3A_816, %sub3A_819, %div3A_792 : vector<16xi1>, vector<16xi32>
        %mul3A_821 = arith.constant 7 : i32
        %mul3A_822 = vector.broadcast %mul3A_821 : i32 to vector<16xi32>
        %mul3A_823 = arith.muli %select_n3A_820, %mul3A_822 : vector<16xi32>
        %sub3A_824 = arith.subi %sub3A_789, %mul3A_823 : vector<16xi32>
        %broadcast_in_dim3A_825 = arith.constant 0 : i32
        %broadcast_in_dim3A_826 = vector.broadcast %broadcast_in_dim3A_825 : i32 to vector<16xi32>
        %gather3A_827 = tpu.vector_load_idx %arg6[%select_n3A_785, %broadcast_in_dim3A_826] : memref<32x4xf32, #tpu.memory_space<vmem>>[vector<16xi32>, vector<16xi32>], vector<16xf32>,
        %add3A_828 = arith.constant 1 : i32
        %add3A_829 = vector.broadcast %add3A_828 : i32 to vector<16xi32>
        %add3A_830 = arith.addi %broadcast_in_dim3A_826, %add3A_829 : vector<16xi32>
        %gather3A_831 = tpu.vector_load_idx %arg6[%select_n3A_785, %add3A_830] : memref<32x4xf32, #tpu.memory_space<vmem>>[vector<16xi32>, vector<16xi32>], vector<16xf32>,
        %add3A_832 = arith.constant 2 : i32
        %add3A_833 = vector.broadcast %add3A_832 : i32 to vector<16xi32>
        %add3A_834 = arith.addi %broadcast_in_dim3A_826, %add3A_833 : vector<16xi32>
        %gather3A_835 = tpu.vector_load_idx %arg6[%select_n3A_785, %add3A_834] : memref<32x4xf32, #tpu.memory_space<vmem>>[vector<16xi32>, vector<16xi32>], vector<16xf32>,
        %add3A_836 = arith.constant 3 : i32
        %add3A_837 = vector.broadcast %add3A_836 : i32 to vector<16xi32>
        %add3A_838 = arith.addi %broadcast_in_dim3A_826, %add3A_837 : vector<16xi32>
        %gather3A_839 = tpu.vector_load_idx %arg6[%select_n3A_785, %add3A_838] : memref<32x4xf32, #tpu.memory_space<vmem>>[vector<16xi32>, vector<16xi32>], vector<16xf32>,
        %gather3A_840 = tpu.vector_load_idx %arg7[%select_n3A_785] : memref<32xi32, #tpu.memory_space<vmem>>[vector<16xi32>], vector<16xi32>,
        %sub3A_841 = arith.subf %gather3A_835, %gather3A_827 : vector<16xf32>
        %sub3A_842 = arith.subf %gather3A_839, %gather3A_831 : vector<16xf32>
        %mul3A_843 = arith.mulf %sub3A_841, %sub3A_842 : vector<16xf32>
        %ge3A_844 = arith.constant 6.272000e+03 : f32
        %ge3A_845 = vector.broadcast %ge3A_844 : f32 to vector<16xf32>
        %ge3A_846 = arith.cmpf oge, %mul3A_843, %ge3A_845 : vector<16xf32>
        %convert_element_type3A_847 = arith.extui %ge3A_846 : vector<16xi1> to vector<16xi32>
        %ge3A_848 = arith.constant 2.508800e+04 : f32
        %ge3A_849 = vector.broadcast %ge3A_848 : f32 to vector<16xf32>
        %ge3A_850 = arith.cmpf oge, %mul3A_843, %ge3A_849 : vector<16xf32>
        %convert_element_type3A_851 = arith.extui %ge3A_850 : vector<16xi1> to vector<16xi32>
        %add3A_852 = arith.addi %convert_element_type3A_847, %convert_element_type3A_851 : vector<16xi32>
        %ge3A_853 = arith.constant 1.003520e+05 : f32
        %ge3A_854 = vector.broadcast %ge3A_853 : f32 to vector<16xf32>
        %ge3A_855 = arith.cmpf oge, %mul3A_843, %ge3A_854 : vector<16xf32>
        %convert_element_type3A_856 = arith.extui %ge3A_855 : vector<16xi1> to vector<16xi32>
        %add3A_857 = arith.addi %add3A_852, %convert_element_type3A_856 : vector<16xi32>
        %eq3A_858 = arith.constant 0 : i32
        %eq3A_859 = vector.broadcast %eq3A_858 : i32 to vector<16xi32>
        %eq3A_860 = arith.cmpi eq, %add3A_857, %eq3A_859 : vector<16xi32>
        %eq3A_861 = arith.constant 1 : i32
        %eq3A_862 = vector.broadcast %eq3A_861 : i32 to vector<16xi32>
        %eq3A_863 = arith.cmpi eq, %add3A_857, %eq3A_862 : vector<16xi32>
        %eq3A_864 = arith.constant 2 : i32
        %eq3A_865 = vector.broadcast %eq3A_864 : i32 to vector<16xi32>
        %eq3A_866 = arith.cmpi eq, %add3A_857, %eq3A_865 : vector<16xi32>
        %jit3A_867 = arith.constant 0.060546875 : f32
        %jit3A_868 = arith.constant 0.029296875 : f32
        %broadcast_in_dim3A_869 = vector.broadcast %jit3A_867 : f32 to vector<16xf32>
        %broadcast_in_dim3A_870 = vector.broadcast %jit3A_868 : f32 to vector<16xf32>
        %select_n3A_871 = arith.select %eq3A_866, %broadcast_in_dim3A_869, %broadcast_in_dim3A_870 : vector<16xi1>, vector<16xf32>
        %jit3A_872 = arith.constant 0.123046875 : f32
        %broadcast_in_dim3A_873 = vector.broadcast %jit3A_872 : f32 to vector<16xf32>
        %select_n3A_874 = arith.select %eq3A_863, %broadcast_in_dim3A_873, %select_n3A_871 : vector<16xi1>, vector<16xf32>
        %jit3A_875 = arith.constant 0.248046875 : f32
        %broadcast_in_dim3A_876 = vector.broadcast %jit3A_875 : f32 to vector<16xf32>
        %select_n3A_877 = arith.select %eq3A_860, %broadcast_in_dim3A_876, %select_n3A_874 : vector<16xi1>, vector<16xf32>
        %eq3A_878 = arith.constant 0 : i32
        %eq3A_879 = vector.broadcast %eq3A_878 : i32 to vector<16xi32>
        %eq3A_880 = arith.cmpi eq, %add3A_857, %eq3A_879 : vector<16xi32>
        %eq3A_881 = arith.constant 1 : i32
        %eq3A_882 = vector.broadcast %eq3A_881 : i32 to vector<16xi32>
        %eq3A_883 = arith.cmpi eq, %add3A_857, %eq3A_882 : vector<16xi32>
        %eq3A_884 = arith.constant 2 : i32
        %eq3A_885 = vector.broadcast %eq3A_884 : i32 to vector<16xi32>
        %eq3A_886 = arith.cmpi eq, %add3A_857, %eq3A_885 : vector<16xi32>
        %jit3A_887 = arith.constant 32 : i32
        %jit3A_888 = arith.constant 16 : i32
        %broadcast_in_dim3A_889 = vector.broadcast %jit3A_887 : i32 to vector<16xi32>
        %broadcast_in_dim3A_890 = vector.broadcast %jit3A_888 : i32 to vector<16xi32>
        %select_n3A_891 = arith.select %eq3A_886, %broadcast_in_dim3A_889, %broadcast_in_dim3A_890 : vector<16xi1>, vector<16xi32>
        %jit3A_892 = arith.constant 64 : i32
        %broadcast_in_dim3A_893 = vector.broadcast %jit3A_892 : i32 to vector<16xi32>
        %select_n3A_894 = arith.select %eq3A_883, %broadcast_in_dim3A_893, %select_n3A_891 : vector<16xi1>, vector<16xi32>
        %jit3A_895 = arith.constant 128 : i32
        %broadcast_in_dim3A_896 = vector.broadcast %jit3A_895 : i32 to vector<16xi32>
        %select_n3A_897 = arith.select %eq3A_880, %broadcast_in_dim3A_896, %select_n3A_894 : vector<16xi1>, vector<16xi32>
        %eq3A_898 = arith.constant 0 : i32
        %eq3A_899 = vector.broadcast %eq3A_898 : i32 to vector<16xi32>
        %eq3A_900 = arith.cmpi eq, %add3A_857, %eq3A_899 : vector<16xi32>
        %eq3A_901 = arith.constant 1 : i32
        %eq3A_902 = vector.broadcast %eq3A_901 : i32 to vector<16xi32>
        %eq3A_903 = arith.cmpi eq, %add3A_857, %eq3A_902 : vector<16xi32>
        %eq3A_904 = arith.constant 2 : i32
        %eq3A_905 = vector.broadcast %eq3A_904 : i32 to vector<16xi32>
        %eq3A_906 = arith.cmpi eq, %add3A_857, %eq3A_905 : vector<16xi32>
        %jit3A_907 = arith.constant 40960 : i32
        %jit3A_908 = arith.constant 43008 : i32
        %broadcast_in_dim3A_909 = vector.broadcast %jit3A_907 : i32 to vector<16xi32>
        %broadcast_in_dim3A_910 = vector.broadcast %jit3A_908 : i32 to vector<16xi32>
        %select_n3A_911 = arith.select %eq3A_906, %broadcast_in_dim3A_909, %broadcast_in_dim3A_910 : vector<16xi1>, vector<16xi32>
        %jit3A_912 = arith.constant 32768 : i32
        %broadcast_in_dim3A_913 = vector.broadcast %jit3A_912 : i32 to vector<16xi32>
        %select_n3A_914 = arith.select %eq3A_903, %broadcast_in_dim3A_913, %select_n3A_911 : vector<16xi1>, vector<16xi32>
        %jit3A_915 = arith.constant 0 : i32
        %broadcast_in_dim3A_916 = vector.broadcast %jit3A_915 : i32 to vector<16xi32>
        %select_n3A_917 = arith.select %eq3A_900, %broadcast_in_dim3A_916, %select_n3A_914 : vector<16xi1>, vector<16xi32>
        %convert_element_type3A_918 = arith.sitofp %select_n3A_820 : vector<16xi32> to vector<16xf32>
        %mul3A_919 = arith.constant 0.166666672 : f32
        %mul3A_920 = vector.broadcast %mul3A_919 : f32 to vector<16xf32>
        %mul3A_921 = arith.mulf %convert_element_type3A_918, %mul3A_920 : vector<16xf32>
        %sub3A_922 = arith.subf %gather3A_839, %gather3A_831 : vector<16xf32>
        %mul3A_923 = arith.mulf %mul3A_921, %sub3A_922 : vector<16xf32>
        %add3A_924 = arith.addf %gather3A_831, %mul3A_923 : vector<16xf32>
        %mul3A_925 = arith.mulf %add3A_924, %select_n3A_877 : vector<16xf32>
        %convert_element_type3A_926 = arith.sitofp %sub3A_824 : vector<16xi32> to vector<16xf32>
        %mul3A_927 = arith.constant 0.166666672 : f32
        %mul3A_928 = vector.broadcast %mul3A_927 : f32 to vector<16xf32>
        %mul3A_929 = arith.mulf %convert_element_type3A_926, %mul3A_928 : vector<16xf32>
        %sub3A_930 = arith.subf %gather3A_835, %gather3A_827 : vector<16xf32>
        %mul3A_931 = arith.mulf %mul3A_929, %sub3A_930 : vector<16xf32>
        %add3A_932 = arith.addf %gather3A_827, %mul3A_931 : vector<16xf32>
        %mul3A_933 = arith.mulf %add3A_932, %select_n3A_877 : vector<16xf32>
        %convert_element_type3A_934 = arith.fptosi %mul3A_925 : vector<16xf32> to vector<16xi32>
        %convert_element_type3A_935 = arith.fptosi %mul3A_933 : vector<16xf32> to vector<16xi32>
        %convert_element_type3A_936 = arith.sitofp %convert_element_type3A_934 : vector<16xi32> to vector<16xf32>
        %sub3A_937 = arith.subf %mul3A_925, %convert_element_type3A_936 : vector<16xf32>
        %convert_element_type3A_938 = arith.sitofp %convert_element_type3A_935 : vector<16xi32> to vector<16xf32>
        %sub3A_939 = arith.subf %mul3A_933, %convert_element_type3A_938 : vector<16xf32>
        %sub3A_940 = arith.constant 1 : i32
        %sub3A_941 = vector.broadcast %sub3A_940 : i32 to vector<16xi32>
        %sub3A_942 = arith.subi %select_n3A_897, %sub3A_941 : vector<16xi32>
        %min3A_943 = arith.minsi %convert_element_type3A_934, %sub3A_942 : vector<16xi32>
        %add3A_944 = arith.constant 1 : i32
        %add3A_945 = vector.broadcast %add3A_944 : i32 to vector<16xi32>
        %add3A_946 = arith.addi %convert_element_type3A_934, %add3A_945 : vector<16xi32>
        %min3A_947 = arith.minsi %add3A_946, %sub3A_942 : vector<16xi32>
        %min3A_948 = arith.minsi %convert_element_type3A_935, %sub3A_942 : vector<16xi32>
        %add3A_949 = arith.constant 1 : i32
        %add3A_950 = vector.broadcast %add3A_949 : i32 to vector<16xi32>
        %add3A_951 = arith.addi %convert_element_type3A_935, %add3A_950 : vector<16xi32>
        %min3A_952 = arith.minsi %add3A_951, %sub3A_942 : vector<16xi32>
        %mul3A_953 = arith.muli %gather3A_840, %select_n3A_897 : vector<16xi32>
        %mul3A_954 = arith.muli %mul3A_953, %select_n3A_897 : vector<16xi32>
        %add3A_955 = arith.addi %select_n3A_917, %mul3A_954 : vector<16xi32>
        %mul3A_956 = arith.muli %min3A_943, %select_n3A_897 : vector<16xi32>
        %add3A_957 = arith.addi %add3A_955, %mul3A_956 : vector<16xi32>
        %mul3A_958 = arith.muli %min3A_947, %select_n3A_897 : vector<16xi32>
        %add3A_959 = arith.addi %add3A_955, %mul3A_958 : vector<16xi32>
        %add3A_960 = arith.addi %add3A_957, %min3A_948 : vector<16xi32>
        %swap3A_961 = arith.constant 16 : index
        %swap3A_962 = tpu.vector_load %arg8[%swap3A_961] {strides = array<i32>} : memref<128xi32, #tpu.memory_space<vmem>>, vector<16xi32>,
        tpu.vector_store %arg8[%swap3A_961], %add3A_960 {strides = array<i32>} : memref<128xi32, #tpu.memory_space<vmem>>, vector<16xi32>,
        %add3A_963 = arith.addi %add3A_957, %min3A_952 : vector<16xi32>
        %swap3A_964 = arith.constant 48 : index
        %swap3A_965 = tpu.vector_load %arg8[%swap3A_964] {strides = array<i32>} : memref<128xi32, #tpu.memory_space<vmem>>, vector<16xi32>,
        tpu.vector_store %arg8[%swap3A_964], %add3A_963 {strides = array<i32>} : memref<128xi32, #tpu.memory_space<vmem>>, vector<16xi32>,
        %add3A_966 = arith.addi %add3A_959, %min3A_948 : vector<16xi32>
        %swap3A_967 = arith.constant 80 : index
        %swap3A_968 = tpu.vector_load %arg8[%swap3A_967] {strides = array<i32>} : memref<128xi32, #tpu.memory_space<vmem>>, vector<16xi32>,
        tpu.vector_store %arg8[%swap3A_967], %add3A_966 {strides = array<i32>} : memref<128xi32, #tpu.memory_space<vmem>>, vector<16xi32>,
        %add3A_969 = arith.addi %add3A_959, %min3A_952 : vector<16xi32>
        %swap3A_970 = arith.constant 112 : index
        %swap3A_971 = tpu.vector_load %arg8[%swap3A_970] {strides = array<i32>} : memref<128xi32, #tpu.memory_space<vmem>>, vector<16xi32>,
        tpu.vector_store %arg8[%swap3A_970], %add3A_969 {strides = array<i32>} : memref<128xi32, #tpu.memory_space<vmem>>, vector<16xi32>,
        %swap3A_972 = arith.constant 16 : index
        %swap3A_973 = tpu.vector_load %arg10[%swap3A_972] {strides = array<i32>} : memref<32xf32, #tpu.memory_space<vmem>>, vector<16xf32>,
        tpu.vector_store %arg10[%swap3A_972], %sub3A_939 {strides = array<i32>} : memref<32xf32, #tpu.memory_space<vmem>>, vector<16xf32>,
        %swap3A_974 = arith.constant 16 : index
        %swap3A_975 = tpu.vector_load %arg11[%swap3A_974] {strides = array<i32>} : memref<32xf32, #tpu.memory_space<vmem>>, vector<16xf32>,
        tpu.vector_store %arg11[%swap3A_974], %sub3A_937 {strides = array<i32>} : memref<32xf32, #tpu.memory_space<vmem>>, vector<16xf32>,
        %dma_start3A_976 = arith.constant 0 : i32
        %dma_start3A_977 = arith.constant 0 : i32
        %dma_start3A_978 = tpu.memref_slice %arg2[%dma_start3A_976, %dma_start3A_977] : memref<43520x256xf32, #tpu.memory_space<hbm>> -> memref<43520x256xf32, #tpu.memory_space<hbm>>
        tpu.enqueue_indirect_dma source(%dma_start3A_978 : memref<43520x256xf32, #tpu.memory_space<hbm>>) target(%arg14 : memref<128x256xf32, #tpu.memory_space<vmem>>) offsets(%arg8 : memref<128xi32, #tpu.memory_space<vmem>>) semaphore(%arg17 : memref<!tpu.dma_semaphore, #tpu.memory_space<semaphore_mem>>)
      } else {
      }
      %scan3A_500 = arith.constant 0 : i32
      %scan3A_501 = arith.constant 0 : i32
      %scan3A_502 = arith.constant 32 : i32
      %scan3A_503 = arith.addi %scan3A_501, %scan3A_502 : i32
      %scan3A_504 = arith.constant 1 : i32
      scf.for %scan3A_511 = %scan3A_501 to %scan3A_503 step %scan3A_504  : i32 {
        %broadcast_in_dim3A_512 = vector.broadcast %scan3A_511 : i32 to vector<16xi32>
        %gather3A_513 = tpu.vector_load_idx %arg12[%broadcast_in_dim3A_512] : memref<32xf32, #tpu.memory_space<vmem>>[vector<16xi32>], vector<16xf32>,
        %gather3A_514 = tpu.vector_load_idx %arg13[%broadcast_in_dim3A_512] : memref<32xf32, #tpu.memory_space<vmem>>[vector<16xi32>], vector<16xf32>,
        %get3A_515 = arith.index_cast %scan3A_511 : i32 to index
        %get3A_516 = arith.constant 0 : index
        %get3A_517 = tpu.vector_load %arg15[%get3A_515, %get3A_516] {strides = array<i32>} : memref<128x256xf32, #tpu.memory_space<vmem>>, vector<16xf32>,
        %add3A_518 = arith.constant 32 : i32
        %add3A_519 = arith.addi %scan3A_511, %add3A_518 : i32
        %get3A_520 = arith.index_cast %add3A_519 : i32 to index
        %get3A_521 = arith.constant 0 : index
        %get3A_522 = tpu.vector_load %arg15[%get3A_520, %get3A_521] {strides = array<i32>} : memref<128x256xf32, #tpu.memory_space<vmem>>, vector<16xf32>,
        %add3A_523 = arith.constant 64 : i32
        %add3A_524 = arith.addi %scan3A_511, %add3A_523 : i32
        %get3A_525 = arith.index_cast %add3A_524 : i32 to index
        %get3A_526 = arith.constant 0 : index
        %get3A_527 = tpu.vector_load %arg15[%get3A_525, %get3A_526] {strides = array<i32>} : memref<128x256xf32, #tpu.memory_space<vmem>>, vector<16xf32>,
        %add3A_528 = arith.constant 96 : i32
        %add3A_529 = arith.addi %scan3A_511, %add3A_528 : i32
        %get3A_530 = arith.index_cast %add3A_529 : i32 to index
        %get3A_531 = arith.constant 0 : index
        %get3A_532 = tpu.vector_load %arg15[%get3A_530, %get3A_531] {strides = array<i32>} : memref<128x256xf32, #tpu.memory_space<vmem>>, vector<16xf32>,
        %sub3A_533 = arith.subf %get3A_522, %get3A_517 : vector<16xf32>
        %mul3A_534 = arith.mulf %gather3A_513, %sub3A_533 : vector<16xf32>
        %add3A_535 = arith.addf %get3A_517, %mul3A_534 : vector<16xf32>
        %sub3A_536 = arith.subf %get3A_532, %get3A_527 : vector<16xf32>
        %mul3A_537 = arith.mulf %gather3A_513, %sub3A_536 : vector<16xf32>
        %add3A_538 = arith.addf %get3A_527, %mul3A_537 : vector<16xf32>
        %sub3A_539 = arith.subf %add3A_538, %add3A_535 : vector<16xf32>
        %mul3A_540 = arith.mulf %gather3A_514, %sub3A_539 : vector<16xf32>
        %add3A_541 = arith.addf %add3A_535, %mul3A_540 : vector<16xf32>
        %swap3A_542 = arith.index_cast %scan3A_511 : i32 to index
        %swap3A_543 = arith.constant 0 : index
        %swap3A_544 = tpu.vector_load %arg16[%swap3A_542, %swap3A_543] {strides = array<i32>} : memref<32x256xf32, #tpu.memory_space<vmem>>, vector<16xf32>,
        tpu.vector_store %arg16[%swap3A_542, %swap3A_543], %add3A_541 {strides = array<i32>} : memref<32x256xf32, #tpu.memory_space<vmem>>, vector<16xf32>,
        %get3A_545 = arith.index_cast %scan3A_511 : i32 to index
        %get3A_546 = arith.constant 16 : index
        %get3A_547 = tpu.vector_load %arg15[%get3A_545, %get3A_546] {strides = array<i32>} : memref<128x256xf32, #tpu.memory_space<vmem>>, vector<16xf32>,
        %add3A_548 = arith.constant 32 : i32
        %add3A_549 = arith.addi %scan3A_511, %add3A_548 : i32
        %get3A_550 = arith.index_cast %add3A_549 : i32 to index
        %get3A_551 = arith.constant 16 : index
        %get3A_552 = tpu.vector_load %arg15[%get3A_550, %get3A_551] {strides = array<i32>} : memref<128x256xf32, #tpu.memory_space<vmem>>, vector<16xf32>,
        %add3A_553 = arith.constant 64 : i32
        %add3A_554 = arith.addi %scan3A_511, %add3A_553 : i32
        %get3A_555 = arith.index_cast %add3A_554 : i32 to index
        %get3A_556 = arith.constant 16 : index
        %get3A_557 = tpu.vector_load %arg15[%get3A_555, %get3A_556] {strides = array<i32>} : memref<128x256xf32, #tpu.memory_space<vmem>>, vector<16xf32>,
        %add3A_558 = arith.constant 96 : i32
        %add3A_559 = arith.addi %scan3A_511, %add3A_558 : i32
        %get3A_560 = arith.index_cast %add3A_559 : i32 to index
        %get3A_561 = arith.constant 16 : index
        %get3A_562 = tpu.vector_load %arg15[%get3A_560, %get3A_561] {strides = array<i32>} : memref<128x256xf32, #tpu.memory_space<vmem>>, vector<16xf32>,
        %sub3A_563 = arith.subf %get3A_552, %get3A_547 : vector<16xf32>
        %mul3A_564 = arith.mulf %gather3A_513, %sub3A_563 : vector<16xf32>
        %add3A_565 = arith.addf %get3A_547, %mul3A_564 : vector<16xf32>
        %sub3A_566 = arith.subf %get3A_562, %get3A_557 : vector<16xf32>
        %mul3A_567 = arith.mulf %gather3A_513, %sub3A_566 : vector<16xf32>
        %add3A_568 = arith.addf %get3A_557, %mul3A_567 : vector<16xf32>
        %sub3A_569 = arith.subf %add3A_568, %add3A_565 : vector<16xf32>
        %mul3A_570 = arith.mulf %gather3A_514, %sub3A_569 : vector<16xf32>
        %add3A_571 = arith.addf %add3A_565, %mul3A_570 : vector<16xf32>
        %swap3A_572 = arith.index_cast %scan3A_511 : i32 to index
        %swap3A_573 = arith.constant 16 : index
        %swap3A_574 = tpu.vector_load %arg16[%swap3A_572, %swap3A_573] {strides = array<i32>} : memref<32x256xf32, #tpu.memory_space<vmem>>, vector<16xf32>,
        tpu.vector_store %arg16[%swap3A_572, %swap3A_573], %add3A_571 {strides = array<i32>} : memref<32x256xf32, #tpu.memory_space<vmem>>, vector<16xf32>,
        %get3A_575 = arith.index_cast %scan3A_511 : i32 to index
        %get3A_576 = arith.constant 32 : index
        %get3A_577 = tpu.vector_load %arg15[%get3A_575, %get3A_576] {strides = array<i32>} : memref<128x256xf32, #tpu.memory_space<vmem>>, vector<16xf32>,
        %add3A_578 = arith.constant 32 : i32
        %add3A_579 = arith.addi %scan3A_511, %add3A_578 : i32
        %get3A_580 = arith.index_cast %add3A_579 : i32 to index
        %get3A_581 = arith.constant 32 : index
        %get3A_582 = tpu.vector_load %arg15[%get3A_580, %get3A_581] {strides = array<i32>} : memref<128x256xf32, #tpu.memory_space<vmem>>, vector<16xf32>,
        %add3A_583 = arith.constant 64 : i32
        %add3A_584 = arith.addi %scan3A_511, %add3A_583 : i32
        %get3A_585 = arith.index_cast %add3A_584 : i32 to index
        %get3A_586 = arith.constant 32 : index
        %get3A_587 = tpu.vector_load %arg15[%get3A_585, %get3A_586] {strides = array<i32>} : memref<128x256xf32, #tpu.memory_space<vmem>>, vector<16xf32>,
        %add3A_588 = arith.constant 96 : i32
        %add3A_589 = arith.addi %scan3A_511, %add3A_588 : i32
        %get3A_590 = arith.index_cast %add3A_589 : i32 to index
        %get3A_591 = arith.constant 32 : index
        %get3A_592 = tpu.vector_load %arg15[%get3A_590, %get3A_591] {strides = array<i32>} : memref<128x256xf32, #tpu.memory_space<vmem>>, vector<16xf32>,
        %sub3A_593 = arith.subf %get3A_582, %get3A_577 : vector<16xf32>
        %mul3A_594 = arith.mulf %gather3A_513, %sub3A_593 : vector<16xf32>
        %add3A_595 = arith.addf %get3A_577, %mul3A_594 : vector<16xf32>
        %sub3A_596 = arith.subf %get3A_592, %get3A_587 : vector<16xf32>
        %mul3A_597 = arith.mulf %gather3A_513, %sub3A_596 : vector<16xf32>
        %add3A_598 = arith.addf %get3A_587, %mul3A_597 : vector<16xf32>
        %sub3A_599 = arith.subf %add3A_598, %add3A_595 : vector<16xf32>
        %mul3A_600 = arith.mulf %gather3A_514, %sub3A_599 : vector<16xf32>
        %add3A_601 = arith.addf %add3A_595, %mul3A_600 : vector<16xf32>
        %swap3A_602 = arith.index_cast %scan3A_511 : i32 to index
        %swap3A_603 = arith.constant 32 : index
        %swap3A_604 = tpu.vector_load %arg16[%swap3A_602, %swap3A_603] {strides = array<i32>} : memref<32x256xf32, #tpu.memory_space<vmem>>, vector<16xf32>,
        tpu.vector_store %arg16[%swap3A_602, %swap3A_603], %add3A_601 {strides = array<i32>} : memref<32x256xf32, #tpu.memory_space<vmem>>, vector<16xf32>,
        %get3A_605 = arith.index_cast %scan3A_511 : i32 to index
        %get3A_606 = arith.constant 48 : index
        %get3A_607 = tpu.vector_load %arg15[%get3A_605, %get3A_606] {strides = array<i32>} : memref<128x256xf32, #tpu.memory_space<vmem>>, vector<16xf32>,
        %add3A_608 = arith.constant 32 : i32
        %add3A_609 = arith.addi %scan3A_511, %add3A_608 : i32
        %get3A_610 = arith.index_cast %add3A_609 : i32 to index
        %get3A_611 = arith.constant 48 : index
        %get3A_612 = tpu.vector_load %arg15[%get3A_610, %get3A_611] {strides = array<i32>} : memref<128x256xf32, #tpu.memory_space<vmem>>, vector<16xf32>,
        %add3A_613 = arith.constant 64 : i32
        %add3A_614 = arith.addi %scan3A_511, %add3A_613 : i32
        %get3A_615 = arith.index_cast %add3A_614 : i32 to index
        %get3A_616 = arith.constant 48 : index
        %get3A_617 = tpu.vector_load %arg15[%get3A_615, %get3A_616] {strides = array<i32>} : memref<128x256xf32, #tpu.memory_space<vmem>>, vector<16xf32>,
        %add3A_618 = arith.constant 96 : i32
        %add3A_619 = arith.addi %scan3A_511, %add3A_618 : i32
        %get3A_620 = arith.index_cast %add3A_619 : i32 to index
        %get3A_621 = arith.constant 48 : index
        %get3A_622 = tpu.vector_load %arg15[%get3A_620, %get3A_621] {strides = array<i32>} : memref<128x256xf32, #tpu.memory_space<vmem>>, vector<16xf32>,
        %sub3A_623 = arith.subf %get3A_612, %get3A_607 : vector<16xf32>
        %mul3A_624 = arith.mulf %gather3A_513, %sub3A_623 : vector<16xf32>
        %add3A_625 = arith.addf %get3A_607, %mul3A_624 : vector<16xf32>
        %sub3A_626 = arith.subf %get3A_622, %get3A_617 : vector<16xf32>
        %mul3A_627 = arith.mulf %gather3A_513, %sub3A_626 : vector<16xf32>
        %add3A_628 = arith.addf %get3A_617, %mul3A_627 : vector<16xf32>
        %sub3A_629 = arith.subf %add3A_628, %add3A_625 : vector<16xf32>
        %mul3A_630 = arith.mulf %gather3A_514, %sub3A_629 : vector<16xf32>
        %add3A_631 = arith.addf %add3A_625, %mul3A_630 : vector<16xf32>
        %swap3A_632 = arith.index_cast %scan3A_511 : i32 to index
        %swap3A_633 = arith.constant 48 : index
        %swap3A_634 = tpu.vector_load %arg16[%swap3A_632, %swap3A_633] {strides = array<i32>} : memref<32x256xf32, #tpu.memory_space<vmem>>, vector<16xf32>,
        tpu.vector_store %arg16[%swap3A_632, %swap3A_633], %add3A_631 {strides = array<i32>} : memref<32x256xf32, #tpu.memory_space<vmem>>, vector<16xf32>,
        %get3A_635 = arith.index_cast %scan3A_511 : i32 to index
        %get3A_636 = arith.constant 64 : index
        %get3A_637 = tpu.vector_load %arg15[%get3A_635, %get3A_636] {strides = array<i32>} : memref<128x256xf32, #tpu.memory_space<vmem>>, vector<16xf32>,
        %add3A_638 = arith.constant 32 : i32
        %add3A_639 = arith.addi %scan3A_511, %add3A_638 : i32
        %get3A_640 = arith.index_cast %add3A_639 : i32 to index
        %get3A_641 = arith.constant 64 : index
        %get3A_642 = tpu.vector_load %arg15[%get3A_640, %get3A_641] {strides = array<i32>} : memref<128x256xf32, #tpu.memory_space<vmem>>, vector<16xf32>,
        %add3A_643 = arith.constant 64 : i32
        %add3A_644 = arith.addi %scan3A_511, %add3A_643 : i32
        %get3A_645 = arith.index_cast %add3A_644 : i32 to index
        %get3A_646 = arith.constant 64 : index
        %get3A_647 = tpu.vector_load %arg15[%get3A_645, %get3A_646] {strides = array<i32>} : memref<128x256xf32, #tpu.memory_space<vmem>>, vector<16xf32>,
        %add3A_648 = arith.constant 96 : i32
        %add3A_649 = arith.addi %scan3A_511, %add3A_648 : i32
        %get3A_650 = arith.index_cast %add3A_649 : i32 to index
        %get3A_651 = arith.constant 64 : index
        %get3A_652 = tpu.vector_load %arg15[%get3A_650, %get3A_651] {strides = array<i32>} : memref<128x256xf32, #tpu.memory_space<vmem>>, vector<16xf32>,
        %sub3A_653 = arith.subf %get3A_642, %get3A_637 : vector<16xf32>
        %mul3A_654 = arith.mulf %gather3A_513, %sub3A_653 : vector<16xf32>
        %add3A_655 = arith.addf %get3A_637, %mul3A_654 : vector<16xf32>
        %sub3A_656 = arith.subf %get3A_652, %get3A_647 : vector<16xf32>
        %mul3A_657 = arith.mulf %gather3A_513, %sub3A_656 : vector<16xf32>
        %add3A_658 = arith.addf %get3A_647, %mul3A_657 : vector<16xf32>
        %sub3A_659 = arith.subf %add3A_658, %add3A_655 : vector<16xf32>
        %mul3A_660 = arith.mulf %gather3A_514, %sub3A_659 : vector<16xf32>
        %add3A_661 = arith.addf %add3A_655, %mul3A_660 : vector<16xf32>
        %swap3A_662 = arith.index_cast %scan3A_511 : i32 to index
        %swap3A_663 = arith.constant 64 : index
        %swap3A_664 = tpu.vector_load %arg16[%swap3A_662, %swap3A_663] {strides = array<i32>} : memref<32x256xf32, #tpu.memory_space<vmem>>, vector<16xf32>,
        tpu.vector_store %arg16[%swap3A_662, %swap3A_663], %add3A_661 {strides = array<i32>} : memref<32x256xf32, #tpu.memory_space<vmem>>, vector<16xf32>,
        %get3A_665 = arith.index_cast %scan3A_511 : i32 to index
        %get3A_666 = arith.constant 80 : index
        %get3A_667 = tpu.vector_load %arg15[%get3A_665, %get3A_666] {strides = array<i32>} : memref<128x256xf32, #tpu.memory_space<vmem>>, vector<16xf32>,
        %add3A_668 = arith.constant 32 : i32
        %add3A_669 = arith.addi %scan3A_511, %add3A_668 : i32
        %get3A_670 = arith.index_cast %add3A_669 : i32 to index
        %get3A_671 = arith.constant 80 : index
        %get3A_672 = tpu.vector_load %arg15[%get3A_670, %get3A_671] {strides = array<i32>} : memref<128x256xf32, #tpu.memory_space<vmem>>, vector<16xf32>,
        %add3A_673 = arith.constant 64 : i32
        %add3A_674 = arith.addi %scan3A_511, %add3A_673 : i32
        %get3A_675 = arith.index_cast %add3A_674 : i32 to index
        %get3A_676 = arith.constant 80 : index
        %get3A_677 = tpu.vector_load %arg15[%get3A_675, %get3A_676] {strides = array<i32>} : memref<128x256xf32, #tpu.memory_space<vmem>>, vector<16xf32>,
        %add3A_678 = arith.constant 96 : i32
        %add3A_679 = arith.addi %scan3A_511, %add3A_678 : i32
        %get3A_680 = arith.index_cast %add3A_679 : i32 to index
        %get3A_681 = arith.constant 80 : index
        %get3A_682 = tpu.vector_load %arg15[%get3A_680, %get3A_681] {strides = array<i32>} : memref<128x256xf32, #tpu.memory_space<vmem>>, vector<16xf32>,
        %sub3A_683 = arith.subf %get3A_672, %get3A_667 : vector<16xf32>
        %mul3A_684 = arith.mulf %gather3A_513, %sub3A_683 : vector<16xf32>
        %add3A_685 = arith.addf %get3A_667, %mul3A_684 : vector<16xf32>
        %sub3A_686 = arith.subf %get3A_682, %get3A_677 : vector<16xf32>
        %mul3A_687 = arith.mulf %gather3A_513, %sub3A_686 : vector<16xf32>
        %add3A_688 = arith.addf %get3A_677, %mul3A_687 : vector<16xf32>
        %sub3A_689 = arith.subf %add3A_688, %add3A_685 : vector<16xf32>
        %mul3A_690 = arith.mulf %gather3A_514, %sub3A_689 : vector<16xf32>
        %add3A_691 = arith.addf %add3A_685, %mul3A_690 : vector<16xf32>
        %swap3A_692 = arith.index_cast %scan3A_511 : i32 to index
        %swap3A_693 = arith.constant 80 : index
        %swap3A_694 = tpu.vector_load %arg16[%swap3A_692, %swap3A_693] {strides = array<i32>} : memref<32x256xf32, #tpu.memory_space<vmem>>, vector<16xf32>,
        tpu.vector_store %arg16[%swap3A_692, %swap3A_693], %add3A_691 {strides = array<i32>} : memref<32x256xf32, #tpu.memory_space<vmem>>, vector<16xf32>,
        %get3A_695 = arith.index_cast %scan3A_511 : i32 to index
        %get3A_696 = arith.constant 96 : index
        %get3A_697 = tpu.vector_load %arg15[%get3A_695, %get3A_696] {strides = array<i32>} : memref<128x256xf32, #tpu.memory_space<vmem>>, vector<16xf32>,
        %add3A_698 = arith.constant 32 : i32
        %add3A_699 = arith.addi %scan3A_511, %add3A_698 : i32
        %get3A_700 = arith.index_cast %add3A_699 : i32 to index
        %get3A_701 = arith.constant 96 : index
        %get3A_702 = tpu.vector_load %arg15[%get3A_700, %get3A_701] {strides = array<i32>} : memref<128x256xf32, #tpu.memory_space<vmem>>, vector<16xf32>,
        %add3A_703 = arith.constant 64 : i32
        %add3A_704 = arith.addi %scan3A_511, %add3A_703 : i32
        %get3A_705 = arith.index_cast %add3A_704 : i32 to index
        %get3A_706 = arith.constant 96 : index
        %get3A_707 = tpu.vector_load %arg15[%get3A_705, %get3A_706] {strides = array<i32>} : memref<128x256xf32, #tpu.memory_space<vmem>>, vector<16xf32>,
        %add3A_708 = arith.constant 96 : i32
        %add3A_709 = arith.addi %scan3A_511, %add3A_708 : i32
        %get3A_710 = arith.index_cast %add3A_709 : i32 to index
        %get3A_711 = arith.constant 96 : index
        %get3A_712 = tpu.vector_load %arg15[%get3A_710, %get3A_711] {strides = array<i32>} : memref<128x256xf32, #tpu.memory_space<vmem>>, vector<16xf32>,
        %sub3A_713 = arith.subf %get3A_702, %get3A_697 : vector<16xf32>
        %mul3A_714 = arith.mulf %gather3A_513, %sub3A_713 : vector<16xf32>
        %add3A_715 = arith.addf %get3A_697, %mul3A_714 : vector<16xf32>
        %sub3A_716 = arith.subf %get3A_712, %get3A_707 : vector<16xf32>
        %mul3A_717 = arith.mulf %gather3A_513, %sub3A_716 : vector<16xf32>
        %add3A_718 = arith.addf %get3A_707, %mul3A_717 : vector<16xf32>
        %sub3A_719 = arith.subf %add3A_718, %add3A_715 : vector<16xf32>
        %mul3A_720 = arith.mulf %gather3A_514, %sub3A_719 : vector<16xf32>
        %add3A_721 = arith.addf %add3A_715, %mul3A_720 : vector<16xf32>
        %swap3A_722 = arith.index_cast %scan3A_511 : i32 to index
        %swap3A_723 = arith.constant 96 : index
        %swap3A_724 = tpu.vector_load %arg16[%swap3A_722, %swap3A_723] {strides = array<i32>} : memref<32x256xf32, #tpu.memory_space<vmem>>, vector<16xf32>,
        tpu.vector_store %arg16[%swap3A_722, %swap3A_723], %add3A_721 {strides = array<i32>} : memref<32x256xf32, #tpu.memory_space<vmem>>, vector<16xf32>,
        %get3A_725 = arith.index_cast %scan3A_511 : i32 to index
        %get3A_726 = arith.constant 112 : index
        %get3A_727 = tpu.vector_load %arg15[%get3A_725, %get3A_726] {strides = array<i32>} : memref<128x256xf32, #tpu.memory_space<vmem>>, vector<16xf32>,
        %add3A_728 = arith.constant 32 : i32
        %add3A_729 = arith.addi %scan3A_511, %add3A_728 : i32
        %get3A_730 = arith.index_cast %add3A_729 : i32 to index
        %get3A_731 = arith.constant 112 : index
        %get3A_732 = tpu.vector_load %arg15[%get3A_730, %get3A_731] {strides = array<i32>} : memref<128x256xf32, #tpu.memory_space<vmem>>, vector<16xf32>,
        %add3A_733 = arith.constant 64 : i32
        %add3A_734 = arith.addi %scan3A_511, %add3A_733 : i32
        %get3A_735 = arith.index_cast %add3A_734 : i32 to index
        %get3A_736 = arith.constant 112 : index
        %get3A_737 = tpu.vector_load %arg15[%get3A_735, %get3A_736] {strides = array<i32>} : memref<128x256xf32, #tpu.memory_space<vmem>>, vector<16xf32>,
        %add3A_738 = arith.constant 96 : i32
        %add3A_739 = arith.addi %scan3A_511, %add3A_738 : i32
        %get3A_740 = arith.index_cast %add3A_739 : i32 to index
        %get3A_741 = arith.constant 112 : index
        %get3A_742 = tpu.vector_load %arg15[%get3A_740, %get3A_741] {strides = array<i32>} : memref<128x256xf32, #tpu.memory_space<vmem>>, vector<16xf32>,
        %sub3A_743 = arith.subf %get3A_732, %get3A_727 : vector<16xf32>
        %mul3A_744 = arith.mulf %gather3A_513, %sub3A_743 : vector<16xf32>
        %add3A_745 = arith.addf %get3A_727, %mul3A_744 : vector<16xf32>
        %sub3A_746 = arith.subf %get3A_742, %get3A_737 : vector<16xf32>
        %mul3A_747 = arith.mulf %gather3A_513, %sub3A_746 : vector<16xf32>
        %add3A_748 = arith.addf %get3A_737, %mul3A_747 : vector<16xf32>
        %sub3A_749 = arith.subf %add3A_748, %add3A_745 : vector<16xf32>
        %mul3A_750 = arith.mulf %gather3A_514, %sub3A_749 : vector<16xf32>
        %add3A_751 = arith.addf %add3A_745, %mul3A_750 : vector<16xf32>
        %swap3A_752 = arith.index_cast %scan3A_511 : i32 to index
        %swap3A_753 = arith.constant 112 : index
        %swap3A_754 = tpu.vector_load %arg16[%swap3A_752, %swap3A_753] {strides = array<i32>} : memref<32x256xf32, #tpu.memory_space<vmem>>, vector<16xf32>,
        tpu.vector_store %arg16[%swap3A_752, %swap3A_753], %add3A_751 {strides = array<i32>} : memref<32x256xf32, #tpu.memory_space<vmem>>, vector<16xf32>,
        %get3A_755 = arith.index_cast %scan3A_511 : i32 to index
        %get3A_756 = arith.constant 128 : index
        %get3A_757 = tpu.vector_load %arg15[%get3A_755, %get3A_756] {strides = array<i32>} : memref<128x256xf32, #tpu.memory_space<vmem>>, vector<16xf32>,
        %add3A_758 = arith.constant 32 : i32
        %add3A_759 = arith.addi %scan3A_511, %add3A_758 : i32
        %get3A_760 = arith.index_cast %add3A_759 : i32 to index
        %get3A_761 = arith.constant 128 : index
        %get3A_762 = tpu.vector_load %arg15[%get3A_760, %get3A_761] {strides = array<i32>} : memref<128x256xf32, #tpu.memory_space<vmem>>, vector<16xf32>,
        %add3A_763 = arith.constant 64 : i32
        %add3A_764 = arith.addi %scan3A_511, %add3A_763 : i32
        %get3A_765 = arith.index_cast %add3A_764 : i32 to index
        %get3A_766 = arith.constant 128 : index
        %get3A_767 = tpu.vector_load %arg15[%get3A_765, %get3A_766] {strides = array<i32>} : memref<128x256xf32, #tpu.memory_space<vmem>>, vector<16xf32>,
        %add3A_768 = arith.constant 96 : i32
        %add3A_769 = arith.addi %scan3A_511, %add3A_768 : i32
        %get3A_770 = arith.index_cast %add3A_769 : i32 to index
        %get3A_771 = arith.constant 128 : index
        %get3A_772 = tpu.vector_load %arg15[%get3A_770, %get3A_771] {strides = array<i32>} : memref<128x256xf32, #tpu.memory_space<vmem>>, vector<16xf32>,
        %sub3A_773 = arith.subf %get3A_762, %get3A_757 : vector<16xf32>
        %mul3A_774 = arith.mulf %gather3A_513, %sub3A_773 : vector<16xf32>
        %add3A_775 = arith.addf %get3A_757, %mul3A_774 : vector<16xf32>
        %sub3A_776 = arith.subf %get3A_772, %get3A_767 : vector<16xf32>
        %mul3A_777 = arith.mulf %gather3A_513, %sub3A_776 : vector<16xf32>
        %add3A_778 = arith.addf %get3A_767, %mul3A_777 : vector<16xf32>
        %sub3A_779 = arith.subf %add3A_778, %add3A_775 : vector<16xf32>
        %mul3A_780 = arith.mulf %gather3A_514, %sub3A_779 : vector<16xf32>
        %add3A_781 = arith.addf %add3A_775, %mul3A_780 : vector<16xf32>
        %swap3A_782 = arith.index_cast %scan3A_511 : i32 to index
        %swap3A_783 = arith.constant 128 : index
        %swap3A_784 = tpu.vector_load %arg16[%swap3A_782, %swap3A_783] {strides = array<i32>} : memref<32x256xf32, #tpu.memory_space<vmem>>, vector<16xf32>,
        tpu.vector_store %arg16[%swap3A_782, %swap3A_783], %add3A_781 {strides = array<i32>} : memref<32x256xf32, #tpu.memory_space<vmem>>, vector<16xf32>,
        %get3A_785 = arith.index_cast %scan3A_511 : i32 to index
        %get3A_786 = arith.constant 144 : index
        %get3A_787 = tpu.vector_load %arg15[%get3A_785, %get3A_786] {strides = array<i32>} : memref<128x256xf32, #tpu.memory_space<vmem>>, vector<16xf32>,
        %add3A_788 = arith.constant 32 : i32
        %add3A_789 = arith.addi %scan3A_511, %add3A_788 : i32
        %get3A_790 = arith.index_cast %add3A_789 : i32 to index
        %get3A_791 = arith.constant 144 : index
        %get3A_792 = tpu.vector_load %arg15[%get3A_790, %get3A_791] {strides = array<i32>} : memref<128x256xf32, #tpu.memory_space<vmem>>, vector<16xf32>,
        %add3A_793 = arith.constant 64 : i32
        %add3A_794 = arith.addi %scan3A_511, %add3A_793 : i32
        %get3A_795 = arith.index_cast %add3A_794 : i32 to index
        %get3A_796 = arith.constant 144 : index
        %get3A_797 = tpu.vector_load %arg15[%get3A_795, %get3A_796] {strides = array<i32>} : memref<128x256xf32, #tpu.memory_space<vmem>>, vector<16xf32>,
        %add3A_798 = arith.constant 96 : i32
        %add3A_799 = arith.addi %scan3A_511, %add3A_798 : i32
        %get3A_800 = arith.index_cast %add3A_799 : i32 to index
        %get3A_801 = arith.constant 144 : index
        %get3A_802 = tpu.vector_load %arg15[%get3A_800, %get3A_801] {strides = array<i32>} : memref<128x256xf32, #tpu.memory_space<vmem>>, vector<16xf32>,
        %sub3A_803 = arith.subf %get3A_792, %get3A_787 : vector<16xf32>
        %mul3A_804 = arith.mulf %gather3A_513, %sub3A_803 : vector<16xf32>
        %add3A_805 = arith.addf %get3A_787, %mul3A_804 : vector<16xf32>
        %sub3A_806 = arith.subf %get3A_802, %get3A_797 : vector<16xf32>
        %mul3A_807 = arith.mulf %gather3A_513, %sub3A_806 : vector<16xf32>
        %add3A_808 = arith.addf %get3A_797, %mul3A_807 : vector<16xf32>
        %sub3A_809 = arith.subf %add3A_808, %add3A_805 : vector<16xf32>
        %mul3A_810 = arith.mulf %gather3A_514, %sub3A_809 : vector<16xf32>
        %add3A_811 = arith.addf %add3A_805, %mul3A_810 : vector<16xf32>
        %swap3A_812 = arith.index_cast %scan3A_511 : i32 to index
        %swap3A_813 = arith.constant 144 : index
        %swap3A_814 = tpu.vector_load %arg16[%swap3A_812, %swap3A_813] {strides = array<i32>} : memref<32x256xf32, #tpu.memory_space<vmem>>, vector<16xf32>,
        tpu.vector_store %arg16[%swap3A_812, %swap3A_813], %add3A_811 {strides = array<i32>} : memref<32x256xf32, #tpu.memory_space<vmem>>, vector<16xf32>,
        %get3A_815 = arith.index_cast %scan3A_511 : i32 to index
        %get3A_816 = arith.constant 160 : index
        %get3A_817 = tpu.vector_load %arg15[%get3A_815, %get3A_816] {strides = array<i32>} : memref<128x256xf32, #tpu.memory_space<vmem>>, vector<16xf32>,
        %add3A_818 = arith.constant 32 : i32
        %add3A_819 = arith.addi %scan3A_511, %add3A_818 : i32
        %get3A_820 = arith.index_cast %add3A_819 : i32 to index
        %get3A_821 = arith.constant 160 : index
        %get3A_822 = tpu.vector_load %arg15[%get3A_820, %get3A_821] {strides = array<i32>} : memref<128x256xf32, #tpu.memory_space<vmem>>, vector<16xf32>,
        %add3A_823 = arith.constant 64 : i32
        %add3A_824 = arith.addi %scan3A_511, %add3A_823 : i32
        %get3A_825 = arith.index_cast %add3A_824 : i32 to index
        %get3A_826 = arith.constant 160 : index
        %get3A_827 = tpu.vector_load %arg15[%get3A_825, %get3A_826] {strides = array<i32>} : memref<128x256xf32, #tpu.memory_space<vmem>>, vector<16xf32>,
        %add3A_828 = arith.constant 96 : i32
        %add3A_829 = arith.addi %scan3A_511, %add3A_828 : i32
        %get3A_830 = arith.index_cast %add3A_829 : i32 to index
        %get3A_831 = arith.constant 160 : index
        %get3A_832 = tpu.vector_load %arg15[%get3A_830, %get3A_831] {strides = array<i32>} : memref<128x256xf32, #tpu.memory_space<vmem>>, vector<16xf32>,
        %sub3A_833 = arith.subf %get3A_822, %get3A_817 : vector<16xf32>
        %mul3A_834 = arith.mulf %gather3A_513, %sub3A_833 : vector<16xf32>
        %add3A_835 = arith.addf %get3A_817, %mul3A_834 : vector<16xf32>
        %sub3A_836 = arith.subf %get3A_832, %get3A_827 : vector<16xf32>
        %mul3A_837 = arith.mulf %gather3A_513, %sub3A_836 : vector<16xf32>
        %add3A_838 = arith.addf %get3A_827, %mul3A_837 : vector<16xf32>
        %sub3A_839 = arith.subf %add3A_838, %add3A_835 : vector<16xf32>
        %mul3A_840 = arith.mulf %gather3A_514, %sub3A_839 : vector<16xf32>
        %add3A_841 = arith.addf %add3A_835, %mul3A_840 : vector<16xf32>
        %swap3A_842 = arith.index_cast %scan3A_511 : i32 to index
        %swap3A_843 = arith.constant 160 : index
        %swap3A_844 = tpu.vector_load %arg16[%swap3A_842, %swap3A_843] {strides = array<i32>} : memref<32x256xf32, #tpu.memory_space<vmem>>, vector<16xf32>,
        tpu.vector_store %arg16[%swap3A_842, %swap3A_843], %add3A_841 {strides = array<i32>} : memref<32x256xf32, #tpu.memory_space<vmem>>, vector<16xf32>,
        %get3A_845 = arith.index_cast %scan3A_511 : i32 to index
        %get3A_846 = arith.constant 176 : index
        %get3A_847 = tpu.vector_load %arg15[%get3A_845, %get3A_846] {strides = array<i32>} : memref<128x256xf32, #tpu.memory_space<vmem>>, vector<16xf32>,
        %add3A_848 = arith.constant 32 : i32
        %add3A_849 = arith.addi %scan3A_511, %add3A_848 : i32
        %get3A_850 = arith.index_cast %add3A_849 : i32 to index
        %get3A_851 = arith.constant 176 : index
        %get3A_852 = tpu.vector_load %arg15[%get3A_850, %get3A_851] {strides = array<i32>} : memref<128x256xf32, #tpu.memory_space<vmem>>, vector<16xf32>,
        %add3A_853 = arith.constant 64 : i32
        %add3A_854 = arith.addi %scan3A_511, %add3A_853 : i32
        %get3A_855 = arith.index_cast %add3A_854 : i32 to index
        %get3A_856 = arith.constant 176 : index
        %get3A_857 = tpu.vector_load %arg15[%get3A_855, %get3A_856] {strides = array<i32>} : memref<128x256xf32, #tpu.memory_space<vmem>>, vector<16xf32>,
        %add3A_858 = arith.constant 96 : i32
        %add3A_859 = arith.addi %scan3A_511, %add3A_858 : i32
        %get3A_860 = arith.index_cast %add3A_859 : i32 to index
        %get3A_861 = arith.constant 176 : index
        %get3A_862 = tpu.vector_load %arg15[%get3A_860, %get3A_861] {strides = array<i32>} : memref<128x256xf32, #tpu.memory_space<vmem>>, vector<16xf32>,
        %sub3A_863 = arith.subf %get3A_852, %get3A_847 : vector<16xf32>
        %mul3A_864 = arith.mulf %gather3A_513, %sub3A_863 : vector<16xf32>
        %add3A_865 = arith.addf %get3A_847, %mul3A_864 : vector<16xf32>
        %sub3A_866 = arith.subf %get3A_862, %get3A_857 : vector<16xf32>
        %mul3A_867 = arith.mulf %gather3A_513, %sub3A_866 : vector<16xf32>
        %add3A_868 = arith.addf %get3A_857, %mul3A_867 : vector<16xf32>
        %sub3A_869 = arith.subf %add3A_868, %add3A_865 : vector<16xf32>
        %mul3A_870 = arith.mulf %gather3A_514, %sub3A_869 : vector<16xf32>
        %add3A_871 = arith.addf %add3A_865, %mul3A_870 : vector<16xf32>
        %swap3A_872 = arith.index_cast %scan3A_511 : i32 to index
        %swap3A_873 = arith.constant 176 : index
        %swap3A_874 = tpu.vector_load %arg16[%swap3A_872, %swap3A_873] {strides = array<i32>} : memref<32x256xf32, #tpu.memory_space<vmem>>, vector<16xf32>,
        tpu.vector_store %arg16[%swap3A_872, %swap3A_873], %add3A_871 {strides = array<i32>} : memref<32x256xf32, #tpu.memory_space<vmem>>, vector<16xf32>,
        %get3A_875 = arith.index_cast %scan3A_511 : i32 to index
        %get3A_876 = arith.constant 192 : index
        %get3A_877 = tpu.vector_load %arg15[%get3A_875, %get3A_876] {strides = array<i32>} : memref<128x256xf32, #tpu.memory_space<vmem>>, vector<16xf32>,
        %add3A_878 = arith.constant 32 : i32
        %add3A_879 = arith.addi %scan3A_511, %add3A_878 : i32
        %get3A_880 = arith.index_cast %add3A_879 : i32 to index
        %get3A_881 = arith.constant 192 : index
        %get3A_882 = tpu.vector_load %arg15[%get3A_880, %get3A_881] {strides = array<i32>} : memref<128x256xf32, #tpu.memory_space<vmem>>, vector<16xf32>,
        %add3A_883 = arith.constant 64 : i32
        %add3A_884 = arith.addi %scan3A_511, %add3A_883 : i32
        %get3A_885 = arith.index_cast %add3A_884 : i32 to index
        %get3A_886 = arith.constant 192 : index
        %get3A_887 = tpu.vector_load %arg15[%get3A_885, %get3A_886] {strides = array<i32>} : memref<128x256xf32, #tpu.memory_space<vmem>>, vector<16xf32>,
        %add3A_888 = arith.constant 96 : i32
        %add3A_889 = arith.addi %scan3A_511, %add3A_888 : i32
        %get3A_890 = arith.index_cast %add3A_889 : i32 to index
        %get3A_891 = arith.constant 192 : index
        %get3A_892 = tpu.vector_load %arg15[%get3A_890, %get3A_891] {strides = array<i32>} : memref<128x256xf32, #tpu.memory_space<vmem>>, vector<16xf32>,
        %sub3A_893 = arith.subf %get3A_882, %get3A_877 : vector<16xf32>
        %mul3A_894 = arith.mulf %gather3A_513, %sub3A_893 : vector<16xf32>
        %add3A_895 = arith.addf %get3A_877, %mul3A_894 : vector<16xf32>
        %sub3A_896 = arith.subf %get3A_892, %get3A_887 : vector<16xf32>
        %mul3A_897 = arith.mulf %gather3A_513, %sub3A_896 : vector<16xf32>
        %add3A_898 = arith.addf %get3A_887, %mul3A_897 : vector<16xf32>
        %sub3A_899 = arith.subf %add3A_898, %add3A_895 : vector<16xf32>
        %mul3A_900 = arith.mulf %gather3A_514, %sub3A_899 : vector<16xf32>
        %add3A_901 = arith.addf %add3A_895, %mul3A_900 : vector<16xf32>
        %swap3A_902 = arith.index_cast %scan3A_511 : i32 to index
        %swap3A_903 = arith.constant 192 : index
        %swap3A_904 = tpu.vector_load %arg16[%swap3A_902, %swap3A_903] {strides = array<i32>} : memref<32x256xf32, #tpu.memory_space<vmem>>, vector<16xf32>,
        tpu.vector_store %arg16[%swap3A_902, %swap3A_903], %add3A_901 {strides = array<i32>} : memref<32x256xf32, #tpu.memory_space<vmem>>, vector<16xf32>,
        %get3A_905 = arith.index_cast %scan3A_511 : i32 to index
        %get3A_906 = arith.constant 208 : index
        %get3A_907 = tpu.vector_load %arg15[%get3A_905, %get3A_906] {strides = array<i32>} : memref<128x256xf32, #tpu.memory_space<vmem>>, vector<16xf32>,
        %add3A_908 = arith.constant 32 : i32
        %add3A_909 = arith.addi %scan3A_511, %add3A_908 : i32
        %get3A_910 = arith.index_cast %add3A_909 : i32 to index
        %get3A_911 = arith.constant 208 : index
        %get3A_912 = tpu.vector_load %arg15[%get3A_910, %get3A_911] {strides = array<i32>} : memref<128x256xf32, #tpu.memory_space<vmem>>, vector<16xf32>,
        %add3A_913 = arith.constant 64 : i32
        %add3A_914 = arith.addi %scan3A_511, %add3A_913 : i32
        %get3A_915 = arith.index_cast %add3A_914 : i32 to index
        %get3A_916 = arith.constant 208 : index
        %get3A_917 = tpu.vector_load %arg15[%get3A_915, %get3A_916] {strides = array<i32>} : memref<128x256xf32, #tpu.memory_space<vmem>>, vector<16xf32>,
        %add3A_918 = arith.constant 96 : i32
        %add3A_919 = arith.addi %scan3A_511, %add3A_918 : i32
        %get3A_920 = arith.index_cast %add3A_919 : i32 to index
        %get3A_921 = arith.constant 208 : index
        %get3A_922 = tpu.vector_load %arg15[%get3A_920, %get3A_921] {strides = array<i32>} : memref<128x256xf32, #tpu.memory_space<vmem>>, vector<16xf32>,
        %sub3A_923 = arith.subf %get3A_912, %get3A_907 : vector<16xf32>
        %mul3A_924 = arith.mulf %gather3A_513, %sub3A_923 : vector<16xf32>
        %add3A_925 = arith.addf %get3A_907, %mul3A_924 : vector<16xf32>
        %sub3A_926 = arith.subf %get3A_922, %get3A_917 : vector<16xf32>
        %mul3A_927 = arith.mulf %gather3A_513, %sub3A_926 : vector<16xf32>
        %add3A_928 = arith.addf %get3A_917, %mul3A_927 : vector<16xf32>
        %sub3A_929 = arith.subf %add3A_928, %add3A_925 : vector<16xf32>
        %mul3A_930 = arith.mulf %gather3A_514, %sub3A_929 : vector<16xf32>
        %add3A_931 = arith.addf %add3A_925, %mul3A_930 : vector<16xf32>
        %swap3A_932 = arith.index_cast %scan3A_511 : i32 to index
        %swap3A_933 = arith.constant 208 : index
        %swap3A_934 = tpu.vector_load %arg16[%swap3A_932, %swap3A_933] {strides = array<i32>} : memref<32x256xf32, #tpu.memory_space<vmem>>, vector<16xf32>,
        tpu.vector_store %arg16[%swap3A_932, %swap3A_933], %add3A_931 {strides = array<i32>} : memref<32x256xf32, #tpu.memory_space<vmem>>, vector<16xf32>,
        %get3A_935 = arith.index_cast %scan3A_511 : i32 to index
        %get3A_936 = arith.constant 224 : index
        %get3A_937 = tpu.vector_load %arg15[%get3A_935, %get3A_936] {strides = array<i32>} : memref<128x256xf32, #tpu.memory_space<vmem>>, vector<16xf32>,
        %add3A_938 = arith.constant 32 : i32
        %add3A_939 = arith.addi %scan3A_511, %add3A_938 : i32
        %get3A_940 = arith.index_cast %add3A_939 : i32 to index
        %get3A_941 = arith.constant 224 : index
        %get3A_942 = tpu.vector_load %arg15[%get3A_940, %get3A_941] {strides = array<i32>} : memref<128x256xf32, #tpu.memory_space<vmem>>, vector<16xf32>,
        %add3A_943 = arith.constant 64 : i32
        %add3A_944 = arith.addi %scan3A_511, %add3A_943 : i32
        %get3A_945 = arith.index_cast %add3A_944 : i32 to index
        %get3A_946 = arith.constant 224 : index
        %get3A_947 = tpu.vector_load %arg15[%get3A_945, %get3A_946] {strides = array<i32>} : memref<128x256xf32, #tpu.memory_space<vmem>>, vector<16xf32>,
        %add3A_948 = arith.constant 96 : i32
        %add3A_949 = arith.addi %scan3A_511, %add3A_948 : i32
        %get3A_950 = arith.index_cast %add3A_949 : i32 to index
        %get3A_951 = arith.constant 224 : index
        %get3A_952 = tpu.vector_load %arg15[%get3A_950, %get3A_951] {strides = array<i32>} : memref<128x256xf32, #tpu.memory_space<vmem>>, vector<16xf32>,
        %sub3A_953 = arith.subf %get3A_942, %get3A_937 : vector<16xf32>
        %mul3A_954 = arith.mulf %gather3A_513, %sub3A_953 : vector<16xf32>
        %add3A_955 = arith.addf %get3A_937, %mul3A_954 : vector<16xf32>
        %sub3A_956 = arith.subf %get3A_952, %get3A_947 : vector<16xf32>
        %mul3A_957 = arith.mulf %gather3A_513, %sub3A_956 : vector<16xf32>
        %add3A_958 = arith.addf %get3A_947, %mul3A_957 : vector<16xf32>
        %sub3A_959 = arith.subf %add3A_958, %add3A_955 : vector<16xf32>
        %mul3A_960 = arith.mulf %gather3A_514, %sub3A_959 : vector<16xf32>
        %add3A_961 = arith.addf %add3A_955, %mul3A_960 : vector<16xf32>
        %swap3A_962 = arith.index_cast %scan3A_511 : i32 to index
        %swap3A_963 = arith.constant 224 : index
        %swap3A_964 = tpu.vector_load %arg16[%swap3A_962, %swap3A_963] {strides = array<i32>} : memref<32x256xf32, #tpu.memory_space<vmem>>, vector<16xf32>,
        tpu.vector_store %arg16[%swap3A_962, %swap3A_963], %add3A_961 {strides = array<i32>} : memref<32x256xf32, #tpu.memory_space<vmem>>, vector<16xf32>,
        %get3A_965 = arith.index_cast %scan3A_511 : i32 to index
        %get3A_966 = arith.constant 240 : index
        %get3A_967 = tpu.vector_load %arg15[%get3A_965, %get3A_966] {strides = array<i32>} : memref<128x256xf32, #tpu.memory_space<vmem>>, vector<16xf32>,
        %add3A_968 = arith.constant 32 : i32
        %add3A_969 = arith.addi %scan3A_511, %add3A_968 : i32
        %get3A_970 = arith.index_cast %add3A_969 : i32 to index
        %get3A_971 = arith.constant 240 : index
        %get3A_972 = tpu.vector_load %arg15[%get3A_970, %get3A_971] {strides = array<i32>} : memref<128x256xf32, #tpu.memory_space<vmem>>, vector<16xf32>,
        %add3A_973 = arith.constant 64 : i32
        %add3A_974 = arith.addi %scan3A_511, %add3A_973 : i32
        %get3A_975 = arith.index_cast %add3A_974 : i32 to index
        %get3A_976 = arith.constant 240 : index
        %get3A_977 = tpu.vector_load %arg15[%get3A_975, %get3A_976] {strides = array<i32>} : memref<128x256xf32, #tpu.memory_space<vmem>>, vector<16xf32>,
        %add3A_978 = arith.constant 96 : i32
        %add3A_979 = arith.addi %scan3A_511, %add3A_978 : i32
        %get3A_980 = arith.index_cast %add3A_979 : i32 to index
        %get3A_981 = arith.constant 240 : index
        %get3A_982 = tpu.vector_load %arg15[%get3A_980, %get3A_981] {strides = array<i32>} : memref<128x256xf32, #tpu.memory_space<vmem>>, vector<16xf32>,
        %sub3A_983 = arith.subf %get3A_972, %get3A_967 : vector<16xf32>
        %mul3A_984 = arith.mulf %gather3A_513, %sub3A_983 : vector<16xf32>
        %add3A_985 = arith.addf %get3A_967, %mul3A_984 : vector<16xf32>
        %sub3A_986 = arith.subf %get3A_982, %get3A_977 : vector<16xf32>
        %mul3A_987 = arith.mulf %gather3A_513, %sub3A_986 : vector<16xf32>
        %add3A_988 = arith.addf %get3A_977, %mul3A_987 : vector<16xf32>
        %sub3A_989 = arith.subf %add3A_988, %add3A_985 : vector<16xf32>
        %mul3A_990 = arith.mulf %gather3A_514, %sub3A_989 : vector<16xf32>
        %add3A_991 = arith.addf %add3A_985, %mul3A_990 : vector<16xf32>
        %swap3A_992 = arith.index_cast %scan3A_511 : i32 to index
        %swap3A_993 = arith.constant 240 : index
        %swap3A_994 = tpu.vector_load %arg16[%swap3A_992, %swap3A_993] {strides = array<i32>} : memref<32x256xf32, #tpu.memory_space<vmem>>, vector<16xf32>,
        tpu.vector_store %arg16[%swap3A_992, %swap3A_993], %add3A_991 {strides = array<i32>} : memref<32x256xf32, #tpu.memory_space<vmem>>, vector<16xf32>,
      }
      %scan3A_505 = arith.constant 32 : i32
      %add3A_506 = arith.constant 1 : i32
      %add3A_507 = arith.addi %mul3A_24, %add3A_506 : i32
      %mul3A_508 = arith.constant 32 : i32
      %mul3A_509 = arith.muli %add3A_507, %mul3A_508 : i32
      %add3A_510 = arith.addi %mul3A_6, %mul3A_509 : i32
      "tpu.region"() ({
        %run_scoped3A = tpu.sem_alloc : memref<!tpu.dma_semaphore, #tpu.memory_space<semaphore_mem>>
        %dma_start3A_511 = arith.constant 0 : i32
        %dma_start3A_512 = tpu.memref_slice %arg5[%add3A_510, %dma_start3A_511] : memref<50176x256xf32, #tpu.memory_space<hbm>> -> memref<32x256xf32, #tpu.memory_space<hbm>>
        %dma_start3A_513 = arith.constant 0 : i32
        %dma_start3A_514 = tpu.memref_slice %arg5[%add3A_510, %dma_start3A_513] : memref<50176x256xf32, #tpu.memory_space<hbm>> -> memref<32x256xf32, #tpu.memory_space<hbm>>
        tpu.enqueue_dma source(%arg16 : memref<32x256xf32, #tpu.memory_space<vmem>>) target(%dma_start3A_514 : memref<32x256xf32, #tpu.memory_space<hbm>>) target_semaphore(%run_scoped3A : memref<!tpu.dma_semaphore, #tpu.memory_space<semaphore_mem>>)
        %dma_wait3A_515 = arith.constant 0 : i32
        %dma_wait3A_516 = tpu.memref_slice %arg5[%add3A_510, %dma_wait3A_515] : memref<50176x256xf32, #tpu.memory_space<hbm>> -> memref<32x256xf32, #tpu.memory_space<hbm>>
        %dma_wait3A_517 = arith.constant 0 : i32
        %dma_wait3A_518 = tpu.memref_slice %arg5[%add3A_510, %dma_wait3A_517] : memref<50176x256xf32, #tpu.memory_space<hbm>> -> memref<32x256xf32, #tpu.memory_space<hbm>>
        tpu.wait_dma2 semaphore(%run_scoped3A : memref<!tpu.dma_semaphore, #tpu.memory_space<semaphore_mem>>) src(%arg16 : memref<32x256xf32, #tpu.memory_space<vmem>>) dst(%dma_wait3A_518 : memref<32x256xf32, #tpu.memory_space<hbm>>)
        tpu.yield
      }) : () -> ()
    }
    %scan3A_11 = arith.constant 24 : i32
    %dma_wait3A = arith.constant 0 : i32
    %dma_wait3A_12 = arith.constant 0 : i32
    %dma_wait3A_13 = tpu.memref_slice %arg2[%dma_wait3A, %dma_wait3A_12] : memref<43520x256xf32, #tpu.memory_space<hbm>> -> memref<43520x256xf32, #tpu.memory_space<hbm>>
    tpu.wait_indirect_dma semaphore(%arg17 : memref<!tpu.dma_semaphore, #tpu.memory_space<semaphore_mem>>) src(%dma_wait3A_13 : memref<43520x256xf32, #tpu.memory_space<hbm>>) dst(%arg14 : memref<128x256xf32, #tpu.memory_space<vmem>>)
    %scan3A_14 = arith.constant 0 : i32
    %scan3A_15 = arith.constant 0 : i32
    %scan3A_16 = arith.constant 32 : i32
    %scan3A_17 = arith.addi %scan3A_15, %scan3A_16 : i32
    %scan3A_18 = arith.constant 1 : i32
    scf.for %scan3A_22 = %scan3A_15 to %scan3A_17 step %scan3A_18  : i32 {
      %broadcast_in_dim3A = vector.broadcast %scan3A_22 : i32 to vector<16xi32>
      %gather3A = tpu.vector_load_idx %arg10[%broadcast_in_dim3A] : memref<32xf32, #tpu.memory_space<vmem>>[vector<16xi32>], vector<16xf32>,
      %gather3A_23 = tpu.vector_load_idx %arg11[%broadcast_in_dim3A] : memref<32xf32, #tpu.memory_space<vmem>>[vector<16xi32>], vector<16xf32>,
      %get3A = arith.index_cast %scan3A_22 : i32 to index
      %get3A_24 = arith.constant 0 : index
      %get3A_25 = tpu.vector_load %arg14[%get3A, %get3A_24] {strides = array<i32>} : memref<128x256xf32, #tpu.memory_space<vmem>>, vector<16xf32>,
      %add3A_26 = arith.constant 32 : i32
      %add3A_27 = arith.addi %scan3A_22, %add3A_26 : i32
      %get3A_28 = arith.index_cast %add3A_27 : i32 to index
      %get3A_29 = arith.constant 0 : index
      %get3A_30 = tpu.vector_load %arg14[%get3A_28, %get3A_29] {strides = array<i32>} : memref<128x256xf32, #tpu.memory_space<vmem>>, vector<16xf32>,
      %add3A_31 = arith.constant 64 : i32
      %add3A_32 = arith.addi %scan3A_22, %add3A_31 : i32
      %get3A_33 = arith.index_cast %add3A_32 : i32 to index
      %get3A_34 = arith.constant 0 : index
      %get3A_35 = tpu.vector_load %arg14[%get3A_33, %get3A_34] {strides = array<i32>} : memref<128x256xf32, #tpu.memory_space<vmem>>, vector<16xf32>,
      %add3A_36 = arith.constant 96 : i32
      %add3A_37 = arith.addi %scan3A_22, %add3A_36 : i32
      %get3A_38 = arith.index_cast %add3A_37 : i32 to index
      %get3A_39 = arith.constant 0 : index
      %get3A_40 = tpu.vector_load %arg14[%get3A_38, %get3A_39] {strides = array<i32>} : memref<128x256xf32, #tpu.memory_space<vmem>>, vector<16xf32>,
      %sub3A = arith.subf %get3A_30, %get3A_25 : vector<16xf32>
      %mul3A_41 = arith.mulf %gather3A, %sub3A : vector<16xf32>
      %add3A_42 = arith.addf %get3A_25, %mul3A_41 : vector<16xf32>
      %sub3A_43 = arith.subf %get3A_40, %get3A_35 : vector<16xf32>
      %mul3A_44 = arith.mulf %gather3A, %sub3A_43 : vector<16xf32>
      %add3A_45 = arith.addf %get3A_35, %mul3A_44 : vector<16xf32>
      %sub3A_46 = arith.subf %add3A_45, %add3A_42 : vector<16xf32>
      %mul3A_47 = arith.mulf %gather3A_23, %sub3A_46 : vector<16xf32>
      %add3A_48 = arith.addf %add3A_42, %mul3A_47 : vector<16xf32>
      %swap3A = arith.index_cast %scan3A_22 : i32 to index
      %swap3A_49 = arith.constant 0 : index
      %swap3A_50 = tpu.vector_load %arg16[%swap3A, %swap3A_49] {strides = array<i32>} : memref<32x256xf32, #tpu.memory_space<vmem>>, vector<16xf32>,
      tpu.vector_store %arg16[%swap3A, %swap3A_49], %add3A_48 {strides = array<i32>} : memref<32x256xf32, #tpu.memory_space<vmem>>, vector<16xf32>,
      %get3A_51 = arith.index_cast %scan3A_22 : i32 to index
      %get3A_52 = arith.constant 16 : index
      %get3A_53 = tpu.vector_load %arg14[%get3A_51, %get3A_52] {strides = array<i32>} : memref<128x256xf32, #tpu.memory_space<vmem>>, vector<16xf32>,
      %add3A_54 = arith.constant 32 : i32
      %add3A_55 = arith.addi %scan3A_22, %add3A_54 : i32
      %get3A_56 = arith.index_cast %add3A_55 : i32 to index
      %get3A_57 = arith.constant 16 : index
      %get3A_58 = tpu.vector_load %arg14[%get3A_56, %get3A_57] {strides = array<i32>} : memref<128x256xf32, #tpu.memory_space<vmem>>, vector<16xf32>,
      %add3A_59 = arith.constant 64 : i32
      %add3A_60 = arith.addi %scan3A_22, %add3A_59 : i32
      %get3A_61 = arith.index_cast %add3A_60 : i32 to index
      %get3A_62 = arith.constant 16 : index
      %get3A_63 = tpu.vector_load %arg14[%get3A_61, %get3A_62] {strides = array<i32>} : memref<128x256xf32, #tpu.memory_space<vmem>>, vector<16xf32>,
      %add3A_64 = arith.constant 96 : i32
      %add3A_65 = arith.addi %scan3A_22, %add3A_64 : i32
      %get3A_66 = arith.index_cast %add3A_65 : i32 to index
      %get3A_67 = arith.constant 16 : index
      %get3A_68 = tpu.vector_load %arg14[%get3A_66, %get3A_67] {strides = array<i32>} : memref<128x256xf32, #tpu.memory_space<vmem>>, vector<16xf32>,
      %sub3A_69 = arith.subf %get3A_58, %get3A_53 : vector<16xf32>
      %mul3A_70 = arith.mulf %gather3A, %sub3A_69 : vector<16xf32>
      %add3A_71 = arith.addf %get3A_53, %mul3A_70 : vector<16xf32>
      %sub3A_72 = arith.subf %get3A_68, %get3A_63 : vector<16xf32>
      %mul3A_73 = arith.mulf %gather3A, %sub3A_72 : vector<16xf32>
      %add3A_74 = arith.addf %get3A_63, %mul3A_73 : vector<16xf32>
      %sub3A_75 = arith.subf %add3A_74, %add3A_71 : vector<16xf32>
      %mul3A_76 = arith.mulf %gather3A_23, %sub3A_75 : vector<16xf32>
      %add3A_77 = arith.addf %add3A_71, %mul3A_76 : vector<16xf32>
      %swap3A_78 = arith.index_cast %scan3A_22 : i32 to index
      %swap3A_79 = arith.constant 16 : index
      %swap3A_80 = tpu.vector_load %arg16[%swap3A_78, %swap3A_79] {strides = array<i32>} : memref<32x256xf32, #tpu.memory_space<vmem>>, vector<16xf32>,
      tpu.vector_store %arg16[%swap3A_78, %swap3A_79], %add3A_77 {strides = array<i32>} : memref<32x256xf32, #tpu.memory_space<vmem>>, vector<16xf32>,
      %get3A_81 = arith.index_cast %scan3A_22 : i32 to index
      %get3A_82 = arith.constant 32 : index
      %get3A_83 = tpu.vector_load %arg14[%get3A_81, %get3A_82] {strides = array<i32>} : memref<128x256xf32, #tpu.memory_space<vmem>>, vector<16xf32>,
      %add3A_84 = arith.constant 32 : i32
      %add3A_85 = arith.addi %scan3A_22, %add3A_84 : i32
      %get3A_86 = arith.index_cast %add3A_85 : i32 to index
      %get3A_87 = arith.constant 32 : index
      %get3A_88 = tpu.vector_load %arg14[%get3A_86, %get3A_87] {strides = array<i32>} : memref<128x256xf32, #tpu.memory_space<vmem>>, vector<16xf32>,
      %add3A_89 = arith.constant 64 : i32
      %add3A_90 = arith.addi %scan3A_22, %add3A_89 : i32
      %get3A_91 = arith.index_cast %add3A_90 : i32 to index
      %get3A_92 = arith.constant 32 : index
      %get3A_93 = tpu.vector_load %arg14[%get3A_91, %get3A_92] {strides = array<i32>} : memref<128x256xf32, #tpu.memory_space<vmem>>, vector<16xf32>,
      %add3A_94 = arith.constant 96 : i32
      %add3A_95 = arith.addi %scan3A_22, %add3A_94 : i32
      %get3A_96 = arith.index_cast %add3A_95 : i32 to index
      %get3A_97 = arith.constant 32 : index
      %get3A_98 = tpu.vector_load %arg14[%get3A_96, %get3A_97] {strides = array<i32>} : memref<128x256xf32, #tpu.memory_space<vmem>>, vector<16xf32>,
      %sub3A_99 = arith.subf %get3A_88, %get3A_83 : vector<16xf32>
      %mul3A_100 = arith.mulf %gather3A, %sub3A_99 : vector<16xf32>
      %add3A_101 = arith.addf %get3A_83, %mul3A_100 : vector<16xf32>
      %sub3A_102 = arith.subf %get3A_98, %get3A_93 : vector<16xf32>
      %mul3A_103 = arith.mulf %gather3A, %sub3A_102 : vector<16xf32>
      %add3A_104 = arith.addf %get3A_93, %mul3A_103 : vector<16xf32>
      %sub3A_105 = arith.subf %add3A_104, %add3A_101 : vector<16xf32>
      %mul3A_106 = arith.mulf %gather3A_23, %sub3A_105 : vector<16xf32>
      %add3A_107 = arith.addf %add3A_101, %mul3A_106 : vector<16xf32>
      %swap3A_108 = arith.index_cast %scan3A_22 : i32 to index
      %swap3A_109 = arith.constant 32 : index
      %swap3A_110 = tpu.vector_load %arg16[%swap3A_108, %swap3A_109] {strides = array<i32>} : memref<32x256xf32, #tpu.memory_space<vmem>>, vector<16xf32>,
      tpu.vector_store %arg16[%swap3A_108, %swap3A_109], %add3A_107 {strides = array<i32>} : memref<32x256xf32, #tpu.memory_space<vmem>>, vector<16xf32>,
      %get3A_111 = arith.index_cast %scan3A_22 : i32 to index
      %get3A_112 = arith.constant 48 : index
      %get3A_113 = tpu.vector_load %arg14[%get3A_111, %get3A_112] {strides = array<i32>} : memref<128x256xf32, #tpu.memory_space<vmem>>, vector<16xf32>,
      %add3A_114 = arith.constant 32 : i32
      %add3A_115 = arith.addi %scan3A_22, %add3A_114 : i32
      %get3A_116 = arith.index_cast %add3A_115 : i32 to index
      %get3A_117 = arith.constant 48 : index
      %get3A_118 = tpu.vector_load %arg14[%get3A_116, %get3A_117] {strides = array<i32>} : memref<128x256xf32, #tpu.memory_space<vmem>>, vector<16xf32>,
      %add3A_119 = arith.constant 64 : i32
      %add3A_120 = arith.addi %scan3A_22, %add3A_119 : i32
      %get3A_121 = arith.index_cast %add3A_120 : i32 to index
      %get3A_122 = arith.constant 48 : index
      %get3A_123 = tpu.vector_load %arg14[%get3A_121, %get3A_122] {strides = array<i32>} : memref<128x256xf32, #tpu.memory_space<vmem>>, vector<16xf32>,
      %add3A_124 = arith.constant 96 : i32
      %add3A_125 = arith.addi %scan3A_22, %add3A_124 : i32
      %get3A_126 = arith.index_cast %add3A_125 : i32 to index
      %get3A_127 = arith.constant 48 : index
      %get3A_128 = tpu.vector_load %arg14[%get3A_126, %get3A_127] {strides = array<i32>} : memref<128x256xf32, #tpu.memory_space<vmem>>, vector<16xf32>,
      %sub3A_129 = arith.subf %get3A_118, %get3A_113 : vector<16xf32>
      %mul3A_130 = arith.mulf %gather3A, %sub3A_129 : vector<16xf32>
      %add3A_131 = arith.addf %get3A_113, %mul3A_130 : vector<16xf32>
      %sub3A_132 = arith.subf %get3A_128, %get3A_123 : vector<16xf32>
      %mul3A_133 = arith.mulf %gather3A, %sub3A_132 : vector<16xf32>
      %add3A_134 = arith.addf %get3A_123, %mul3A_133 : vector<16xf32>
      %sub3A_135 = arith.subf %add3A_134, %add3A_131 : vector<16xf32>
      %mul3A_136 = arith.mulf %gather3A_23, %sub3A_135 : vector<16xf32>
      %add3A_137 = arith.addf %add3A_131, %mul3A_136 : vector<16xf32>
      %swap3A_138 = arith.index_cast %scan3A_22 : i32 to index
      %swap3A_139 = arith.constant 48 : index
      %swap3A_140 = tpu.vector_load %arg16[%swap3A_138, %swap3A_139] {strides = array<i32>} : memref<32x256xf32, #tpu.memory_space<vmem>>, vector<16xf32>,
      tpu.vector_store %arg16[%swap3A_138, %swap3A_139], %add3A_137 {strides = array<i32>} : memref<32x256xf32, #tpu.memory_space<vmem>>, vector<16xf32>,
      %get3A_141 = arith.index_cast %scan3A_22 : i32 to index
      %get3A_142 = arith.constant 64 : index
      %get3A_143 = tpu.vector_load %arg14[%get3A_141, %get3A_142] {strides = array<i32>} : memref<128x256xf32, #tpu.memory_space<vmem>>, vector<16xf32>,
      %add3A_144 = arith.constant 32 : i32
      %add3A_145 = arith.addi %scan3A_22, %add3A_144 : i32
      %get3A_146 = arith.index_cast %add3A_145 : i32 to index
      %get3A_147 = arith.constant 64 : index
      %get3A_148 = tpu.vector_load %arg14[%get3A_146, %get3A_147] {strides = array<i32>} : memref<128x256xf32, #tpu.memory_space<vmem>>, vector<16xf32>,
      %add3A_149 = arith.constant 64 : i32
      %add3A_150 = arith.addi %scan3A_22, %add3A_149 : i32
      %get3A_151 = arith.index_cast %add3A_150 : i32 to index
      %get3A_152 = arith.constant 64 : index
      %get3A_153 = tpu.vector_load %arg14[%get3A_151, %get3A_152] {strides = array<i32>} : memref<128x256xf32, #tpu.memory_space<vmem>>, vector<16xf32>,
      %add3A_154 = arith.constant 96 : i32
      %add3A_155 = arith.addi %scan3A_22, %add3A_154 : i32
      %get3A_156 = arith.index_cast %add3A_155 : i32 to index
      %get3A_157 = arith.constant 64 : index
      %get3A_158 = tpu.vector_load %arg14[%get3A_156, %get3A_157] {strides = array<i32>} : memref<128x256xf32, #tpu.memory_space<vmem>>, vector<16xf32>,
      %sub3A_159 = arith.subf %get3A_148, %get3A_143 : vector<16xf32>
      %mul3A_160 = arith.mulf %gather3A, %sub3A_159 : vector<16xf32>
      %add3A_161 = arith.addf %get3A_143, %mul3A_160 : vector<16xf32>
      %sub3A_162 = arith.subf %get3A_158, %get3A_153 : vector<16xf32>
      %mul3A_163 = arith.mulf %gather3A, %sub3A_162 : vector<16xf32>
      %add3A_164 = arith.addf %get3A_153, %mul3A_163 : vector<16xf32>
      %sub3A_165 = arith.subf %add3A_164, %add3A_161 : vector<16xf32>
      %mul3A_166 = arith.mulf %gather3A_23, %sub3A_165 : vector<16xf32>
      %add3A_167 = arith.addf %add3A_161, %mul3A_166 : vector<16xf32>
      %swap3A_168 = arith.index_cast %scan3A_22 : i32 to index
      %swap3A_169 = arith.constant 64 : index
      %swap3A_170 = tpu.vector_load %arg16[%swap3A_168, %swap3A_169] {strides = array<i32>} : memref<32x256xf32, #tpu.memory_space<vmem>>, vector<16xf32>,
      tpu.vector_store %arg16[%swap3A_168, %swap3A_169], %add3A_167 {strides = array<i32>} : memref<32x256xf32, #tpu.memory_space<vmem>>, vector<16xf32>,
      %get3A_171 = arith.index_cast %scan3A_22 : i32 to index
      %get3A_172 = arith.constant 80 : index
      %get3A_173 = tpu.vector_load %arg14[%get3A_171, %get3A_172] {strides = array<i32>} : memref<128x256xf32, #tpu.memory_space<vmem>>, vector<16xf32>,
      %add3A_174 = arith.constant 32 : i32
      %add3A_175 = arith.addi %scan3A_22, %add3A_174 : i32
      %get3A_176 = arith.index_cast %add3A_175 : i32 to index
      %get3A_177 = arith.constant 80 : index
      %get3A_178 = tpu.vector_load %arg14[%get3A_176, %get3A_177] {strides = array<i32>} : memref<128x256xf32, #tpu.memory_space<vmem>>, vector<16xf32>,
      %add3A_179 = arith.constant 64 : i32
      %add3A_180 = arith.addi %scan3A_22, %add3A_179 : i32
      %get3A_181 = arith.index_cast %add3A_180 : i32 to index
      %get3A_182 = arith.constant 80 : index
      %get3A_183 = tpu.vector_load %arg14[%get3A_181, %get3A_182] {strides = array<i32>} : memref<128x256xf32, #tpu.memory_space<vmem>>, vector<16xf32>,
      %add3A_184 = arith.constant 96 : i32
      %add3A_185 = arith.addi %scan3A_22, %add3A_184 : i32
      %get3A_186 = arith.index_cast %add3A_185 : i32 to index
      %get3A_187 = arith.constant 80 : index
      %get3A_188 = tpu.vector_load %arg14[%get3A_186, %get3A_187] {strides = array<i32>} : memref<128x256xf32, #tpu.memory_space<vmem>>, vector<16xf32>,
      %sub3A_189 = arith.subf %get3A_178, %get3A_173 : vector<16xf32>
      %mul3A_190 = arith.mulf %gather3A, %sub3A_189 : vector<16xf32>
      %add3A_191 = arith.addf %get3A_173, %mul3A_190 : vector<16xf32>
      %sub3A_192 = arith.subf %get3A_188, %get3A_183 : vector<16xf32>
      %mul3A_193 = arith.mulf %gather3A, %sub3A_192 : vector<16xf32>
      %add3A_194 = arith.addf %get3A_183, %mul3A_193 : vector<16xf32>
      %sub3A_195 = arith.subf %add3A_194, %add3A_191 : vector<16xf32>
      %mul3A_196 = arith.mulf %gather3A_23, %sub3A_195 : vector<16xf32>
      %add3A_197 = arith.addf %add3A_191, %mul3A_196 : vector<16xf32>
      %swap3A_198 = arith.index_cast %scan3A_22 : i32 to index
      %swap3A_199 = arith.constant 80 : index
      %swap3A_200 = tpu.vector_load %arg16[%swap3A_198, %swap3A_199] {strides = array<i32>} : memref<32x256xf32, #tpu.memory_space<vmem>>, vector<16xf32>,
      tpu.vector_store %arg16[%swap3A_198, %swap3A_199], %add3A_197 {strides = array<i32>} : memref<32x256xf32, #tpu.memory_space<vmem>>, vector<16xf32>,
      %get3A_201 = arith.index_cast %scan3A_22 : i32 to index
      %get3A_202 = arith.constant 96 : index
      %get3A_203 = tpu.vector_load %arg14[%get3A_201, %get3A_202] {strides = array<i32>} : memref<128x256xf32, #tpu.memory_space<vmem>>, vector<16xf32>,
      %add3A_204 = arith.constant 32 : i32
      %add3A_205 = arith.addi %scan3A_22, %add3A_204 : i32
      %get3A_206 = arith.index_cast %add3A_205 : i32 to index
      %get3A_207 = arith.constant 96 : index
      %get3A_208 = tpu.vector_load %arg14[%get3A_206, %get3A_207] {strides = array<i32>} : memref<128x256xf32, #tpu.memory_space<vmem>>, vector<16xf32>,
      %add3A_209 = arith.constant 64 : i32
      %add3A_210 = arith.addi %scan3A_22, %add3A_209 : i32
      %get3A_211 = arith.index_cast %add3A_210 : i32 to index
      %get3A_212 = arith.constant 96 : index
      %get3A_213 = tpu.vector_load %arg14[%get3A_211, %get3A_212] {strides = array<i32>} : memref<128x256xf32, #tpu.memory_space<vmem>>, vector<16xf32>,
      %add3A_214 = arith.constant 96 : i32
      %add3A_215 = arith.addi %scan3A_22, %add3A_214 : i32
      %get3A_216 = arith.index_cast %add3A_215 : i32 to index
      %get3A_217 = arith.constant 96 : index
      %get3A_218 = tpu.vector_load %arg14[%get3A_216, %get3A_217] {strides = array<i32>} : memref<128x256xf32, #tpu.memory_space<vmem>>, vector<16xf32>,
      %sub3A_219 = arith.subf %get3A_208, %get3A_203 : vector<16xf32>
      %mul3A_220 = arith.mulf %gather3A, %sub3A_219 : vector<16xf32>
      %add3A_221 = arith.addf %get3A_203, %mul3A_220 : vector<16xf32>
      %sub3A_222 = arith.subf %get3A_218, %get3A_213 : vector<16xf32>
      %mul3A_223 = arith.mulf %gather3A, %sub3A_222 : vector<16xf32>
      %add3A_224 = arith.addf %get3A_213, %mul3A_223 : vector<16xf32>
      %sub3A_225 = arith.subf %add3A_224, %add3A_221 : vector<16xf32>
      %mul3A_226 = arith.mulf %gather3A_23, %sub3A_225 : vector<16xf32>
      %add3A_227 = arith.addf %add3A_221, %mul3A_226 : vector<16xf32>
      %swap3A_228 = arith.index_cast %scan3A_22 : i32 to index
      %swap3A_229 = arith.constant 96 : index
      %swap3A_230 = tpu.vector_load %arg16[%swap3A_228, %swap3A_229] {strides = array<i32>} : memref<32x256xf32, #tpu.memory_space<vmem>>, vector<16xf32>,
      tpu.vector_store %arg16[%swap3A_228, %swap3A_229], %add3A_227 {strides = array<i32>} : memref<32x256xf32, #tpu.memory_space<vmem>>, vector<16xf32>,
      %get3A_231 = arith.index_cast %scan3A_22 : i32 to index
      %get3A_232 = arith.constant 112 : index
      %get3A_233 = tpu.vector_load %arg14[%get3A_231, %get3A_232] {strides = array<i32>} : memref<128x256xf32, #tpu.memory_space<vmem>>, vector<16xf32>,
      %add3A_234 = arith.constant 32 : i32
      %add3A_235 = arith.addi %scan3A_22, %add3A_234 : i32
      %get3A_236 = arith.index_cast %add3A_235 : i32 to index
      %get3A_237 = arith.constant 112 : index
      %get3A_238 = tpu.vector_load %arg14[%get3A_236, %get3A_237] {strides = array<i32>} : memref<128x256xf32, #tpu.memory_space<vmem>>, vector<16xf32>,
      %add3A_239 = arith.constant 64 : i32
      %add3A_240 = arith.addi %scan3A_22, %add3A_239 : i32
      %get3A_241 = arith.index_cast %add3A_240 : i32 to index
      %get3A_242 = arith.constant 112 : index
      %get3A_243 = tpu.vector_load %arg14[%get3A_241, %get3A_242] {strides = array<i32>} : memref<128x256xf32, #tpu.memory_space<vmem>>, vector<16xf32>,
      %add3A_244 = arith.constant 96 : i32
      %add3A_245 = arith.addi %scan3A_22, %add3A_244 : i32
      %get3A_246 = arith.index_cast %add3A_245 : i32 to index
      %get3A_247 = arith.constant 112 : index
      %get3A_248 = tpu.vector_load %arg14[%get3A_246, %get3A_247] {strides = array<i32>} : memref<128x256xf32, #tpu.memory_space<vmem>>, vector<16xf32>,
      %sub3A_249 = arith.subf %get3A_238, %get3A_233 : vector<16xf32>
      %mul3A_250 = arith.mulf %gather3A, %sub3A_249 : vector<16xf32>
      %add3A_251 = arith.addf %get3A_233, %mul3A_250 : vector<16xf32>
      %sub3A_252 = arith.subf %get3A_248, %get3A_243 : vector<16xf32>
      %mul3A_253 = arith.mulf %gather3A, %sub3A_252 : vector<16xf32>
      %add3A_254 = arith.addf %get3A_243, %mul3A_253 : vector<16xf32>
      %sub3A_255 = arith.subf %add3A_254, %add3A_251 : vector<16xf32>
      %mul3A_256 = arith.mulf %gather3A_23, %sub3A_255 : vector<16xf32>
      %add3A_257 = arith.addf %add3A_251, %mul3A_256 : vector<16xf32>
      %swap3A_258 = arith.index_cast %scan3A_22 : i32 to index
      %swap3A_259 = arith.constant 112 : index
      %swap3A_260 = tpu.vector_load %arg16[%swap3A_258, %swap3A_259] {strides = array<i32>} : memref<32x256xf32, #tpu.memory_space<vmem>>, vector<16xf32>,
      tpu.vector_store %arg16[%swap3A_258, %swap3A_259], %add3A_257 {strides = array<i32>} : memref<32x256xf32, #tpu.memory_space<vmem>>, vector<16xf32>,
      %get3A_261 = arith.index_cast %scan3A_22 : i32 to index
      %get3A_262 = arith.constant 128 : index
      %get3A_263 = tpu.vector_load %arg14[%get3A_261, %get3A_262] {strides = array<i32>} : memref<128x256xf32, #tpu.memory_space<vmem>>, vector<16xf32>,
      %add3A_264 = arith.constant 32 : i32
      %add3A_265 = arith.addi %scan3A_22, %add3A_264 : i32
      %get3A_266 = arith.index_cast %add3A_265 : i32 to index
      %get3A_267 = arith.constant 128 : index
      %get3A_268 = tpu.vector_load %arg14[%get3A_266, %get3A_267] {strides = array<i32>} : memref<128x256xf32, #tpu.memory_space<vmem>>, vector<16xf32>,
      %add3A_269 = arith.constant 64 : i32
      %add3A_270 = arith.addi %scan3A_22, %add3A_269 : i32
      %get3A_271 = arith.index_cast %add3A_270 : i32 to index
      %get3A_272 = arith.constant 128 : index
      %get3A_273 = tpu.vector_load %arg14[%get3A_271, %get3A_272] {strides = array<i32>} : memref<128x256xf32, #tpu.memory_space<vmem>>, vector<16xf32>,
      %add3A_274 = arith.constant 96 : i32
      %add3A_275 = arith.addi %scan3A_22, %add3A_274 : i32
      %get3A_276 = arith.index_cast %add3A_275 : i32 to index
      %get3A_277 = arith.constant 128 : index
      %get3A_278 = tpu.vector_load %arg14[%get3A_276, %get3A_277] {strides = array<i32>} : memref<128x256xf32, #tpu.memory_space<vmem>>, vector<16xf32>,
      %sub3A_279 = arith.subf %get3A_268, %get3A_263 : vector<16xf32>
      %mul3A_280 = arith.mulf %gather3A, %sub3A_279 : vector<16xf32>
      %add3A_281 = arith.addf %get3A_263, %mul3A_280 : vector<16xf32>
      %sub3A_282 = arith.subf %get3A_278, %get3A_273 : vector<16xf32>
      %mul3A_283 = arith.mulf %gather3A, %sub3A_282 : vector<16xf32>
      %add3A_284 = arith.addf %get3A_273, %mul3A_283 : vector<16xf32>
      %sub3A_285 = arith.subf %add3A_284, %add3A_281 : vector<16xf32>
      %mul3A_286 = arith.mulf %gather3A_23, %sub3A_285 : vector<16xf32>
      %add3A_287 = arith.addf %add3A_281, %mul3A_286 : vector<16xf32>
      %swap3A_288 = arith.index_cast %scan3A_22 : i32 to index
      %swap3A_289 = arith.constant 128 : index
      %swap3A_290 = tpu.vector_load %arg16[%swap3A_288, %swap3A_289] {strides = array<i32>} : memref<32x256xf32, #tpu.memory_space<vmem>>, vector<16xf32>,
      tpu.vector_store %arg16[%swap3A_288, %swap3A_289], %add3A_287 {strides = array<i32>} : memref<32x256xf32, #tpu.memory_space<vmem>>, vector<16xf32>,
      %get3A_291 = arith.index_cast %scan3A_22 : i32 to index
      %get3A_292 = arith.constant 144 : index
      %get3A_293 = tpu.vector_load %arg14[%get3A_291, %get3A_292] {strides = array<i32>} : memref<128x256xf32, #tpu.memory_space<vmem>>, vector<16xf32>,
      %add3A_294 = arith.constant 32 : i32
      %add3A_295 = arith.addi %scan3A_22, %add3A_294 : i32
      %get3A_296 = arith.index_cast %add3A_295 : i32 to index
      %get3A_297 = arith.constant 144 : index
      %get3A_298 = tpu.vector_load %arg14[%get3A_296, %get3A_297] {strides = array<i32>} : memref<128x256xf32, #tpu.memory_space<vmem>>, vector<16xf32>,
      %add3A_299 = arith.constant 64 : i32
      %add3A_300 = arith.addi %scan3A_22, %add3A_299 : i32
      %get3A_301 = arith.index_cast %add3A_300 : i32 to index
      %get3A_302 = arith.constant 144 : index
      %get3A_303 = tpu.vector_load %arg14[%get3A_301, %get3A_302] {strides = array<i32>} : memref<128x256xf32, #tpu.memory_space<vmem>>, vector<16xf32>,
      %add3A_304 = arith.constant 96 : i32
      %add3A_305 = arith.addi %scan3A_22, %add3A_304 : i32
      %get3A_306 = arith.index_cast %add3A_305 : i32 to index
      %get3A_307 = arith.constant 144 : index
      %get3A_308 = tpu.vector_load %arg14[%get3A_306, %get3A_307] {strides = array<i32>} : memref<128x256xf32, #tpu.memory_space<vmem>>, vector<16xf32>,
      %sub3A_309 = arith.subf %get3A_298, %get3A_293 : vector<16xf32>
      %mul3A_310 = arith.mulf %gather3A, %sub3A_309 : vector<16xf32>
      %add3A_311 = arith.addf %get3A_293, %mul3A_310 : vector<16xf32>
      %sub3A_312 = arith.subf %get3A_308, %get3A_303 : vector<16xf32>
      %mul3A_313 = arith.mulf %gather3A, %sub3A_312 : vector<16xf32>
      %add3A_314 = arith.addf %get3A_303, %mul3A_313 : vector<16xf32>
      %sub3A_315 = arith.subf %add3A_314, %add3A_311 : vector<16xf32>
      %mul3A_316 = arith.mulf %gather3A_23, %sub3A_315 : vector<16xf32>
      %add3A_317 = arith.addf %add3A_311, %mul3A_316 : vector<16xf32>
      %swap3A_318 = arith.index_cast %scan3A_22 : i32 to index
      %swap3A_319 = arith.constant 144 : index
      %swap3A_320 = tpu.vector_load %arg16[%swap3A_318, %swap3A_319] {strides = array<i32>} : memref<32x256xf32, #tpu.memory_space<vmem>>, vector<16xf32>,
      tpu.vector_store %arg16[%swap3A_318, %swap3A_319], %add3A_317 {strides = array<i32>} : memref<32x256xf32, #tpu.memory_space<vmem>>, vector<16xf32>,
      %get3A_321 = arith.index_cast %scan3A_22 : i32 to index
      %get3A_322 = arith.constant 160 : index
      %get3A_323 = tpu.vector_load %arg14[%get3A_321, %get3A_322] {strides = array<i32>} : memref<128x256xf32, #tpu.memory_space<vmem>>, vector<16xf32>,
      %add3A_324 = arith.constant 32 : i32
      %add3A_325 = arith.addi %scan3A_22, %add3A_324 : i32
      %get3A_326 = arith.index_cast %add3A_325 : i32 to index
      %get3A_327 = arith.constant 160 : index
      %get3A_328 = tpu.vector_load %arg14[%get3A_326, %get3A_327] {strides = array<i32>} : memref<128x256xf32, #tpu.memory_space<vmem>>, vector<16xf32>,
      %add3A_329 = arith.constant 64 : i32
      %add3A_330 = arith.addi %scan3A_22, %add3A_329 : i32
      %get3A_331 = arith.index_cast %add3A_330 : i32 to index
      %get3A_332 = arith.constant 160 : index
      %get3A_333 = tpu.vector_load %arg14[%get3A_331, %get3A_332] {strides = array<i32>} : memref<128x256xf32, #tpu.memory_space<vmem>>, vector<16xf32>,
      %add3A_334 = arith.constant 96 : i32
      %add3A_335 = arith.addi %scan3A_22, %add3A_334 : i32
      %get3A_336 = arith.index_cast %add3A_335 : i32 to index
      %get3A_337 = arith.constant 160 : index
      %get3A_338 = tpu.vector_load %arg14[%get3A_336, %get3A_337] {strides = array<i32>} : memref<128x256xf32, #tpu.memory_space<vmem>>, vector<16xf32>,
      %sub3A_339 = arith.subf %get3A_328, %get3A_323 : vector<16xf32>
      %mul3A_340 = arith.mulf %gather3A, %sub3A_339 : vector<16xf32>
      %add3A_341 = arith.addf %get3A_323, %mul3A_340 : vector<16xf32>
      %sub3A_342 = arith.subf %get3A_338, %get3A_333 : vector<16xf32>
      %mul3A_343 = arith.mulf %gather3A, %sub3A_342 : vector<16xf32>
      %add3A_344 = arith.addf %get3A_333, %mul3A_343 : vector<16xf32>
      %sub3A_345 = arith.subf %add3A_344, %add3A_341 : vector<16xf32>
      %mul3A_346 = arith.mulf %gather3A_23, %sub3A_345 : vector<16xf32>
      %add3A_347 = arith.addf %add3A_341, %mul3A_346 : vector<16xf32>
      %swap3A_348 = arith.index_cast %scan3A_22 : i32 to index
      %swap3A_349 = arith.constant 160 : index
      %swap3A_350 = tpu.vector_load %arg16[%swap3A_348, %swap3A_349] {strides = array<i32>} : memref<32x256xf32, #tpu.memory_space<vmem>>, vector<16xf32>,
      tpu.vector_store %arg16[%swap3A_348, %swap3A_349], %add3A_347 {strides = array<i32>} : memref<32x256xf32, #tpu.memory_space<vmem>>, vector<16xf32>,
      %get3A_351 = arith.index_cast %scan3A_22 : i32 to index
      %get3A_352 = arith.constant 176 : index
      %get3A_353 = tpu.vector_load %arg14[%get3A_351, %get3A_352] {strides = array<i32>} : memref<128x256xf32, #tpu.memory_space<vmem>>, vector<16xf32>,
      %add3A_354 = arith.constant 32 : i32
      %add3A_355 = arith.addi %scan3A_22, %add3A_354 : i32
      %get3A_356 = arith.index_cast %add3A_355 : i32 to index
      %get3A_357 = arith.constant 176 : index
      %get3A_358 = tpu.vector_load %arg14[%get3A_356, %get3A_357] {strides = array<i32>} : memref<128x256xf32, #tpu.memory_space<vmem>>, vector<16xf32>,
      %add3A_359 = arith.constant 64 : i32
      %add3A_360 = arith.addi %scan3A_22, %add3A_359 : i32
      %get3A_361 = arith.index_cast %add3A_360 : i32 to index
      %get3A_362 = arith.constant 176 : index
      %get3A_363 = tpu.vector_load %arg14[%get3A_361, %get3A_362] {strides = array<i32>} : memref<128x256xf32, #tpu.memory_space<vmem>>, vector<16xf32>,
      %add3A_364 = arith.constant 96 : i32
      %add3A_365 = arith.addi %scan3A_22, %add3A_364 : i32
      %get3A_366 = arith.index_cast %add3A_365 : i32 to index
      %get3A_367 = arith.constant 176 : index
      %get3A_368 = tpu.vector_load %arg14[%get3A_366, %get3A_367] {strides = array<i32>} : memref<128x256xf32, #tpu.memory_space<vmem>>, vector<16xf32>,
      %sub3A_369 = arith.subf %get3A_358, %get3A_353 : vector<16xf32>
      %mul3A_370 = arith.mulf %gather3A, %sub3A_369 : vector<16xf32>
      %add3A_371 = arith.addf %get3A_353, %mul3A_370 : vector<16xf32>
      %sub3A_372 = arith.subf %get3A_368, %get3A_363 : vector<16xf32>
      %mul3A_373 = arith.mulf %gather3A, %sub3A_372 : vector<16xf32>
      %add3A_374 = arith.addf %get3A_363, %mul3A_373 : vector<16xf32>
      %sub3A_375 = arith.subf %add3A_374, %add3A_371 : vector<16xf32>
      %mul3A_376 = arith.mulf %gather3A_23, %sub3A_375 : vector<16xf32>
      %add3A_377 = arith.addf %add3A_371, %mul3A_376 : vector<16xf32>
      %swap3A_378 = arith.index_cast %scan3A_22 : i32 to index
      %swap3A_379 = arith.constant 176 : index
      %swap3A_380 = tpu.vector_load %arg16[%swap3A_378, %swap3A_379] {strides = array<i32>} : memref<32x256xf32, #tpu.memory_space<vmem>>, vector<16xf32>,
      tpu.vector_store %arg16[%swap3A_378, %swap3A_379], %add3A_377 {strides = array<i32>} : memref<32x256xf32, #tpu.memory_space<vmem>>, vector<16xf32>,
      %get3A_381 = arith.index_cast %scan3A_22 : i32 to index
      %get3A_382 = arith.constant 192 : index
      %get3A_383 = tpu.vector_load %arg14[%get3A_381, %get3A_382] {strides = array<i32>} : memref<128x256xf32, #tpu.memory_space<vmem>>, vector<16xf32>,
      %add3A_384 = arith.constant 32 : i32
      %add3A_385 = arith.addi %scan3A_22, %add3A_384 : i32
      %get3A_386 = arith.index_cast %add3A_385 : i32 to index
      %get3A_387 = arith.constant 192 : index
      %get3A_388 = tpu.vector_load %arg14[%get3A_386, %get3A_387] {strides = array<i32>} : memref<128x256xf32, #tpu.memory_space<vmem>>, vector<16xf32>,
      %add3A_389 = arith.constant 64 : i32
      %add3A_390 = arith.addi %scan3A_22, %add3A_389 : i32
      %get3A_391 = arith.index_cast %add3A_390 : i32 to index
      %get3A_392 = arith.constant 192 : index
      %get3A_393 = tpu.vector_load %arg14[%get3A_391, %get3A_392] {strides = array<i32>} : memref<128x256xf32, #tpu.memory_space<vmem>>, vector<16xf32>,
      %add3A_394 = arith.constant 96 : i32
      %add3A_395 = arith.addi %scan3A_22, %add3A_394 : i32
      %get3A_396 = arith.index_cast %add3A_395 : i32 to index
      %get3A_397 = arith.constant 192 : index
      %get3A_398 = tpu.vector_load %arg14[%get3A_396, %get3A_397] {strides = array<i32>} : memref<128x256xf32, #tpu.memory_space<vmem>>, vector<16xf32>,
      %sub3A_399 = arith.subf %get3A_388, %get3A_383 : vector<16xf32>
      %mul3A_400 = arith.mulf %gather3A, %sub3A_399 : vector<16xf32>
      %add3A_401 = arith.addf %get3A_383, %mul3A_400 : vector<16xf32>
      %sub3A_402 = arith.subf %get3A_398, %get3A_393 : vector<16xf32>
      %mul3A_403 = arith.mulf %gather3A, %sub3A_402 : vector<16xf32>
      %add3A_404 = arith.addf %get3A_393, %mul3A_403 : vector<16xf32>
      %sub3A_405 = arith.subf %add3A_404, %add3A_401 : vector<16xf32>
      %mul3A_406 = arith.mulf %gather3A_23, %sub3A_405 : vector<16xf32>
      %add3A_407 = arith.addf %add3A_401, %mul3A_406 : vector<16xf32>
      %swap3A_408 = arith.index_cast %scan3A_22 : i32 to index
      %swap3A_409 = arith.constant 192 : index
      %swap3A_410 = tpu.vector_load %arg16[%swap3A_408, %swap3A_409] {strides = array<i32>} : memref<32x256xf32, #tpu.memory_space<vmem>>, vector<16xf32>,
      tpu.vector_store %arg16[%swap3A_408, %swap3A_409], %add3A_407 {strides = array<i32>} : memref<32x256xf32, #tpu.memory_space<vmem>>, vector<16xf32>,
      %get3A_411 = arith.index_cast %scan3A_22 : i32 to index
      %get3A_412 = arith.constant 208 : index
      %get3A_413 = tpu.vector_load %arg14[%get3A_411, %get3A_412] {strides = array<i32>} : memref<128x256xf32, #tpu.memory_space<vmem>>, vector<16xf32>,
      %add3A_414 = arith.constant 32 : i32
      %add3A_415 = arith.addi %scan3A_22, %add3A_414 : i32
      %get3A_416 = arith.index_cast %add3A_415 : i32 to index
      %get3A_417 = arith.constant 208 : index
      %get3A_418 = tpu.vector_load %arg14[%get3A_416, %get3A_417] {strides = array<i32>} : memref<128x256xf32, #tpu.memory_space<vmem>>, vector<16xf32>,
      %add3A_419 = arith.constant 64 : i32
      %add3A_420 = arith.addi %scan3A_22, %add3A_419 : i32
      %get3A_421 = arith.index_cast %add3A_420 : i32 to index
      %get3A_422 = arith.constant 208 : index
      %get3A_423 = tpu.vector_load %arg14[%get3A_421, %get3A_422] {strides = array<i32>} : memref<128x256xf32, #tpu.memory_space<vmem>>, vector<16xf32>,
      %add3A_424 = arith.constant 96 : i32
      %add3A_425 = arith.addi %scan3A_22, %add3A_424 : i32
      %get3A_426 = arith.index_cast %add3A_425 : i32 to index
      %get3A_427 = arith.constant 208 : index
      %get3A_428 = tpu.vector_load %arg14[%get3A_426, %get3A_427] {strides = array<i32>} : memref<128x256xf32, #tpu.memory_space<vmem>>, vector<16xf32>,
      %sub3A_429 = arith.subf %get3A_418, %get3A_413 : vector<16xf32>
      %mul3A_430 = arith.mulf %gather3A, %sub3A_429 : vector<16xf32>
      %add3A_431 = arith.addf %get3A_413, %mul3A_430 : vector<16xf32>
      %sub3A_432 = arith.subf %get3A_428, %get3A_423 : vector<16xf32>
      %mul3A_433 = arith.mulf %gather3A, %sub3A_432 : vector<16xf32>
      %add3A_434 = arith.addf %get3A_423, %mul3A_433 : vector<16xf32>
      %sub3A_435 = arith.subf %add3A_434, %add3A_431 : vector<16xf32>
      %mul3A_436 = arith.mulf %gather3A_23, %sub3A_435 : vector<16xf32>
      %add3A_437 = arith.addf %add3A_431, %mul3A_436 : vector<16xf32>
      %swap3A_438 = arith.index_cast %scan3A_22 : i32 to index
      %swap3A_439 = arith.constant 208 : index
      %swap3A_440 = tpu.vector_load %arg16[%swap3A_438, %swap3A_439] {strides = array<i32>} : memref<32x256xf32, #tpu.memory_space<vmem>>, vector<16xf32>,
      tpu.vector_store %arg16[%swap3A_438, %swap3A_439], %add3A_437 {strides = array<i32>} : memref<32x256xf32, #tpu.memory_space<vmem>>, vector<16xf32>,
      %get3A_441 = arith.index_cast %scan3A_22 : i32 to index
      %get3A_442 = arith.constant 224 : index
      %get3A_443 = tpu.vector_load %arg14[%get3A_441, %get3A_442] {strides = array<i32>} : memref<128x256xf32, #tpu.memory_space<vmem>>, vector<16xf32>,
      %add3A_444 = arith.constant 32 : i32
      %add3A_445 = arith.addi %scan3A_22, %add3A_444 : i32
      %get3A_446 = arith.index_cast %add3A_445 : i32 to index
      %get3A_447 = arith.constant 224 : index
      %get3A_448 = tpu.vector_load %arg14[%get3A_446, %get3A_447] {strides = array<i32>} : memref<128x256xf32, #tpu.memory_space<vmem>>, vector<16xf32>,
      %add3A_449 = arith.constant 64 : i32
      %add3A_450 = arith.addi %scan3A_22, %add3A_449 : i32
      %get3A_451 = arith.index_cast %add3A_450 : i32 to index
      %get3A_452 = arith.constant 224 : index
      %get3A_453 = tpu.vector_load %arg14[%get3A_451, %get3A_452] {strides = array<i32>} : memref<128x256xf32, #tpu.memory_space<vmem>>, vector<16xf32>,
      %add3A_454 = arith.constant 96 : i32
      %add3A_455 = arith.addi %scan3A_22, %add3A_454 : i32
      %get3A_456 = arith.index_cast %add3A_455 : i32 to index
      %get3A_457 = arith.constant 224 : index
      %get3A_458 = tpu.vector_load %arg14[%get3A_456, %get3A_457] {strides = array<i32>} : memref<128x256xf32, #tpu.memory_space<vmem>>, vector<16xf32>,
      %sub3A_459 = arith.subf %get3A_448, %get3A_443 : vector<16xf32>
      %mul3A_460 = arith.mulf %gather3A, %sub3A_459 : vector<16xf32>
      %add3A_461 = arith.addf %get3A_443, %mul3A_460 : vector<16xf32>
      %sub3A_462 = arith.subf %get3A_458, %get3A_453 : vector<16xf32>
      %mul3A_463 = arith.mulf %gather3A, %sub3A_462 : vector<16xf32>
      %add3A_464 = arith.addf %get3A_453, %mul3A_463 : vector<16xf32>
      %sub3A_465 = arith.subf %add3A_464, %add3A_461 : vector<16xf32>
      %mul3A_466 = arith.mulf %gather3A_23, %sub3A_465 : vector<16xf32>
      %add3A_467 = arith.addf %add3A_461, %mul3A_466 : vector<16xf32>
      %swap3A_468 = arith.index_cast %scan3A_22 : i32 to index
      %swap3A_469 = arith.constant 224 : index
      %swap3A_470 = tpu.vector_load %arg16[%swap3A_468, %swap3A_469] {strides = array<i32>} : memref<32x256xf32, #tpu.memory_space<vmem>>, vector<16xf32>,
      tpu.vector_store %arg16[%swap3A_468, %swap3A_469], %add3A_467 {strides = array<i32>} : memref<32x256xf32, #tpu.memory_space<vmem>>, vector<16xf32>,
      %get3A_471 = arith.index_cast %scan3A_22 : i32 to index
      %get3A_472 = arith.constant 240 : index
      %get3A_473 = tpu.vector_load %arg14[%get3A_471, %get3A_472] {strides = array<i32>} : memref<128x256xf32, #tpu.memory_space<vmem>>, vector<16xf32>,
      %add3A_474 = arith.constant 32 : i32
      %add3A_475 = arith.addi %scan3A_22, %add3A_474 : i32
      %get3A_476 = arith.index_cast %add3A_475 : i32 to index
      %get3A_477 = arith.constant 240 : index
      %get3A_478 = tpu.vector_load %arg14[%get3A_476, %get3A_477] {strides = array<i32>} : memref<128x256xf32, #tpu.memory_space<vmem>>, vector<16xf32>,
      %add3A_479 = arith.constant 64 : i32
      %add3A_480 = arith.addi %scan3A_22, %add3A_479 : i32
      %get3A_481 = arith.index_cast %add3A_480 : i32 to index
      %get3A_482 = arith.constant 240 : index
      %get3A_483 = tpu.vector_load %arg14[%get3A_481, %get3A_482] {strides = array<i32>} : memref<128x256xf32, #tpu.memory_space<vmem>>, vector<16xf32>,
      %add3A_484 = arith.constant 96 : i32
      %add3A_485 = arith.addi %scan3A_22, %add3A_484 : i32
      %get3A_486 = arith.index_cast %add3A_485 : i32 to index
      %get3A_487 = arith.constant 240 : index
      %get3A_488 = tpu.vector_load %arg14[%get3A_486, %get3A_487] {strides = array<i32>} : memref<128x256xf32, #tpu.memory_space<vmem>>, vector<16xf32>,
      %sub3A_489 = arith.subf %get3A_478, %get3A_473 : vector<16xf32>
      %mul3A_490 = arith.mulf %gather3A, %sub3A_489 : vector<16xf32>
      %add3A_491 = arith.addf %get3A_473, %mul3A_490 : vector<16xf32>
      %sub3A_492 = arith.subf %get3A_488, %get3A_483 : vector<16xf32>
      %mul3A_493 = arith.mulf %gather3A, %sub3A_492 : vector<16xf32>
      %add3A_494 = arith.addf %get3A_483, %mul3A_493 : vector<16xf32>
      %sub3A_495 = arith.subf %add3A_494, %add3A_491 : vector<16xf32>
      %mul3A_496 = arith.mulf %gather3A_23, %sub3A_495 : vector<16xf32>
      %add3A_497 = arith.addf %add3A_491, %mul3A_496 : vector<16xf32>
      %swap3A_498 = arith.index_cast %scan3A_22 : i32 to index
      %swap3A_499 = arith.constant 240 : index
      %swap3A_500 = tpu.vector_load %arg16[%swap3A_498, %swap3A_499] {strides = array<i32>} : memref<32x256xf32, #tpu.memory_space<vmem>>, vector<16xf32>,
      tpu.vector_store %arg16[%swap3A_498, %swap3A_499], %add3A_497 {strides = array<i32>} : memref<32x256xf32, #tpu.memory_space<vmem>>, vector<16xf32>,
    }
    %scan3A_19 = arith.constant 32 : i32
    %add3A_20 = arith.constant 1536 : i32
    %add3A_21 = arith.addi %mul3A_6, %add3A_20 : i32
    "tpu.region"() ({
      %run_scoped3A = tpu.sem_alloc : memref<!tpu.dma_semaphore, #tpu.memory_space<semaphore_mem>>
      %dma_start3A = arith.constant 0 : i32
      %dma_start3A_22 = tpu.memref_slice %arg5[%add3A_21, %dma_start3A] : memref<50176x256xf32, #tpu.memory_space<hbm>> -> memref<32x256xf32, #tpu.memory_space<hbm>>
      %dma_start3A_23 = arith.constant 0 : i32
      %dma_start3A_24 = tpu.memref_slice %arg5[%add3A_21, %dma_start3A_23] : memref<50176x256xf32, #tpu.memory_space<hbm>> -> memref<32x256xf32, #tpu.memory_space<hbm>>
      tpu.enqueue_dma source(%arg16 : memref<32x256xf32, #tpu.memory_space<vmem>>) target(%dma_start3A_24 : memref<32x256xf32, #tpu.memory_space<hbm>>) target_semaphore(%run_scoped3A : memref<!tpu.dma_semaphore, #tpu.memory_space<semaphore_mem>>)
      %dma_wait3A_25 = arith.constant 0 : i32
      %dma_wait3A_26 = tpu.memref_slice %arg5[%add3A_21, %dma_wait3A_25] : memref<50176x256xf32, #tpu.memory_space<hbm>> -> memref<32x256xf32, #tpu.memory_space<hbm>>
      %dma_wait3A_27 = arith.constant 0 : i32
      %dma_wait3A_28 = tpu.memref_slice %arg5[%add3A_21, %dma_wait3A_27] : memref<50176x256xf32, #tpu.memory_space<hbm>> -> memref<32x256xf32, #tpu.memory_space<hbm>>
      tpu.wait_dma2 semaphore(%run_scoped3A : memref<!tpu.dma_semaphore, #tpu.memory_space<semaphore_mem>>) src(%arg16 : memref<32x256xf32, #tpu.memory_space<vmem>>) dst(%dma_wait3A_28 : memref<32x256xf32, #tpu.memory_space<hbm>>)
      tpu.yield
    }) : () -> ()
    return
  }
}

</mosaic_0001>

<sc_bundles>
// kernel: kernel.3.cloned.1.call-start
scs
__scs_entry_jumppad:
0x0: {  	(pc) =	sbr.rel $0x88, $3  }
0x1: {  	(tag) =	ssettag $0x0;
	lr =	simm.s32 $0x1  }
0x2: {  	[smem:$0x3F9B] =	sst lr;
	_ =	strace $0xD0000000  }
0x3: {  	_ = 	snop  }
0x4: {  	_ = 	snop  }
0x5: {  	_ = 	snop  }
0x6: {  	_ = 	snop  }
0x7: {  	_ = 	snop  }
__scs_overlays_trampoline_lowered:
0x8: {  	[smem:$0x3FAA] =	sst s0  }
0x9: {  	[smem:$0x3FAB] =	sst s1  }
0xa: {  	[smem:$0x3FAC] =	sst s2  }
0xb: {  	[smem:$0x3FAD] =	sst s3  }
0xc: {  	[smem:$0x3FAE] =	sst s4  }
0xd: {  	[smem:$0x3FAF] =	sst s5  }
0xe: {  	[smem:$0x3FB0] =	sst s6  }
0xf: {  	[smem:$0x3FB1] =	sst s7  }
0x10: {  	[smem:$0x3FB2] =	sst s8  }
0x11: {  	[smem:$0x3FB3] =	sst s9;
	s0 =	simm.s32 @!p0 $0x0  }
0x12: {  	s1 =	sld [smem:$0x3F99];
	s0 =	simm.s32 @p0 $0x1  }
0x13: {  	[smem:$0x3FB4] =	sst s0;
	s0 =	simm.s32 @!p1 $0x0  }
0x14: {  	s2 =	sld [smem:$0x3F98];
	s0 =	simm.s32 @p1 $0x1  }
0x15: {  	[smem:$0x3FB5] =	sst s0;
	s0 =	simm.s32 @!p2 $0x0  }
0x16: {  	s3 =	sld [smem:$0x3FDB];
	s0 =	simm.s32 @p2 $0x1  }
0x17: {  	s4 =	simm.s32 $0x1BF5;
	[smem:$0x3FB7] =	sst s0  }
0x18: {  	s0 =	sld [smem:$0x3F9A];
	_ =	swait.ge [sflag:s4], $0x0  }
0x19: {  	s7 =	sld [smem:$0x3F9B]  }
0x1a: {  	s8 =	sadd.s32 $0xFFFFE003, lr  }
0x1b: {  	s9 =	sadd.s32 $0xFFFFFEF7, lr;
	s5 =	simm.s32 $0xFFFFFFFF;
	p2 =	slt.u32 s8, $0xFFFFF086  }
0x1c: {  	p1 =	slt.u32 s9, $0xF7A;
	s5 =	simm.s32 @!p2 $0x0  }
0x1d: {  	s5 =	simm.s32 @p1 $0x1;
	p0 =	seq.s32 s7, s2  }
0x1e: {  	s7 =	smul.u32 @!p0 $0xF7A, s2;
	p2 =	seq.s32 @!p0 s5, $0x0  }
0x1f: {  	s9 =	smul.u32 $0xF7A, s1;
	s8 =	simm.s32 @!p0 $0x1BF5;
	p2 =	por !p2, p0  }
0x20: {  	[sflag:s8] =	ssyncset.s32 @!p0 $0xFFFFF086;
	s6 =	sadd.s32 @!p0 s3, s7;
	s7 =	simm.s32 @!p0 $0x108  }
0x21: {  	s3 =	sadd.s32 s3, s9;
	s6 =	sadd.s32 @!p0 $0x88, s6;
	s7 =	simm.s32 @p2 $0x1082  }
0x22: {  	[simem:s7], [sflag:s8] =	dma.local @!p0 [hbm:s6], $0xF7A  }
0x23: {  	s9 =	sor.u32 $0xD0000000, s2;
	s6 =	simm.s32 $0x108;
	_ =	swait.ge @!p0 [sflag:s8], $0x0  }
0x24: {  	s3 =	sadd.s32 $0x88, s3;
	s6 =	simm.s32 @!p1 $0x1082;
	[sflag:s4] =	ssyncset.s32 $0xFFFFF086  }
0x25: {  	[simem:s6], [sflag:s4] =	dma.local [hbm:s3], $0xF7A  }
0x26: {  	[smem:$0x3F9B] =	sst s1;
	(tag) =	ssettag s2;
	_ =	strace s9  }
0x27: {  	s1 =	sld [smem:$0x3FAB]  }
0x28: {  	s2 =	sld [smem:$0x3FAC]  }
0x29: {  	s4 =	sld [smem:$0x3FAE]  }
0x2a: {  	p0 =	seq.s32 s5, $0x0;
	s5 =	sld [smem:$0x3FAF]  }
0x2b: {  	s6 =	sld [smem:$0x3FB0]  }
0x2c: {  	s7 =	sld [smem:$0x3FB1]  }
0x2d: {  	s3 =	simm.s32 $0x108;
	s8 =	sld [smem:$0x3FB2]  }
0x2e: {  	s3 =	simm.s32 @!p0 $0x1082;
	s9 =	sld [smem:$0x3FB3]  }
0x2f: {  	lr =	sadd.s32 s0, s3;
	s0 =	sld [smem:$0x3FAA]  }
0x30: {  	s3 =	sld [smem:$0x3FAD]  }
0x31: {  	[smem:$0x3FB6] =	sst s10  }
0x32: {  	s10 =	sld [smem:$0x3FB4];
	_ =	sdelay $0x3  }
0x33: {  	p0 =	seq.s32 s10, $0x1;
	s10 =	sld [smem:$0x3FB6];
	_ =	sdelay $0x3  }
0x34: {  	[smem:$0x3FB6] =	sst s10  }
0x35: {  	s10 =	sld [smem:$0x3FB5];
	_ =	sdelay $0x3  }
0x36: {  	p1 =	seq.s32 s10, $0x1;
	s10 =	sld [smem:$0x3FB6];
	_ =	sdelay $0x3  }
0x37: {  	[smem:$0x3FB6] =	sst s10  }
0x38: {  	s10 =	sld [smem:$0x3FB7]  }
0x39: {  	_ = 	snop;
	(pc) =	sbr.ind lr, $3  }
0x3a: {  	_ = 	snop  }
0x3b: {  	_ = 	snop  }
0x3c: {  	p2 =	seq.s32 s10, $0x1;
	s10 =	sld [smem:$0x3FB6]  }
0x3d: {  	_ =	shalt  }
0x3e: {  	_ =	shalt  }
0x3f: {  	_ =	shalt  }
0x40: {  	_ =	shalt  }
0x41: {  	_ =	shalt  }
0x42: {  	_ =	shalt  }
0x43: {  	_ =	shalt  }
0x44: {  	_ =	shalt  }
0x45: {  	_ =	shalt  }
0x46: {  	_ =	shalt  }
0x47: {  	_ =	shalt  }
0x48: {  	_ =	shalt  }
0x49: {  	_ =	shalt  }
0x4a: {  	_ =	shalt  }
0x4b: {  	_ =	shalt  }
0x4c: {  	_ =	shalt  }
0x4d: {  	_ =	shalt  }
0x4e: {  	_ =	shalt  }
0x4f: {  	_ =	shalt  }
0x50: {  	_ =	shalt  }
0x51: {  	_ =	shalt  }
0x52: {  	_ =	shalt  }
0x53: {  	_ =	shalt  }
0x54: {  	_ =	shalt  }
0x55: {  	_ =	shalt  }
0x56: {  	_ =	shalt  }
0x57: {  	_ =	shalt  }
0x58: {  	_ =	shalt  }
0x59: {  	_ =	shalt  }
0x5a: {  	_ =	shalt  }
0x5b: {  	_ =	shalt  }
0x5c: {  	_ =	shalt  }
0x5d: {  	_ =	shalt  }
0x5e: {  	_ =	shalt  }
0x5f: {  	_ =	shalt  }
0x60: {  	_ =	shalt  }
0x61: {  	_ =	shalt  }
0x62: {  	_ =	shalt  }
0x63: {  	_ =	shalt  }
0x64: {  	_ =	shalt  }
0x65: {  	_ =	shalt  }
0x66: {  	_ =	shalt  }
0x67: {  	_ =	shalt  }
0x68: {  	_ =	shalt  }
0x69: {  	_ =	shalt  }
0x6a: {  	_ =	shalt  }
0x6b: {  	_ =	shalt  }
0x6c: {  	_ =	shalt  }
0x6d: {  	_ =	shalt  }
0x6e: {  	_ =	shalt  }
0x6f: {  	_ =	shalt  }
0x70: {  	_ =	shalt  }
0x71: {  	_ =	shalt  }
0x72: {  	_ =	shalt  }
0x73: {  	_ =	shalt  }
0x74: {  	_ =	shalt  }
0x75: {  	_ =	shalt  }
0x76: {  	_ =	shalt  }
0x77: {  	_ =	shalt  }
0x78: {  	_ =	shalt  }
0x79: {  	_ =	shalt  }
0x7a: {  	_ =	shalt  }
0x7b: {  	_ =	shalt  }
0x7c: {  	_ =	shalt  }
0x7d: {  	_ =	shalt  }
0x7e: {  	_ =	shalt  }
0x7f: {  	_ =	shalt  }
0x80: {  	_ =	shalt  }
0x81: {  	_ =	shalt  }
0x82: {  	_ =	shalt  }
0x83: {  	_ =	shalt  }
0x84: {  	_ =	shalt  }
0x85: {  	_ =	shalt  }
0x86: {  	_ =	shalt  }
0x87: {  	_ =	shalt  }
.Lfunc_end0:
.L_simem_size_0:
called_computation.1_lowered:
.L_overlay_start_0:
0x88: {  	s2 =	sld [smem:$0x3FD9]  }
0x89: {  	s3 =	sld [smem:$0x3FFE];
	_ =	sdelay $0x1  }
0x8a: {  	s1 =	srdreg.scid  }
0x8b: {  	s0 =	sand.u32 $0x1, s1  }
0x8c: {  	s14 =	sshll.u32 s0, $0xA;
	s2 =	sadd.s32 s3, s2  }
0x8d: {  	s2 =	sadd.s32 s2, s14  }
0x8e: {  	[smem:$0x3FC2] =	sst s2  }
0x8f: {  	_ = 	snop  }
0x90: {  	s2 =	sld [smem:$0x3FD0];
	_ =	sdelay $0x2  }
0x91: {  	s15 =	simm.s32 $0xA;
	s4 =	simm.s32 $0x10  }
0x92: {  	[smem:s4], [sflag:s15] =	dma.local [hbm:s2], $0x1  }
0x93: {  	_ =	swait.eq [sflag:s15], $0x1  }
0x94: {  	[sflag:s15] =	ssyncset.done $0x0  }
0x95: {  	s16 =	sld [smem:$0x10];
	[sflag:s15] =	ssyncadd.s32 $0xFFFFFFFF  }
0x96: {  	s17 =	sld [smem:$0x11];
	(tm) =	ssettm $0x1  }
0x97: {  	s18 =	sld [smem:$0x3FFB];
	_ =	sdelay $0x3  }
0x98: {  	_ =	strace s18  }
0x99: {  	s4 =	sld [smem:$0x3FFC];
	_ =	sdelay $0x3  }
0x9a: {  	_ =	strace s4  }
0x9b: {  	s4 =	sld [smem:$0x3FFD];
	_ =	sdelay $0x3  }
0x9c: {  	_ =	strace s4  }
0x9d: {  	_ =	strace $0x8FFFFFFF  }
0x9e: {  	s19 =	sld [smem:$0x3FDB];
	_ =	sdelay $0x1  }
0x9f: {  	s5 =	simm.s32 $_scs_section_size  }
0xa0: {  	s6 =	simm.s32 $_size__tile_overlayer_lowered;
	s7 =	simm.s32 $_tile_overlayer_lowered  }
0xa1: {  	s22 =	simm.s32 $0x1BFF;
	s21 =	sshll.u32 s7, $0x1;
	s4 =	sadd.s32 s5, s19  }
0xa2: {  	s8 =	simm.s32 $0x0;
	s20 =	sshll.u32 s6, $0x1;
	s6 =	sadd.s32 s21, s4  }
0xa3: {  	[timem:s8], [sflag:s22] =	dma.local [hbm:s6], s20  }
0xa4: {  	_ =	swait.ge [sflag:s22], s20  }
0xa5: {  	s5 =	ssub.s32 $0x0, s20;
	[sflag:s22] =	ssyncset.done $0x0  }
0xa6: {  	[sflag:s22] =	ssyncadd.s32 s5;
	_ =	sdelay $0x1  }
0xa7: {  	s23 =	simm.s32 $0x1B8B  }
0xa8: {  	_ =	swait.ge [sflag:s23], $0x1  }
0xa9: {  	[sflag:s23] =	ssyncset.done $0x0  }
0xaa: {  	s25 =	simm.s32 $0x1B8E;
	s24 =	sld [smem:$0x3FFE];
	[sflag:s23] =	ssyncadd.s32 $0xFFFFFFFF  }
0xab: {  	s26 =	simm.s32 $execute0_lowered;
	[smem:$0x3FD2] =	sst s25  }
0xac: {  	s6 =	sshll.u32 s26, $0x1;
	_ =	strace $0x80000046;
	[dreg:$0x1] =	wrdreg $0xFFFFFFFF  }
0xad: {  	s28 =	simm.s32 $_size_execute0_lowered;
	s4 =	sadd.s32 s4, s6;
	[dreg:$0x0] =	wrdreg $0x0  }
0xae: {  	s6 =	sshll.u32 s28, $0x1;
	[dreg:$0x2] =	wrdreg s4  }
0xaf: {  	[dreg:$0x3] =	wrdreg s6  }
0xb0: {  	[dreg:$0x4] =	wrdreg $0xC0  }
0xb1: {  	_ =	task [dreg:s8], $0x5FFFF  }
0xb2: {  	[dreg:$0x1] =	wrdreg $0xFFFFFFFF  }
0xb3: {  	[dreg:$0x0] =	wrdreg $0x60  }
0xb4: {  	[dreg:$0x2] =	wrdreg s16  }
0xb5: {  	[dreg:$0x3] =	wrdreg s24  }
0xb6: {  	[dreg:$0x4] =	wrdreg s17  }
0xb7: {  	[dreg:$0x5] =	wrdreg $0x9  }
0xb8: {  	_ =	task.clear_ibuf [dreg:s8], $0x6FFFF;
	_ =	strace $0x90000046  }
0xb9: {  	s29 =	simm.s32 $0x9;
	_ =	strace $0x80000048  }
0xba: {  	_ =	swait.ge [sflag:s29], $0x1  }
0xbb: {  	[sflag:s29] =	ssyncadd.s32 $0xFFFFFFFF  }
0xbc: {  	_ =	strace $0x90000048  }
0xbd: {  	_ =	sfence  }
0xbe: {  	s30 =	sld [smem:$0x0];
	_ =	sdelay $0x2  }
0xbf: {  	s31 =	sshll.u32 s1, $0xD;
	s1 =	sshrl.u32 s1, $0x2  }
0xc0: {  	s3 =	sand.u32 $0x4000, s31;
	s1 =	sadd.s32 s1, s30  }
0xc1: {  	s0 =	sor.u32 s3, s0;
	s1 =	sshll.u32 s1, $0x11  }
0xc2: {  	s0 =	sor.u32 s1, s0  }
0xc3: {  	s0 =	sadd.s32 $0x8F2B, s0  }
0xc4: {  	[sflag:s0] =	ssyncadd.remote.s32 $0x1  }
0xc5: {  	_ =	sfence.sel $0xFFFF  }
0xc6: {  	[dreg:$0x0] =	wrdreg $0xFFFFFFFF;
	(pc) =	sbr.abs _section_cstart, $3  }
0xc7: {  	[dreg:$0x1] =	wrdreg $0xFFFFFFFF  }
0xc8: {  	_ =	task.clear_ibuf [dreg:s8], $0x2FFFF;
	_ =	strace $0x9FFFFFFF  }
0xc9: {  	(tm) =	ssettm $0x7FFFFFFF  }
tec
execute0_lowered:
.L_overlay_start_1:
0x0: {  	(tag) =	ssettag $0x1  }
0x1: {  	s0 =	rddreg [dreg:$0x1]  }
0x2: {  	s1 =	rddreg [dreg:$0x2];
	s2 =	srdreg.scid  }
0x3: {  	s3 =	stileid.u32;
	s7 =	simm.s32 $0x0;
	s9 =	simm.s32 $0x1280  }
0x4: {  	s10 =	simm.s32 $0x1300;
	s2 =	sand.u32 $0x1, s2;
	s3 =	sshll.u32 s3, $0x1  }
0x5: {  	v1 =	vlaneseq.u32;
	[smem:$0x7FF] =	sst s7;
	s8 =	sadd.s32 $0x4A00, s0;
	s3 =	sor.u32 s2, s3  }
0x6: {  	v0 =	vimm.s32 $0xECA86420;
	v2 =	vor.u32 $0x10, v1;
	s2 =	ssub.s32 $0x2, s2;
	_ =	strace $0x80000047;
	[dreg:$0x5] =	wrdreg s8  }
0x7: {  	v0 =	vunpack.c.l.s4.s8 v0;
	v62 =	vand.u32 $0x7, v1;
	[tilespmem:$0x1FFA0] =	vst v2;
	s4 =	sshll.u32 s3, $0x9;
	s6 =	smul.u32 $0x62000, s3;
	s5 =	sshrl.u32 s2, $0x1  }
0x8: {  	v59 =	vmul.u32 $0x2, v1;
	v63 =	vor.u32 $0x8, v1;
	[tilespmem:$0x1FFD0] =	vst v62;
	s29 =	sshll.u32 s3, $0x2;
	s30 =	smul.u32 $0x620, s3;
	s4 =	sadd.s32 s4, s0  }
0x9: {  	v60 =	vmul.u32 $0xFFFFFFFF, v1;
	[tilespmem:$0x1FFF0] =	vst v63;
	v0 =	vunpack.c.0.s8.s32 v0;
	s26 =	ssub.s32 s2, s5;
	s1 =	sadd.s32 s1, s29;
	[dreg:$0x4] =	wrdreg s6  }
0xa: {  	vm0 =	vcmask $0xB08;
	[tilespmem:$0x1FF90] =	vst v59;
	s5 =	simm.s32 $0x1000;
	s28 =	sshrl.u32 s6, $0x3;
	[dreg:$0x7] =	wrdreg s1  }
0xb: {  	vm1 =	vcmask $0x1310;
	v61 =	vshrl.u32 v1, $0x3;
	s4 =	sadd.s32 $0xA00, s4;
	[dreg:$0x8] =	wrdreg s30;
	s0 =	smax.u32 s26, $0x1;
	[tilespmem:$0x1FF80] =	vst v0;
	v0 =	vadd.s32 $0xFFFFFFF0, v60  }
0xc: {  	vm2 =	vcmask $0x1B18;
	vm3 =	vcmask $0x300;
	s6 =	simm.s32 $0x1200;
	[dreg:$0x6] =	wrdreg s4;
	s2 =	sadd.s32 s8, s28;
	[tilespmem:$0x1FFC0] =	vst v0;
	v0 =	vmul.u32 $0x8, v61  }
0xd: {  	vm4 =	vcmask $0x2320;
	vm5 =	vcmask $0x2B28;
	vm6 =	vcmask $0x3330;
	[tilespmem:$0x1FFB0] =	vst v60;
	s1 =	simm.s32 $0x0;
	[dreg:$0xa] =	wrdreg s0;
	s31 =	sadd.s32 $0xC000, s2  }
0xe: {  	vm7 =	vcmask $0x3B38;
	vm8 =	vmmov $0xff;
	vm9 =	vmmov $0xffff;
	s4 =	simm.s32 $0x2;
	s2 =	simm.s32 $0x1180;
	[dreg:$0x9] =	wrdreg s31;
	[tilespmem:$0x1FFE0] =	vst v0  }
.LBB2_1:
0xf: {  	[dreg:$0xb] =	wrdreg s1  }
0x10: {  	s0 =	rddreg [dreg:$0x6]  }
0x11: {  	[tilespmem:s7], [sflag:$0x2] =	stream.linear.gather [hbm4b:s0+s7], $0x1000, $0x38;
	[tilespmem:$0x13380] =	vst v63  }
0x12: {  	_ =	swait.ge [sflag:s4], $0x1000  }
0x13: {  	[sflag:s4] =	ssyncset.done $0x0  }
0x14: {  	s31 =	rddreg [dreg:$0x7];
	[sflag:s4] =	ssyncadd.s32 $0xFFFFF000  }
0x15: {  	[tilespmem:s5], [sflag:$0x2] =	stream.linear.gather [hbm4b:s31+s7], $0x20, $0x38;
	[tilespmem:$0x13380] =	vst v63  }
0x16: {  	_ =	swait.ge [sflag:s4], $0x20  }
0x17: {  	[sflag:s4] =	ssyncset.done $0x0  }
0x18: {  	s1 =	simm.s32 $0x0;
	[sflag:s4] =	ssyncadd.s32 $0xFFFFFFE0  }
.LBB2_2:
0x19: {  	p0 =	sne.s32 s1, $0x0  }
.Ltmp0:
0x1a: {  	_ = 	snop;
	(pc) =	sbr.rel @p0 .LBB2_4-.Ltmp0, $2  }
0x1b: {  	_ =	sdelay $0x2  }
0x1c: {  	[dreg:$0xc] =	wrdreg s1  }
0x1d: {  	v0 =	vld [tilespmem:$0x1000];
	_ =	sdelay $0x4  }
0x1e: {  	v1 =	vshra.s32 v0, $0x1F  }
0x1f: {  	v60 =	vlaneseq.u32;
	v15 =	vand.u32 v1, v0  }
0x20: {  	v0 =	vadd.s32 v60, v15  }
0x21: {  	(v2sf) =	vpush v0, $0xD;
	_ =	sdelay $0x1  }
0x22: {  	(v2sf) =	vpush v0, $0xC;
	_ =	sdelay $0x1  }
0x23: {  	(v2sf) =	vpush v0, $0xE;
	_ =	sdelay $0x1  }
0x24: {  	(v2sf) =	vpush v0, $0xF;
	_ =	sdelay $0x1  }
0x25: {  	(v2sf) =	vpush v0, $0x9;
	_ =	sdelay $0x1  }
0x26: {  	(v2sf) =	vpush v0, $0x8;
	_ =	sdelay $0x1  }
0x27: {  	(v2sf) =	vpush v0, $0xA;
	_ =	sdelay $0x1  }
0x28: {  	(v2sf) =	vpush v0, $0xB  }
0x29: {  	s0 =	spop (v2sf)  }
0x2a: {  	(v2sf) =	vpush v0, $0x0;
	s1 =	smulhi.u32 $0x5397829D, s0;
	s0 =	sshra.s32 s0, $0x1F  }
0x2b: {  	s3 =	spop (v2sf);
	s0 =	smul.u32 $0x5397829D, s0  }
0x2c: {  	(v2sf) =	vpush v0, $0x1;
	s4 =	smulhi.u32 $0x5397829D, s3;
	s3 =	sshra.s32 s3, $0x1F  }
0x2d: {  	s5 =	spop (v2sf);
	s3 =	smul.u32 $0x5397829D, s3  }
0x2e: {  	(v2sf) =	vpush v0, $0x2;
	s7 =	smulhi.u32 $0x5397829D, s5;
	s5 =	sshra.s32 s5, $0x1F  }
0x2f: {  	s22 =	spop (v2sf);
	s21 =	smul.u32 $0x5397829D, s5  }
0x30: {  	(v2sf) =	vpush v0, $0x3;
	s8 =	smulhi.u32 $0x5397829D, s22;
	s11 =	sshra.s32 s22, $0x1F  }
0x31: {  	s24 =	spop (v2sf);
	s23 =	smul.u32 $0x5397829D, s11  }
0x32: {  	(v2sf) =	vpush v0, $0x4;
	s25 =	smulhi.u32 $0x5397829D, s24;
	s14 =	sshra.s32 s24, $0x1F  }
0x33: {  	s5 =	sadd.s32 s3, s4;
	s28 =	spop (v2sf);
	s26 =	smul.u32 $0x5397829D, s14  }
0x34: {  	s3 =	sadd.s32 s21, s7;
	s15 =	smulhi.u32 $0x5397829D, s28;
	s7 =	sshra.s32 s28, $0x1F  }
0x35: {  	(v2sf) =	vpush v0, $0x5;
	s0 =	sadd.s32 s0, s1;
	s29 =	spop (v2sf);
	s7 =	smul.u32 $0x5397829D, s7  }
0x36: {  	s4 =	sadd.s32 s23, s8;
	s17 =	smulhi.u32 $0x5397829D, s29;
	s8 =	sshra.s32 s29, $0x1F  }
0x37: {  	(v2sf) =	vpush v0, $0x6;
	s12 =	sshrl.u32 s0, $0x1F;
	s30 =	spop (v2sf);
	s8 =	smul.u32 $0x5397829D, s8  }
0x38: {  	s13 =	sshrl.u32 s5, $0x1F;
	s19 =	smulhi.u32 $0x5397829D, s30;
	s20 =	sshra.s32 s30, $0x1F  }
0x39: {  	(v2sf) =	vpush v0, $0x7;
	s1 =	sadd.s32 s26, s25;
	s25 =	spop (v2sf);
	s31 =	smul.u32 $0x5397829D, s20  }
0x3a: {  	s14 =	sshrl.u32 s3, $0x1F;
	s21 =	smulhi.u32 $0x5397829D, s25;
	s22 =	sshra.s32 s25, $0x1F  }
0x3b: {  	s18 =	sshrl.u32 s1, $0x1F;
	s28 =	spop (v2sf);
	s26 =	smul.u32 $0x5397829D, s22  }
0x3c: {  	s11 =	sadd.s32 s7, s15;
	s23 =	smulhi.u32 $0x5397829D, s28;
	s24 =	sshra.s32 s28, $0x1F  }
0x3d: {  	s7 =	sadd.s32 s8, s17;
	s30 =	spop (v2sf);
	s29 =	smul.u32 $0x5397829D, s24  }
0x3e: {  	s8 =	sadd.s32 s31, s19;
	s25 =	smulhi.u32 $0x5397829D, s30;
	s19 =	sshra.s32 s30, $0x1F  }
0x3f: {  	s31 =	spop (v2sf);
	s17 =	sadd.s32 s26, s21;
	s19 =	smul.u32 $0x5397829D, s19  }
0x40: {  	s28 =	smulhi.u32 $0x5397829D, s31;
	s21 =	sshra.s32 s31, $0x1F;
	s26 =	sshrl.u32 s17, $0x1F  }
0x41: {  	v61 =	vmov s13;
	s13 =	sadd.s32 s29, s23;
	s23 =	smul.u32 $0x5397829D, s21;
	s29 =	spop (v2sf)  }
0x42: {  	s20 =	sshrl.u32 s11, $0x1F;
	v2 =	vmov s26;
	s31 =	smulhi.u32 $0x5397829D, s29;
	s21 =	sshra.s32 s29, $0x1F  }
0x43: {  	v5 =	vmov s5;
	v1 =	vsel vm0, s12, v61;
	s22 =	sshrl.u32 s7, $0x1F;
	s30 =	sshrl.u32 s13, $0x1F;
	v2 =	vnsel vm3, $0x0, v2;
	s26 =	smul.u32 $0x5397829D, s21  }
0x44: {  	v1 =	vsel vm1, s14, v1;
	v3 =	vmov s20;
	s24 =	sshrl.u32 s8, $0x1F;
	s14 =	sadd.s32 s19, s25;
	v2 =	vsel vm0, s30, v2;
	s30 =	spop (v2sf)  }
0x45: {  	v5 =	vsel vm0, s0, v5;
	v3 =	vsel vm0, s18, v3;
	v4 =	vmov s17;
	s12 =	sadd.s32 s26, s31;
	s31 =	smulhi.u32 $0x5397829D, s30;
	s20 =	sshra.s32 s30, $0x1F  }
0x46: {  	v5 =	vsel vm1, s3, v5;
	v3 =	vsel vm1, s22, v3;
	v4 =	vnsel vm3, $0x0, v4;
	s15 =	sadd.s32 s23, s28;
	s23 =	spop (v2sf);
	s22 =	smul.u32 $0x5397829D, s20  }
0x47: {  	v5 =	vsel vm2, s4, v5;
	v3 =	vsel vm2, s24, v3;
	s28 =	sshrl.u32 s14, $0x1F;
	v4 =	vsel vm0, s13, v4;
	s24 =	smulhi.u32 $0x5397829D, s23;
	s19 =	sshra.s32 s23, $0x1F  }
0x48: {  	v13 =	vld [tilespmem:$0x1FF80];
	v6 =	vmov s11;
	s29 =	sshrl.u32 s15, $0x1F;
	v4 =	vsel vm1, s14, v4;
	v2 =	vsel vm1, s28, v2;
	s25 =	smul.u32 $0x5397829D, s19;
	s26 =	spop (v2sf)  }
0x49: {  	v18 =	vld [tilespmem:$0x1FF90];
	s16 =	sshrl.u32 s4, $0x1F;
	v6 =	vsel vm0, s1, v6;
	v4 =	vsel vm2, s15, v4;
	v2 =	vsel vm2, s29, v2;
	s28 =	smulhi.u32 $0x5397829D, s26;
	s29 =	sshra.s32 s26, $0x1F  }
0x4a: {  	v1 =	vsel vm2, s16, v1;
	v6 =	vsel vm1, s7, v6;
	s21 =	sshrl.u32 s12, $0x1F;
	v4 =	vsel vm4, s12, v4;
	s30 =	sadd.s32 s22, s31;
	s31 =	smul.u32 $0x5397829D, s29  }
0x4b: {  	v6 =	vsel vm2, s8, v6;
	v2 =	vsel vm4, s21, v2;
	s11 =	sshrl.u32 s30, $0x1F;
	s12 =	sadd.s32 s25, s24;
	v4 =	vsel vm5, s30, v4  }
0x4c: {  	v5 =	vcombine.low v6, v5;
	v2 =	vsel vm5, s11, v2;
	s13 =	sshrl.u32 s12, $0x1F;
	v4 =	vsel vm6, s12, v4;
	s1 =	sadd.s32 s31, s28  }
0x4d: {  	v1 =	vcombine.low v3, v1;
	v2 =	vsel vm6, s13, v2;
	s14 =	sshrl.u32 s1, $0x1F;
	v62 =	vsel vm7, s1, v4  }
0x4e: {  	v63 =	vperm.xlane v5, v13;
	v2 =	vsel vm7, s14, v2;
	v3 =	vperm.xlane v62, v18  }
0x4f: {  	v6 =	vld [tilespmem:$0x1FFB0];
	v1 =	vperm.xlane v1, v13;
	v2 =	vperm.xlane v2, v18  }
0x50: {  	v3 =	vsel vm8, v3, v63  }
0x51: {  	v1 =	vsel vm8, v2, v1;
	v5 =	vshra.s32 v3, $0x4  }
0x52: {  	v1 =	vadd.s32 v1, v5  }
0x53: {  	v2 =	vmul.u32 $0xFFFFFFCF, v1  }
0x54: {  	v3 =	vsub.s32 v6, v15  }
0x55: {  	vm10 =	vlt.s32 v0, $0x1;
	vm11 =	vne.s32 v2, v3  }
0x56: {  	v19 =	vimm.s32 $0x0;
	vm10 =	vmand vm10, vm11  }
0x57: {  	v7 =	vsel vm10, $0xFFFFFFFF, v19  }
0x58: {  	v14 =	vadd.s32 v7, v1  }
0x59: {  	v1 =	vmul.u32 $0xFFFFFFCF, v14;
	_ =	sdelay $0x1  }
0x5a: {  	v16 =	vadd.s32 v0, v1  }
0x5b: {  	(v2sf) =	vpush v16, $0xD  }
0x5c: {  	(v2sf) =	vpush v16, $0xC  }
0x5d: {  	(v2sf) =	vpush v16, $0xE  }
0x5e: {  	(v2sf) =	vpush v16, $0xF  }
0x5f: {  	(v2sf) =	vpush v16, $0x9  }
0x60: {  	(v2sf) =	vpush v16, $0x8  }
0x61: {  	(v2sf) =	vpush v16, $0xA  }
0x62: {  	(v2sf) =	vpush v16, $0xB  }
0x63: {  	(v2sf) =	vpush v16, $0x1  }
0x64: {  	(v2sf) =	vpush v16, $0x0  }
0x65: {  	v8 =	vld [tilespmem:$0x1FFA0];
	(v2sf) =	vpush v16, $0x2  }
0x66: {  	(v2sf) =	vpush v16, $0x3  }
0x67: {  	(v2sf) =	vpush v16, $0x4  }
0x68: {  	(v2sf) =	vpush v16, $0x5  }
0x69: {  	(v2sf) =	vpush v16, $0x6  }
0x6a: {  	v17 =	vadd.s32 v8, v15;
	s20 =	spop (v2sf);
	(v2sf) =	vpush v16, $0x7  }
0x6b: {  	s26 =	spop (v2sf);
	(v2sf) =	vpush v17, $0xD  }
0x6c: {  	s25 =	spop (v2sf)  }
0x6d: {  	(v2sf) =	vpush v17, $0xC;
	s24 =	spop (v2sf)  }
0x6e: {  	s29 =	sshra.s32 s20, $0x1F;
	s23 =	spop (v2sf)  }
0x6f: {  	s0 =	smul.u32 $0x92492493, s29;
	(v2sf) =	vpush v17, $0xE;
	s22 =	spop (v2sf)  }
0x70: {  	s21 =	spop (v2sf)  }
0x71: {  	s31 =	sshra.s32 s26, $0x1F;
	(v2sf) =	vpush v17, $0xF;
	[smem:$0x7F7] =	sst s0;
	s15 =	spop (v2sf)  }
0x72: {  	s0 =	smul.u32 $0x92492493, s31;
	s16 =	spop (v2sf)  }
0x73: {  	(v2sf) =	vpush v17, $0x9;
	s17 =	spop (v2sf)  }
0x74: {  	s4 =	sshra.s32 s25, $0x1F;
	[smem:$0x7F8] =	sst s0;
	s18 =	spop (v2sf)  }
0x75: {  	(v2sf) =	vpush v17, $0x8;
	s0 =	smul.u32 $0x92492493, s4;
	s19 =	spop (v2sf)  }
0x76: {  	(v2sf) =	vpush v17, $0xA;
	[smem:$0x7F6] =	sst s15;
	s28 =	spop (v2sf)  }
0x77: {  	(v2sf) =	vpush v17, $0xB;
	[smem:$0x7FA] =	sst s0;
	s30 =	spop (v2sf)  }
0x78: {  	[smem:$0x7F9] =	sst s16;
	s3 =	spop (v2sf)  }
0x79: {  	[smem:$0x7FB] =	sst s17;
	s5 =	spop (v2sf)  }
0x7a: {  	[dreg:$0x1e] =	wrdreg s18;
	s7 =	spop (v2sf)  }
0x7b: {  	[dreg:$0x15] =	wrdreg s30;
	(v2sf) =	vpush v17, $0x0;
	s29 =	smulhi.u32 $0x5397829D, s7;
	s0 =	sshra.s32 s7, $0x1F  }
0x7c: {  	s8 =	spop (v2sf);
	s31 =	smul.u32 $0x5397829D, s0  }
0x7d: {  	[dreg:$0x12] =	wrdreg s3;
	(v2sf) =	vpush v17, $0x1;
	s30 =	smulhi.u32 $0x5397829D, s8;
	s3 =	sshra.s32 s8, $0x1F  }
0x7e: {  	s11 =	spop (v2sf);
	s15 =	smul.u32 $0x5397829D, s3  }
0x7f: {  	[dreg:$0xf] =	wrdreg s5;
	(v2sf) =	vpush v17, $0x2;
	s16 =	smulhi.u32 $0x5397829D, s11;
	s5 =	sshra.s32 s11, $0x1F  }
0x80: {  	s12 =	spop (v2sf);
	s13 =	smul.u32 $0x5397829D, s5  }
0x81: {  	[dreg:$0x18] =	wrdreg s28;
	(v2sf) =	vpush v17, $0x3;
	s14 =	smulhi.u32 $0x5397829D, s12;
	s5 =	sshra.s32 s12, $0x1F  }
0x82: {  	s17 =	spop (v2sf);
	s28 =	smul.u32 $0x5397829D, s5  }
0x83: {  	[dreg:$0x1b] =	wrdreg s19;
	(v2sf) =	vpush v17, $0x4;
	s12 =	smulhi.u32 $0x5397829D, s17;
	s5 =	sshra.s32 s17, $0x1F  }
0x84: {  	s18 =	spop (v2sf);
	s4 =	smul.u32 $0x5397829D, s5  }
0x85: {  	s11 =	smulhi.u32 $0x5397829D, s18;
	s5 =	sshra.s32 s18, $0x1F;
	s19 =	spop (v2sf)  }
0x86: {  	s3 =	smul.u32 $0x5397829D, s5;
	s0 =	spop (v2sf);
	(v2sf) =	vpush v17, $0x5  }
0x87: {  	s7 =	smulhi.u32 $0x5397829D, s19;
	s5 =	sshra.s32 s19, $0x1F  }
0x88: {  	s1 =	smul.u32 $0x5397829D, s5  }
0x89: {  	s8 =	smulhi.u32 $0x5397829D, s0;
	s17 =	sshra.s32 s0, $0x1F  }
0x8a: {  	s19 =	sadd.s32 s31, s29;
	s0 =	smul.u32 $0x5397829D, s17;
	s18 =	spop (v2sf)  }
0x8b: {  	s31 =	sadd.s32 s15, s30;
	s15 =	smulhi.u32 $0x5397829D, s18;
	s29 =	sshra.s32 s18, $0x1F  }
0x8c: {  	s30 =	sadd.s32 s13, s16;
	s5 =	spop (v2sf);
	s16 =	smul.u32 $0x5397829D, s29  }
0x8d: {  	s29 =	sadd.s32 s28, s14;
	s28 =	smulhi.u32 $0x5397829D, s5;
	s13 =	sshra.s32 s5, $0x1F  }
0x8e: {  	s17 =	sadd.s32 s4, s12;
	s18 =	spop (v2sf);
	s12 =	smul.u32 $0x5397829D, s13  }
0x8f: {  	s14 =	sadd.s32 s3, s11;
	s3 =	smulhi.u32 $0x5397829D, s18;
	s4 =	sshra.s32 s18, $0x1F  }
0x90: {  	(v2sf) =	vpush v17, $0x6;
	s13 =	sadd.s32 s1, s7;
	s7 =	smul.u32 $0x5397829D, s4;
	s4 =	spop (v2sf)  }
0x91: {  	s18 =	sadd.s32 s0, s8;
	s5 =	smulhi.u32 $0x5397829D, s4;
	s11 =	sshra.s32 s4, $0x1F  }
0x92: {  	s15 =	sadd.s32 s16, s15;
	s1 =	spop (v2sf);
	s8 =	smul.u32 $0x5397829D, s11  }
0x93: {  	(v2sf) =	vpush v17, $0x7;
	s16 =	sadd.s32 s12, s28;
	s12 =	smulhi.u32 $0x5397829D, s1;
	s11 =	sshra.s32 s1, $0x1F  }
0x94: {  	s28 =	sshra.s32 s24, $0x1F;
	s4 =	sadd.s32 s7, s3;
	s3 =	smul.u32 $0x5397829D, s11  }
0x95: {  	s28 =	smul.u32 $0x92492493, s28;
	s1 =	sshra.s32 s23, $0x1F;
	s0 =	spop (v2sf)  }
0x96: {  	s5 =	sadd.s32 s8, s5;
	s7 =	sadd.s32 s3, s12;
	s3 =	sshra.s32 s22, $0x1F  }
0x97: {  	v20 =	vmov s31;
	s8 =	sshrl.u32 s30, $0x1F;
	s11 =	smul.u32 $0x92492493, s3;
	s3 =	sshrl.u32 s31, $0x1F  }
0x98: {  	v4 =	vsel vm0, s19, v20;
	s12 =	smul.u32 $0x92492493, s1;
	s1 =	sshra.s32 s21, $0x1F;
	v9 =	vmov s3;
	s3 =	sshrl.u32 s15, $0x1F  }
0x99: {  	v4 =	vsel vm1, s30, v4;
	[smem:$0x7FC] =	sst s11;
	s11 =	smul.u32 $0x92492493, s1;
	s1 =	sshrl.u32 s19, $0x1F  }
0x9a: {  	v12 =	vmov s15;
	s15 =	sshrl.u32 s5, $0x1F;
	v10 =	vmov s3;
	s3 =	sshrl.u32 s16, $0x1F;
	s19 =	sld [smem:$0x7F6];
	v0 =	vsel vm0, s1, v9  }
0x9b: {  	v21 =	vmov s14;
	v4 =	vsel vm2, s29, v4;
	s1 =	sshrl.u32 s14, $0x1F;
	[smem:$0x7FD] =	sst s11;
	v0 =	vsel vm1, s8, v0;
	s8 =	smulhi.u32 $0x5397829D, s0  }
0x9c: {  	v5 =	vsel vm0, s17, v21;
	v3 =	vnsel vm3, $0x0, v12;
	v1 =	vnsel vm3, $0x0, v10;
	s11 =	sshrl.u32 s29, $0x1F;
	s0 =	sshra.s32 s0, $0x1F;
	s29 =	smulhi.u32 $0x92492493, s22  }
0x9d: {  	v3 =	vsel vm0, s16, v3;
	v1 =	vsel vm0, s3, v1;
	s3 =	sshrl.u32 s17, $0x1F;
	v0 =	vsel vm2, s11, v0;
	s11 =	sshrl.u32 s4, $0x1F;
	s0 =	smul.u32 $0x5397829D, s0  }
0x9e: {  	v5 =	vsel vm1, s13, v5;
	v3 =	vsel vm1, s4, v3;
	s30 =	sshra.s32 s19, $0x1F;
	v1 =	vsel vm1, s11, v1;
	s11 =	sshrl.u32 s13, $0x1F;
	s13 =	smulhi.u32 $0x92492493, s26  }
0x9f: {  	v3 =	vsel vm2, s5, v3;
	v11 =	vmov s1;
	v1 =	vsel vm2, s15, v1;
	s15 =	spop (v2sf);
	s8 =	sadd.s32 s0, s8;
	s0 =	smul.u32 $0x92492493, s30  }
0xa0: {  	v3 =	vsel vm4, s7, v3;
	v2 =	vsel vm0, s3, v11;
	s3 =	sshrl.u32 s18, $0x1F;
	s1 =	smulhi.u32 $0x5397829D, s15  }
0xa1: {  	v2 =	vsel vm1, s11, v2;
	s15 =	sshra.s32 s15, $0x1F;
	v3 =	vsel vm5, s8, v3;
	s31 =	sshrl.u32 s8, $0x1F;
	s8 =	smulhi.u32 $0x92492493, s20  }
0xa2: {  	v2 =	vsel vm2, s3, v2;
	s16 =	spop (v2sf);
	s3 =	smul.u32 $0x5397829D, s15  }
0xa3: {  	s17 =	smulhi.u32 $0x5397829D, s16  }
0xa4: {  	s11 =	sshrl.u32 s7, $0x1F;
	s15 =	smulhi.u32 $0x92492493, s25  }
0xa5: {  	v1 =	vsel vm4, s11, v1;
	s4 =	sshra.s32 s16, $0x1F;
	s16 =	smulhi.u32 $0x92492493, s24  }
0xa6: {  	v5 =	vsel vm2, s18, v5;
	s18 =	sld [smem:$0x7F8];
	v1 =	vsel vm5, s31, v1;
	s31 =	smulhi.u32 $0x92492493, s21  }
0xa7: {  	s30 =	sld [smem:$0x7F7];
	s4 =	smul.u32 $0x5397829D, s4  }
0xa8: {  	s1 =	sadd.s32 s3, s1;
	s3 =	ssub.s32 s13, s26;
	s13 =	smulhi.u32 $0x92492493, s19  }
0xa9: {  	s5 =	ssub.s32 s16, s24;
	s24 =	sld [smem:$0x7FA];
	s7 =	sadd.s32 s4, s17  }
0xaa: {  	v4 =	vcombine.low v5, v4;
	v3 =	vsel vm6, s1, v3;
	s1 =	sshrl.u32 s1, $0x1F;
	s17 =	smulhi.u32 $0x92492493, s23;
	s4 =	ssub.s32 s8, s20  }
0xab: {  	v0 =	vcombine.low v2, v0;
	s3 =	sadd.s32 s18, s3;
	s20 =	smov.u32 s19;
	v1 =	vsel vm6, s1, v1;
	v22 =	vsel vm7, s7, v3;
	s11 =	sshrl.u32 s7, $0x1F  }
0xac: {  	v23 =	vperm.xlane v4, v13;
	s5 =	sadd.s32 s28, s5;
	s8 =	ssub.s32 s29, s22;
	s28 =	rddreg [dreg:$0x1e];
	v1 =	vsel vm7, s11, v1;
	v2 =	vperm.xlane v22, v18  }
0xad: {  	v25 =	vld [tilespmem:$0x1FFC0];
	v0 =	vperm.xlane v0, v13;
	s4 =	sadd.s32 s30, s4;
	s1 =	ssub.s32 s15, s25;
	s25 =	sld [smem:$0x7F9];
	v1 =	vperm.xlane v1, v18  }
0xae: {  	s29 =	sshra.s32 s28, $0x1F;
	s30 =	sld [smem:$0x7FC];
	s13 =	ssub.s32 s13, s20;
	v2 =	vsel vm8, v2, v23  }
0xaf: {  	s20 =	rddreg [dreg:$0x1b];
	s1 =	sadd.s32 s24, s1;
	s7 =	ssub.s32 s17, s23;
	v0 =	vsel vm8, v1, v0;
	v24 =	vshra.s32 v2, $0x4  }
0xb0: {  	s24 =	sld [smem:$0x7FB];
	s11 =	ssub.s32 s31, s21;
	s17 =	smulhi.u32 $0x92492493, s28;
	v0 =	vadd.s32 v0, v24  }
0xb1: {  	s23 =	smov.u32 s28;
	s31 =	sld [smem:$0x7FD];
	s18 =	smul.u32 $0x92492493, s29;
	v1 =	vmul.u32 $0xFFFFFFCF, v0  }
0xb2: {  	s22 =	smulhi.u32 $0x92492493, s20;
	s21 =	smov.u32 s20;
	s28 =	rddreg [dreg:$0x18];
	v2 =	vsub.s32 v25, v15  }
0xb3: {  	vm10 =	vlt.s32 v17, $0x1;
	s0 =	sadd.s32 s0, s13;
	s7 =	sadd.s32 s12, s7;
	s29 =	smulhi.u32 $0x92492493, s28;
	vm11 =	vne.s32 v1, v2  }
0xb4: {  	s14 =	smulhi.u32 $0x92492493, s25;
	s19 =	sshra.s32 s25, $0x1F;
	s8 =	sadd.s32 s30, s8;
	vm10 =	vmand vm10, vm11  }
0xb5: {  	s30 =	sshra.s32 s28, $0x1F;
	s17 =	ssub.s32 s17, s23;
	s15 =	smul.u32 $0x92492493, s19;
	v26 =	vsel vm10, $0xFFFFFFFF, v19  }
0xb6: {  	s16 =	smulhi.u32 $0x92492493, s24;
	s26 =	sshra.s32 s24, $0x1F;
	s11 =	sadd.s32 s31, s11;
	v15 =	vadd.s32 v26, v0  }
0xb7: {  	s31 =	sshra.s32 s20, $0x1F;
	s20 =	rddreg [dreg:$0x15];
	s12 =	smul.u32 $0x92492493, s26;
	v0 =	vmul.u32 $0xFFFFFFCF, v15  }
0xb8: {  	v30 =	vshll.u32 v14, $0x7;
	s28 =	ssub.s32 s29, s28;
	s25 =	ssub.s32 s14, s25;
	s14 =	smul.u32 $0x92492493, s31  }
0xb9: {  	v31 =	vor.u32 $0x1, v30;
	v32 =	vor.u32 $0x2, v30;
	s29 =	rddreg [dreg:$0x12];
	s23 =	smulhi.u32 $0x92492493, s20;
	s26 =	ssub.s32 s16, s24;
	v17 =	vadd.s32 v17, v0  }
0xba: {  	v27 =	vmov s3;
	v29 =	vmov s8;
	s24 =	sshra.s32 s20, $0x1F;
	s3 =	sadd.s32 s12, s26;
	s12 =	smul.u32 $0x92492493, s30;
	(v2sf) =	vpush v17, $0xD  }
0xbb: {  	v33 =	vor.u32 $0x3, v30;
	s31 =	sadd.s32 s15, s25;
	s26 =	ssub.s32 s22, s21;
	s13 =	smul.u32 $0x92492493, s24;
	v28 =	vmov s3;
	v2 =	vsel vm0, s7, v29  }
0xbc: {  	s30 =	smulhi.u32 $0x92492493, s29;
	s8 =	sadd.s32 s14, s26;
	s14 =	rddreg [dreg:$0xf];
	v1 =	vnsel vm3, $0x0, v28;
	v0 =	vsel vm0, s4, v27;
	(v2sf) =	vpush v17, $0xC  }
0xbd: {  	s25 =	smov.u32 s20;
	s15 =	smulhi.u32 $0x92492493, s14;
	v1 =	vsel vm0, s31, v1;
	v0 =	vsel vm1, s1, v0;
	s1 =	sadd.s32 s18, s17;
	(v2sf) =	vpush v17, $0xE  }
0xbe: {  	v2 =	vsel vm1, s11, v2;
	s31 =	sshra.s32 s29, $0x1F;
	s4 =	sadd.s32 s12, s28;
	s12 =	ssub.s32 s23, s25;
	v1 =	vsel vm1, s1, v1;
	(v2sf) =	vpush v17, $0xF  }
0xbf: {  	v2 =	vsel vm2, s0, v2;
	s11 =	smul.u32 $0x92492493, s31;
	s17 =	sshra.s32 s14, $0x1F;
	s0 =	sadd.s32 s13, s12;
	v1 =	vsel vm2, s8, v1;
	(v2sf) =	vpush v17, $0x9  }
0xc0: {  	s18 =	ssub.s32 s30, s29;
	s3 =	smul.u32 $0x92492493, s17;
	s17 =	simm.s32 $0x0;
	v1 =	vsel vm4, s4, v1  }
0xc1: {  	v0 =	vsel vm2, s5, v0;
	s19 =	sadd.s32 s11, s18;
	s1 =	ssub.s32 s15, s14;
	v3 =	vld.idx.msk [tilespmem:v30+s17+$0x0], $0xffff;
	v1 =	vsel vm5, s0, v1  }
0xc2: {  	v0 =	vcombine.low v2, v0;
	v35 =	vld.idx.msk [tilespmem:v32+s17+$0x0], $0xffff;
	s20 =	sadd.s32 s3, s1;
	(v2sf) =	vpush v17, $0x8;
	v1 =	vsel vm6, s19, v1  }
0xc3: {  	v34 =	vld.idx.msk [tilespmem:v31+s17+$0x0], $0xffff;
	v1 =	vsel vm7, s20, v1  }
0xc4: {  	v5 =	vld.idx.msk [tilespmem:v33+s17+$0x0], $0xffff;
	v0 =	vperm.xlane v0, v13;
	(v2sf) =	vpush v17, $0xA;
	v1 =	vperm.xlane v1, v18;
	_ =	sdelay $0x1  }
0xc5: {  	(v2sf) =	vpush v17, $0xB;
	v0 =	vsel vm8, v1, v0  }
0xc6: {  	v2 =	vsub.f32 v35, v3;
	v0 =	vadd.s32 v16, v0  }
0xc7: {  	(v2sf) =	vpush v17, $0x1;
	v36 =	vshrl.u32 v0, $0x1F;
	v0 =	vshra.s32 v0, $0x2  }
0xc8: {  	v38 =	vsub.f32 v5, v34;
	(v2sf) =	vpush v17, $0x0;
	v0 =	vadd.s32 v36, v0;
	s21 =	spop (v2sf)  }
0xc9: {  	v46 =	vimm.f32 $2.929687500e-02;
	v58 =	vimm.s32 $0xF;
	v4 =	vmul.u32 $0xFFFFFFF9, v0;
	s22 =	smulhi.u32 $0x92492493, s21;
	s23 =	sshra.s32 s21, $0x1F  }
0xca: {  	v37 =	vsub.s32 $0x0, v16;
	v20 =	vimm.s32 $0xA800;
	v40 =	vmul.f32 v38, v2;
	s24 =	spop (v2sf);
	s3 =	smul.u32 $0x92492493, s23  }
0xcb: {  	vm10 =	vlt.s32 v16, $0x1;
	vm11 =	vne.s32 v4, v37;
	s25 =	smulhi.u32 $0x92492493, s24;
	s26 =	sshra.s32 s24, $0x1F;
	s28 =	spop (v2sf);
	(v2sf) =	vpush v17, $0x2  }
0xcc: {  	v21 =	vimm.s32 $0x4;
	vm10 =	vmand vm10, vm11;
	vm11 =	vge.f32 v40, $2.508800000e+04;
	s29 =	spop (v2sf);
	s0 =	ssub.s32 s22, s21;
	s30 =	smul.u32 $0x92492493, s26  }
0xcd: {  	v39 =	vsel vm10, $0xFFFFFFFF, v19;
	vm10 =	vge.f32 v40, $6.272000000e+03;
	s31 =	smulhi.u32 $0x92492493, s28;
	s13 =	sshra.s32 s28, $0x1F;
	s14 =	spop (v2sf);
	(v2sf) =	vpush v17, $0x3  }
0xce: {  	s12 =	simm.s32 $0x1000;
	v8 =	vsel vm11, $0x1, v19;
	v0 =	vadd.s32 v39, v0;
	v7 =	vsel vm10, $0x1, v19;
	s3 =	sadd.s32 s3, s0;
	s16 =	smul.u32 $0x92492493, s13  }
0xcf: {  	vm10 =	vge.f32 v40, $1.003520000e+05;
	s15 =	ssub.s32 s25, s24;
	s18 =	smulhi.u32 $0x92492493, s29;
	s19 =	sshra.s32 s29, $0x1F;
	v41 =	vmul.u32 $0xFFFFFFF9, v0;
	v42 =	vadd.s32 v8, v7  }
0xd0: {  	v43 =	vsel vm10, $0x1, v19;
	v0 =	vcvt.s32.f32 v0;
	s20 =	spop (v2sf);
	(v2sf) =	vpush v17, $0x4;
	s1 =	sadd.s32 s30, s15;
	s21 =	smul.u32 $0x92492493, s19  }
0xd1: {  	v63 =	vshll.u32 v15, $0x7;
	s7 =	ssub.s32 s31, s28;
	s22 =	smulhi.u32 $0x92492493, s14;
	s23 =	sshra.s32 s14, $0x1F;
	v5 =	vadd.s32 v43, v42;
	(v2sf) =	vpush v17, $0x5  }
0xd2: {  	s24 =	spop (v2sf);
	s4 =	sadd.s32 s16, s7;
	s25 =	smul.u32 $0x92492493, s23;
	v44 =	vmov s1;
	v6 =	vadd.s32 v16, v41;
	v0 =	vmul.f32 $1.666666720e-01, v0  }
0xd3: {  	s5 =	ssub.s32 s18, s29;
	s26 =	smulhi.u32 $0x92492493, s20;
	s28 =	sshra.s32 s20, $0x1F;
	vm10 =	veq.s32 v5, $0x1;
	vm11 =	veq.s32 v5, $0x2;
	vm12 =	veq.s32 v5, $0x0  }
0xd4: {  	s0 =	spop (v2sf);
	s5 =	sadd.s32 s21, s5;
	s30 =	smul.u32 $0x92492493, s28;
	v45 =	vsel vm0, s3, v44;
	(v2sf) =	vpush v17, $0x6;
	v6 =	vcvt.s32.f32 v6  }
0xd5: {  	s29 =	ssub.s32 s22, s14;
	s31 =	smulhi.u32 $0x92492493, s24;
	s13 =	sshra.s32 s24, $0x1F;
	v47 =	vsel vm11, $0x3D780000, v46;
	v53 =	vsel vm11, $0xA000, v20;
	v59 =	vsel vm11, $0x1F, v58  }
0xd6: {  	v9 =	vsel vm11, $0x5, v21;
	s15 =	spop (v2sf);
	s7 =	sadd.s32 s25, s29;
	s1 =	smul.u32 $0x92492493, s13;
	v0 =	vmul.f32 v0, v38;
	v48 =	vsel vm1, s4, v45  }
0xd7: {  	v55 =	vld.idx.msk [tilespmem:v14+s12+$0x0], $0xffff;
	s19 =	ssub.s32 s26, s20;
	v49 =	vsel vm10, $0x3DFC0000, v47;
	(v2sf) =	vpush v17, $0x7;
	s18 =	spop (v2sf);
	v6 =	vmul.f32 $1.666666720e-01, v6;
	s23 =	smulhi.u32 $0x92492493, s15  }
0xd8: {  	v7 =	vsel vm10, $0x8000, v53;
	v8 =	vsel vm10, $0x3F, v59;
	v9 =	vsel vm10, $0x6, v9;
	s3 =	ssub.s32 s31, s24;
	s24 =	sshra.s32 s15, $0x1F;
	s20 =	smulhi.u32 $0x92492493, s18  }
0xd9: {  	s4 =	sadd.s32 s30, s19;
	v50 =	vsel vm2, s5, v48;
	s21 =	sshra.s32 s18, $0x1F;
	v0 =	vadd.f32 v0, v34;
	s28 =	smul.u32 $0x92492493, s24;
	v2 =	vmul.f32 v6, v2  }
0xda: {  	v5 =	vsel vm12, $0x3E7E0000, v49;
	v7 =	vsel vm12, $0x0, v7;
	v9 =	vsel vm12, $0x7, v9;
	s22 =	smul.u32 $0x92492493, s21;
	s5 =	ssub.s32 s23, s15;
	s26 =	spop (v2sf)  }
0xdb: {  	v51 =	vmov s4;
	s11 =	ssub.s32 s20, s18;
	v0 =	vmul.f32 v0, v5;
	v2 =	vadd.f32 v2, v3;
	s29 =	smulhi.u32 $0x92492493, s26;
	s30 =	sshra.s32 s26, $0x1F  }
0xdc: {  	v8 =	vsel vm12, $0x7F, v8;
	v4 =	vsel vm0, s7, v51;
	v6 =	vshll.u32 v55, v9;
	s25 =	sadd.s32 s22, s11;
	s31 =	spop (v2sf);
	s7 =	smul.u32 $0x92492493, s30  }
0xdd: {  	s5 =	sadd.s32 s28, s5;
	v52 =	vmov s25;
	v56 =	vtrunc.f32 v0;
	v2 =	vmul.f32 v2, v5;
	s13 =	smulhi.u32 $0x92492493, s31  }
0xde: {  	v6 =	vshll.u32 v6, v9;
	v54 =	vnsel vm3, $0x0, v52;
	v57 =	vcvt.f32.s32 v56;
	s4 =	ssub.s32 s29, s26;
	s14 =	sshra.s32 s31, $0x1F;
	s26 =	smulhi.u32 $0x92492493, s0  }
0xdf: {  	v6 =	vadd.s32 v7, v6;
	v3 =	vsel vm0, s5, v54;
	v10 =	vtrunc.f32 v2;
	s15 =	spop (v2sf);
	s8 =	smul.u32 $0x92492493, s14  }
0xe0: {  	s28 =	sshra.s32 s0, $0x1F;
	vm10 =	vlt.s32 v57, v8;
	v11 =	vadd.s32 $0x1, v57;
	v5 =	vcvt.s32.f32 v57;
	s18 =	smulhi.u32 $0x92492493, s15  }
0xe1: {  	v10 =	vcvt.f32.s32 v10;
	v12 =	vsel vm10, v57, v8;
	vm10 =	vlt.s32 v11, v8;
	s4 =	sadd.s32 s7, s4;
	s19 =	sshra.s32 s15, $0x1F;
	s7 =	smul.u32 $0x92492493, s28  }
0xe2: {  	v11 =	vsel vm10, v11, v8;
	v12 =	vshll.u32 v12, v9;
	v0 =	vsub.f32 v0, v5;
	s20 =	spop (v2sf);
	s11 =	smul.u32 $0x92492493, s19  }
0xe3: {  	v60 =	vadd.s32 $0x1, v10;
	vm10 =	vlt.s32 v10, v8;
	v12 =	vadd.s32 v6, v12;
	s16 =	ssub.s32 s13, s31;
	s22 =	smulhi.u32 $0x92492493, s20;
	s23 =	sshra.s32 s20, $0x1F  }
0xe4: {  	v9 =	vshll.u32 v11, v9;
	vm11 =	vlt.s32 v60, v8;
	v3 =	vsel vm1, s4, v3;
	s4 =	sadd.s32 s8, s16;
	s21 =	ssub.s32 s18, s15;
	s25 =	smul.u32 $0x92492493, s23  }
0xe5: {  	s29 =	spop (v2sf);
	v7 =	vsel vm11, v60, v8;
	v8 =	vsel vm10, v10, v8;
	v3 =	vsel vm2, s4, v3;
	s24 =	sadd.s32 s11, s21;
	s5 =	ssub.s32 s22, s20  }
0xe6: {  	v6 =	vadd.s32 v6, v9;
	[tilespmem:$0x1200] =	vst v0;
	s30 =	smulhi.u32 $0x92492493, s29;
	s31 =	sshra.s32 s29, $0x1F;
	v61 =	vadd.s32 v8, v12;
	v3 =	vsel vm4, s24, v3;
	s4 =	sadd.s32 s25, s5  }
0xe7: {  	s1 =	sadd.s32 s1, s3;
	s0 =	ssub.s32 s26, s0;
	v10 =	vcvt.s32.f32 v10;
	v62 =	vadd.s32 v12, v7;
	[tilespmem:$0x1080] =	vst v61;
	v3 =	vsel vm5, s4, v3;
	s4 =	smul.u32 $0x92492493, s31  }
0xe8: {  	v22 =	vor.u32 $0x2, v63;
	v4 =	vsel vm1, s1, v4;
	s0 =	sadd.s32 s7, s0;
	s7 =	spop (v2sf);
	v8 =	vadd.s32 v8, v6;
	[tilespmem:$0x10A0] =	vst v62;
	s1 =	ssub.s32 s30, s29  }
0xe9: {  	v6 =	vadd.s32 v7, v6;
	v12 =	vor.u32 $0x1, v63;
	s8 =	smulhi.u32 $0x92492493, s7;
	s11 =	sshra.s32 s7, $0x1F;
	v2 =	vsub.f32 v2, v10;
	[tilespmem:$0x10C0] =	vst v8;
	s1 =	sadd.s32 s4, s1  }
0xea: {  	v24 =	vor.u32 $0x3, v63;
	[tilespmem:$0x10E0] =	vst v6;
	v3 =	vsel vm6, s1, v3;
	s1 =	smul.u32 $0x92492493, s11  }
0xeb: {  	v4 =	vsel vm2, s0, v4;
	s0 =	ssub.s32 s8, s7;
	[tilespmem:$0x1180] =	vst v2  }
0xec: {  	v1 =	vcombine.low v4, v50;
	v26 =	vld.idx.msk [tilespmem:v63+s17+$0x0], $0xffff;
	s0 =	sadd.s32 s1, s0  }
0xed: {  	v5 =	vld.idx.msk [tilespmem:v22+s17+$0x0], $0xffff;
	v3 =	vsel vm7, s0, v3  }
0xee: {  	v1 =	vperm.xlane v1, v13;
	v27 =	vld.idx.msk [tilespmem:v12+s17+$0x0], $0xffff;
	v23 =	vperm.xlane v3, v18  }
0xef: {  	v3 =	vld.idx.msk [tilespmem:v24+s17+$0x0], $0xffff  }
0xf0: {  	v25 =	vsel vm8, v23, v1  }
0xf1: {  	v0 =	vadd.s32 v17, v25  }
0xf2: {  	v28 =	vshrl.u32 v0, $0x1F;
	v0 =	vshra.s32 v0, $0x2  }
0xf3: {  	v0 =	vadd.s32 v28, v0  }
0xf4: {  	v5 =	vsub.f32 v5, v26;
	v3 =	vsub.f32 v3, v27;
	v4 =	vmul.u32 $0xFFFFFFF9, v0  }
0xf5: {  	v29 =	vsub.s32 $0x0, v17  }
0xf6: {  	vm10 =	vlt.s32 v17, $0x1;
	v31 =	vmul.f32 v3, v5;
	vm11 =	vne.s32 v4, v29  }
0xf7: {  	vm10 =	vmand vm10, vm11  }
0xf8: {  	v44 =	vld [tilespmem:$0x1080];
	v30 =	vsel vm10, $0xFFFFFFFF, v19;
	vm10 =	vge.f32 v31, $6.272000000e+03  }
0xf9: {  	v0 =	vadd.s32 v30, v0;
	v32 =	vsel vm10, $0x1, v19;
	vm10 =	vge.f32 v31, $2.508800000e+04  }
0xfa: {  	v4 =	vmul.u32 $0xFFFFFFF9, v0;
	v0 =	vcvt.s32.f32 v0;
	v33 =	vsel vm10, $0x1, v19  }
0xfb: {  	vm10 =	vge.f32 v31, $1.003520000e+05;
	v34 =	vadd.s32 v33, v32  }
0xfc: {  	v35 =	vsel vm10, $0x1, v19;
	v4 =	vadd.s32 v17, v4;
	v0 =	vmul.f32 $1.666666720e-01, v0  }
0xfd: {  	v48 =	vshll.u32 v44, $0x1;
	v6 =	vadd.s32 v35, v34;
	v4 =	vcvt.s32.f32 v4  }
0xfe: {  	v8 =	vand.u32 $0x7, v44;
	vm10 =	veq.s32 v6, $0x2;
	v0 =	vmul.f32 v3, v0  }
0xff: {  	vm11 =	veq.s32 v6, $0x1;
	v36 =	vsel vm10, $0x3D780000, v46;
	v4 =	vmul.f32 $1.666666720e-01, v4  }
0x100: {  	v39 =	vld.idx.msk [tilespmem:v15+s12+$0x0], $0xffff;
	vm12 =	veq.s32 v6, $0x0;
	v3 =	vsel vm11, $0x3DFC0000, v36;
	v0 =	vadd.f32 v0, v27  }
0x101: {  	v38 =	vsel vm10, $0xA000, v20;
	v37 =	vsel vm12, $0x3E7E0000, v3;
	v4 =	vmul.f32 v4, v5  }
0x102: {  	v41 =	vsel vm10, $0x1F, v58;
	v42 =	vsel vm10, $0x5, v21;
	v0 =	vmul.f32 v37, v0  }
0x103: {  	v6 =	vsel vm11, $0x6, v42;
	v3 =	vsel vm11, $0x8000, v38;
	v1 =	vadd.f32 v4, v26  }
0x104: {  	v6 =	vsel vm12, $0x7, v6;
	v5 =	vsel vm11, $0x3F, v41;
	v40 =	vtrunc.f32 v0  }
0x105: {  	v4 =	vshll.u32 v39, v6;
	v1 =	vmul.f32 v37, v1;
	v2 =	vcvt.f32.s32 v40  }
0x106: {  	v3 =	vsel vm12, $0x0, v3;
	v5 =	vsel vm12, $0x7F, v5;
	v4 =	vshll.u32 v4, v6  }
0x107: {  	v43 =	vtrunc.f32 v1;
	vm10 =	vlt.s32 v2, v5;
	v46 =	vadd.s32 $0x1, v2  }
0x108: {  	v50 =	vld [tilespmem:$0x1FFD0];
	v7 =	vcvt.f32.s32 v43;
	v45 =	vsel vm10, v2, v5;
	vm10 =	vlt.s32 v46, v5  }
0x109: {  	v52 =	vld [tilespmem:$0x1FFE0];
	v3 =	vadd.s32 v3, v4;
	v2 =	vcvt.s32.f32 v2;
	v10 =	vsel vm10, v46, v5  }
0x10a: {  	v54 =	vld [tilespmem:$0x1FFF0];
	v9 =	vshll.u32 v45, v6;
	v47 =	vadd.s32 $0x1, v7;
	vm10 =	vlt.s32 v7, v5  }
0x10b: {  	v6 =	vshll.u32 v10, v6;
	v10 =	vand.u32 $0xFFFFFFF0, v48;
	v9 =	vadd.s32 v3, v9  }
0x10c: {  	v0 =	vsub.f32 v0, v2;
	vm11 =	vlt.s32 v47, v5;
	v8 =	vor.u32 v8, v10  }
0x10d: {  	v4 =	vsel vm11, v47, v5;
	v5 =	vsel vm10, v7, v5;
	v10 =	vperm.xlane v8, v50  }
0x10e: {  	v3 =	vadd.s32 v3, v6;
	v7 =	vcvt.s32.f32 v7;
	[tilespmem:$0x1210] =	vst v0;
	v49 =	vadd.s32 v5, v9  }
0x10f: {  	v8 =	vperm.xlane v8, v54;
	v51 =	vadd.s32 v4, v9;
	[tilespmem:$0x1090] =	vst v49;
	v53 =	vadd.s32 v52, v10  }
0x110: {  	v5 =	vadd.s32 v5, v3;
	[tilespmem:$0x10B0] =	vst v51  }
0x111: {  	v3 =	vadd.s32 v4, v3;
	v1 =	vsub.f32 v1, v7;
	[tilespmem:$0x10D0] =	vst v5;
	v55 =	vadd.s32 v52, v8  }
0x112: {  	[tilespmem:$0x10F0] =	vst v3  }
0x113: {  	s14 =	simm.s32 $0x1380;
	s13 =	rddreg [dreg:$0x0];
	[tilespmem:$0x1190] =	vst v1  }
0x114: {  	[tilespmem:s14], [sflag:$0x1] =	stream.indirect_vreg.gather [hbm4b:s13+s17], $0x80, v53, vm9, $0xb8;
	[tilespmem:$0x13380] =	vst v63  }
0x115: {  	s15 =	simm.s32 $0x1B80  }
0x116: {  	[tilespmem:s15], [sflag:$0x1] =	stream.indirect_vreg.gather [hbm4b:s13+s17], $0x80, v55, vm9, $0xb8;
	[tilespmem:$0x13380] =	vst v63  }
0x117: {  	v56 =	vld [tilespmem:$0x1090];
	_ =	sdelay $0x4  }
0x118: {  	v57 =	vshll.u32 v56, $0x1  }
0x119: {  	v0 =	vand.u32 $0x7, v56;
	v1 =	vand.u32 $0xFFFFFFF0, v57  }
0x11a: {  	v0 =	vor.u32 v0, v1  }
0x11b: {  	v1 =	vperm.xlane v0, v50;
	_ =	sdelay $0x1  }
0x11c: {  	v0 =	vperm.xlane v0, v54;
	v1 =	vadd.s32 v52, v1;
	_ =	sdelay $0x1  }
0x11d: {  	v0 =	vadd.s32 v52, v0;
	_ =	sdelay $0x1  }
0x11e: {  	s16 =	simm.s32 $0x2380  }
0x11f: {  	[tilespmem:s16], [sflag:$0x1] =	stream.indirect_vreg.gather [hbm4b:s13+s17], $0x80, v1, vm9, $0xb8;
	[tilespmem:$0x13380] =	vst v63  }
0x120: {  	s18 =	simm.s32 $0x2B80  }
0x121: {  	[tilespmem:s18], [sflag:$0x1] =	stream.indirect_vreg.gather [hbm4b:s13+s17], $0x80, v0, vm9, $0xb8;
	[tilespmem:$0x13380] =	vst v63  }
0x122: {  	v0 =	vld [tilespmem:$0x10A0];
	_ =	sdelay $0x4  }
0x123: {  	v58 =	vshll.u32 v0, $0x1  }
0x124: {  	v0 =	vand.u32 $0x7, v0;
	v1 =	vand.u32 $0xFFFFFFF0, v58  }
0x125: {  	v0 =	vor.u32 v0, v1  }
0x126: {  	v1 =	vperm.xlane v0, v50;
	_ =	sdelay $0x1  }
0x127: {  	v0 =	vperm.xlane v0, v54;
	v1 =	vadd.s32 v52, v1;
	_ =	sdelay $0x1  }
0x128: {  	v0 =	vadd.s32 v52, v0;
	_ =	sdelay $0x1  }
0x129: {  	s19 =	simm.s32 $0x3380  }
0x12a: {  	[tilespmem:s19], [sflag:$0x1] =	stream.indirect_vreg.gather [hbm4b:s13+s17], $0x80, v1, vm9, $0xb8;
	[tilespmem:$0x13380] =	vst v63  }
0x12b: {  	s20 =	simm.s32 $0x3B80  }
0x12c: {  	[tilespmem:s20], [sflag:$0x1] =	stream.indirect_vreg.gather [hbm4b:s13+s17], $0x80, v0, vm9, $0xb8;
	[tilespmem:$0x13380] =	vst v63  }
0x12d: {  	v0 =	vld [tilespmem:$0x10B0];
	_ =	sdelay $0x4  }
0x12e: {  	v59 =	vshll.u32 v0, $0x1  }
0x12f: {  	v0 =	vand.u32 $0x7, v0;
	v1 =	vand.u32 $0xFFFFFFF0, v59  }
0x130: {  	v0 =	vor.u32 v0, v1  }
0x131: {  	v1 =	vperm.xlane v0, v50;
	_ =	sdelay $0x1  }
0x132: {  	v0 =	vperm.xlane v0, v54;
	v1 =	vadd.s32 v52, v1;
	_ =	sdelay $0x1  }
0x133: {  	v0 =	vadd.s32 v52, v0;
	_ =	sdelay $0x1  }
0x134: {  	s21 =	simm.s32 $0x4380  }
0x135: {  	[tilespmem:s21], [sflag:$0x1] =	stream.indirect_vreg.gather [hbm4b:s13+s17], $0x80, v1, vm9, $0xb8;
	[tilespmem:$0x13380] =	vst v63  }
0x136: {  	s22 =	simm.s32 $0x4B80  }
0x137: {  	[tilespmem:s22], [sflag:$0x1] =	stream.indirect_vreg.gather [hbm4b:s13+s17], $0x80, v0, vm9, $0xb8;
	[tilespmem:$0x13380] =	vst v63  }
0x138: {  	v0 =	vld [tilespmem:$0x10C0];
	_ =	sdelay $0x4  }
0x139: {  	v60 =	vshll.u32 v0, $0x1  }
0x13a: {  	v0 =	vand.u32 $0x7, v0;
	v1 =	vand.u32 $0xFFFFFFF0, v60  }
0x13b: {  	v0 =	vor.u32 v0, v1  }
0x13c: {  	v1 =	vperm.xlane v0, v50;
	_ =	sdelay $0x1  }
0x13d: {  	v0 =	vperm.xlane v0, v54;
	v1 =	vadd.s32 v52, v1;
	_ =	sdelay $0x1  }
0x13e: {  	v0 =	vadd.s32 v52, v0;
	_ =	sdelay $0x1  }
0x13f: {  	s23 =	simm.s32 $0x5380  }
0x140: {  	[tilespmem:s23], [sflag:$0x1] =	stream.indirect_vreg.gather [hbm4b:s13+s17], $0x80, v1, vm9, $0xb8;
	[tilespmem:$0x13380] =	vst v63  }
0x141: {  	s24 =	simm.s32 $0x5B80  }
0x142: {  	[tilespmem:s24], [sflag:$0x1] =	stream.indirect_vreg.gather [hbm4b:s13+s17], $0x80, v0, vm9, $0xb8;
	[tilespmem:$0x13380] =	vst v63  }
0x143: {  	v0 =	vld [tilespmem:$0x10D0];
	_ =	sdelay $0x4  }
0x144: {  	v61 =	vshll.u32 v0, $0x1  }
0x145: {  	v0 =	vand.u32 $0x7, v0;
	v1 =	vand.u32 $0xFFFFFFF0, v61  }
0x146: {  	v0 =	vor.u32 v0, v1  }
0x147: {  	v1 =	vperm.xlane v0, v50;
	_ =	sdelay $0x1  }
0x148: {  	v0 =	vperm.xlane v0, v54;
	v1 =	vadd.s32 v52, v1;
	_ =	sdelay $0x1  }
0x149: {  	v0 =	vadd.s32 v52, v0;
	_ =	sdelay $0x1  }
0x14a: {  	s25 =	simm.s32 $0x6380  }
0x14b: {  	[tilespmem:s25], [sflag:$0x1] =	stream.indirect_vreg.gather [hbm4b:s13+s17], $0x80, v1, vm9, $0xb8;
	[tilespmem:$0x13380] =	vst v63  }
0x14c: {  	s26 =	simm.s32 $0x6B80  }
0x14d: {  	[tilespmem:s26], [sflag:$0x1] =	stream.indirect_vreg.gather [hbm4b:s13+s17], $0x80, v0, vm9, $0xb8;
	[tilespmem:$0x13380] =	vst v63  }
0x14e: {  	v0 =	vld [tilespmem:$0x10E0];
	_ =	sdelay $0x4  }
0x14f: {  	v62 =	vshll.u32 v0, $0x1  }
0x150: {  	v0 =	vand.u32 $0x7, v0;
	v1 =	vand.u32 $0xFFFFFFF0, v62  }
0x151: {  	v0 =	vor.u32 v0, v1  }
0x152: {  	v1 =	vperm.xlane v0, v50;
	_ =	sdelay $0x1  }
0x153: {  	v0 =	vperm.xlane v0, v54;
	v1 =	vadd.s32 v52, v1;
	_ =	sdelay $0x1  }
0x154: {  	v0 =	vadd.s32 v52, v0;
	_ =	sdelay $0x1  }
0x155: {  	s28 =	simm.s32 $0x7380  }
0x156: {  	[tilespmem:s28], [sflag:$0x1] =	stream.indirect_vreg.gather [hbm4b:s13+s17], $0x80, v1, vm9, $0xb8;
	[tilespmem:$0x13380] =	vst v63  }
0x157: {  	s29 =	simm.s32 $0x7B80  }
0x158: {  	[tilespmem:s29], [sflag:$0x1] =	stream.indirect_vreg.gather [hbm4b:s13+s17], $0x80, v0, vm9, $0xb8;
	[tilespmem:$0x13380] =	vst v63  }
0x159: {  	v0 =	vld [tilespmem:$0x10F0];
	_ =	sdelay $0x4  }
0x15a: {  	v63 =	vshll.u32 v0, $0x1  }
0x15b: {  	v0 =	vand.u32 $0x7, v0;
	v1 =	vand.u32 $0xFFFFFFF0, v63  }
0x15c: {  	v0 =	vor.u32 v0, v1  }
0x15d: {  	v1 =	vperm.xlane v0, v50;
	_ =	sdelay $0x1  }
0x15e: {  	v0 =	vperm.xlane v0, v54;
	v1 =	vadd.s32 v52, v1;
	_ =	sdelay $0x1  }
0x15f: {  	v0 =	vadd.s32 v52, v0;
	_ =	sdelay $0x1  }
0x160: {  	s30 =	simm.s32 $0x8380  }
0x161: {  	[tilespmem:s30], [sflag:$0x1] =	stream.indirect_vreg.gather [hbm4b:s13+s17], $0x80, v1, vm9, $0xb8;
	[tilespmem:$0x13380] =	vst v63  }
0x162: {  	s31 =	simm.s32 $0x8B80;
	s1 =	rddreg [dreg:$0xc]  }
0x163: {  	[tilespmem:s31], [sflag:$0x1] =	stream.indirect_vreg.gather [hbm4b:s13+s17], $0x80, v0, vm9, $0xb8;
	[tilespmem:$0x13380] =	vst v63  }
.LBB2_4:
0x164: {  	s0 =	simm.s32 $0x1  }
0x165: {  	_ =	swait.ge [sflag:s0], $0x8000  }
0x166: {  	[sflag:s0] =	ssyncset.done $0x0  }
0x167: {  	[sflag:s0] =	ssyncadd.s32 $0xFFFF8000  }
0x168: {  	v0 =	vld [tilespmem:$0x1000];
	_ =	sdelay $0x4  }
0x169: {  	s29 =	sshll.u32 s1, $0x6;
	v1 =	vshra.s32 v0, $0x1F  }
0x16a: {  	s17 =	sor.u32 $0x20, s29;
	v16 =	vand.u32 v1, v0  }
0x16b: {  	v8 =	vlaneseq.u32;
	v3 =	vadd.s32 s17, v16  }
0x16c: {  	v0 =	vadd.s32 v8, v3  }
0x16d: {  	(v2sf) =	vpush v0, $0xD;
	_ =	sdelay $0x1  }
0x16e: {  	(v2sf) =	vpush v0, $0xC;
	_ =	sdelay $0x1  }
0x16f: {  	(v2sf) =	vpush v0, $0xE;
	_ =	sdelay $0x1  }
0x170: {  	(v2sf) =	vpush v0, $0xF;
	_ =	sdelay $0x1  }
0x171: {  	(v2sf) =	vpush v0, $0x9;
	_ =	sdelay $0x1  }
0x172: {  	(v2sf) =	vpush v0, $0x8;
	_ =	sdelay $0x1  }
0x173: {  	(v2sf) =	vpush v0, $0xA;
	_ =	sdelay $0x1  }
0x174: {  	(v2sf) =	vpush v0, $0xB  }
0x175: {  	s18 =	spop (v2sf)  }
0x176: {  	(v2sf) =	vpush v0, $0x0;
	s19 =	smulhi.u32 $0x5397829D, s18;
	s0 =	sshra.s32 s18, $0x1F  }
0x177: {  	s3 =	spop (v2sf);
	s0 =	smul.u32 $0x5397829D, s0  }
0x178: {  	(v2sf) =	vpush v0, $0x1;
	s4 =	smulhi.u32 $0x5397829D, s3;
	s3 =	sshra.s32 s3, $0x1F  }
0x179: {  	s5 =	spop (v2sf);
	s3 =	smul.u32 $0x5397829D, s3  }
0x17a: {  	(v2sf) =	vpush v0, $0x2;
	s7 =	smulhi.u32 $0x5397829D, s5;
	s5 =	sshra.s32 s5, $0x1F  }
0x17b: {  	s21 =	spop (v2sf);
	s20 =	smul.u32 $0x5397829D, s5  }
0x17c: {  	(v2sf) =	vpush v0, $0x3;
	s8 =	smulhi.u32 $0x5397829D, s21;
	s11 =	sshra.s32 s21, $0x1F  }
0x17d: {  	s23 =	spop (v2sf);
	s22 =	smul.u32 $0x5397829D, s11  }
0x17e: {  	[dreg:$0xd] =	wrdreg s17;
	(v2sf) =	vpush v0, $0x4;
	s24 =	smulhi.u32 $0x5397829D, s23;
	s14 =	sshra.s32 s23, $0x1F  }
0x17f: {  	s5 =	sadd.s32 s3, s4;
	s26 =	spop (v2sf);
	s25 =	smul.u32 $0x5397829D, s14  }
0x180: {  	(v2sf) =	vpush v0, $0x5;
	s3 =	sadd.s32 s20, s7;
	s15 =	smulhi.u32 $0x5397829D, s26;
	s7 =	sshra.s32 s26, $0x1F  }
0x181: {  	s0 =	sadd.s32 s0, s19;
	s28 =	spop (v2sf);
	s7 =	smul.u32 $0x5397829D, s7  }
0x182: {  	s4 =	sadd.s32 s22, s8;
	s17 =	smulhi.u32 $0x5397829D, s28;
	s8 =	sshra.s32 s28, $0x1F  }
0x183: {  	(v2sf) =	vpush v0, $0x6;
	s12 =	sshrl.u32 s0, $0x1F;
	s30 =	spop (v2sf);
	s8 =	smul.u32 $0x5397829D, s8  }
0x184: {  	s13 =	sshrl.u32 s5, $0x1F;
	s19 =	smulhi.u32 $0x5397829D, s30;
	s20 =	sshra.s32 s30, $0x1F  }
0x185: {  	(v2sf) =	vpush v0, $0x7;
	s1 =	sadd.s32 s25, s24;
	s25 =	spop (v2sf);
	s31 =	smul.u32 $0x5397829D, s20  }
0x186: {  	s14 =	sshrl.u32 s3, $0x1F;
	s21 =	smulhi.u32 $0x5397829D, s25;
	s22 =	sshra.s32 s25, $0x1F  }
0x187: {  	s11 =	sadd.s32 s7, s15;
	s30 =	spop (v2sf);
	s26 =	smul.u32 $0x5397829D, s22  }
0x188: {  	s7 =	sadd.s32 s8, s17;
	s23 =	smulhi.u32 $0x5397829D, s30;
	s24 =	sshra.s32 s30, $0x1F  }
0x189: {  	s28 =	spop (v2sf);
	s8 =	sadd.s32 s31, s19;
	s31 =	smul.u32 $0x5397829D, s24  }
0x18a: {  	s18 =	sshrl.u32 s1, $0x1F;
	s25 =	smulhi.u32 $0x5397829D, s28;
	s19 =	sshra.s32 s28, $0x1F  }
0x18b: {  	s30 =	spop (v2sf);
	s17 =	sadd.s32 s26, s21;
	s19 =	smul.u32 $0x5397829D, s19  }
0x18c: {  	s28 =	smulhi.u32 $0x5397829D, s30;
	s21 =	sshra.s32 s30, $0x1F;
	s26 =	sshrl.u32 s17, $0x1F  }
0x18d: {  	v1 =	vmov s13;
	s13 =	sadd.s32 s31, s23;
	s31 =	smul.u32 $0x5397829D, s21;
	s23 =	spop (v2sf)  }
0x18e: {  	v1 =	vsel vm0, s12, v1;
	s20 =	sshrl.u32 s11, $0x1F;
	v2 =	vmov s26;
	s26 =	sshrl.u32 s13, $0x1F;
	s30 =	smulhi.u32 $0x5397829D, s23  }
0x18f: {  	v6 =	vmov s5;
	v1 =	vsel vm1, s14, v1;
	s21 =	sshra.s32 s23, $0x1F;
	s14 =	sadd.s32 s19, s25;
	s25 =	spop (v2sf)  }
0x190: {  	v6 =	vsel vm0, s0, v6;
	v4 =	vmov s20;
	v2 =	vnsel vm3, $0x0, v2;
	s15 =	sadd.s32 s31, s28;
	s31 =	smul.u32 $0x5397829D, s21;
	s20 =	sshrl.u32 s14, $0x1F  }
0x191: {  	v6 =	vsel vm1, s3, v6;
	v5 =	vmov s17;
	s28 =	sshra.s32 s25, $0x1F;
	v2 =	vsel vm0, s26, v2;
	s21 =	sshrl.u32 s15, $0x1F;
	s26 =	smulhi.u32 $0x5397829D, s25  }
0x192: {  	v6 =	vsel vm2, s4, v6;
	v5 =	vnsel vm3, $0x0, v5;
	v2 =	vsel vm1, s20, v2;
	s12 =	sadd.s32 s31, s30;
	s31 =	smul.u32 $0x5397829D, s28;
	s20 =	spop (v2sf)  }
0x193: {  	s22 =	sshrl.u32 s7, $0x1F;
	v4 =	vsel vm0, s18, v4;
	v5 =	vsel vm0, s13, v5;
	v2 =	vsel vm2, s21, v2;
	s21 =	smulhi.u32 $0x5397829D, s20;
	s19 =	sshra.s32 s20, $0x1F  }
0x194: {  	v18 =	vld [tilespmem:$0x1FF80];
	v7 =	vmov s11;
	s24 =	sshrl.u32 s8, $0x1F;
	v4 =	vsel vm1, s22, v4;
	v5 =	vsel vm1, s14, v5;
	s22 =	smul.u32 $0x5397829D, s19;
	s23 =	spop (v2sf)  }
0x195: {  	v19 =	vld [tilespmem:$0x1FF90];
	s16 =	sshrl.u32 s4, $0x1F;
	v7 =	vsel vm0, s1, v7;
	v4 =	vsel vm2, s24, v4;
	v5 =	vsel vm2, s15, v5;
	s24 =	smulhi.u32 $0x5397829D, s23;
	s25 =	sshra.s32 s23, $0x1F  }
0x196: {  	v1 =	vsel vm2, s16, v1;
	v7 =	vsel vm1, s7, v7;
	s30 =	sshrl.u32 s12, $0x1F;
	v5 =	vsel vm4, s12, v5;
	s26 =	sadd.s32 s31, s26;
	s28 =	smul.u32 $0x5397829D, s25  }
0x197: {  	v7 =	vsel vm2, s8, v7;
	v2 =	vsel vm4, s30, v2;
	s30 =	sshrl.u32 s26, $0x1F;
	v5 =	vsel vm5, s26, v5;
	s31 =	sadd.s32 s22, s21  }
0x198: {  	v6 =	vcombine.low v7, v6;
	v2 =	vsel vm5, s30, v2;
	s8 =	sshrl.u32 s31, $0x1F;
	v5 =	vsel vm6, s31, v5;
	s1 =	sadd.s32 s28, s24  }
0x199: {  	v1 =	vcombine.low v4, v1;
	v2 =	vsel vm6, s8, v2;
	s11 =	sshrl.u32 s1, $0x1F;
	v4 =	vsel vm7, s1, v5  }
0x19a: {  	v5 =	vperm.xlane v6, v18;
	v2 =	vsel vm7, s11, v2;
	v4 =	vperm.xlane v4, v19  }
0x19b: {  	v1 =	vperm.xlane v1, v18;
	v6 =	vld [tilespmem:$0x1FFB0];
	v2 =	vperm.xlane v2, v19  }
0x19c: {  	v4 =	vsel vm8, v4, v5  }
0x19d: {  	v1 =	vsel vm8, v2, v1;
	v2 =	vshra.s32 v4, $0x4  }
0x19e: {  	v1 =	vadd.s32 v1, v2  }
0x19f: {  	v2 =	vmul.u32 $0xFFFFFFCF, v1  }
0x1a0: {  	v3 =	vsub.s32 v6, v3  }
0x1a1: {  	vm10 =	vlt.s32 v0, $0x1;
	vm11 =	vne.s32 v2, v3  }
0x1a2: {  	v20 =	vimm.s32 $0x0;
	vm10 =	vmand vm10, vm11  }
0x1a3: {  	v2 =	vsel vm10, $0xFFFFFFFF, v20  }
0x1a4: {  	v14 =	vadd.s32 v2, v1  }
0x1a5: {  	v1 =	vmul.u32 $0xFFFFFFCF, v14;
	_ =	sdelay $0x1  }
0x1a6: {  	v15 =	vadd.s32 v0, v1  }
0x1a7: {  	(v2sf) =	vpush v15, $0xD  }
0x1a8: {  	(v2sf) =	vpush v15, $0xC  }
0x1a9: {  	(v2sf) =	vpush v15, $0xE  }
0x1aa: {  	(v2sf) =	vpush v15, $0xF  }
0x1ab: {  	(v2sf) =	vpush v15, $0x9  }
0x1ac: {  	(v2sf) =	vpush v15, $0x8  }
0x1ad: {  	(v2sf) =	vpush v15, $0xA  }
0x1ae: {  	(v2sf) =	vpush v15, $0xB  }
0x1af: {  	(v2sf) =	vpush v15, $0x1  }
0x1b0: {  	(v2sf) =	vpush v15, $0x0  }
0x1b1: {  	(v2sf) =	vpush v15, $0x2  }
0x1b2: {  	(v2sf) =	vpush v15, $0x3  }
0x1b3: {  	(v2sf) =	vpush v15, $0x4  }
0x1b4: {  	s12 =	sor.u32 $0x30, s29;
	(v2sf) =	vpush v15, $0x5  }
0x1b5: {  	v16 =	vadd.s32 s12, v16;
	(v2sf) =	vpush v15, $0x6  }
0x1b6: {  	v17 =	vadd.s32 v8, v16;
	s24 =	spop (v2sf);
	(v2sf) =	vpush v15, $0x7  }
0x1b7: {  	[dreg:$0xe] =	wrdreg s29;
	s29 =	spop (v2sf);
	(v2sf) =	vpush v17, $0xD  }
0x1b8: {  	s17 =	sshra.s32 s24, $0x1F;
	s28 =	spop (v2sf)  }
0x1b9: {  	(v2sf) =	vpush v17, $0xC;
	s0 =	smul.u32 $0x92492493, s17;
	s26 =	spop (v2sf)  }
0x1ba: {  	s13 =	spop (v2sf)  }
0x1bb: {  	s20 =	sshra.s32 s29, $0x1F;
	(v2sf) =	vpush v17, $0xE;
	[smem:$0x7EE] =	sst s0;
	s22 =	spop (v2sf)  }
0x1bc: {  	s0 =	smul.u32 $0x92492493, s20;
	s23 =	spop (v2sf)  }
0x1bd: {  	(v2sf) =	vpush v17, $0xF;
	[smem:$0x7ED] =	sst s13;
	s14 =	spop (v2sf)  }
0x1be: {  	s21 =	sshra.s32 s28, $0x1F;
	[smem:$0x7F0] =	sst s0;
	s25 =	spop (v2sf)  }
0x1bf: {  	(v2sf) =	vpush v17, $0x9;
	s0 =	smul.u32 $0x92492493, s21;
	s15 =	spop (v2sf)  }
0x1c0: {  	[smem:$0x7EF] =	sst s22;
	s16 =	spop (v2sf)  }
0x1c1: {  	s31 =	sshra.s32 s26, $0x1F;
	(v2sf) =	vpush v17, $0x8;
	[smem:$0x7F1] =	sst s0;
	s18 =	spop (v2sf)  }
0x1c2: {  	s0 =	smul.u32 $0x92492493, s31;
	s19 =	spop (v2sf)  }
0x1c3: {  	(v2sf) =	vpush v17, $0xA;
	[smem:$0x7EB] =	sst s14;
	s30 =	spop (v2sf)  }
0x1c4: {  	s5 =	sshra.s32 s13, $0x1F;
	[smem:$0x7F2] =	sst s0;
	s4 =	spop (v2sf)  }
0x1c5: {  	s0 =	smul.u32 $0x92492493, s5;
	s7 =	spop (v2sf);
	(v2sf) =	vpush v17, $0xB  }
0x1c6: {  	[smem:$0x7EC] =	sst s15;
	s8 =	spop (v2sf)  }
0x1c7: {  	[smem:$0x7F3] =	sst s0;
	(v2sf) =	vpush v17, $0x0;
	s17 =	smulhi.u32 $0x5397829D, s8;
	s0 =	sshra.s32 s8, $0x1F  }
0x1c8: {  	s11 =	spop (v2sf);
	s14 =	smul.u32 $0x5397829D, s0  }
0x1c9: {  	[dreg:$0x1f] =	wrdreg s16;
	(v2sf) =	vpush v17, $0x1;
	s15 =	smulhi.u32 $0x5397829D, s11;
	s3 =	sshra.s32 s11, $0x1F  }
0x1ca: {  	s12 =	spop (v2sf);
	s11 =	smul.u32 $0x5397829D, s3  }
0x1cb: {  	[dreg:$0x1c] =	wrdreg s18;
	(v2sf) =	vpush v17, $0x2;
	s16 =	smulhi.u32 $0x5397829D, s12;
	s5 =	sshra.s32 s12, $0x1F  }
0x1cc: {  	s13 =	spop (v2sf);
	s12 =	smul.u32 $0x5397829D, s5  }
0x1cd: {  	[dreg:$0x19] =	wrdreg s19;
	(v2sf) =	vpush v17, $0x3;
	s18 =	smulhi.u32 $0x5397829D, s13;
	s5 =	sshra.s32 s13, $0x1F  }
0x1ce: {  	s19 =	spop (v2sf);
	s1 =	smul.u32 $0x5397829D, s5  }
0x1cf: {  	[dreg:$0x16] =	wrdreg s30;
	(v2sf) =	vpush v17, $0x4;
	s31 =	smulhi.u32 $0x5397829D, s19;
	s5 =	sshra.s32 s19, $0x1F  }
0x1d0: {  	s20 =	spop (v2sf);
	s30 =	smul.u32 $0x5397829D, s5  }
0x1d1: {  	[dreg:$0x13] =	wrdreg s4;
	s13 =	smulhi.u32 $0x5397829D, s20;
	s5 =	sshra.s32 s20, $0x1F  }
0x1d2: {  	s21 =	spop (v2sf);
	s5 =	smul.u32 $0x5397829D, s5  }
0x1d3: {  	[dreg:$0x10] =	wrdreg s7;
	s8 =	smulhi.u32 $0x5397829D, s21;
	s0 =	sshra.s32 s21, $0x1F  }
0x1d4: {  	s4 =	smul.u32 $0x5397829D, s0;
	s3 =	spop (v2sf)  }
0x1d5: {  	s19 =	sadd.s32 s11, s15;
	(v2sf) =	vpush v17, $0x5;
	s7 =	smulhi.u32 $0x5397829D, s3;
	s0 =	sshra.s32 s3, $0x1F  }
0x1d6: {  	s21 =	sadd.s32 s14, s17;
	s14 =	spop (v2sf);
	s17 =	smul.u32 $0x5397829D, s0  }
0x1d7: {  	s20 =	sadd.s32 s12, s16;
	s11 =	smulhi.u32 $0x5397829D, s14;
	s0 =	sshra.s32 s14, $0x1F  }
0x1d8: {  	s18 =	sadd.s32 s1, s18;
	s15 =	spop (v2sf);
	s3 =	smul.u32 $0x5397829D, s0  }
0x1d9: {  	s30 =	sadd.s32 s30, s31;
	s1 =	smulhi.u32 $0x5397829D, s15;
	s12 =	sshra.s32 s15, $0x1F  }
0x1da: {  	s14 =	sadd.s32 s5, s13;
	s16 =	spop (v2sf);
	s12 =	smul.u32 $0x5397829D, s12  }
0x1db: {  	s15 =	sadd.s32 s4, s8;
	s0 =	smulhi.u32 $0x5397829D, s16;
	s5 =	sshra.s32 s16, $0x1F  }
0x1dc: {  	s8 =	spop (v2sf);
	s16 =	sadd.s32 s17, s7;
	s13 =	smul.u32 $0x5397829D, s5  }
0x1dd: {  	(v2sf) =	vpush v17, $0x6;
	s7 =	smulhi.u32 $0x5397829D, s8;
	s4 =	sshra.s32 s8, $0x1F;
	s11 =	sadd.s32 s3, s11  }
0x1de: {  	s5 =	spop (v2sf);
	s3 =	smul.u32 $0x5397829D, s4;
	s4 =	sadd.s32 s12, s1  }
0x1df: {  	(v2sf) =	vpush v17, $0x7;
	s31 =	smulhi.u32 $0x5397829D, s5;
	s8 =	sshra.s32 s5, $0x1F;
	s1 =	sshra.s32 s22, $0x1F  }
0x1e0: {  	s12 =	sshra.s32 s23, $0x1F;
	s22 =	smov.u32 s23;
	s17 =	smul.u32 $0x5397829D, s8  }
0x1e1: {  	s5 =	sadd.s32 s13, s0;
	s8 =	smul.u32 $0x92492493, s1;
	s1 =	sshra.s32 s25, $0x1F  }
0x1e2: {  	s13 =	sadd.s32 s17, s31;
	s31 =	smul.u32 $0x92492493, s12;
	s12 =	sld [smem:$0x7EB]  }
0x1e3: {  	v3 =	vmov s11;
	s0 =	sshrl.u32 s11, $0x1F;
	s11 =	sshrl.u32 s15, $0x1F;
	s7 =	sadd.s32 s3, s7  }
0x1e4: {  	v5 =	vmov s14;
	v1 =	vmov s0;
	s0 =	spop (v2sf);
	[smem:$0x7F4] =	sst s8;
	s8 =	sshrl.u32 s19, $0x1F  }
0x1e5: {  	v4 =	vmov s19;
	v5 =	vsel vm0, s30, v5;
	s3 =	sshrl.u32 s14, $0x1F;
	v0 =	vmov s8;
	s8 =	smulhi.u32 $0x5397829D, s0;
	s17 =	sshra.s32 s12, $0x1F  }
0x1e6: {  	v4 =	vsel vm0, s21, v4;
	v5 =	vsel vm1, s15, v5;
	s15 =	sld [smem:$0x7ED];
	v2 =	vmov s3;
	s3 =	sshrl.u32 s30, $0x1F;
	s23 =	smul.u32 $0x92492493, s17  }
0x1e7: {  	v4 =	vsel vm1, s20, v4;
	v3 =	vnsel vm3, $0x0, v3;
	s0 =	sshra.s32 s0, $0x1F;
	v2 =	vsel vm0, s3, v2;
	s3 =	sshrl.u32 s16, $0x1F;
	s17 =	sshrl.u32 s21, $0x1F  }
0x1e8: {  	v5 =	vsel vm2, s16, v5;
	v3 =	vsel vm0, s4, v3;
	v0 =	vsel vm0, s17, v0;
	[smem:$0x7F5] =	sst s23;
	s23 =	smul.u32 $0x92492493, s1;
	s1 =	sshrl.u32 s20, $0x1F  }
0x1e9: {  	v1 =	vnsel vm3, $0x0, v1;
	v3 =	vsel vm1, s5, v3;
	s16 =	smulhi.u32 $0x92492493, s15;
	s17 =	sshrl.u32 s18, $0x1F;
	v0 =	vsel vm1, s1, v0;
	s1 =	sshrl.u32 s4, $0x1F  }
0x1ea: {  	v3 =	vsel vm2, s7, v3;
	s0 =	smul.u32 $0x5397829D, s0;
	v0 =	vsel vm2, s17, v0;
	v1 =	vsel vm0, s1, v1;
	s17 =	sshrl.u32 s5, $0x1F  }
0x1eb: {  	v2 =	vsel vm1, s11, v2;
	s11 =	sshrl.u32 s13, $0x1F;
	v3 =	vsel vm4, s13, v3;
	s13 =	smulhi.u32 $0x92492493, s28;
	v1 =	vsel vm1, s17, v1;
	s17 =	sshrl.u32 s7, $0x1F  }
0x1ec: {  	v4 =	vsel vm2, s18, v4;
	s18 =	sld [smem:$0x7EF];
	v1 =	vsel vm2, s17, v1;
	s17 =	spop (v2sf)  }
0x1ed: {  	s20 =	sld [smem:$0x7EC];
	v1 =	vsel vm4, s11, v1;
	s1 =	smulhi.u32 $0x5397829D, s17;
	s11 =	sshra.s32 s17, $0x1F  }
0x1ee: {  	v2 =	vsel vm2, s3, v2;
	s14 =	spop (v2sf);
	s3 =	smul.u32 $0x5397829D, s11  }
0x1ef: {  	s19 =	sadd.s32 s0, s8;
	s17 =	smulhi.u32 $0x5397829D, s14;
	s4 =	sshra.s32 s14, $0x1F  }
0x1f0: {  	s30 =	sshrl.u32 s19, $0x1F;
	s4 =	smul.u32 $0x5397829D, s4  }
0x1f1: {  	v3 =	vsel vm5, s19, v3;
	s19 =	smulhi.u32 $0x92492493, s18;
	s21 =	sshra.s32 s20, $0x1F;
	s1 =	sadd.s32 s3, s1  }
0x1f2: {  	v4 =	vcombine.low v5, v4;
	s0 =	smul.u32 $0x92492493, s21;
	v1 =	vsel vm5, s30, v1;
	s5 =	sadd.s32 s4, s17;
	v3 =	vsel vm6, s1, v3;
	s1 =	sshrl.u32 s1, $0x1F  }
0x1f3: {  	v0 =	vcombine.low v2, v0;
	s21 =	sld [smem:$0x7F0];
	s11 =	smulhi.u32 $0x92492493, s29;
	v1 =	vsel vm6, s1, v1;
	v2 =	vsel vm7, s5, v3;
	s8 =	sshrl.u32 s5, $0x1F  }
0x1f4: {  	s7 =	smulhi.u32 $0x92492493, s24;
	s30 =	sld [smem:$0x7F1];
	v3 =	vperm.xlane v4, v18;
	v1 =	vsel vm7, s8, v1;
	v2 =	vperm.xlane v2, v19  }
0x1f5: {  	v0 =	vperm.xlane v0, v18;
	s14 =	smulhi.u32 $0x92492493, s26;
	s3 =	ssub.s32 s11, s29;
	s29 =	sld [smem:$0x7F3];
	v1 =	vperm.xlane v1, v19  }
0x1f6: {  	s4 =	ssub.s32 s7, s24;
	s17 =	sld [smem:$0x7EE];
	s3 =	sadd.s32 s21, s3;
	v2 =	vsel vm8, v2, v3  }
0x1f7: {  	s24 =	smulhi.u32 $0x92492493, s22;
	s7 =	ssub.s32 s16, s15;
	s1 =	ssub.s32 s13, s28;
	v0 =	vsel vm8, v1, v0;
	v1 =	vshra.s32 v2, $0x4  }
0x1f8: {  	s5 =	ssub.s32 s14, s26;
	s13 =	smov.u32 s12;
	s26 =	smulhi.u32 $0x92492493, s12;
	v0 =	vadd.s32 v0, v1  }
0x1f9: {  	s28 =	sld [smem:$0x7F2];
	s14 =	smulhi.u32 $0x92492493, s25;
	s1 =	sadd.s32 s30, s1;
	v1 =	vmul.u32 $0xFFFFFFCF, v0  }
0x1fa: {  	s7 =	sadd.s32 s29, s7;
	s11 =	ssub.s32 s24, s22;
	s24 =	sld [smem:$0x7F4];
	v2 =	vsub.s32 v6, v16  }
0x1fb: {  	vm10 =	vlt.s32 v17, $0x1;
	s8 =	ssub.s32 s19, s18;
	s30 =	smulhi.u32 $0x92492493, s20;
	s29 =	sld [smem:$0x7F5];
	vm11 =	vne.s32 v1, v2  }
0x1fc: {  	s4 =	sadd.s32 s17, s4;
	s17 =	rddreg [dreg:$0x1f];
	s11 =	sadd.s32 s31, s11;
	vm10 =	vmand vm10, vm11  }
0x1fd: {  	s13 =	ssub.s32 s26, s13;
	s26 =	rddreg [dreg:$0x1c];
	s14 =	ssub.s32 s14, s25;
	v1 =	vsel vm10, $0xFFFFFFFF, v20  }
0x1fe: {  	s5 =	sadd.s32 s28, s5;
	s16 =	smulhi.u32 $0x92492493, s17;
	s21 =	sshra.s32 s17, $0x1F;
	v16 =	vadd.s32 v1, v0  }
0x1ff: {  	s22 =	smov.u32 s17;
	s17 =	smulhi.u32 $0x92492493, s26;
	s28 =	sshra.s32 s26, $0x1F;
	v0 =	vmul.u32 $0xFFFFFFCF, v16  }
0x200: {  	s30 =	ssub.s32 s30, s20;
	s20 =	rddreg [dreg:$0x19];
	s12 =	smul.u32 $0x92492493, s21  }
0x201: {  	s23 =	sadd.s32 s23, s14;
	s8 =	sadd.s32 s24, s8;
	s18 =	smul.u32 $0x92492493, s28;
	v17 =	vadd.s32 v17, v0  }
0x202: {  	s21 =	smov.u32 s26;
	s15 =	smulhi.u32 $0x92492493, s20;
	s31 =	sshra.s32 s20, $0x1F;
	(v2sf) =	vpush v17, $0xD  }
0x203: {  	s13 =	sadd.s32 s29, s13;
	s26 =	rddreg [dreg:$0x16];
	s24 =	smul.u32 $0x92492493, s31;
	v1 =	vmov s3  }
0x204: {  	s0 =	sadd.s32 s0, s30;
	s28 =	smulhi.u32 $0x92492493, s26;
	s29 =	sshra.s32 s26, $0x1F;
	v1 =	vsel vm0, s4, v1;
	(v2sf) =	vpush v17, $0xC  }
0x205: {  	s25 =	ssub.s32 s16, s22;
	s30 =	ssub.s32 s17, s21;
	s31 =	smul.u32 $0x92492493, s29;
	v0 =	vsel vm1, s1, v1;
	v1 =	vmov s0;
	(v2sf) =	vpush v17, $0xE  }
0x206: {  	v3 =	vshll.u32 v14, $0x7;
	s14 =	ssub.s32 s15, s20;
	s15 =	rddreg [dreg:$0x13];
	s20 =	sadd.s32 s18, s30;
	v1 =	vnsel vm3, $0x0, v1  }
0x207: {  	v4 =	vor.u32 $0x1, v3;
	s17 =	smulhi.u32 $0x92492493, s15;
	s19 =	sshra.s32 s15, $0x1F;
	v2 =	vmov s8;
	s0 =	sadd.s32 s12, s25;
	v1 =	vsel vm0, s23, v1  }
0x208: {  	s22 =	ssub.s32 s28, s26;
	s21 =	smul.u32 $0x92492493, s19;
	v2 =	vsel vm0, s7, v2;
	s23 =	rddreg [dreg:$0x10];
	v1 =	vsel vm1, s0, v1;
	(v2sf) =	vpush v17, $0xF  }
0x209: {  	v5 =	vor.u32 $0x2, v3;
	v2 =	vsel vm1, s11, v2;
	s3 =	sadd.s32 s24, s14;
	s24 =	smulhi.u32 $0x92492493, s23;
	s25 =	sshra.s32 s23, $0x1F;
	v1 =	vsel vm2, s20, v1  }
0x20a: {  	s26 =	ssub.s32 s17, s15;
	v0 =	vsel vm2, s5, v0;
	s0 =	sadd.s32 s31, s22;
	s5 =	smul.u32 $0x92492493, s25;
	v1 =	vsel vm4, s3, v1;
	(v2sf) =	vpush v17, $0x9  }
0x20b: {  	v6 =	vor.u32 $0x3, v3;
	s28 =	sadd.s32 s21, s26;
	v2 =	vsel vm2, s13, v2;
	s1 =	ssub.s32 s24, s23;
	v1 =	vsel vm5, s0, v1  }
0x20c: {  	s14 =	simm.s32 $0x0;
	v0 =	vcombine.low v2, v0;
	s29 =	sadd.s32 s5, s1;
	(v2sf) =	vpush v17, $0x8;
	v1 =	vsel vm6, s28, v1  }
0x20d: {  	v2 =	vld.idx.msk [tilespmem:v3+s14+$0x0], $0xffff;
	v1 =	vsel vm7, s29, v1  }
0x20e: {  	v3 =	vld.idx.msk [tilespmem:v4+s14+$0x0], $0xffff;
	v0 =	vperm.xlane v0, v18;
	(v2sf) =	vpush v17, $0xA;
	v1 =	vperm.xlane v1, v19  }
0x20f: {  	v4 =	vld.idx.msk [tilespmem:v5+s14+$0x0], $0xffff;
	(v2sf) =	vpush v17, $0xB  }
0x210: {  	(v2sf) =	vpush v17, $0x1;
	v0 =	vsel vm8, v1, v0;
	v1 =	vld.idx.msk [tilespmem:v6+s14+$0x0], $0xffff  }
0x211: {  	v0 =	vadd.s32 v15, v0;
	s30 =	spop (v2sf)  }
0x212: {  	v5 =	vshrl.u32 v0, $0x1F;
	v0 =	vshra.s32 v0, $0x2;
	s31 =	smulhi.u32 $0x92492493, s30;
	s4 =	sshra.s32 s30, $0x1F  }
0x213: {  	v0 =	vadd.s32 v5, v0;
	s5 =	spop (v2sf);
	s3 =	smul.u32 $0x92492493, s4  }
0x214: {  	v4 =	vsub.f32 v4, v2;
	v5 =	vmul.u32 $0xFFFFFFF9, v0;
	s7 =	spop (v2sf);
	s8 =	smulhi.u32 $0x92492493, s5  }
0x215: {  	(v2sf) =	vpush v17, $0x0;
	v6 =	vsub.s32 $0x0, v15;
	v1 =	vsub.f32 v1, v3;
	s11 =	sshra.s32 s5, $0x1F;
	s0 =	ssub.s32 s31, s30;
	s12 =	smulhi.u32 $0x92492493, s7  }
0x216: {  	v21 =	vimm.s32 $0xA800;
	vm10 =	vlt.s32 v15, $0x1;
	vm11 =	vne.s32 v5, v6;
	s13 =	sshra.s32 s7, $0x1F;
	s0 =	sadd.s32 s3, s0;
	s3 =	smul.u32 $0x92492493, s11  }
0x217: {  	v22 =	vimm.s32 $0xF;
	vm10 =	vmand vm10, vm11;
	v5 =	vmul.f32 v1, v4;
	s15 =	spop (v2sf);
	s17 =	smul.u32 $0x92492493, s13  }
0x218: {  	v23 =	vimm.s32 $0x4;
	v6 =	vsel vm10, $0xFFFFFFFF, v20;
	(v2sf) =	vpush v17, $0x2;
	s18 =	smulhi.u32 $0x92492493, s15;
	s19 =	sshra.s32 s15, $0x1F  }
0x219: {  	v0 =	vadd.s32 v6, v0;
	vm10 =	vge.f32 v5, $6.272000000e+03;
	s20 =	spop (v2sf);
	(v2sf) =	vpush v17, $0x3;
	s22 =	smul.u32 $0x92492493, s19  }
0x21a: {  	s1 =	ssub.s32 s8, s5;
	v6 =	vmul.u32 $0xFFFFFFF9, v0;
	v7 =	vsel vm10, $0x1, v20;
	vm10 =	vge.f32 v5, $2.508800000e+04;
	s16 =	ssub.s32 s12, s7;
	s24 =	smulhi.u32 $0x92492493, s20  }
0x21b: {  	v0 =	vcvt.s32.f32 v0;
	s25 =	spop (v2sf);
	(v2sf) =	vpush v17, $0x4;
	s26 =	sshra.s32 s20, $0x1F;
	v8 =	vsel vm10, $0x1, v20;
	s1 =	sadd.s32 s3, s1  }
0x21c: {  	vm10 =	vge.f32 v5, $1.003520000e+05;
	s21 =	sadd.s32 s17, s16;
	s23 =	ssub.s32 s18, s15;
	s28 =	smulhi.u32 $0x92492493, s25;
	(v2sf) =	vpush v17, $0x5;
	v5 =	vadd.s32 v15, v6  }
0x21d: {  	s29 =	smul.u32 $0x92492493, s26;
	s30 =	sshra.s32 s25, $0x1F;
	s31 =	spop (v2sf);
	v6 =	vadd.s32 v8, v7;
	v7 =	vsel vm10, $0x1, v20;
	v0 =	vmul.f32 $1.666666720e-01, v0  }
0x21e: {  	v15 =	vimm.f32 $2.929687500e-02;
	s7 =	ssub.s32 s24, s20;
	s5 =	smul.u32 $0x92492493, s30;
	s16 =	spop (v2sf);
	(v2sf) =	vpush v17, $0x6;
	v6 =	vadd.s32 v7, v6  }
0x21f: {  	s12 =	smulhi.u32 $0x92492493, s31;
	s15 =	sshra.s32 s31, $0x1F;
	v5 =	vcvt.s32.f32 v5;
	v7 =	vmov s1;
	s20 =	spop (v2sf);
	(v2sf) =	vpush v17, $0x7  }
0x220: {  	s17 =	smul.u32 $0x92492493, s15;
	vm10 =	veq.s32 v6, $0x2;
	vm11 =	veq.s32 v6, $0x1;
	v0 =	vmul.f32 v0, v1  }
0x221: {  	s11 =	simm.s32 $0x1000;
	s18 =	smulhi.u32 $0x92492493, s16;
	v1 =	vsel vm0, s0, v7;
	vm12 =	veq.s32 v6, $0x0;
	v8 =	vsel vm10, $0x3D780000, v15  }
0x222: {  	v9 =	vld.idx.msk [tilespmem:v14+s11+$0x0], $0xffff;
	s8 =	ssub.s32 s28, s25;
	s19 =	sshra.s32 s16, $0x1F;
	v5 =	vmul.f32 $1.666666720e-01, v5;
	v1 =	vsel vm1, s21, v1;
	v7 =	vsel vm10, $0x1F, v22  }
0x223: {  	s4 =	sadd.s32 s22, s23;
	s5 =	sadd.s32 s5, s8;
	s8 =	smul.u32 $0x92492493, s19;
	v13 =	vsel vm10, $0x5, v23;
	v6 =	vsel vm11, $0x3DFC0000, v8;
	v0 =	vadd.f32 v0, v3  }
0x224: {  	s1 =	sadd.s32 s29, s7;
	s26 =	smulhi.u32 $0x92492493, s20;
	s21 =	spop (v2sf);
	v1 =	vsel vm2, s4, v1;
	v7 =	vsel vm11, $0x3F, v7;
	v13 =	vsel vm11, $0x6, v13  }
0x225: {  	s0 =	ssub.s32 s12, s31;
	s22 =	smulhi.u32 $0x92492493, s21;
	s23 =	sshra.s32 s21, $0x1F;
	v4 =	vmul.f32 v5, v4;
	v3 =	vsel vm12, $0x3E7E0000, v6;
	v5 =	vmov s5  }
0x226: {  	s28 =	sshra.s32 s20, $0x1F;
	s3 =	ssub.s32 s18, s16;
	s25 =	smul.u32 $0x92492493, s23;
	v7 =	vsel vm12, $0x7F, v7;
	v13 =	vsel vm12, $0x7, v13;
	v0 =	vmul.f32 v0, v3  }
0x227: {  	s24 =	sadd.s32 s17, s0;
	s0 =	sadd.s32 s8, s3;
	v5 =	vsel vm0, s1, v5;
	s4 =	ssub.s32 s22, s21;
	v9 =	vshll.u32 v9, v13;
	v2 =	vadd.f32 v4, v2  }
0x228: {  	s5 =	smul.u32 $0x92492493, s28;
	v4 =	vsel vm10, $0xA000, v21;
	v5 =	vsel vm1, s24, v5;
	s3 =	sadd.s32 s25, s4;
	v9 =	vshll.u32 v9, v13;
	s29 =	spop (v2sf)  }
0x229: {  	v4 =	vsel vm11, $0x8000, v4;
	v8 =	vmov s3;
	v2 =	vmul.f32 v2, v3;
	s30 =	smulhi.u32 $0x92492493, s29;
	s31 =	sshra.s32 s29, $0x1F  }
0x22a: {  	s1 =	ssub.s32 s26, s20;
	v5 =	vsel vm2, s0, v5;
	v3 =	vsel vm12, $0x0, v4;
	v4 =	vtrunc.f32 v0;
	s8 =	spop (v2sf);
	s7 =	smul.u32 $0x92492493, s31  }
0x22b: {  	s1 =	sadd.s32 s5, s1;
	v8 =	vnsel vm3, $0x0, v8;
	v4 =	vcvt.f32.s32 v4;
	v6 =	vtrunc.f32 v2;
	s13 =	smulhi.u32 $0x92492493, s8;
	s15 =	sshra.s32 s8, $0x1F  }
0x22c: {  	v1 =	vcombine.low v5, v1;
	v8 =	vsel vm0, s1, v8;
	v6 =	vcvt.f32.s32 v6;
	s16 =	spop (v2sf);
	s12 =	ssub.s32 s30, s29;
	s4 =	smul.u32 $0x92492493, s15  }
0x22d: {  	v3 =	vadd.s32 v3, v9;
	v10 =	vcvt.s32.f32 v4;
	vm13 =	vlt.s32 v4, v7;
	s18 =	smulhi.u32 $0x92492493, s16;
	s19 =	sshra.s32 s16, $0x1F;
	s20 =	spop (v2sf)  }
0x22e: {  	v12 =	vsel vm13, v4, v7;
	v4 =	vadd.s32 $0x1, v4;
	v11 =	vcvt.s32.f32 v6;
	s1 =	sadd.s32 s7, s12;
	s17 =	ssub.s32 s13, s8;
	s5 =	smul.u32 $0x92492493, s19  }
0x22f: {  	vm10 =	vlt.s32 v4, v7;
	v14 =	vadd.s32 $0x1, v6;
	v9 =	vshll.u32 v12, v13;
	s22 =	smulhi.u32 $0x92492493, s20;
	s23 =	sshra.s32 s20, $0x1F;
	s24 =	spop (v2sf)  }
0x230: {  	v4 =	vsel vm10, v4, v7;
	vm10 =	vlt.s32 v6, v7;
	v8 =	vsel vm1, s1, v8;
	s1 =	sadd.s32 s4, s17;
	s21 =	ssub.s32 s18, s16;
	s7 =	smul.u32 $0x92492493, s23  }
0x231: {  	v0 =	vsub.f32 v0, v10;
	v9 =	vadd.s32 v3, v9;
	v6 =	vsel vm10, v6, v7;
	s26 =	smulhi.u32 $0x92492493, s24;
	s28 =	sshra.s32 s24, $0x1F;
	s29 =	spop (v2sf)  }
0x232: {  	vm10 =	vlt.s32 v14, v7;
	v4 =	vshll.u32 v4, v13;
	v8 =	vsel vm2, s1, v8;
	s1 =	sadd.s32 s5, s21;
	s25 =	ssub.s32 s22, s20;
	s4 =	smul.u32 $0x92492493, s28  }
0x233: {  	v2 =	vsub.f32 v2, v11;
	v7 =	vsel vm10, v14, v7;
	s30 =	smulhi.u32 $0x92492493, s29;
	s31 =	sshra.s32 s29, $0x1F;
	v8 =	vsel vm4, s1, v8;
	s1 =	sadd.s32 s7, s25  }
0x234: {  	[tilespmem:$0x1300] =	vst v0;
	v3 =	vadd.s32 v3, v4;
	s3 =	ssub.s32 s26, s24;
	v4 =	vadd.s32 v9, v7;
	v8 =	vsel vm5, s1, v8;
	s1 =	smul.u32 $0x92492493, s31  }
0x235: {  	v12 =	vadd.s32 v6, v9;
	s3 =	sadd.s32 s4, s3;
	s0 =	ssub.s32 s30, s29;
	[tilespmem:$0x1120] =	vst v4;
	v4 =	vadd.s32 v6, v3;
	v6 =	vshll.u32 v16, $0x7  }
0x236: {  	v3 =	vadd.s32 v7, v3;
	[tilespmem:$0x1140] =	vst v4;
	v4 =	vsel vm6, s3, v8;
	v5 =	vor.u32 $0x1, v6;
	s0 =	sadd.s32 s1, s0  }
0x237: {  	[tilespmem:$0x1160] =	vst v3;
	v3 =	vsel vm7, s0, v4;
	v4 =	vor.u32 $0x2, v6  }
0x238: {  	v1 =	vperm.xlane v1, v18;
	[tilespmem:$0x1280] =	vst v2;
	v2 =	vperm.xlane v3, v19;
	v3 =	vor.u32 $0x3, v6  }
0x239: {  	[tilespmem:$0x1100] =	vst v12  }
0x23a: {  	v0 =	vsel vm8, v2, v1;
	v1 =	vld.idx.msk [tilespmem:v6+s14+$0x0], $0xffff  }
0x23b: {  	v2 =	vld.idx.msk [tilespmem:v5+s14+$0x0], $0xffff  }
0x23c: {  	v0 =	vadd.s32 v17, v0;
	v4 =	vld.idx.msk [tilespmem:v4+s14+$0x0], $0xffff  }
0x23d: {  	v5 =	vshrl.u32 v0, $0x1F;
	v0 =	vshra.s32 v0, $0x2;
	v3 =	vld.idx.msk [tilespmem:v3+s14+$0x0], $0xffff  }
0x23e: {  	v0 =	vadd.s32 v5, v0  }
0x23f: {  	v5 =	vmul.u32 $0xFFFFFFF9, v0  }
0x240: {  	v6 =	vsub.s32 $0x0, v17  }
0x241: {  	vm10 =	vlt.s32 v17, $0x1;
	vm11 =	vne.s32 v5, v6  }
0x242: {  	vm10 =	vmand vm10, vm11;
	v4 =	vsub.f32 v4, v1;
	v3 =	vsub.f32 v3, v2  }
0x243: {  	v5 =	vsel vm10, $0xFFFFFFFF, v20  }
0x244: {  	v0 =	vadd.s32 v5, v0;
	v6 =	vmul.f32 v3, v4  }
0x245: {  	v5 =	vmul.u32 $0xFFFFFFF9, v0  }
0x246: {  	v0 =	vcvt.s32.f32 v0;
	vm10 =	vge.f32 v6, $6.272000000e+03  }
0x247: {  	v5 =	vadd.s32 v17, v5;
	v7 =	vsel vm10, $0x1, v20;
	vm10 =	vge.f32 v6, $2.508800000e+04  }
0x248: {  	v5 =	vcvt.s32.f32 v5;
	v8 =	vsel vm10, $0x1, v20;
	vm10 =	vge.f32 v6, $1.003520000e+05  }
0x249: {  	v0 =	vmul.f32 $1.666666720e-01, v0;
	v6 =	vadd.s32 v8, v7;
	v7 =	vsel vm10, $0x1, v20  }
0x24a: {  	v5 =	vmul.f32 $1.666666720e-01, v5;
	v6 =	vadd.s32 v7, v6  }
0x24b: {  	v0 =	vmul.f32 v3, v0;
	vm10 =	veq.s32 v6, $0x2  }
0x24c: {  	vm11 =	veq.s32 v6, $0x1;
	v4 =	vmul.f32 v5, v4;
	v3 =	vsel vm10, $0x3D780000, v15  }
0x24d: {  	v0 =	vadd.f32 v0, v2;
	vm12 =	veq.s32 v6, $0x0;
	v3 =	vsel vm11, $0x3DFC0000, v3  }
0x24e: {  	v6 =	vsel vm10, $0x1F, v22;
	v1 =	vadd.f32 v4, v1;
	v4 =	vld.idx.msk [tilespmem:v16+s11+$0x0], $0xffff;
	v2 =	vsel vm12, $0x3E7E0000, v3  }
0x24f: {  	v8 =	vsel vm10, $0x5, v23;
	v6 =	vsel vm11, $0x3F, v6;
	v0 =	vmul.f32 v2, v0  }
0x250: {  	v8 =	vsel vm11, $0x6, v8;
	v3 =	vsel vm10, $0xA000, v21;
	v1 =	vmul.f32 v2, v1  }
0x251: {  	v9 =	vld [tilespmem:$0x1100];
	v6 =	vsel vm12, $0x7F, v6;
	v2 =	vsel vm11, $0x8000, v3;
	v3 =	vtrunc.f32 v0  }
0x252: {  	v8 =	vsel vm12, $0x7, v8;
	v5 =	vtrunc.f32 v1;
	v3 =	vcvt.f32.s32 v3  }
0x253: {  	v2 =	vsel vm12, $0x0, v2;
	v5 =	vcvt.f32.s32 v5;
	v4 =	vshll.u32 v4, v8  }
0x254: {  	v4 =	vshll.u32 v4, v8;
	v7 =	vcvt.s32.f32 v3;
	vm10 =	vlt.s32 v3, v6  }
0x255: {  	v10 =	vadd.s32 $0x1, v3;
	v12 =	vadd.s32 $0x1, v5;
	v2 =	vadd.s32 v2, v4  }
0x256: {  	v4 =	vshll.u32 v9, $0x1;
	v3 =	vsel vm10, v3, v6;
	vm10 =	vlt.s32 v10, v6  }
0x257: {  	v9 =	vand.u32 $0x7, v9;
	v10 =	vsel vm10, v10, v6;
	vm10 =	vlt.s32 v5, v6  }
0x258: {  	v3 =	vshll.u32 v3, v8;
	v11 =	vsel vm10, v5, v6;
	vm10 =	vlt.s32 v12, v6  }
0x259: {  	v4 =	vand.u32 $0xFFFFFFF0, v4;
	v3 =	vadd.s32 v2, v3;
	v6 =	vsel vm10, v12, v6;
	v12 =	vld [tilespmem:$0x1FFD0]  }
0x25a: {  	v4 =	vor.u32 v9, v4;
	v9 =	vadd.s32 v11, v3  }
0x25b: {  	[tilespmem:$0x1110] =	vst v9;
	v9 =	vld [tilespmem:$0x1FFE0];
	_ =	sdelay $0x2  }
0x25c: {  	v8 =	vshll.u32 v10, v8;
	v10 =	vperm.xlane v4, v12;
	_ =	sdelay $0x1  }
0x25d: {  	v2 =	vadd.s32 v2, v8;
	v8 =	vadd.s32 v9, v10;
	v10 =	vld [tilespmem:$0x1FFF0];
	_ =	sdelay $0x2  }
0x25e: {  	v0 =	vsub.f32 v0, v7;
	_ =	sdelay $0x1  }
0x25f: {  	v5 =	vcvt.s32.f32 v5;
	[tilespmem:$0x1310] =	vst v0;
	v3 =	vadd.s32 v6, v3;
	v4 =	vperm.xlane v4, v10  }
0x260: {  	[tilespmem:$0x1130] =	vst v3;
	v3 =	vadd.s32 v11, v2;
	v2 =	vadd.s32 v6, v2  }
0x261: {  	v1 =	vsub.f32 v1, v5;
	[tilespmem:$0x1170] =	vst v2;
	v2 =	vadd.s32 v9, v4  }
0x262: {  	[tilespmem:$0x1150] =	vst v3  }
0x263: {  	s12 =	simm.s32 $0x9380;
	s11 =	rddreg [dreg:$0x0];
	[tilespmem:$0x1290] =	vst v1  }
0x264: {  	[tilespmem:s12], [sflag:$0x1] =	stream.indirect_vreg.gather [hbm4b:s11+s14], $0x80, v8, vm9, $0xb8;
	[tilespmem:$0x13380] =	vst v63  }
0x265: {  	s13 =	simm.s32 $0x9B80  }
0x266: {  	[tilespmem:s13], [sflag:$0x1] =	stream.indirect_vreg.gather [hbm4b:s11+s14], $0x80, v2, vm9, $0xb8;
	[tilespmem:$0x13380] =	vst v63  }
0x267: {  	v0 =	vld [tilespmem:$0x1110];
	_ =	sdelay $0x4  }
0x268: {  	v1 =	vshll.u32 v0, $0x1  }
0x269: {  	v0 =	vand.u32 $0x7, v0;
	v1 =	vand.u32 $0xFFFFFFF0, v1  }
0x26a: {  	v0 =	vor.u32 v0, v1  }
0x26b: {  	v1 =	vperm.xlane v0, v12;
	_ =	sdelay $0x1  }
0x26c: {  	v0 =	vperm.xlane v0, v10;
	v1 =	vadd.s32 v9, v1;
	_ =	sdelay $0x1  }
0x26d: {  	v0 =	vadd.s32 v9, v0;
	_ =	sdelay $0x1  }
0x26e: {  	s15 =	simm.s32 $0xA380  }
0x26f: {  	[tilespmem:s15], [sflag:$0x1] =	stream.indirect_vreg.gather [hbm4b:s11+s14], $0x80, v1, vm9, $0xb8;
	[tilespmem:$0x13380] =	vst v63  }
0x270: {  	s16 =	simm.s32 $0xAB80  }
0x271: {  	[tilespmem:s16], [sflag:$0x1] =	stream.indirect_vreg.gather [hbm4b:s11+s14], $0x80, v0, vm9, $0xb8;
	[tilespmem:$0x13380] =	vst v63  }
0x272: {  	v0 =	vld [tilespmem:$0x1120];
	_ =	sdelay $0x4  }
0x273: {  	v1 =	vshll.u32 v0, $0x1  }
0x274: {  	v0 =	vand.u32 $0x7, v0;
	v1 =	vand.u32 $0xFFFFFFF0, v1  }
0x275: {  	v0 =	vor.u32 v0, v1  }
0x276: {  	v1 =	vperm.xlane v0, v12;
	_ =	sdelay $0x1  }
0x277: {  	v0 =	vperm.xlane v0, v10;
	v1 =	vadd.s32 v9, v1;
	_ =	sdelay $0x1  }
0x278: {  	v0 =	vadd.s32 v9, v0;
	_ =	sdelay $0x1  }
0x279: {  	s17 =	simm.s32 $0xB380  }
0x27a: {  	[tilespmem:s17], [sflag:$0x1] =	stream.indirect_vreg.gather [hbm4b:s11+s14], $0x80, v1, vm9, $0xb8;
	[tilespmem:$0x13380] =	vst v63  }
0x27b: {  	s18 =	simm.s32 $0xBB80  }
0x27c: {  	[tilespmem:s18], [sflag:$0x1] =	stream.indirect_vreg.gather [hbm4b:s11+s14], $0x80, v0, vm9, $0xb8;
	[tilespmem:$0x13380] =	vst v63  }
0x27d: {  	v0 =	vld [tilespmem:$0x1130];
	_ =	sdelay $0x4  }
0x27e: {  	v1 =	vshll.u32 v0, $0x1  }
0x27f: {  	v0 =	vand.u32 $0x7, v0;
	v1 =	vand.u32 $0xFFFFFFF0, v1  }
0x280: {  	v0 =	vor.u32 v0, v1  }
0x281: {  	v1 =	vperm.xlane v0, v12;
	_ =	sdelay $0x1  }
0x282: {  	v0 =	vperm.xlane v0, v10;
	v1 =	vadd.s32 v9, v1;
	_ =	sdelay $0x1  }
0x283: {  	v0 =	vadd.s32 v9, v0;
	_ =	sdelay $0x1  }
0x284: {  	s19 =	simm.s32 $0xC380  }
0x285: {  	[tilespmem:s19], [sflag:$0x1] =	stream.indirect_vreg.gather [hbm4b:s11+s14], $0x80, v1, vm9, $0xb8;
	[tilespmem:$0x13380] =	vst v63  }
0x286: {  	s20 =	simm.s32 $0xCB80  }
0x287: {  	[tilespmem:s20], [sflag:$0x1] =	stream.indirect_vreg.gather [hbm4b:s11+s14], $0x80, v0, vm9, $0xb8;
	[tilespmem:$0x13380] =	vst v63  }
0x288: {  	v0 =	vld [tilespmem:$0x1140];
	_ =	sdelay $0x4  }
0x289: {  	v1 =	vshll.u32 v0, $0x1  }
0x28a: {  	v0 =	vand.u32 $0x7, v0;
	v1 =	vand.u32 $0xFFFFFFF0, v1  }
0x28b: {  	v0 =	vor.u32 v0, v1  }
0x28c: {  	v1 =	vperm.xlane v0, v12;
	_ =	sdelay $0x1  }
0x28d: {  	v0 =	vperm.xlane v0, v10;
	v1 =	vadd.s32 v9, v1;
	_ =	sdelay $0x1  }
0x28e: {  	v0 =	vadd.s32 v9, v0;
	_ =	sdelay $0x1  }
0x28f: {  	s21 =	simm.s32 $0xD380  }
0x290: {  	[tilespmem:s21], [sflag:$0x1] =	stream.indirect_vreg.gather [hbm4b:s11+s14], $0x80, v1, vm9, $0xb8;
	[tilespmem:$0x13380] =	vst v63  }
0x291: {  	s22 =	simm.s32 $0xDB80  }
0x292: {  	[tilespmem:s22], [sflag:$0x1] =	stream.indirect_vreg.gather [hbm4b:s11+s14], $0x80, v0, vm9, $0xb8;
	[tilespmem:$0x13380] =	vst v63  }
0x293: {  	v0 =	vld [tilespmem:$0x1150];
	_ =	sdelay $0x4  }
0x294: {  	v1 =	vshll.u32 v0, $0x1  }
0x295: {  	v0 =	vand.u32 $0x7, v0;
	v1 =	vand.u32 $0xFFFFFFF0, v1  }
0x296: {  	v0 =	vor.u32 v0, v1  }
0x297: {  	v1 =	vperm.xlane v0, v12;
	_ =	sdelay $0x1  }
0x298: {  	v0 =	vperm.xlane v0, v10;
	v1 =	vadd.s32 v9, v1;
	_ =	sdelay $0x1  }
0x299: {  	v0 =	vadd.s32 v9, v0;
	_ =	sdelay $0x1  }
0x29a: {  	s23 =	simm.s32 $0xE380  }
0x29b: {  	[tilespmem:s23], [sflag:$0x1] =	stream.indirect_vreg.gather [hbm4b:s11+s14], $0x80, v1, vm9, $0xb8;
	[tilespmem:$0x13380] =	vst v63  }
0x29c: {  	s24 =	simm.s32 $0xEB80  }
0x29d: {  	[tilespmem:s24], [sflag:$0x1] =	stream.indirect_vreg.gather [hbm4b:s11+s14], $0x80, v0, vm9, $0xb8;
	[tilespmem:$0x13380] =	vst v63  }
0x29e: {  	v0 =	vld [tilespmem:$0x1160];
	_ =	sdelay $0x4  }
0x29f: {  	v1 =	vshll.u32 v0, $0x1  }
0x2a0: {  	v0 =	vand.u32 $0x7, v0;
	v1 =	vand.u32 $0xFFFFFFF0, v1  }
0x2a1: {  	v0 =	vor.u32 v0, v1  }
0x2a2: {  	v1 =	vperm.xlane v0, v12;
	_ =	sdelay $0x1  }
0x2a3: {  	v0 =	vperm.xlane v0, v10;
	v1 =	vadd.s32 v9, v1;
	_ =	sdelay $0x1  }
0x2a4: {  	v0 =	vadd.s32 v9, v0;
	_ =	sdelay $0x1  }
0x2a5: {  	s25 =	simm.s32 $0xF380  }
0x2a6: {  	[tilespmem:s25], [sflag:$0x1] =	stream.indirect_vreg.gather [hbm4b:s11+s14], $0x80, v1, vm9, $0xb8;
	[tilespmem:$0x13380] =	vst v63  }
0x2a7: {  	s26 =	simm.s32 $0xFB80  }
0x2a8: {  	[tilespmem:s26], [sflag:$0x1] =	stream.indirect_vreg.gather [hbm4b:s11+s14], $0x80, v0, vm9, $0xb8;
	[tilespmem:$0x13380] =	vst v63  }
0x2a9: {  	v0 =	vld [tilespmem:$0x1170];
	_ =	sdelay $0x4  }
0x2aa: {  	v1 =	vshll.u32 v0, $0x1  }
0x2ab: {  	v0 =	vand.u32 $0x7, v0;
	v1 =	vand.u32 $0xFFFFFFF0, v1  }
0x2ac: {  	v0 =	vor.u32 v0, v1  }
0x2ad: {  	v1 =	vperm.xlane v0, v12;
	_ =	sdelay $0x1  }
0x2ae: {  	v0 =	vperm.xlane v0, v10;
	v1 =	vadd.s32 v9, v1;
	_ =	sdelay $0x1  }
0x2af: {  	v0 =	vadd.s32 v9, v0;
	_ =	sdelay $0x1  }
0x2b0: {  	s28 =	simm.s32 $0x10380;
	s30 =	sand.u32 $0x1800, s14;
	s31 =	sand.u32 $0x380, s14  }
0x2b1: {  	[tilespmem:s28], [sflag:$0x1] =	stream.indirect_vreg.gather [hbm4b:s11+s14], $0x80, v1, vm9, $0xb8;
	[tilespmem:$0x13380] =	vst v63  }
0x2b2: {  	s29 =	simm.s32 $0x10B80;
	s15 =	sor.u32 s31, s30  }
0x2b3: {  	[tilespmem:s29], [sflag:$0x1] =	stream.indirect_vreg.gather [hbm4b:s11+s14], $0x80, v0, vm9, $0xb8;
	[tilespmem:$0x13380] =	vst v63  }
0x2b4: {  	v4 =	vld [tilespmem:s15+$0x1380]  }
0x2b5: {  	v20 =	vld [tilespmem:s15+$0x3380]  }
0x2b6: {  	v31 =	vld [tilespmem:s15+$0x5380]  }
0x2b7: {  	v26 =	vld [tilespmem:s15+$0x7380]  }
0x2b8: {  	v25 =	vld [tilespmem:s15+$0x1390]  }
0x2b9: {  	v10 =	vld [tilespmem:s15+$0x3390]  }
0x2ba: {  	v22 =	vld [tilespmem:s15+$0x5390]  }
0x2bb: {  	v12 =	vld [tilespmem:s15+$0x7390]  }
0x2bc: {  	v32 =	vld [tilespmem:s15+$0x13A0]  }
0x2bd: {  	v13 =	vld [tilespmem:s15+$0x33A0]  }
0x2be: {  	v37 =	vld [tilespmem:s15+$0x53A0]  }
0x2bf: {  	v30 =	vld [tilespmem:s15+$0x73A0]  }
0x2c0: {  	v57 =	vld [tilespmem:s15+$0x13B0]  }
0x2c1: {  	v17 =	vld [tilespmem:s15+$0x33B0]  }
0x2c2: {  	v0 =	vld [tilespmem:s15+$0x53B0]  }
0x2c3: {  	v16 =	vld [tilespmem:s15+$0x73B0]  }
0x2c4: {  	v18 =	vld [tilespmem:s15+$0x13C0]  }
0x2c5: {  	v50 =	vld [tilespmem:s15+$0x33C0]  }
0x2c6: {  	v14 =	vld [tilespmem:s15+$0x53C0]  }
0x2c7: {  	v55 =	vld [tilespmem:s15+$0x73C0]  }
0x2c8: {  	v63 =	vld [tilespmem:s15+$0x13D0]  }
0x2c9: {  	v49 =	vld [tilespmem:s15+$0x33D0]  }
0x2ca: {  	v29 =	vld [tilespmem:s15+$0x53D0]  }
0x2cb: {  	v54 =	vld [tilespmem:s15+$0x73D0]  }
0x2cc: {  	v19 =	vld [tilespmem:s15+$0x13E0]  }
0x2cd: {  	v56 =	vld [tilespmem:s15+$0x33E0]  }
0x2ce: {  	v28 =	vld [tilespmem:s15+$0x53E0]  }
0x2cf: {  	v58 =	vld [tilespmem:s15+$0x73E0]  }
0x2d0: {  	v35 =	vld [tilespmem:s15+$0x13F0]  }
0x2d1: {  	v38 =	vld [tilespmem:s15+$0x33F0]  }
0x2d2: {  	v46 =	vld [tilespmem:s15+$0x53F0]  }
0x2d3: {  	v60 =	vld [tilespmem:s15+$0x73F0]  }
0x2d4: {  	v36 =	vld [tilespmem:s15+$0x1780]  }
0x2d5: {  	v3 =	vld [tilespmem:s15+$0x3780]  }
0x2d6: {  	v45 =	vld [tilespmem:s15+$0x5780]  }
0x2d7: {  	v41 =	vld [tilespmem:s15+$0x7780]  }
0x2d8: {  	v39 =	vld [tilespmem:s15+$0x1790]  }
0x2d9: {  	v6 =	vld [tilespmem:s15+$0x3790]  }
0x2da: {  	v27 =	vld [tilespmem:s15+$0x5790]  }
0x2db: {  	v21 =	vld [tilespmem:s15+$0x7790]  }
0x2dc: {  	v5 =	vld [tilespmem:s15+$0x17A0]  }
0x2dd: {  	v9 =	vld [tilespmem:s15+$0x37A0]  }
0x2de: {  	v24 =	vld [tilespmem:s15+$0x57A0]  }
0x2df: {  	v51 =	vld [tilespmem:s15+$0x77A0]  }
0x2e0: {  	v7 =	vld [tilespmem:s15+$0x17B0]  }
0x2e1: {  	v53 =	vld [tilespmem:s15+$0x37B0]  }
0x2e2: {  	v33 =	vld [tilespmem:s15+$0x57B0]  }
0x2e3: {  	v2 =	vld [tilespmem:s15+$0x77B0]  }
0x2e4: {  	v8 =	vld [tilespmem:s15+$0x17C0]  }
0x2e5: {  	v59 =	vld [tilespmem:s15+$0x37C0]  }
0x2e6: {  	v34 =	vld [tilespmem:s15+$0x57C0]  }
0x2e7: {  	v1 =	vld [tilespmem:s15+$0x77C0]  }
0x2e8: {  	v11 =	vld [tilespmem:s15+$0x17D0]  }
0x2e9: {  	v44 =	vld [tilespmem:s15+$0x37D0];
	v23 =	vmov v4;
	v4 =	vsub.f32 v20, v4;
	v62 =	vsub.f32 v26, v31  }
0x2ea: {  	v52 =	vld [tilespmem:s15+$0x77D0];
	v15 =	vmovc v31;
	v26 =	vmov v25;
	v47 =	vsub.f32 v10, v25;
	v48 =	vsub.f32 v12, v22  }
0x2eb: {  	v31 =	vmovc v22;
	v22 =	vmovc v32;
	v32 =	vld [tilespmem:s15+$0x57D0];
	v40 =	vmov v37;
	v12 =	vsub.f32 v30, v37;
	v61 =	vsub.f32 v17, v57  }
0x2ec: {  	v42 =	vmovc v57;
	v17 =	vmovc v0;
	v57 =	vsub.f32 v16, v0;
	v37 =	vld [tilespmem:s15+$0x17E0];
	v0 =	vmov v18;
	v10 =	vsub.f32 v50, v18  }
0x2ed: {  	s16 =	simm.s32 $0x1;
	s17 =	simm.s32 $0x0;
	v18 =	vmovc v45;
	v25 =	vmovc v14;
	v30 =	vsub.f32 v55, v14;
	v55 =	vld [tilespmem:s15+$0x37E0];
	v43 =	vsub.f32 v13, v22;
	v13 =	vmov s14  }
.LBB2_5:
0x2ee: {  	s14 =	sadd.s32 $0x80, s14;
	s17 =	sadd.s32 $0x100, s17  }
0x2ef: {  	s0 =	sand.u32 $0x1800, s17;
	s1 =	sand.u32 $0x380, s14;
	v1 =	vsub.f32 v1, v34  }
0x2f0: {  	s18 =	sor.u32 s1, s0  }
0x2f1: {  	[tilespmem:$0x1FED0] =	vst v1;
	v1 =	vld [tilespmem:s18+$0x3380];
	_ =	sdelay $0x4  }
0x2f2: {  	v16 =	vld [tilespmem:s15+$0x57E0];
	[tilespmem:$0x1FF40] =	vst v1;
	v1 =	vsub.f32 v44, v11  }
0x2f3: {  	v14 =	vsub.f32 v49, v63;
	v45 =	vld [tilespmem:s15+$0x77E0];
	v50 =	vsub.f32 v3, v36  }
0x2f4: {  	v49 =	vsub.f32 v54, v29;
	v20 =	vld [tilespmem:s15+$0x17F0];
	[tilespmem:$0x1FEE0] =	vst v1;
	v1 =	vsub.f32 v52, v32  }
0x2f5: {  	v54 =	vsub.f32 v56, v19;
	v3 =	vmovc v18;
	[tilespmem:$0x1FE60] =	vst v50;
	v50 =	vsub.f32 v41, v18;
	v18 =	vmov v19;
	v19 =	vld [tilespmem:s15+$0x37F0]  }
0x2f6: {  	[tilespmem:$0x1FEF0] =	vst v1;
	v1 =	vsub.f32 v55, v37;
	_ =	sdelay $0x1  }
0x2f7: {  	[tilespmem:$0x1FF00] =	vst v1;
	v1 =	vsub.f32 v45, v16;
	_ =	sdelay $0x1  }
0x2f8: {  	[tilespmem:$0x1FF10] =	vst v1;
	v1 =	vsub.f32 v19, v20;
	_ =	sdelay $0x1  }
0x2f9: {  	v6 =	vsub.f32 v6, v39;
	[tilespmem:$0x1FF20] =	vst v1;
	v1 =	vld [tilespmem:s18+$0x7380];
	_ =	sdelay $0x1  }
0x2fa: {  	[tilespmem:$0x1FE80] =	vst v6;
	v6 =	vsub.f32 v21, v27  }
0x2fb: {  	[tilespmem:$0x1FE70] =	vst v50  }
0x2fc: {  	v50 =	vld.idx.msk [tilespmem:v13+s2+$0x0], $0xffff;
	[tilespmem:$0x1FE90] =	vst v6  }
0x2fd: {  	v6 =	vsub.f32 v9, v5;
	[tilespmem:$0x1FF50] =	vst v1;
	v1 =	vld [tilespmem:s18+$0x33A0];
	_ =	sdelay $0x1  }
0x2fe: {  	[tilespmem:$0x1FEA0] =	vst v6;
	v6 =	vsub.f32 v51, v24  }
0x2ff: {  	v58 =	vsub.f32 v58, v28;
	v56 =	vmov v28;
	v28 =	vsub.f32 v38, v35;
	v9 =	vld [tilespmem:s18+$0x1380]  }
0x300: {  	v38 =	vmov v36;
	[tilespmem:$0x1FEB0] =	vst v6;
	v6 =	vsub.f32 v53, v7;
	v53 =	vld.idx.msk [tilespmem:v13+s6+$0x0], $0xffff;
	v36 =	vmul.f32 v61, v50  }
0x301: {  	v12 =	vmul.f32 v12, v50;
	v45 =	vmul.f32 v57, v50;
	[tilespmem:$0x1FF60] =	vst v1;
	v1 =	vld [tilespmem:s18+$0x73A0]  }
0x302: {  	v61 =	vmul.f32 v47, v50;
	v47 =	vld [tilespmem:s18+$0x3390];
	v19 =	vmul.f32 v43, v50  }
0x303: {  	v44 =	vld [tilespmem:s18+$0x5380];
	v41 =	vadd.f32 v36, v42;
	v36 =	vadd.f32 v45, v17  }
0x304: {  	v12 =	vadd.f32 v12, v40;
	v40 =	vld [tilespmem:s18+$0x13A0];
	v52 =	vmul.f32 v48, v50;
	v19 =	vadd.f32 v19, v22  }
0x305: {  	v4 =	vmul.f32 v4, v50;
	v61 =	vadd.f32 v61, v26;
	v48 =	vld [tilespmem:s18+$0x7390];
	v22 =	vsub.f32 v36, v41  }
0x306: {  	v21 =	vadd.f32 v52, v31;
	v45 =	vmul.f32 v62, v50;
	v13 =	vsub.f32 v12, v19;
	[tilespmem:$0x1FF70] =	vst v1;
	v1 =	vld [tilespmem:$0x1FE60]  }
0x307: {  	v10 =	vmul.f32 v10, v50;
	v4 =	vadd.f32 v4, v23;
	v55 =	vld [tilespmem:s18+$0x5390];
	v22 =	vmul.f32 v22, v53  }
0x308: {  	v26 =	vmovc v9;
	v52 =	vld [tilespmem:s18+$0x53A0];
	v21 =	vsub.f32 v21, v61;
	v9 =	vadd.f32 v45, v15;
	v42 =	vmul.f32 v13, v53  }
0x309: {  	v43 =	vld [tilespmem:s18+$0x1390];
	v36 =	vadd.f32 v10, v0;
	v57 =	vadd.f32 v22, v41  }
0x30a: {  	v0 =	vmul.f32 v30, v50;
	v10 =	vmul.f32 v21, v53;
	v45 =	vld [tilespmem:s18+$0x13B0];
	v19 =	vadd.f32 v42, v19  }
0x30b: {  	v9 =	vsub.f32 v9, v4;
	[tilespmem:s15+$0x113B0] =	vst v57;
	v17 =	vmul.f32 v1, v50;
	v1 =	vld [tilespmem:$0x1FE70]  }
0x30c: {  	v0 =	vadd.f32 v0, v25;
	v10 =	vadd.f32 v10, v61;
	v57 =	vld [tilespmem:s18+$0x33B0];
	[tilespmem:s15+$0x113A0] =	vst v19  }
0x30d: {  	[tilespmem:$0x1FF30] =	vst v16;
	v14 =	vmul.f32 v14, v50;
	v9 =	vmul.f32 v9, v53;
	v13 =	vld [tilespmem:s18+$0x53B0]  }
0x30e: {  	v16 =	vmul.f32 v54, v50;
	v19 =	vsub.f32 v0, v36;
	v0 =	vld [tilespmem:s18+$0x73B0];
	[tilespmem:s15+$0x11390] =	vst v10  }
0x30f: {  	v14 =	vadd.f32 v14, v63;
	v63 =	vmul.f32 v58, v50;
	v4 =	vadd.f32 v9, v4;
	v25 =	vld [tilespmem:s18+$0x13C0]  }
0x310: {  	v16 =	vadd.f32 v16, v18;
	v15 =	vmul.f32 v49, v50;
	v18 =	vmul.f32 v1, v50;
	v1 =	vld [tilespmem:$0x1FE80]  }
0x311: {  	v23 =	vadd.f32 v63, v56;
	v19 =	vmul.f32 v19, v53;
	v10 =	vld [tilespmem:s18+$0x33C0];
	[tilespmem:s15+$0x11380] =	vst v4  }
0x312: {  	v60 =	vsub.f32 v60, v46;
	v9 =	vadd.f32 v15, v29;
	v15 =	vmul.f32 v28, v50;
	v30 =	vld [tilespmem:s18+$0x53C0]  }
0x313: {  	v23 =	vsub.f32 v23, v16;
	v22 =	vmov v55;
	v55 =	vld [tilespmem:s18+$0x73C0];
	v19 =	vadd.f32 v19, v36  }
0x314: {  	v4 =	vsub.f32 v9, v14;
	v9 =	vadd.f32 v15, v35;
	v15 =	vmul.f32 v60, v50;
	v63 =	vld [tilespmem:s18+$0x13D0]  }
0x315: {  	[tilespmem:s15+$0x113C0] =	vst v19;
	v19 =	vmul.f32 v23, v53;
	v23 =	vmul.f32 v1, v50;
	v1 =	vld [tilespmem:$0x1FE90]  }
0x316: {  	v4 =	vmul.f32 v4, v53;
	v49 =	vld [tilespmem:s18+$0x33D0]  }
0x317: {  	v15 =	vadd.f32 v15, v46;
	v18 =	vadd.f32 v18, v3;
	v3 =	vld [tilespmem:$0x1FEB0]  }
0x318: {  	v4 =	vadd.f32 v4, v14;
	v29 =	vld [tilespmem:s18+$0x53D0]  }
0x319: {  	v14 =	vsub.f32 v15, v9;
	v54 =	vld [tilespmem:s18+$0x73D0]  }
0x31a: {  	v16 =	vadd.f32 v19, v16;
	[tilespmem:s15+$0x113D0] =	vst v4;
	v17 =	vadd.f32 v17, v38;
	v15 =	vmul.f32 v1, v50;
	v1 =	vld [tilespmem:$0x1FEA0]  }
0x31b: {  	[tilespmem:$0x1FEC0] =	vst v6;
	v19 =	vld [tilespmem:s18+$0x13E0]  }
0x31c: {  	[tilespmem:s15+$0x113E0] =	vst v16;
	v16 =	vsub.f32 v18, v17;
	v18 =	vmul.f32 v3, v50;
	v3 =	vld [tilespmem:$0x1FEC0];
	_ =	sdelay $0x2  }
0x31d: {  	v1 =	vmul.f32 v1, v50;
	_ =	sdelay $0x1  }
0x31e: {  	v1 =	vadd.f32 v1, v5;
	v5 =	vmul.f32 v3, v50;
	v3 =	vld [tilespmem:$0x1FED0]  }
0x31f: {  	v4 =	vmul.f32 v14, v53;
	v14 =	vadd.f32 v23, v39;
	v15 =	vadd.f32 v15, v27;
	_ =	sdelay $0x1  }
0x320: {  	v4 =	vadd.f32 v4, v9;
	v9 =	vsub.f32 v15, v14;
	v15 =	vmul.f32 v16, v53  }
0x321: {  	v56 =	vld [tilespmem:s18+$0x33E0]  }
0x322: {  	v15 =	vadd.f32 v15, v17;
	v17 =	vmul.f32 v3, v50;
	v3 =	vld [tilespmem:$0x1FEE0]  }
0x323: {  	v28 =	vld [tilespmem:s18+$0x53E0]  }
0x324: {  	v58 =	vld [tilespmem:s18+$0x73E0];
	[tilespmem:s15+$0x113F0] =	vst v4  }
0x325: {  	v35 =	vld [tilespmem:s18+$0x13F0];
	v4 =	vmul.f32 v9, v53  }
0x326: {  	v38 =	vld [tilespmem:s18+$0x33F0]  }
0x327: {  	v46 =	vld [tilespmem:s18+$0x53F0];
	v4 =	vadd.f32 v4, v14;
	[tilespmem:s15+$0x11780] =	vst v15;
	v3 =	vmul.f32 v3, v50  }
0x328: {  	v60 =	vld [tilespmem:s18+$0x73F0]  }
0x329: {  	[tilespmem:s15+$0x11790] =	vst v4;
	v4 =	vadd.f32 v3, v11;
	v3 =	vld [tilespmem:$0x1FEF0]  }
0x32a: {  	v16 =	vadd.f32 v18, v24  }
0x32b: {  	v59 =	vsub.f32 v59, v8  }
0x32c: {  	v16 =	vsub.f32 v16, v1  }
0x32d: {  	v9 =	vadd.f32 v5, v7;
	v5 =	vmul.f32 v59, v50  }
0x32e: {  	v14 =	vmul.f32 v16, v53;
	v16 =	vmul.f32 v3, v50;
	v3 =	vld [tilespmem:$0x1FF00]  }
0x32f: {  	v2 =	vsub.f32 v2, v33;
	v51 =	vld [tilespmem:s15+$0x57F0]  }
0x330: {  	v6 =	vld [tilespmem:s15+$0x77F0];
	v15 =	vadd.f32 v5, v8;
	v5 =	vadd.f32 v17, v34  }
0x331: {  	v36 =	vld [tilespmem:s18+$0x1780]  }
0x332: {  	v2 =	vmul.f32 v2, v50;
	v18 =	vld [tilespmem:s18+$0x5780];
	v1 =	vadd.f32 v14, v1;
	v5 =	vsub.f32 v5, v15  }
0x333: {  	v8 =	vmul.f32 v3, v50;
	v3 =	vld [tilespmem:s18+$0x3780]  }
0x334: {  	v2 =	vadd.f32 v2, v33;
	[tilespmem:s15+$0x117A0] =	vst v1;
	v1 =	vmul.f32 v5, v53;
	v5 =	vld [tilespmem:$0x1FF20];
	_ =	sdelay $0x1  }
0x335: {  	v2 =	vsub.f32 v2, v9  }
0x336: {  	v7 =	vld [tilespmem:$0x1FF10]  }
0x337: {  	v6 =	vsub.f32 v6, v51;
	v2 =	vmul.f32 v2, v53  }
0x338: {  	v14 =	vadd.f32 v16, v32;
	v17 =	vadd.f32 v8, v37;
	v8 =	vmul.f32 v5, v50;
	v5 =	vld [tilespmem:$0x1FF30]  }
0x339: {  	v2 =	vadd.f32 v2, v9;
	v41 =	vld [tilespmem:s18+$0x7780]  }
0x33a: {  	v11 =	vmul.f32 v6, v50;
	v9 =	vsub.f32 v14, v4;
	v39 =	vld [tilespmem:s18+$0x1790];
	v1 =	vadd.f32 v1, v15  }
0x33b: {  	v16 =	vmul.f32 v7, v50;
	v6 =	vld [tilespmem:s18+$0x3790];
	[tilespmem:s15+$0x117B0] =	vst v2  }
0x33c: {  	v2 =	vmul.f32 v9, v53;
	v9 =	vadd.f32 v11, v51;
	v27 =	vld [tilespmem:s18+$0x5790];
	[tilespmem:s15+$0x117C0] =	vst v1;
	v15 =	vadd.f32 v8, v20  }
0x33d: {  	v21 =	vld [tilespmem:s18+$0x7790];
	v14 =	vadd.f32 v16, v5  }
0x33e: {  	v2 =	vadd.f32 v2, v4;
	v4 =	vsub.f32 v9, v15;
	v9 =	vld [tilespmem:s18+$0x37A0]  }
0x33f: {  	v5 =	vld [tilespmem:s18+$0x17A0];
	v1 =	vsub.f32 v14, v17  }
0x340: {  	[tilespmem:s15+$0x117D0] =	vst v2;
	v14 =	vld [tilespmem:$0x1FF50]  }
0x341: {  	v24 =	vld [tilespmem:s18+$0x57A0];
	v1 =	vmul.f32 v1, v53  }
0x342: {  	v2 =	vmul.f32 v4, v53;
	v51 =	vld [tilespmem:s18+$0x77A0]  }
0x343: {  	v7 =	vld [tilespmem:s18+$0x17B0];
	v1 =	vadd.f32 v1, v17  }
0x344: {  	v12 =	vmov v44;
	v4 =	vld [tilespmem:$0x1FF40];
	v2 =	vadd.f32 v2, v15  }
0x345: {  	v15 =	vmov v12;
	v62 =	vsub.f32 v14, v12;
	v12 =	vld [tilespmem:$0x1FF60];
	[tilespmem:s15+$0x117E0] =	vst v1  }
0x346: {  	v53 =	vld [tilespmem:s18+$0x37B0];
	[tilespmem:s15+$0x117F0] =	vst v2;
	s15 =	smov.u32 s18  }
0x347: {  	v33 =	vld [tilespmem:s15+$0x57B0]  }
0x348: {  	v2 =	vld [tilespmem:s15+$0x77B0]  }
0x349: {  	v8 =	vld [tilespmem:s15+$0x17C0]  }
0x34a: {  	v59 =	vld [tilespmem:s15+$0x37C0]  }
0x34b: {  	v34 =	vld [tilespmem:s15+$0x57C0]  }
0x34c: {  	v1 =	vld [tilespmem:s15+$0x77C0]  }
0x34d: {  	v11 =	vld [tilespmem:s15+$0x17D0]  }
0x34e: {  	p0 =	sne.s32 s16, $0x1F;
	v31 =	vmov v43;
	v43 =	vsub.f32 v12, v40;
	v12 =	vld [tilespmem:$0x1FF70]  }
.Ltmp1:
0x34f: {  	v47 =	vsub.f32 v47, v31;
	v44 =	vld [tilespmem:s15+$0x37D0];
	(pc) =	sbr.rel @p0 .LBB2_5-.Ltmp1, $4  }
0x350: {  	v48 =	vsub.f32 v48, v22;
	v61 =	vsub.f32 v57, v45;
	v32 =	vld [tilespmem:s15+$0x57D0]  }
0x351: {  	v42 =	vmovc v45;
	v57 =	vsub.f32 v0, v13;
	v0 =	vmovc v25;
	v10 =	vsub.f32 v10, v25;
	v25 =	vmov v30;
	v37 =	vld [tilespmem:s15+$0x17E0]  }
0x352: {  	v30 =	vsub.f32 v55, v30;
	v23 =	vmovc v26;
	v4 =	vsub.f32 v4, v26;
	v26 =	vmovc v31;
	v31 =	vmov v22;
	v55 =	vld [tilespmem:s15+$0x37E0]  }
0x353: {  	v22 =	vmovc v40;
	v17 =	vmovc v13;
	v13 =	vmov s16;
	s16 =	sadd.s32 $0x1, s16;
	v40 =	vmov v52;
	v12 =	vsub.f32 v12, v52;
	v52 =	vld [tilespmem:s15+$0x77D0]  }
0x354: {  	_ =	sdelay $0x3  }
0x355: {  	v50 =	vld.idx.msk [tilespmem:v13+s2+$0x0], $0xffff;
	_ =	sdelay $0x1  }
0x356: {  	v16 =	vsub.f32 v49, v63;
	v3 =	vsub.f32 v3, v36  }
0x357: {  	v6 =	vsub.f32 v6, v39;
	v9 =	vsub.f32 v9, v5  }
0x358: {  	v2 =	vsub.f32 v2, v33;
	v59 =	vsub.f32 v59, v8  }
0x359: {  	v1 =	vsub.f32 v1, v34;
	v44 =	vsub.f32 v44, v11;
	v14 =	vmul.f32 v61, v50  }
0x35a: {  	v61 =	vmovc v18;
	v18 =	vmul.f32 v57, v50;
	v57 =	vsub.f32 v38, v35;
	v49 =	vmul.f32 v43, v50  }
0x35b: {  	v43 =	vsub.f32 v60, v46;
	v12 =	vmul.f32 v12, v50;
	v45 =	vmul.f32 v47, v50  }
0x35c: {  	v38 =	vmovc v36;
	v36 =	vsub.f32 v21, v27;
	v4 =	vmul.f32 v4, v50;
	v47 =	vsub.f32 v51, v24  }
0x35d: {  	v51 =	vsub.f32 v52, v32;
	v52 =	vsub.f32 v55, v37;
	v62 =	vmul.f32 v62, v50  }
0x35e: {  	v10 =	vmul.f32 v10, v50;
	v41 =	vsub.f32 v41, v61;
	v14 =	vadd.f32 v14, v42  }
0x35f: {  	v3 =	vmul.f32 v3, v50;
	v42 =	vsub.f32 v54, v29;
	v54 =	vsub.f32 v56, v19  }
0x360: {  	[tilespmem:$0x1FE40] =	vst v19;
	v6 =	vmul.f32 v6, v50;
	v19 =	vsub.f32 v58, v28;
	v18 =	vadd.f32 v18, v17  }
0x361: {  	v9 =	vmul.f32 v9, v50;
	v58 =	vmovc v28;
	v28 =	vadd.f32 v49, v22;
	v12 =	vadd.f32 v12, v40  }
0x362: {  	v49 =	vmul.f32 v48, v50;
	v22 =	vadd.f32 v45, v26;
	v48 =	vsub.f32 v53, v7  }
0x363: {  	v13 =	vld.idx.msk [tilespmem:v13+s6+$0x0], $0xffff;
	v2 =	vmul.f32 v2, v50;
	v4 =	vadd.f32 v4, v23;
	v53 =	vadd.f32 v62, v15  }
0x364: {  	v26 =	vmovc v27;
	v10 =	vadd.f32 v10, v0;
	v0 =	vmul.f32 v30, v50;
	v3 =	vadd.f32 v3, v38  }
0x365: {  	v27 =	vmovc v5;
	v15 =	vmul.f32 v16, v50;
	v6 =	vadd.f32 v6, v39;
	v2 =	vadd.f32 v2, v33  }
0x366: {  	v20 =	vld [tilespmem:s15+$0x17F0];
	v40 =	vmovc v7;
	v7 =	vmul.f32 v57, v50;
	v9 =	vadd.f32 v9, v27;
	v21 =	vadd.f32 v49, v31  }
0x367: {  	v60 =	vld [tilespmem:s15+$0x77E0];
	v23 =	vmovc v8;
	v8 =	vmul.f32 v36, v50;
	v18 =	vsub.f32 v18, v14;
	v12 =	vsub.f32 v12, v28  }
0x368: {  	v17 =	vld [tilespmem:s15+$0x57E0];
	v0 =	vadd.f32 v0, v25;
	v16 =	vmul.f32 v42, v50;
	v15 =	vadd.f32 v15, v63  }
0x369: {  	v45 =	vld [tilespmem:s15+$0x37F0];
	v19 =	vmul.f32 v19, v50;
	v7 =	vadd.f32 v7, v35;
	v8 =	vadd.f32 v8, v26  }
0x36a: {  	v5 =	vld [tilespmem:$0x1FE40];
	v18 =	vmul.f32 v18, v13;
	v21 =	vsub.f32 v21, v22;
	v0 =	vsub.f32 v0, v10  }
0x36b: {  	v31 =	vmovc v11;
	v11 =	vmul.f32 v1, v50;
	v16 =	vadd.f32 v16, v29;
	v8 =	vsub.f32 v8, v6  }
0x36c: {  	v12 =	vmul.f32 v12, v13;
	v14 =	vadd.f32 v18, v14;
	v18 =	vsub.f32 v53, v4  }
0x36d: {  	v11 =	vadd.f32 v11, v34;
	v55 =	vsub.f32 v60, v17;
	v60 =	vmovc v17;
	v17 =	vmul.f32 v54, v50  }
0x36e: {  	v45 =	vsub.f32 v45, v20;
	v12 =	vadd.f32 v12, v28;
	v18 =	vmul.f32 v18, v13  }
0x36f: {  	v0 =	vmul.f32 v0, v13;
	v16 =	vsub.f32 v16, v15;
	v17 =	vadd.f32 v17, v5  }
0x370: {  	v56 =	vmovc v46;
	v46 =	vld [tilespmem:s15+$0x57F0];
	v4 =	vadd.f32 v18, v4;
	v18 =	vadd.f32 v19, v58;
	v19 =	vmul.f32 v43, v50  }
0x371: {  	v49 =	vld [tilespmem:s15+$0x77F0];
	v8 =	vmul.f32 v8, v13;
	v5 =	vmul.f32 v41, v50;
	v0 =	vadd.f32 v0, v10  }
0x372: {  	v16 =	vmul.f32 v16, v13;
	v10 =	vsub.f32 v18, v17;
	v18 =	vadd.f32 v19, v56  }
0x373: {  	v6 =	vadd.f32 v8, v6;
	v5 =	vadd.f32 v5, v61  }
0x374: {  	[tilespmem:$0x1FE50] =	vst v20;
	v20 =	vmul.f32 v21, v13;
	v15 =	vadd.f32 v16, v15;
	v16 =	vsub.f32 v18, v7  }
0x375: {  	[tilespmem:s15+$0x113B0] =	vst v14;
	v8 =	vmul.f32 v44, v50;
	v14 =	vmul.f32 v51, v50;
	v5 =	vsub.f32 v5, v3  }
0x376: {  	v49 =	vsub.f32 v49, v46;
	v10 =	vmul.f32 v10, v13;
	v16 =	vmul.f32 v16, v13  }
0x377: {  	v20 =	vadd.f32 v20, v22;
	v5 =	vmul.f32 v5, v13;
	v18 =	vmul.f32 v59, v50  }
0x378: {  	[tilespmem:s15+$0x113A0] =	vst v12;
	v10 =	vadd.f32 v10, v17;
	v17 =	vmul.f32 v47, v50;
	v7 =	vadd.f32 v16, v7  }
0x379: {  	[tilespmem:s15+$0x11380] =	vst v4;
	v4 =	vadd.f32 v8, v31;
	v12 =	vadd.f32 v18, v23;
	v16 =	vmul.f32 v48, v50  }
0x37a: {  	v1 =	vmul.f32 v49, v50;
	v3 =	vadd.f32 v5, v3;
	v17 =	vadd.f32 v17, v24;
	[tilespmem:s15+$0x113F0] =	vst v7;
	v7 =	vld [tilespmem:$0x1FE50]  }
0x37b: {  	[tilespmem:s15+$0x113C0] =	vst v0;
	v8 =	vmul.f32 v52, v50;
	v0 =	vsub.f32 v11, v12;
	v16 =	vadd.f32 v16, v40  }
0x37c: {  	v11 =	vadd.f32 v14, v32;
	v14 =	vmul.f32 v55, v50;
	v5 =	vsub.f32 v17, v9  }
0x37d: {  	[tilespmem:s15+$0x113D0] =	vst v15;
	v15 =	vmul.f32 v45, v50;
	v8 =	vadd.f32 v8, v37;
	v2 =	vsub.f32 v2, v16  }
0x37e: {  	[tilespmem:s15+$0x113E0] =	vst v10;
	v10 =	vsub.f32 v11, v4;
	v11 =	vadd.f32 v14, v60;
	v5 =	vmul.f32 v5, v13  }
0x37f: {  	[tilespmem:s15+$0x11390] =	vst v20;
	v1 =	vadd.f32 v1, v46;
	v2 =	vmul.f32 v2, v13;
	v7 =	vadd.f32 v15, v7  }
0x380: {  	[tilespmem:s15+$0x11780] =	vst v3;
	v0 =	vmul.f32 v0, v13;
	v3 =	vadd.f32 v5, v9;
	v5 =	vsub.f32 v11, v8  }
0x381: {  	[tilespmem:s15+$0x11790] =	vst v6;
	v6 =	vmul.f32 v10, v13;
	v2 =	vadd.f32 v2, v16;
	v1 =	vsub.f32 v1, v7  }
0x382: {  	v0 =	vadd.f32 v0, v12;
	[tilespmem:s15+$0x117A0] =	vst v3;
	v3 =	vmul.f32 v5, v13  }
0x383: {  	s0 =	rddreg [dreg:$0xc];
	[tilespmem:s15+$0x117B0] =	vst v2;
	v2 =	vadd.f32 v6, v4;
	v1 =	vmul.f32 v1, v13  }
0x384: {  	s1 =	rddreg [dreg:$0x4];
	s0 =	sshll.u32 s0, $0xE;
	[tilespmem:s15+$0x117C0] =	vst v0;
	v0 =	vadd.f32 v3, v8  }
0x385: {  	s0 =	sadd.s32 s1, s0;
	[tilespmem:s15+$0x117D0] =	vst v2;
	v1 =	vadd.f32 v1, v7  }
0x386: {  	s5 =	rddreg [dreg:$0x5];
	s14 =	simm.s32 $0x0;
	s0 =	sshrl.u32 s0, $0x3;
	[tilespmem:s15+$0x117E0] =	vst v0  }
0x387: {  	s7 =	simm.s32 $0x11380;
	s8 =	simm.s32 $0x2;
	s0 =	sadd.s32 s5, s0;
	[tilespmem:s15+$0x117F0] =	vst v1  }
0x388: {  	[hbm4b:s0+s14] =	stream.linear.scatter [tilespmem:s7], [sflag:$0x2], $0x2000, $0x38;
	[tilespmem:$0x13380] =	vst v63  }
0x389: {  	_ =	swait.ge [sflag:s8], $0x2000  }
0x38a: {  	[sflag:s8] =	ssyncset.done $0x0  }
0x38b: {  	s11 =	simm.s32 $0x1;
	[sflag:s8] =	ssyncadd.s32 $0xFFFFE000  }
0x38c: {  	_ =	swait.ge [sflag:s11], $0x8000  }
0x38d: {  	[sflag:s11] =	ssyncset.done $0x0  }
0x38e: {  	[sflag:s11] =	ssyncadd.s32 $0xFFFF8000  }
0x38f: {  	v0 =	vld [tilespmem:$0x1000];
	_ =	sdelay $0x4  }
0x390: {  	s30 =	rddreg [dreg:$0xe];
	v1 =	vshra.s32 v0, $0x1F  }
0x391: {  	s12 =	sadd.s32 $0x40, s30;
	v16 =	vand.u32 v1, v0  }
0x392: {  	v8 =	vlaneseq.u32;
	v3 =	vadd.s32 s12, v16  }
0x393: {  	v0 =	vadd.s32 v8, v3  }
0x394: {  	(v2sf) =	vpush v0, $0xD;
	_ =	sdelay $0x1  }
0x395: {  	(v2sf) =	vpush v0, $0xC;
	_ =	sdelay $0x1  }
0x396: {  	(v2sf) =	vpush v0, $0xE;
	_ =	sdelay $0x1  }
0x397: {  	(v2sf) =	vpush v0, $0xF;
	_ =	sdelay $0x1  }
0x398: {  	(v2sf) =	vpush v0, $0x9;
	_ =	sdelay $0x1  }
0x399: {  	(v2sf) =	vpush v0, $0x8;
	_ =	sdelay $0x1  }
0x39a: {  	(v2sf) =	vpush v0, $0xA;
	_ =	sdelay $0x1  }
0x39b: {  	(v2sf) =	vpush v0, $0xB  }
0x39c: {  	s13 =	spop (v2sf)  }
0x39d: {  	(v2sf) =	vpush v0, $0x0;
	s15 =	smulhi.u32 $0x5397829D, s13;
	s0 =	sshra.s32 s13, $0x1F  }
0x39e: {  	s3 =	spop (v2sf);
	s0 =	smul.u32 $0x5397829D, s0  }
0x39f: {  	(v2sf) =	vpush v0, $0x1;
	s4 =	smulhi.u32 $0x5397829D, s3;
	s3 =	sshra.s32 s3, $0x1F  }
0x3a0: {  	s5 =	spop (v2sf);
	s3 =	smul.u32 $0x5397829D, s3  }
0x3a1: {  	(v2sf) =	vpush v0, $0x2;
	s7 =	smulhi.u32 $0x5397829D, s5;
	s5 =	sshra.s32 s5, $0x1F  }
0x3a2: {  	s17 =	spop (v2sf);
	s16 =	smul.u32 $0x5397829D, s5  }
0x3a3: {  	(v2sf) =	vpush v0, $0x3;
	s8 =	smulhi.u32 $0x5397829D, s17;
	s11 =	sshra.s32 s17, $0x1F  }
0x3a4: {  	s19 =	spop (v2sf);
	s18 =	smul.u32 $0x5397829D, s11  }
0x3a5: {  	s20 =	smulhi.u32 $0x5397829D, s19;
	s21 =	sshra.s32 s19, $0x1F  }
0x3a6: {  	(v2sf) =	vpush v0, $0x4;
	s5 =	sadd.s32 s3, s4;
	s23 =	spop (v2sf);
	s22 =	smul.u32 $0x5397829D, s21  }
0x3a7: {  	s3 =	sadd.s32 s16, s7;
	s16 =	smulhi.u32 $0x5397829D, s23;
	s7 =	sshra.s32 s23, $0x1F  }
0x3a8: {  	(v2sf) =	vpush v0, $0x5;
	s0 =	sadd.s32 s0, s15;
	s24 =	spop (v2sf);
	s7 =	smul.u32 $0x5397829D, s7  }
0x3a9: {  	(v2sf) =	vpush v0, $0x6;
	s4 =	sadd.s32 s18, s8;
	s18 =	smulhi.u32 $0x5397829D, s24;
	s8 =	sshra.s32 s24, $0x1F  }
0x3aa: {  	s12 =	sshrl.u32 s0, $0x1F;
	s25 =	spop (v2sf);
	s8 =	smul.u32 $0x5397829D, s8  }
0x3ab: {  	s1 =	sadd.s32 s22, s20;
	s20 =	smulhi.u32 $0x5397829D, s25;
	s21 =	sshra.s32 s25, $0x1F  }
0x3ac: {  	s13 =	sshrl.u32 s5, $0x1F;
	(v2sf) =	vpush v0, $0x7;
	s29 =	spop (v2sf);
	s26 =	smul.u32 $0x5397829D, s21  }
0x3ad: {  	s15 =	sshrl.u32 s3, $0x1F;
	s22 =	smulhi.u32 $0x5397829D, s29;
	s23 =	sshra.s32 s29, $0x1F  }
0x3ae: {  	s19 =	sshrl.u32 s1, $0x1F;
	s28 =	spop (v2sf);
	s31 =	smul.u32 $0x5397829D, s23  }
0x3af: {  	s11 =	sadd.s32 s7, s16;
	s24 =	smulhi.u32 $0x5397829D, s28;
	s25 =	sshra.s32 s28, $0x1F  }
0x3b0: {  	s7 =	sadd.s32 s8, s18;
	s29 =	spop (v2sf);
	s16 =	smul.u32 $0x5397829D, s25  }
0x3b1: {  	s8 =	sadd.s32 s26, s20;
	s26 =	smulhi.u32 $0x5397829D, s29;
	s20 =	sshra.s32 s29, $0x1F  }
0x3b2: {  	s18 =	sadd.s32 s31, s22;
	s20 =	smul.u32 $0x5397829D, s20;
	s31 =	spop (v2sf)  }
0x3b3: {  	v1 =	vmov s13;
	s21 =	sshrl.u32 s11, $0x1F;
	s29 =	smulhi.u32 $0x5397829D, s31;
	s22 =	sshra.s32 s31, $0x1F  }
0x3b4: {  	v1 =	vsel vm0, s12, v1;
	s28 =	sshrl.u32 s18, $0x1F;
	s13 =	sadd.s32 s16, s24;
	s16 =	smul.u32 $0x5397829D, s22  }
0x3b5: {  	v1 =	vsel vm1, s15, v1;
	s22 =	spop (v2sf);
	v2 =	vmov s28;
	s31 =	sshrl.u32 s13, $0x1F;
	s15 =	sadd.s32 s20, s26  }
0x3b6: {  	s24 =	smulhi.u32 $0x5397829D, s22;
	s22 =	sshra.s32 s22, $0x1F;
	v2 =	vnsel vm3, $0x0, v2;
	s16 =	sadd.s32 s16, s29  }
0x3b7: {  	v6 =	vmov s5;
	v4 =	vmov s21;
	s28 =	smul.u32 $0x5397829D, s22;
	v2 =	vsel vm0, s31, v2;
	s29 =	sshrl.u32 s15, $0x1F;
	s22 =	spop (v2sf)  }
0x3b8: {  	v4 =	vsel vm0, s19, v4;
	v5 =	vmov s18;
	s31 =	sshrl.u32 s16, $0x1F;
	v2 =	vsel vm1, s29, v2;
	s19 =	smulhi.u32 $0x5397829D, s22;
	s29 =	spop (v2sf)  }
0x3b9: {  	v6 =	vsel vm0, s0, v6;
	v5 =	vnsel vm3, $0x0, v5;
	s12 =	sadd.s32 s28, s24;
	s24 =	sshra.s32 s22, $0x1F;
	v2 =	vsel vm2, s31, v2;
	s31 =	smulhi.u32 $0x5397829D, s29  }
0x3ba: {  	v6 =	vsel vm1, s3, v6;
	v7 =	vmov s11;
	s23 =	sshrl.u32 s7, $0x1F;
	v5 =	vsel vm0, s13, v5;
	s20 =	sshra.s32 s29, $0x1F;
	s28 =	smul.u32 $0x5397829D, s24  }
0x3bb: {  	v18 =	vld [tilespmem:$0x1FF80];
	v6 =	vsel vm2, s4, v6;
	v7 =	vsel vm0, s1, v7;
	s25 =	sshrl.u32 s8, $0x1F;
	v5 =	vsel vm1, s15, v5;
	s21 =	smul.u32 $0x5397829D, s20;
	s22 =	spop (v2sf)  }
0x3bc: {  	v19 =	vld [tilespmem:$0x1FF90];
	v7 =	vsel vm1, s7, v7;
	v4 =	vsel vm1, s23, v4;
	v5 =	vsel vm2, s16, v5;
	s26 =	sshrl.u32 s12, $0x1F;
	s23 =	smulhi.u32 $0x5397829D, s22;
	s24 =	sshra.s32 s22, $0x1F  }
0x3bd: {  	s17 =	sshrl.u32 s4, $0x1F;
	v4 =	vsel vm2, s25, v4;
	v5 =	vsel vm4, s12, v5;
	v2 =	vsel vm4, s26, v2;
	s25 =	sadd.s32 s28, s19;
	s26 =	smul.u32 $0x5397829D, s24  }
0x3be: {  	v1 =	vsel vm2, s17, v1;
	v7 =	vsel vm2, s8, v7;
	s29 =	sadd.s32 s21, s31;
	s28 =	sshrl.u32 s25, $0x1F;
	v5 =	vsel vm5, s25, v5  }
0x3bf: {  	v6 =	vcombine.low v7, v6;
	s31 =	sshrl.u32 s29, $0x1F;
	v2 =	vsel vm5, s28, v2;
	v5 =	vsel vm6, s29, v5;
	s1 =	sadd.s32 s26, s23  }
0x3c0: {  	v1 =	vcombine.low v4, v1;
	v2 =	vsel vm6, s31, v2;
	s3 =	sshrl.u32 s1, $0x1F;
	v4 =	vsel vm7, s1, v5  }
0x3c1: {  	v5 =	vperm.xlane v6, v18;
	v2 =	vsel vm7, s3, v2;
	v4 =	vperm.xlane v4, v19  }
0x3c2: {  	v1 =	vperm.xlane v1, v18;
	v6 =	vld [tilespmem:$0x1FFB0];
	v2 =	vperm.xlane v2, v19  }
0x3c3: {  	v4 =	vsel vm8, v4, v5  }
0x3c4: {  	v1 =	vsel vm8, v2, v1;
	v2 =	vshra.s32 v4, $0x4  }
0x3c5: {  	v1 =	vadd.s32 v1, v2  }
0x3c6: {  	v2 =	vmul.u32 $0xFFFFFFCF, v1  }
0x3c7: {  	v3 =	vsub.s32 v6, v3  }
0x3c8: {  	vm10 =	vlt.s32 v0, $0x1;
	vm11 =	vne.s32 v2, v3  }
0x3c9: {  	v20 =	vimm.s32 $0x0;
	vm10 =	vmand vm10, vm11  }
0x3ca: {  	v2 =	vsel vm10, $0xFFFFFFFF, v20  }
0x3cb: {  	v14 =	vadd.s32 v2, v1  }
0x3cc: {  	v1 =	vmul.u32 $0xFFFFFFCF, v14;
	_ =	sdelay $0x1  }
0x3cd: {  	v15 =	vadd.s32 v0, v1  }
0x3ce: {  	(v2sf) =	vpush v15, $0xD  }
0x3cf: {  	(v2sf) =	vpush v15, $0xC  }
0x3d0: {  	(v2sf) =	vpush v15, $0xE  }
0x3d1: {  	(v2sf) =	vpush v15, $0xF  }
0x3d2: {  	(v2sf) =	vpush v15, $0x9  }
0x3d3: {  	(v2sf) =	vpush v15, $0x8  }
0x3d4: {  	(v2sf) =	vpush v15, $0xA  }
0x3d5: {  	(v2sf) =	vpush v15, $0xB  }
0x3d6: {  	(v2sf) =	vpush v15, $0x1  }
0x3d7: {  	(v2sf) =	vpush v15, $0x0  }
0x3d8: {  	(v2sf) =	vpush v15, $0x2  }
0x3d9: {  	(v2sf) =	vpush v15, $0x3  }
0x3da: {  	(v2sf) =	vpush v15, $0x4  }
0x3db: {  	s4 =	sadd.s32 $0x50, s30;
	(v2sf) =	vpush v15, $0x5  }
0x3dc: {  	v16 =	vadd.s32 s4, v16;
	(v2sf) =	vpush v15, $0x6  }
0x3dd: {  	v17 =	vadd.s32 v8, v16;
	s23 =	spop (v2sf);
	(v2sf) =	vpush v15, $0x7  }
0x3de: {  	s29 =	spop (v2sf);
	(v2sf) =	vpush v17, $0xD;
	s12 =	sshra.s32 s23, $0x1F  }
0x3df: {  	s24 =	spop (v2sf);
	s0 =	smul.u32 $0x92492493, s12  }
0x3e0: {  	(v2sf) =	vpush v17, $0xC;
	s28 =	spop (v2sf)  }
0x3e1: {  	s16 =	sshra.s32 s29, $0x1F;
	s5 =	spop (v2sf);
	[smem:$0x7E0] =	sst s0  }
0x3e2: {  	(v2sf) =	vpush v17, $0xE;
	s0 =	smul.u32 $0x92492493, s16;
	s25 =	spop (v2sf)  }
0x3e3: {  	s22 =	spop (v2sf)  }
0x3e4: {  	s17 =	sshra.s32 s24, $0x1F;
	(v2sf) =	vpush v17, $0xF;
	[smem:$0x7E1] =	sst s0;
	s7 =	spop (v2sf)  }
0x3e5: {  	s0 =	smul.u32 $0x92492493, s17;
	s26 =	spop (v2sf)  }
0x3e6: {  	[smem:$0x7DF] =	sst s5;
	(v2sf) =	vpush v17, $0x9;
	s8 =	spop (v2sf)  }
0x3e7: {  	s19 =	sshra.s32 s28, $0x1F;
	[smem:$0x7E3] =	sst s0;
	s11 =	spop (v2sf)  }
0x3e8: {  	(v2sf) =	vpush v17, $0x8;
	s0 =	smul.u32 $0x92492493, s19;
	s13 =	spop (v2sf)  }
0x3e9: {  	[smem:$0x7DE] =	sst s7;
	s15 =	spop (v2sf)  }
0x3ea: {  	s21 =	sshra.s32 s5, $0x1F;
	(v2sf) =	vpush v17, $0xA;
	[smem:$0x7E4] =	sst s0;
	s18 =	spop (v2sf)  }
0x3eb: {  	s0 =	smul.u32 $0x92492493, s21;
	s20 =	spop (v2sf)  }
0x3ec: {  	[smem:$0x7E5] =	sst s8;
	s30 =	spop (v2sf);
	(v2sf) =	vpush v17, $0xB  }
0x3ed: {  	[smem:$0x7E6] =	sst s0;
	s31 =	spop (v2sf)  }
0x3ee: {  	[dreg:$0x17] =	wrdreg s18;
	(v2sf) =	vpush v17, $0x0;
	s18 =	smulhi.u32 $0x5397829D, s31;
	s0 =	sshra.s32 s31, $0x1F  }
0x3ef: {  	s1 =	spop (v2sf);
	s16 =	smul.u32 $0x5397829D, s0  }
0x3f0: {  	[dreg:$0x1d] =	wrdreg s13;
	(v2sf) =	vpush v17, $0x1;
	s17 =	smulhi.u32 $0x5397829D, s1;
	s3 =	sshra.s32 s1, $0x1F  }
0x3f1: {  	s4 =	spop (v2sf);
	s13 =	smul.u32 $0x5397829D, s3  }
0x3f2: {  	[dreg:$0x1a] =	wrdreg s15;
	(v2sf) =	vpush v17, $0x2;
	s15 =	smulhi.u32 $0x5397829D, s4;
	s5 =	sshra.s32 s4, $0x1F  }
0x3f3: {  	s7 =	spop (v2sf);
	s12 =	smul.u32 $0x5397829D, s5  }
0x3f4: {  	[dreg:$0x11] =	wrdreg s30;
	(v2sf) =	vpush v17, $0x3;
	s30 =	smulhi.u32 $0x5397829D, s7;
	s5 =	sshra.s32 s7, $0x1F  }
0x3f5: {  	s8 =	spop (v2sf);
	s31 =	smul.u32 $0x5397829D, s5  }
0x3f6: {  	[smem:$0x7E7] =	sst s11;
	(v2sf) =	vpush v17, $0x4;
	s11 =	smulhi.u32 $0x5397829D, s8;
	s5 =	sshra.s32 s8, $0x1F  }
0x3f7: {  	s19 =	spop (v2sf);
	s3 =	smul.u32 $0x5397829D, s5  }
0x3f8: {  	[dreg:$0x14] =	wrdreg s20;
	s8 =	smulhi.u32 $0x5397829D, s19;
	s5 =	sshra.s32 s19, $0x1F  }
0x3f9: {  	s20 =	spop (v2sf);
	s5 =	smul.u32 $0x5397829D, s5  }
0x3fa: {  	s4 =	smulhi.u32 $0x5397829D, s20;
	s0 =	sshra.s32 s20, $0x1F  }
0x3fb: {  	s1 =	smul.u32 $0x5397829D, s0;
	s21 =	spop (v2sf)  }
0x3fc: {  	s7 =	smulhi.u32 $0x5397829D, s21;
	s0 =	sshra.s32 s21, $0x1F  }
0x3fd: {  	s21 =	sadd.s32 s16, s18;
	s16 =	spop (v2sf);
	s18 =	smul.u32 $0x5397829D, s0  }
0x3fe: {  	s19 =	sadd.s32 s13, s17;
	s13 =	smulhi.u32 $0x5397829D, s16;
	s0 =	sshra.s32 s16, $0x1F  }
0x3ff: {  	s20 =	sadd.s32 s12, s15;
	s17 =	spop (v2sf);
	s15 =	smul.u32 $0x5397829D, s0  }
0x400: {  	s30 =	sadd.s32 s31, s30;
	s31 =	smulhi.u32 $0x5397829D, s17;
	s0 =	sshra.s32 s17, $0x1F  }
0x401: {  	s17 =	sadd.s32 s3, s11;
	s3 =	spop (v2sf);
	s0 =	smul.u32 $0x5397829D, s0  }
0x402: {  	s12 =	sadd.s32 s5, s8;
	s8 =	smulhi.u32 $0x5397829D, s3;
	s11 =	sshra.s32 s3, $0x1F  }
0x403: {  	(v2sf) =	vpush v17, $0x5;
	s16 =	sadd.s32 s1, s4;
	s5 =	spop (v2sf);
	s11 =	smul.u32 $0x5397829D, s11  }
0x404: {  	s7 =	sadd.s32 s18, s7;
	s18 =	smulhi.u32 $0x5397829D, s5;
	s4 =	sshra.s32 s5, $0x1F  }
0x405: {  	(v2sf) =	vpush v17, $0x6;
	s13 =	sadd.s32 s15, s13;
	s1 =	spop (v2sf);
	s4 =	smul.u32 $0x5397829D, s4  }
0x406: {  	s3 =	sadd.s32 s0, s31;
	s31 =	smulhi.u32 $0x5397829D, s1;
	s15 =	sshra.s32 s1, $0x1F  }
0x407: {  	(v2sf) =	vpush v17, $0x7;
	s0 =	sshra.s32 s25, $0x1F;
	s5 =	smul.u32 $0x5397829D, s15  }
0x408: {  	[smem:$0x7E2] =	sst s22;
	s1 =	smul.u32 $0x92492493, s0  }
0x409: {  	s18 =	sadd.s32 s4, s18;
	s4 =	sshra.s32 s22, $0x1F;
	s22 =	sld [smem:$0x7DE]  }
0x40a: {  	s8 =	sadd.s32 s11, s8  }
0x40b: {  	[smem:$0x7E8] =	sst s1;
	s11 =	sadd.s32 s5, s31;
	s31 =	smul.u32 $0x92492493, s4  }
0x40c: {  	v4 =	vmov s19;
	s1 =	sshrl.u32 s19, $0x1F;
	s19 =	smulhi.u32 $0x92492493, s23;
	s5 =	sshra.s32 s22, $0x1F  }
0x40d: {  	s0 =	sshra.s32 s26, $0x1F;
	s15 =	smul.u32 $0x92492493, s5  }
0x40e: {  	s4 =	sshrl.u32 s12, $0x1F;
	s5 =	smul.u32 $0x92492493, s0  }
0x40f: {  	v5 =	vmov s12;
	v0 =	vmov s1;
	s0 =	sshrl.u32 s13, $0x1F;
	[smem:$0x7E9] =	sst s15;
	s15 =	sshrl.u32 s21, $0x1F  }
0x410: {  	s12 =	smulhi.u32 $0x92492493, s26;
	s1 =	sshrl.u32 s20, $0x1F;
	v2 =	vmov s4;
	s4 =	sshrl.u32 s17, $0x1F;
	v1 =	vmov s0;
	v0 =	vsel vm0, s15, v0  }
0x411: {  	v3 =	vmov s13;
	s13 =	sshrl.u32 s16, $0x1F;
	v1 =	vnsel vm3, $0x0, v1;
	s15 =	sshrl.u32 s30, $0x1F;
	v0 =	vsel vm1, s1, v0;
	s1 =	sshrl.u32 s3, $0x1F  }
0x412: {  	s0 =	spop (v2sf);
	[smem:$0x7EA] =	sst s5;
	v0 =	vsel vm2, s15, v0;
	v1 =	vsel vm0, s1, v1;
	s15 =	sshrl.u32 s8, $0x1F  }
0x413: {  	v2 =	vsel vm0, s4, v2;
	s5 =	smulhi.u32 $0x5397829D, s0;
	s0 =	sshra.s32 s0, $0x1F;
	v1 =	vsel vm1, s15, v1;
	s15 =	sshrl.u32 s18, $0x1F  }
0x414: {  	v3 =	vnsel vm3, $0x0, v3;
	v2 =	vsel vm1, s13, v2;
	s13 =	sshrl.u32 s11, $0x1F;
	s0 =	smul.u32 $0x5397829D, s0;
	v1 =	vsel vm2, s15, v1;
	s15 =	spop (v2sf)  }
0x415: {  	v3 =	vsel vm0, s3, v3;
	v1 =	vsel vm4, s13, v1;
	s1 =	smulhi.u32 $0x5397829D, s15;
	s13 =	sshra.s32 s15, $0x1F  }
0x416: {  	v4 =	vsel vm0, s21, v4;
	v5 =	vsel vm0, s17, v5;
	v3 =	vsel vm1, s8, v3;
	s4 =	sshrl.u32 s7, $0x1F;
	s15 =	spop (v2sf);
	s3 =	smul.u32 $0x5397829D, s13  }
0x417: {  	v5 =	vsel vm1, s16, v5;
	v3 =	vsel vm2, s18, v3;
	s17 =	sld [smem:$0x7E1];
	v2 =	vsel vm2, s4, v2;
	s18 =	smulhi.u32 $0x5397829D, s15;
	s4 =	sshra.s32 s15, $0x1F  }
0x418: {  	v4 =	vsel vm1, s20, v4;
	v5 =	vsel vm2, s7, v5;
	v3 =	vsel vm4, s11, v3;
	s7 =	sld [smem:$0x7DF];
	s0 =	sadd.s32 s0, s5;
	s4 =	smul.u32 $0x5397829D, s4  }
0x419: {  	v4 =	vsel vm2, s30, v4;
	s12 =	ssub.s32 s12, s26;
	v3 =	vsel vm5, s0, v3;
	s0 =	sshrl.u32 s0, $0x1F;
	s1 =	sadd.s32 s3, s1  }
0x41a: {  	v4 =	vcombine.low v5, v4;
	s21 =	smulhi.u32 $0x92492493, s29;
	v1 =	vsel vm5, s0, v1;
	s20 =	sadd.s32 s4, s18;
	v3 =	vsel vm6, s1, v3;
	s1 =	sshrl.u32 s1, $0x1F  }
0x41b: {  	s16 =	sld [smem:$0x7E0];
	s11 =	smulhi.u32 $0x92492493, s7;
	v0 =	vcombine.low v2, v0;
	v1 =	vsel vm6, s1, v1;
	v2 =	vsel vm7, s20, v3;
	s0 =	sshrl.u32 s20, $0x1F  }
0x41c: {  	s30 =	smulhi.u32 $0x92492493, s24;
	s3 =	ssub.s32 s19, s23;
	s23 =	sld [smem:$0x7E4];
	v3 =	vperm.xlane v4, v18;
	v1 =	vsel vm7, s0, v1;
	v2 =	vperm.xlane v2, v19  }
0x41d: {  	s5 =	smulhi.u32 $0x92492493, s28;
	v0 =	vperm.xlane v0, v18;
	s4 =	ssub.s32 s21, s29;
	s21 =	sld [smem:$0x7E3];
	v1 =	vperm.xlane v1, v19  }
0x41e: {  	s15 =	smulhi.u32 $0x92492493, s25;
	s3 =	sadd.s32 s16, s3;
	s18 =	sld [smem:$0x7E2];
	v2 =	vsel vm8, v2, v3  }
0x41f: {  	s4 =	sadd.s32 s17, s4;
	s1 =	ssub.s32 s30, s24;
	s30 =	sld [smem:$0x7E8];
	v0 =	vsel vm8, v1, v0;
	v1 =	vshra.s32 v2, $0x4  }
0x420: {  	s0 =	ssub.s32 s5, s28;
	s1 =	sadd.s32 s21, s1;
	s21 =	sld [smem:$0x7E5];
	v0 =	vadd.s32 v0, v1  }
0x421: {  	s20 =	smulhi.u32 $0x92492493, s22;
	s0 =	sadd.s32 s23, s0;
	s23 =	sld [smem:$0x7E7];
	v1 =	vmul.u32 $0xFFFFFFCF, v0  }
0x422: {  	s5 =	ssub.s32 s11, s7;
	s7 =	ssub.s32 s15, s25;
	s19 =	smulhi.u32 $0x92492493, s18;
	v2 =	vsub.s32 v6, v16  }
0x423: {  	vm10 =	vlt.s32 v17, $0x1;
	s11 =	ssub.s32 s20, s22;
	s7 =	sadd.s32 s30, s7;
	s13 =	smulhi.u32 $0x92492493, s21;
	vm11 =	vne.s32 v1, v2  }
0x424: {  	s8 =	ssub.s32 s19, s18;
	s19 =	rddreg [dreg:$0x1d];
	s16 =	smulhi.u32 $0x92492493, s23;
	vm10 =	vmand vm10, vm11  }
0x425: {  	s30 =	sld [smem:$0x7E9];
	s24 =	sshra.s32 s21, $0x1F;
	s22 =	smulhi.u32 $0x92492493, s19;
	v1 =	vsel vm10, $0xFFFFFFFF, v20  }
0x426: {  	s28 =	sld [smem:$0x7E6];
	s29 =	sshra.s32 s23, $0x1F;
	s15 =	smul.u32 $0x92492493, s24;
	v16 =	vadd.s32 v1, v0  }
0x427: {  	s8 =	sadd.s32 s31, s8;
	s25 =	smov.u32 s19;
	s17 =	smul.u32 $0x92492493, s29;
	v0 =	vmul.u32 $0xFFFFFFCF, v16  }
0x428: {  	s24 =	sshra.s32 s19, $0x1F;
	s11 =	sadd.s32 s30, s11;
	s30 =	sld [smem:$0x7EA]  }
0x429: {  	s19 =	smul.u32 $0x92492493, s24;
	s31 =	ssub.s32 s13, s21;
	s13 =	rddreg [dreg:$0x1a];
	v17 =	vadd.s32 v17, v0  }
0x42a: {  	s5 =	sadd.s32 s28, s5;
	s21 =	rddreg [dreg:$0x11];
	s28 =	smulhi.u32 $0x92492493, s13;
	(v2sf) =	vpush v17, $0xD  }
0x42b: {  	s25 =	ssub.s32 s22, s25;
	s29 =	sshra.s32 s13, $0x1F;
	s22 =	smulhi.u32 $0x92492493, s21;
	v1 =	vmov s4  }
0x42c: {  	s28 =	ssub.s32 s28, s13;
	s4 =	sadd.s32 s15, s31;
	s31 =	ssub.s32 s16, s23;
	v1 =	vsel vm0, s3, v1;
	(v2sf) =	vpush v17, $0xC  }
0x42d: {  	s3 =	sadd.s32 s30, s12;
	s12 =	smul.u32 $0x92492493, s29;
	s29 =	rddreg [dreg:$0x14];
	v0 =	vsel vm1, s1, v1;
	v1 =	vmov s4;
	(v2sf) =	vpush v17, $0xE  }
0x42e: {  	v3 =	vshll.u32 v14, $0x7;
	s24 =	sadd.s32 s17, s31;
	s30 =	smulhi.u32 $0x92492493, s29;
	s4 =	rddreg [dreg:$0x17];
	v1 =	vnsel vm3, $0x0, v1  }
0x42f: {  	v4 =	vor.u32 $0x1, v3;
	v2 =	vmov s7;
	s17 =	sadd.s32 s19, s25;
	s20 =	smulhi.u32 $0x92492493, s4;
	s23 =	sshra.s32 s4, $0x1F;
	v1 =	vsel vm0, s3, v1  }
0x430: {  	v2 =	vsel vm0, s5, v2;
	s31 =	sshra.s32 s29, $0x1F;
	s18 =	sadd.s32 s12, s28;
	s26 =	smul.u32 $0x92492493, s23;
	v1 =	vsel vm1, s24, v1;
	(v2sf) =	vpush v17, $0xF  }
0x431: {  	v5 =	vor.u32 $0x2, v3;
	v2 =	vsel vm1, s8, v2;
	s19 =	smul.u32 $0x92492493, s31;
	s23 =	sshra.s32 s21, $0x1F;
	s20 =	ssub.s32 s20, s4;
	v1 =	vsel vm2, s17, v1  }
0x432: {  	v0 =	vsel vm2, s0, v0;
	s24 =	ssub.s32 s30, s29;
	s25 =	smul.u32 $0x92492493, s23;
	s0 =	sadd.s32 s26, s20;
	v1 =	vsel vm4, s18, v1;
	(v2sf) =	vpush v17, $0x9  }
0x433: {  	v6 =	vor.u32 $0x3, v3;
	v2 =	vsel vm2, s11, v2;
	s28 =	ssub.s32 s22, s21;
	s26 =	sadd.s32 s19, s24;
	v1 =	vsel vm5, s0, v1  }
0x434: {  	v0 =	vcombine.low v2, v0;
	s29 =	sadd.s32 s25, s28;
	(v2sf) =	vpush v17, $0x8;
	v1 =	vsel vm6, s26, v1  }
0x435: {  	v2 =	vld.idx.msk [tilespmem:v3+s14+$0x0], $0xffff;
	v1 =	vsel vm7, s29, v1  }
0x436: {  	v3 =	vld.idx.msk [tilespmem:v4+s14+$0x0], $0xffff;
	v0 =	vperm.xlane v0, v18;
	(v2sf) =	vpush v17, $0xA;
	v1 =	vperm.xlane v1, v19  }
0x437: {  	v4 =	vld.idx.msk [tilespmem:v5+s14+$0x0], $0xffff;
	(v2sf) =	vpush v17, $0xB  }
0x438: {  	(v2sf) =	vpush v17, $0x1;
	v0 =	vsel vm8, v1, v0;
	v1 =	vld.idx.msk [tilespmem:v6+s14+$0x0], $0xffff  }
0x439: {  	v0 =	vadd.s32 v15, v0;
	s30 =	spop (v2sf)  }
0x43a: {  	v5 =	vshrl.u32 v0, $0x1F;
	v0 =	vshra.s32 v0, $0x2;
	s31 =	smulhi.u32 $0x92492493, s30;
	s4 =	sshra.s32 s30, $0x1F  }
0x43b: {  	v0 =	vadd.s32 v5, v0;
	s5 =	spop (v2sf);
	s3 =	smul.u32 $0x92492493, s4  }
0x43c: {  	v4 =	vsub.f32 v4, v2;
	v5 =	vmul.u32 $0xFFFFFFF9, v0;
	s7 =	spop (v2sf);
	s8 =	smulhi.u32 $0x92492493, s5  }
0x43d: {  	(v2sf) =	vpush v17, $0x0;
	v6 =	vsub.s32 $0x0, v15;
	v1 =	vsub.f32 v1, v3;
	s11 =	sshra.s32 s5, $0x1F;
	s0 =	ssub.s32 s31, s30;
	s12 =	smulhi.u32 $0x92492493, s7  }
0x43e: {  	v21 =	vimm.s32 $0xA800;
	vm10 =	vlt.s32 v15, $0x1;
	vm11 =	vne.s32 v5, v6;
	s13 =	sshra.s32 s7, $0x1F;
	s0 =	sadd.s32 s3, s0;
	s3 =	smul.u32 $0x92492493, s11  }
0x43f: {  	v22 =	vimm.s32 $0xF;
	vm10 =	vmand vm10, vm11;
	v5 =	vmul.f32 v1, v4;
	s15 =	spop (v2sf);
	s17 =	smul.u32 $0x92492493, s13  }
0x440: {  	v23 =	vimm.s32 $0x4;
	v6 =	vsel vm10, $0xFFFFFFFF, v20;
	(v2sf) =	vpush v17, $0x2;
	s18 =	smulhi.u32 $0x92492493, s15;
	s19 =	sshra.s32 s15, $0x1F  }
0x441: {  	v0 =	vadd.s32 v6, v0;
	vm10 =	vge.f32 v5, $6.272000000e+03;
	s20 =	spop (v2sf);
	(v2sf) =	vpush v17, $0x3;
	s22 =	smul.u32 $0x92492493, s19  }
0x442: {  	s1 =	ssub.s32 s8, s5;
	v6 =	vmul.u32 $0xFFFFFFF9, v0;
	v7 =	vsel vm10, $0x1, v20;
	vm10 =	vge.f32 v5, $2.508800000e+04;
	s16 =	ssub.s32 s12, s7;
	s24 =	smulhi.u32 $0x92492493, s20  }
0x443: {  	v0 =	vcvt.s32.f32 v0;
	s25 =	spop (v2sf);
	(v2sf) =	vpush v17, $0x4;
	s26 =	sshra.s32 s20, $0x1F;
	v8 =	vsel vm10, $0x1, v20;
	s1 =	sadd.s32 s3, s1  }
0x444: {  	vm10 =	vge.f32 v5, $1.003520000e+05;
	s21 =	sadd.s32 s17, s16;
	s23 =	ssub.s32 s18, s15;
	s28 =	smulhi.u32 $0x92492493, s25;
	(v2sf) =	vpush v17, $0x5;
	v5 =	vadd.s32 v15, v6  }
0x445: {  	s29 =	smul.u32 $0x92492493, s26;
	s30 =	sshra.s32 s25, $0x1F;
	s31 =	spop (v2sf);
	v6 =	vadd.s32 v8, v7;
	v7 =	vsel vm10, $0x1, v20;
	v0 =	vmul.f32 $1.666666720e-01, v0  }
0x446: {  	v15 =	vimm.f32 $2.929687500e-02;
	s7 =	ssub.s32 s24, s20;
	s5 =	smul.u32 $0x92492493, s30;
	s16 =	spop (v2sf);
	(v2sf) =	vpush v17, $0x6;
	v6 =	vadd.s32 v7, v6  }
0x447: {  	s12 =	smulhi.u32 $0x92492493, s31;
	s15 =	sshra.s32 s31, $0x1F;
	v5 =	vcvt.s32.f32 v5;
	v7 =	vmov s1;
	s20 =	spop (v2sf);
	(v2sf) =	vpush v17, $0x7  }
0x448: {  	s17 =	smul.u32 $0x92492493, s15;
	vm10 =	veq.s32 v6, $0x2;
	vm11 =	veq.s32 v6, $0x1;
	v0 =	vmul.f32 v0, v1  }
0x449: {  	s11 =	simm.s32 $0x1000;
	s18 =	smulhi.u32 $0x92492493, s16;
	v1 =	vsel vm0, s0, v7;
	vm12 =	veq.s32 v6, $0x0;
	v8 =	vsel vm10, $0x3D780000, v15  }
0x44a: {  	v9 =	vld.idx.msk [tilespmem:v14+s11+$0x0], $0xffff;
	s8 =	ssub.s32 s28, s25;
	s19 =	sshra.s32 s16, $0x1F;
	v5 =	vmul.f32 $1.666666720e-01, v5;
	v1 =	vsel vm1, s21, v1;
	v7 =	vsel vm10, $0x1F, v22  }
0x44b: {  	s4 =	sadd.s32 s22, s23;
	s5 =	sadd.s32 s5, s8;
	s8 =	smul.u32 $0x92492493, s19;
	v13 =	vsel vm10, $0x5, v23;
	v6 =	vsel vm11, $0x3DFC0000, v8;
	v0 =	vadd.f32 v0, v3  }
0x44c: {  	s1 =	sadd.s32 s29, s7;
	s26 =	smulhi.u32 $0x92492493, s20;
	s21 =	spop (v2sf);
	v1 =	vsel vm2, s4, v1;
	v7 =	vsel vm11, $0x3F, v7;
	v13 =	vsel vm11, $0x6, v13  }
0x44d: {  	s0 =	ssub.s32 s12, s31;
	s22 =	smulhi.u32 $0x92492493, s21;
	s23 =	sshra.s32 s21, $0x1F;
	v4 =	vmul.f32 v5, v4;
	v3 =	vsel vm12, $0x3E7E0000, v6;
	v5 =	vmov s5  }
0x44e: {  	s28 =	sshra.s32 s20, $0x1F;
	s3 =	ssub.s32 s18, s16;
	s25 =	smul.u32 $0x92492493, s23;
	v7 =	vsel vm12, $0x7F, v7;
	v13 =	vsel vm12, $0x7, v13;
	v0 =	vmul.f32 v0, v3  }
0x44f: {  	s24 =	sadd.s32 s17, s0;
	s0 =	sadd.s32 s8, s3;
	v5 =	vsel vm0, s1, v5;
	s4 =	ssub.s32 s22, s21;
	v9 =	vshll.u32 v9, v13;
	v2 =	vadd.f32 v4, v2  }
0x450: {  	s5 =	smul.u32 $0x92492493, s28;
	v4 =	vsel vm10, $0xA000, v21;
	v5 =	vsel vm1, s24, v5;
	s3 =	sadd.s32 s25, s4;
	v9 =	vshll.u32 v9, v13;
	s29 =	spop (v2sf)  }
0x451: {  	v4 =	vsel vm11, $0x8000, v4;
	v8 =	vmov s3;
	v2 =	vmul.f32 v2, v3;
	s30 =	smulhi.u32 $0x92492493, s29;
	s31 =	sshra.s32 s29, $0x1F  }
0x452: {  	s1 =	ssub.s32 s26, s20;
	v5 =	vsel vm2, s0, v5;
	v3 =	vsel vm12, $0x0, v4;
	v4 =	vtrunc.f32 v0;
	s8 =	spop (v2sf);
	s7 =	smul.u32 $0x92492493, s31  }
0x453: {  	s1 =	sadd.s32 s5, s1;
	v8 =	vnsel vm3, $0x0, v8;
	v4 =	vcvt.f32.s32 v4;
	v6 =	vtrunc.f32 v2;
	s13 =	smulhi.u32 $0x92492493, s8;
	s15 =	sshra.s32 s8, $0x1F  }
0x454: {  	v1 =	vcombine.low v5, v1;
	v8 =	vsel vm0, s1, v8;
	v6 =	vcvt.f32.s32 v6;
	s16 =	spop (v2sf);
	s12 =	ssub.s32 s30, s29;
	s4 =	smul.u32 $0x92492493, s15  }
0x455: {  	v3 =	vadd.s32 v3, v9;
	v10 =	vcvt.s32.f32 v4;
	vm13 =	vlt.s32 v4, v7;
	s18 =	smulhi.u32 $0x92492493, s16;
	s19 =	sshra.s32 s16, $0x1F;
	s20 =	spop (v2sf)  }
0x456: {  	v12 =	vsel vm13, v4, v7;
	v4 =	vadd.s32 $0x1, v4;
	v11 =	vcvt.s32.f32 v6;
	s1 =	sadd.s32 s7, s12;
	s17 =	ssub.s32 s13, s8;
	s5 =	smul.u32 $0x92492493, s19  }
0x457: {  	vm10 =	vlt.s32 v4, v7;
	v14 =	vadd.s32 $0x1, v6;
	v9 =	vshll.u32 v12, v13;
	s22 =	smulhi.u32 $0x92492493, s20;
	s23 =	sshra.s32 s20, $0x1F;
	s24 =	spop (v2sf)  }
0x458: {  	v4 =	vsel vm10, v4, v7;
	vm10 =	vlt.s32 v6, v7;
	v8 =	vsel vm1, s1, v8;
	s1 =	sadd.s32 s4, s17;
	s21 =	ssub.s32 s18, s16;
	s7 =	smul.u32 $0x92492493, s23  }
0x459: {  	v0 =	vsub.f32 v0, v10;
	v9 =	vadd.s32 v3, v9;
	v6 =	vsel vm10, v6, v7;
	s26 =	smulhi.u32 $0x92492493, s24;
	s28 =	sshra.s32 s24, $0x1F;
	s29 =	spop (v2sf)  }
0x45a: {  	vm10 =	vlt.s32 v14, v7;
	v4 =	vshll.u32 v4, v13;
	v8 =	vsel vm2, s1, v8;
	s1 =	sadd.s32 s5, s21;
	s25 =	ssub.s32 s22, s20;
	s4 =	smul.u32 $0x92492493, s28  }
0x45b: {  	v2 =	vsub.f32 v2, v11;
	v7 =	vsel vm10, v14, v7;
	s30 =	smulhi.u32 $0x92492493, s29;
	s31 =	sshra.s32 s29, $0x1F;
	v8 =	vsel vm4, s1, v8;
	s1 =	sadd.s32 s7, s25  }
0x45c: {  	[tilespmem:$0x1200] =	vst v0;
	v3 =	vadd.s32 v3, v4;
	s3 =	ssub.s32 s26, s24;
	v4 =	vadd.s32 v9, v7;
	v8 =	vsel vm5, s1, v8;
	s1 =	smul.u32 $0x92492493, s31  }
0x45d: {  	v12 =	vadd.s32 v6, v9;
	s3 =	sadd.s32 s4, s3;
	s0 =	ssub.s32 s30, s29;
	[tilespmem:$0x10A0] =	vst v4;
	v4 =	vadd.s32 v6, v3;
	v6 =	vshll.u32 v16, $0x7  }
0x45e: {  	v3 =	vadd.s32 v7, v3;
	[tilespmem:$0x10C0] =	vst v4;
	v4 =	vsel vm6, s3, v8;
	v5 =	vor.u32 $0x1, v6;
	s0 =	sadd.s32 s1, s0  }
0x45f: {  	[tilespmem:$0x10E0] =	vst v3;
	v3 =	vsel vm7, s0, v4;
	v4 =	vor.u32 $0x2, v6  }
0x460: {  	v1 =	vperm.xlane v1, v18;
	[tilespmem:$0x1180] =	vst v2;
	v2 =	vperm.xlane v3, v19;
	v3 =	vor.u32 $0x3, v6  }
0x461: {  	[tilespmem:$0x1080] =	vst v12  }
0x462: {  	v0 =	vsel vm8, v2, v1;
	v1 =	vld.idx.msk [tilespmem:v6+s14+$0x0], $0xffff  }
0x463: {  	v2 =	vld.idx.msk [tilespmem:v5+s14+$0x0], $0xffff  }
0x464: {  	v0 =	vadd.s32 v17, v0;
	v4 =	vld.idx.msk [tilespmem:v4+s14+$0x0], $0xffff  }
0x465: {  	v5 =	vshrl.u32 v0, $0x1F;
	v0 =	vshra.s32 v0, $0x2;
	v3 =	vld.idx.msk [tilespmem:v3+s14+$0x0], $0xffff  }
0x466: {  	v0 =	vadd.s32 v5, v0  }
0x467: {  	v5 =	vmul.u32 $0xFFFFFFF9, v0  }
0x468: {  	v6 =	vsub.s32 $0x0, v17  }
0x469: {  	vm10 =	vlt.s32 v17, $0x1;
	vm11 =	vne.s32 v5, v6  }
0x46a: {  	vm10 =	vmand vm10, vm11;
	v4 =	vsub.f32 v4, v1;
	v3 =	vsub.f32 v3, v2  }
0x46b: {  	v5 =	vsel vm10, $0xFFFFFFFF, v20  }
0x46c: {  	v0 =	vadd.s32 v5, v0;
	v6 =	vmul.f32 v3, v4  }
0x46d: {  	v5 =	vmul.u32 $0xFFFFFFF9, v0  }
0x46e: {  	v0 =	vcvt.s32.f32 v0;
	vm10 =	vge.f32 v6, $6.272000000e+03  }
0x46f: {  	v5 =	vadd.s32 v17, v5;
	v7 =	vsel vm10, $0x1, v20;
	vm10 =	vge.f32 v6, $2.508800000e+04  }
0x470: {  	v5 =	vcvt.s32.f32 v5;
	v8 =	vsel vm10, $0x1, v20;
	vm10 =	vge.f32 v6, $1.003520000e+05  }
0x471: {  	v0 =	vmul.f32 $1.666666720e-01, v0;
	v6 =	vadd.s32 v8, v7;
	v7 =	vsel vm10, $0x1, v20  }
0x472: {  	v5 =	vmul.f32 $1.666666720e-01, v5;
	v6 =	vadd.s32 v7, v6  }
0x473: {  	v0 =	vmul.f32 v3, v0;
	vm10 =	veq.s32 v6, $0x2  }
0x474: {  	vm11 =	veq.s32 v6, $0x1;
	v4 =	vmul.f32 v5, v4;
	v3 =	vsel vm10, $0x3D780000, v15  }
0x475: {  	v0 =	vadd.f32 v0, v2;
	vm12 =	veq.s32 v6, $0x0;
	v3 =	vsel vm11, $0x3DFC0000, v3  }
0x476: {  	v6 =	vsel vm10, $0x1F, v22;
	v1 =	vadd.f32 v4, v1;
	v4 =	vld.idx.msk [tilespmem:v16+s11+$0x0], $0xffff;
	v2 =	vsel vm12, $0x3E7E0000, v3  }
0x477: {  	v8 =	vsel vm10, $0x5, v23;
	v6 =	vsel vm11, $0x3F, v6;
	v0 =	vmul.f32 v2, v0  }
0x478: {  	v8 =	vsel vm11, $0x6, v8;
	v3 =	vsel vm10, $0xA000, v21;
	v1 =	vmul.f32 v2, v1  }
0x479: {  	v9 =	vld [tilespmem:$0x1080];
	v6 =	vsel vm12, $0x7F, v6;
	v2 =	vsel vm11, $0x8000, v3;
	v3 =	vtrunc.f32 v0  }
0x47a: {  	v8 =	vsel vm12, $0x7, v8;
	v5 =	vtrunc.f32 v1;
	v3 =	vcvt.f32.s32 v3  }
0x47b: {  	v2 =	vsel vm12, $0x0, v2;
	v5 =	vcvt.f32.s32 v5;
	v4 =	vshll.u32 v4, v8  }
0x47c: {  	v4 =	vshll.u32 v4, v8;
	v7 =	vcvt.s32.f32 v3;
	vm10 =	vlt.s32 v3, v6  }
0x47d: {  	v10 =	vadd.s32 $0x1, v3;
	v12 =	vadd.s32 $0x1, v5;
	v2 =	vadd.s32 v2, v4  }
0x47e: {  	v4 =	vshll.u32 v9, $0x1;
	v3 =	vsel vm10, v3, v6;
	vm10 =	vlt.s32 v10, v6  }
0x47f: {  	v9 =	vand.u32 $0x7, v9;
	v10 =	vsel vm10, v10, v6;
	vm10 =	vlt.s32 v5, v6  }
0x480: {  	v3 =	vshll.u32 v3, v8;
	v11 =	vsel vm10, v5, v6;
	vm10 =	vlt.s32 v12, v6  }
0x481: {  	v4 =	vand.u32 $0xFFFFFFF0, v4;
	v3 =	vadd.s32 v2, v3;
	v6 =	vsel vm10, v12, v6;
	v12 =	vld [tilespmem:$0x1FFD0]  }
0x482: {  	v4 =	vor.u32 v9, v4;
	v9 =	vadd.s32 v11, v3  }
0x483: {  	[tilespmem:$0x1090] =	vst v9;
	v9 =	vld [tilespmem:$0x1FFE0];
	_ =	sdelay $0x2  }
0x484: {  	v8 =	vshll.u32 v10, v8;
	v10 =	vperm.xlane v4, v12;
	_ =	sdelay $0x1  }
0x485: {  	v2 =	vadd.s32 v2, v8;
	v8 =	vadd.s32 v9, v10;
	v10 =	vld [tilespmem:$0x1FFF0];
	_ =	sdelay $0x2  }
0x486: {  	v0 =	vsub.f32 v0, v7;
	_ =	sdelay $0x1  }
0x487: {  	v5 =	vcvt.s32.f32 v5;
	[tilespmem:$0x1210] =	vst v0;
	v3 =	vadd.s32 v6, v3;
	v4 =	vperm.xlane v4, v10  }
0x488: {  	[tilespmem:$0x10B0] =	vst v3;
	v3 =	vadd.s32 v11, v2;
	v2 =	vadd.s32 v6, v2  }
0x489: {  	v1 =	vsub.f32 v1, v5;
	[tilespmem:$0x10F0] =	vst v2;
	v2 =	vadd.s32 v9, v4  }
0x48a: {  	[tilespmem:$0x10D0] =	vst v3  }
0x48b: {  	s12 =	simm.s32 $0x1380;
	s11 =	rddreg [dreg:$0x0];
	[tilespmem:$0x1190] =	vst v1  }
0x48c: {  	[tilespmem:s12], [sflag:$0x1] =	stream.indirect_vreg.gather [hbm4b:s11+s14], $0x80, v8, vm9, $0xb8;
	[tilespmem:$0x13380] =	vst v63  }
0x48d: {  	s13 =	simm.s32 $0x1B80  }
0x48e: {  	[tilespmem:s13], [sflag:$0x1] =	stream.indirect_vreg.gather [hbm4b:s11+s14], $0x80, v2, vm9, $0xb8;
	[tilespmem:$0x13380] =	vst v63  }
0x48f: {  	v0 =	vld [tilespmem:$0x1090];
	_ =	sdelay $0x4  }
0x490: {  	v1 =	vshll.u32 v0, $0x1  }
0x491: {  	v0 =	vand.u32 $0x7, v0;
	v1 =	vand.u32 $0xFFFFFFF0, v1  }
0x492: {  	v0 =	vor.u32 v0, v1  }
0x493: {  	v1 =	vperm.xlane v0, v12;
	_ =	sdelay $0x1  }
0x494: {  	v0 =	vperm.xlane v0, v10;
	v1 =	vadd.s32 v9, v1;
	_ =	sdelay $0x1  }
0x495: {  	v0 =	vadd.s32 v9, v0;
	_ =	sdelay $0x1  }
0x496: {  	s15 =	simm.s32 $0x2380  }
0x497: {  	[tilespmem:s15], [sflag:$0x1] =	stream.indirect_vreg.gather [hbm4b:s11+s14], $0x80, v1, vm9, $0xb8;
	[tilespmem:$0x13380] =	vst v63  }
0x498: {  	s16 =	simm.s32 $0x2B80  }
0x499: {  	[tilespmem:s16], [sflag:$0x1] =	stream.indirect_vreg.gather [hbm4b:s11+s14], $0x80, v0, vm9, $0xb8;
	[tilespmem:$0x13380] =	vst v63  }
0x49a: {  	v0 =	vld [tilespmem:$0x10A0];
	_ =	sdelay $0x4  }
0x49b: {  	v1 =	vshll.u32 v0, $0x1  }
0x49c: {  	v0 =	vand.u32 $0x7, v0;
	v1 =	vand.u32 $0xFFFFFFF0, v1  }
0x49d: {  	v0 =	vor.u32 v0, v1  }
0x49e: {  	v1 =	vperm.xlane v0, v12;
	_ =	sdelay $0x1  }
0x49f: {  	v0 =	vperm.xlane v0, v10;
	v1 =	vadd.s32 v9, v1;
	_ =	sdelay $0x1  }
0x4a0: {  	v0 =	vadd.s32 v9, v0;
	_ =	sdelay $0x1  }
0x4a1: {  	s17 =	simm.s32 $0x3380  }
0x4a2: {  	[tilespmem:s17], [sflag:$0x1] =	stream.indirect_vreg.gather [hbm4b:s11+s14], $0x80, v1, vm9, $0xb8;
	[tilespmem:$0x13380] =	vst v63  }
0x4a3: {  	s18 =	simm.s32 $0x3B80  }
0x4a4: {  	[tilespmem:s18], [sflag:$0x1] =	stream.indirect_vreg.gather [hbm4b:s11+s14], $0x80, v0, vm9, $0xb8;
	[tilespmem:$0x13380] =	vst v63  }
0x4a5: {  	v0 =	vld [tilespmem:$0x10B0];
	_ =	sdelay $0x4  }
0x4a6: {  	v1 =	vshll.u32 v0, $0x1  }
0x4a7: {  	v0 =	vand.u32 $0x7, v0;
	v1 =	vand.u32 $0xFFFFFFF0, v1  }
0x4a8: {  	v0 =	vor.u32 v0, v1  }
0x4a9: {  	v1 =	vperm.xlane v0, v12;
	_ =	sdelay $0x1  }
0x4aa: {  	v0 =	vperm.xlane v0, v10;
	v1 =	vadd.s32 v9, v1;
	_ =	sdelay $0x1  }
0x4ab: {  	v0 =	vadd.s32 v9, v0;
	_ =	sdelay $0x1  }
0x4ac: {  	s19 =	simm.s32 $0x4380  }
0x4ad: {  	[tilespmem:s19], [sflag:$0x1] =	stream.indirect_vreg.gather [hbm4b:s11+s14], $0x80, v1, vm9, $0xb8;
	[tilespmem:$0x13380] =	vst v63  }
0x4ae: {  	s20 =	simm.s32 $0x4B80  }
0x4af: {  	[tilespmem:s20], [sflag:$0x1] =	stream.indirect_vreg.gather [hbm4b:s11+s14], $0x80, v0, vm9, $0xb8;
	[tilespmem:$0x13380] =	vst v63  }
0x4b0: {  	v0 =	vld [tilespmem:$0x10C0];
	_ =	sdelay $0x4  }
0x4b1: {  	v1 =	vshll.u32 v0, $0x1  }
0x4b2: {  	v0 =	vand.u32 $0x7, v0;
	v1 =	vand.u32 $0xFFFFFFF0, v1  }
0x4b3: {  	v0 =	vor.u32 v0, v1  }
0x4b4: {  	v1 =	vperm.xlane v0, v12;
	_ =	sdelay $0x1  }
0x4b5: {  	v0 =	vperm.xlane v0, v10;
	v1 =	vadd.s32 v9, v1;
	_ =	sdelay $0x1  }
0x4b6: {  	v0 =	vadd.s32 v9, v0;
	_ =	sdelay $0x1  }
0x4b7: {  	s21 =	simm.s32 $0x5380  }
0x4b8: {  	[tilespmem:s21], [sflag:$0x1] =	stream.indirect_vreg.gather [hbm4b:s11+s14], $0x80, v1, vm9, $0xb8;
	[tilespmem:$0x13380] =	vst v63  }
0x4b9: {  	s22 =	simm.s32 $0x5B80  }
0x4ba: {  	[tilespmem:s22], [sflag:$0x1] =	stream.indirect_vreg.gather [hbm4b:s11+s14], $0x80, v0, vm9, $0xb8;
	[tilespmem:$0x13380] =	vst v63  }
0x4bb: {  	v0 =	vld [tilespmem:$0x10D0];
	_ =	sdelay $0x4  }
0x4bc: {  	v1 =	vshll.u32 v0, $0x1  }
0x4bd: {  	v0 =	vand.u32 $0x7, v0;
	v1 =	vand.u32 $0xFFFFFFF0, v1  }
0x4be: {  	v0 =	vor.u32 v0, v1  }
0x4bf: {  	v1 =	vperm.xlane v0, v12;
	_ =	sdelay $0x1  }
0x4c0: {  	v0 =	vperm.xlane v0, v10;
	v1 =	vadd.s32 v9, v1;
	_ =	sdelay $0x1  }
0x4c1: {  	v0 =	vadd.s32 v9, v0;
	_ =	sdelay $0x1  }
0x4c2: {  	s23 =	simm.s32 $0x6380  }
0x4c3: {  	[tilespmem:s23], [sflag:$0x1] =	stream.indirect_vreg.gather [hbm4b:s11+s14], $0x80, v1, vm9, $0xb8;
	[tilespmem:$0x13380] =	vst v63  }
0x4c4: {  	s24 =	simm.s32 $0x6B80  }
0x4c5: {  	[tilespmem:s24], [sflag:$0x1] =	stream.indirect_vreg.gather [hbm4b:s11+s14], $0x80, v0, vm9, $0xb8;
	[tilespmem:$0x13380] =	vst v63  }
0x4c6: {  	v0 =	vld [tilespmem:$0x10E0];
	_ =	sdelay $0x4  }
0x4c7: {  	v1 =	vshll.u32 v0, $0x1  }
0x4c8: {  	v0 =	vand.u32 $0x7, v0;
	v1 =	vand.u32 $0xFFFFFFF0, v1  }
0x4c9: {  	v0 =	vor.u32 v0, v1  }
0x4ca: {  	v1 =	vperm.xlane v0, v12;
	_ =	sdelay $0x1  }
0x4cb: {  	v0 =	vperm.xlane v0, v10;
	v1 =	vadd.s32 v9, v1;
	_ =	sdelay $0x1  }
0x4cc: {  	v0 =	vadd.s32 v9, v0;
	_ =	sdelay $0x1  }
0x4cd: {  	s25 =	simm.s32 $0x7380  }
0x4ce: {  	[tilespmem:s25], [sflag:$0x1] =	stream.indirect_vreg.gather [hbm4b:s11+s14], $0x80, v1, vm9, $0xb8;
	[tilespmem:$0x13380] =	vst v63  }
0x4cf: {  	s26 =	simm.s32 $0x7B80  }
0x4d0: {  	[tilespmem:s26], [sflag:$0x1] =	stream.indirect_vreg.gather [hbm4b:s11+s14], $0x80, v0, vm9, $0xb8;
	[tilespmem:$0x13380] =	vst v63  }
0x4d1: {  	v0 =	vld [tilespmem:$0x10F0];
	_ =	sdelay $0x4  }
0x4d2: {  	v1 =	vshll.u32 v0, $0x1  }
0x4d3: {  	v0 =	vand.u32 $0x7, v0;
	v1 =	vand.u32 $0xFFFFFFF0, v1  }
0x4d4: {  	v0 =	vor.u32 v0, v1  }
0x4d5: {  	v1 =	vperm.xlane v0, v12;
	_ =	sdelay $0x1  }
0x4d6: {  	v0 =	vperm.xlane v0, v10;
	v1 =	vadd.s32 v9, v1;
	_ =	sdelay $0x1  }
0x4d7: {  	v0 =	vadd.s32 v9, v0;
	_ =	sdelay $0x1  }
0x4d8: {  	s28 =	simm.s32 $0x8380;
	s30 =	sand.u32 $0x1800, s14;
	s31 =	sand.u32 $0x380, s14  }
0x4d9: {  	[tilespmem:s28], [sflag:$0x1] =	stream.indirect_vreg.gather [hbm4b:s11+s14], $0x80, v1, vm9, $0xb8;
	[tilespmem:$0x13380] =	vst v63  }
0x4da: {  	s29 =	simm.s32 $0x8B80;
	s13 =	sor.u32 s31, s30  }
0x4db: {  	[tilespmem:s29], [sflag:$0x1] =	stream.indirect_vreg.gather [hbm4b:s11+s14], $0x80, v0, vm9, $0xb8;
	[tilespmem:$0x13380] =	vst v63  }
0x4dc: {  	v11 =	vld [tilespmem:s13+$0x9380]  }
0x4dd: {  	v20 =	vld [tilespmem:s13+$0xB380]  }
0x4de: {  	v12 =	vld [tilespmem:s13+$0xD380]  }
0x4df: {  	v2 =	vld [tilespmem:s13+$0xF380]  }
0x4e0: {  	v13 =	vld [tilespmem:s13+$0x9390]  }
0x4e1: {  	v3 =	vld [tilespmem:s13+$0xB390]  }
0x4e2: {  	v16 =	vld [tilespmem:s13+$0xD390]  }
0x4e3: {  	v4 =	vld [tilespmem:s13+$0xF390]  }
0x4e4: {  	v27 =	vld [tilespmem:s13+$0x93A0]  }
0x4e5: {  	v5 =	vld [tilespmem:s13+$0xB3A0]  }
0x4e6: {  	v49 =	vld [tilespmem:s13+$0xD3A0]  }
0x4e7: {  	v8 =	vld [tilespmem:s13+$0xF3A0]  }
0x4e8: {  	v41 =	vld [tilespmem:s13+$0x93B0]  }
0x4e9: {  	v25 =	vld [tilespmem:s13+$0xB3B0]  }
0x4ea: {  	v42 =	vld [tilespmem:s13+$0xD3B0]  }
0x4eb: {  	v14 =	vld [tilespmem:s13+$0xF3B0]  }
0x4ec: {  	v32 =	vld [tilespmem:s13+$0x93C0]  }
0x4ed: {  	v15 =	vld [tilespmem:s13+$0xB3C0]  }
0x4ee: {  	v1 =	vld [tilespmem:s13+$0xD3C0]  }
0x4ef: {  	v53 =	vld [tilespmem:s13+$0xF3C0]  }
0x4f0: {  	v47 =	vld [tilespmem:s13+$0x93D0]  }
0x4f1: {  	v21 =	vld [tilespmem:s13+$0xB3D0]  }
0x4f2: {  	v33 =	vld [tilespmem:s13+$0xD3D0]  }
0x4f3: {  	v46 =	vld [tilespmem:s13+$0xF3D0]  }
0x4f4: {  	v28 =	vld [tilespmem:s13+$0x93E0]  }
0x4f5: {  	v50 =	vld [tilespmem:s13+$0xB3E0]  }
0x4f6: {  	v35 =	vld [tilespmem:s13+$0xD3E0]  }
0x4f7: {  	v52 =	vld [tilespmem:s13+$0xF3E0]  }
0x4f8: {  	v17 =	vld [tilespmem:s13+$0x93F0]  }
0x4f9: {  	v57 =	vld [tilespmem:s13+$0xB3F0]  }
0x4fa: {  	v36 =	vld [tilespmem:s13+$0xD3F0]  }
0x4fb: {  	v58 =	vld [tilespmem:s13+$0xF3F0]  }
0x4fc: {  	v40 =	vld [tilespmem:s13+$0x9780]  }
0x4fd: {  	v60 =	vld [tilespmem:s13+$0xB780]  }
0x4fe: {  	v18 =	vld [tilespmem:s13+$0xD780]  }
0x4ff: {  	v61 =	vld [tilespmem:s13+$0xF780]  }
0x500: {  	v38 =	vld [tilespmem:s13+$0x9790]  }
0x501: {  	v63 =	vld [tilespmem:s13+$0xB790]  }
0x502: {  	v29 =	vld [tilespmem:s13+$0xD790]  }
0x503: {  	v54 =	vld [tilespmem:s13+$0xF790]  }
0x504: {  	v31 =	vld [tilespmem:s13+$0x97A0]  }
0x505: {  	v0 =	vld [tilespmem:s13+$0xB7A0]  }
0x506: {  	v39 =	vld [tilespmem:s13+$0xD7A0]  }
0x507: {  	v6 =	vld [tilespmem:s13+$0xF7A0]  }
0x508: {  	v37 =	vld [tilespmem:s13+$0x97B0]  }
0x509: {  	v7 =	vld [tilespmem:s13+$0xB7B0]  }
0x50a: {  	v34 =	vld [tilespmem:s13+$0xD7B0]  }
0x50b: {  	v10 =	vld [tilespmem:s13+$0xF7B0]  }
0x50c: {  	v48 =	vld [tilespmem:s13+$0x97C0]  }
0x50d: {  	v56 =	vld [tilespmem:s13+$0xB7C0]  }
0x50e: {  	v26 =	vld [tilespmem:s13+$0xD7C0]  }
0x50f: {  	v9 =	vld [tilespmem:s13+$0xF7C0]  }
0x510: {  	v22 =	vld [tilespmem:s13+$0x97D0]  }
0x511: {  	v45 =	vld [tilespmem:s13+$0xB7D0];
	v19 =	vmov v11;
	v11 =	vsub.f32 v20, v11;
	v2 =	vsub.f32 v2, v12  }
0x512: {  	v44 =	vmovc v12;
	v24 =	vmov v13;
	v13 =	vsub.f32 v3, v13;
	v51 =	vsub.f32 v4, v16;
	v20 =	vld [tilespmem:s13+$0xD7D0]  }
0x513: {  	v23 =	vmovc v27;
	v43 =	vsub.f32 v5, v27;
	v27 =	vmovc v28;
	v28 =	vmov v49;
	v12 =	vsub.f32 v8, v49;
	v49 =	vld [tilespmem:s13+$0xF7D0]  }
0x514: {  	v62 =	vmov s14;
	v59 =	vsub.f32 v25, v41;
	v25 =	vmovc v33;
	v5 =	vsub.f32 v14, v42;
	v33 =	vld [tilespmem:s13+$0x97E0]  }
0x515: {  	s5 =	simm.s32 $0x1000;
	s15 =	simm.s32 $0x1;
	s16 =	simm.s32 $0x0;
	v30 =	vmovc v16;
	v16 =	vmovc v32;
	v55 =	vsub.f32 v15, v32;
	v32 =	vmov v1;
	v8 =	vsub.f32 v53, v1;
	v3 =	vld [tilespmem:s13+$0xB7E0]  }
.LBB2_7:
0x516: {  	_ =	sdelay $0x2  }
0x517: {  	v46 =	vsub.f32 v46, v25;
	v1 =	vmov v42;
	v42 =	vmov v41;
	v41 =	vld [tilespmem:s13+$0xD7E0]  }
0x518: {  	[tilespmem:$0x1FD20] =	vst v25;
	v50 =	vsub.f32 v50, v27;
	v25 =	vsub.f32 v52, v35;
	v53 =	vld.idx.msk [tilespmem:v62+s9+$0x0], $0xffff  }
0x519: {  	[tilespmem:$0x1FD30] =	vst v27;
	v15 =	vld [tilespmem:s13+$0xF7E0];
	v27 =	vsub.f32 v57, v17;
	v52 =	vsub.f32 v58, v36  }
0x51a: {  	v58 =	vmovc v36;
	v36 =	vmovc v35;
	v35 =	vmov v18;
	v61 =	vsub.f32 v61, v18;
	v18 =	vsub.f32 v54, v29;
	v54 =	vld [tilespmem:s13+$0xD7F0]  }
0x51b: {  	v57 =	vsub.f32 v60, v40;
	s14 =	sadd.s32 $0x80, s14;
	s16 =	sadd.s32 $0x100, s16;
	v60 =	vmov v31;
	v31 =	vsub.f32 v0, v31;
	v0 =	vld [tilespmem:s13+$0xF7F0]  }
0x51c: {  	s0 =	sand.u32 $0x1800, s16;
	s1 =	sand.u32 $0x380, s14;
	v56 =	vsub.f32 v56, v48  }
0x51d: {  	s17 =	sor.u32 s1, s0;
	v3 =	vsub.f32 v3, v33;
	v5 =	vmul.f32 v5, v53  }
0x51e: {  	[tilespmem:$0x1FD50] =	vst v56;
	v56 =	vld [tilespmem:s17+$0xB380]  }
0x51f: {  	[tilespmem:$0x1FD70] =	vst v3;
	v3 =	vsub.f32 v15, v41;
	v5 =	vadd.f32 v5, v1;
	v1 =	vld [tilespmem:s17+$0xB390]  }
0x520: {  	v14 =	vsub.f32 v21, v47;
	v21 =	vld [tilespmem:s13+$0x97F0];
	[tilespmem:$0x1FDB0] =	vst v41;
	v0 =	vsub.f32 v0, v54  }
0x521: {  	v4 =	vmov v17;
	v17 =	vld [tilespmem:s13+$0xB7F0];
	[tilespmem:$0x1FD80] =	vst v3;
	v3 =	vmul.f32 v59, v53  }
0x522: {  	v43 =	vmul.f32 v43, v53;
	v41 =	vmul.f32 v51, v53;
	[tilespmem:$0x1FDA0] =	vst v0;
	v0 =	vld [tilespmem:s17+$0x9390]  }
0x523: {  	v59 =	vmul.f32 v12, v53;
	v3 =	vadd.f32 v3, v42;
	[tilespmem:$0x1FDD0] =	vst v56;
	v56 =	vld.idx.msk [tilespmem:v62+s10+$0x0], $0xffff  }
0x524: {  	v42 =	vadd.f32 v43, v23;
	v23 =	vadd.f32 v41, v30;
	v62 =	vmul.f32 v13, v53;
	[tilespmem:$0x1FDF0] =	vst v1;
	v1 =	vld [tilespmem:s17+$0x93A0]  }
0x525: {  	v49 =	vsub.f32 v49, v20  }
0x526: {  	[tilespmem:$0x1FD40] =	vst v18;
	v18 =	vld [tilespmem:s17+$0x9380];
	v13 =	vmov v20;
	v20 =	vadd.f32 v59, v28;
	v59 =	vadd.f32 v62, v24  }
0x527: {  	[tilespmem:$0x1FD60] =	vst v49;
	v49 =	vld [tilespmem:s17+$0xD380]  }
0x528: {  	v62 =	vsub.f32 v23, v59;
	v23 =	vmov v0;
	v0 =	vld [tilespmem:s17+$0xF3A0]  }
0x529: {  	v15 =	vsub.f32 v17, v21;
	v5 =	vsub.f32 v5, v3;
	[tilespmem:$0x1FE00] =	vst v1;
	v1 =	vld [tilespmem:s17+$0xB3A0]  }
0x52a: {  	v11 =	vmul.f32 v11, v53;
	v51 =	vld [tilespmem:s17+$0xF390];
	v24 =	vsub.f32 v20, v42  }
0x52b: {  	v2 =	vmul.f32 v2, v53;
	[tilespmem:$0x1FD90] =	vst v15;
	v15 =	vld [tilespmem:s17+$0xF380];
	v5 =	vmul.f32 v5, v56  }
0x52c: {  	v11 =	vadd.f32 v11, v19;
	v43 =	vld [tilespmem:s17+$0xD390];
	v24 =	vmul.f32 v24, v56  }
0x52d: {  	v2 =	vadd.f32 v2, v44;
	v41 =	vmul.f32 v55, v53;
	v55 =	vld [tilespmem:s17+$0xD3A0];
	v3 =	vadd.f32 v5, v3;
	[tilespmem:$0x1FE20] =	vst v0  }
0x52e: {  	v20 =	vmov v49;
	v5 =	vmul.f32 v8, v53;
	v8 =	vadd.f32 v24, v42;
	[tilespmem:$0x1FE10] =	vst v1;
	v1 =	vld [tilespmem:$0x1FD20]  }
0x52f: {  	v49 =	vadd.f32 v41, v16;
	v41 =	vld [tilespmem:s17+$0x93B0];
	v0 =	vsub.f32 v2, v11;
	v2 =	vmul.f32 v62, v56;
	[tilespmem:s13+$0x113B0] =	vst v3  }
0x530: {  	v3 =	vadd.f32 v5, v32;
	v5 =	vmul.f32 v14, v53;
	v62 =	vld [tilespmem:s17+$0xB3B0];
	[tilespmem:s13+$0x113A0] =	vst v8  }
0x531: {  	v14 =	vmul.f32 v46, v53;
	v2 =	vadd.f32 v2, v59;
	v42 =	vld [tilespmem:s17+$0xD3B0]  }
0x532: {  	v59 =	vadd.f32 v5, v47;
	v5 =	vld [tilespmem:s17+$0xF3B0]  }
0x533: {  	[tilespmem:s13+$0x11390] =	vst v2;
	v2 =	vadd.f32 v14, v1;
	v1 =	vld [tilespmem:$0x1FD30];
	_ =	sdelay $0x2  }
0x534: {  	v8 =	vmul.f32 v50, v53;
	_ =	sdelay $0x1  }
0x535: {  	v0 =	vmul.f32 v0, v56;
	v14 =	vadd.f32 v8, v1;
	v1 =	vld [tilespmem:s17+$0xB3C0]  }
0x536: {  	v28 =	vmul.f32 v25, v53;
	v3 =	vsub.f32 v3, v49  }
0x537: {  	[tilespmem:$0x1FDC0] =	vst v21;
	v0 =	vadd.f32 v0, v11;
	v11 =	vmul.f32 v27, v53  }
0x538: {  	v17 =	vld [tilespmem:$0x1FD40];
	[tilespmem:$0x1FDE0] =	vst v15;
	v21 =	vadd.f32 v28, v36;
	v3 =	vmul.f32 v3, v56  }
0x539: {  	v15 =	vld [tilespmem:s17+$0x93C0];
	[tilespmem:s13+$0x11380] =	vst v0;
	v0 =	vsub.f32 v2, v59;
	v2 =	vadd.f32 v11, v4  }
0x53a: {  	v11 =	vadd.f32 v3, v49;
	v8 =	vld [tilespmem:s17+$0xD3C0];
	v21 =	vsub.f32 v21, v14;
	[tilespmem:$0x1FE30] =	vst v1;
	v1 =	vmul.f32 v52, v53  }
0x53b: {  	v63 =	vsub.f32 v63, v38;
	v6 =	vsub.f32 v6, v39;
	v3 =	vld [tilespmem:s17+$0xF3C0];
	v0 =	vmul.f32 v0, v56  }
0x53c: {  	v7 =	vsub.f32 v7, v37;
	v47 =	vld [tilespmem:s17+$0x93D0];
	[tilespmem:s13+$0x113C0] =	vst v11;
	v11 =	vmul.f32 v21, v56;
	v1 =	vadd.f32 v1, v58  }
0x53d: {  	v16 =	vmul.f32 v61, v53;
	v4 =	vmul.f32 v57, v53;
	v25 =	vld [tilespmem:s17+$0xD3D0];
	v0 =	vadd.f32 v0, v59  }
0x53e: {  	v27 =	vmul.f32 v63, v53;
	v46 =	vld [tilespmem:s17+$0xF3D0];
	v11 =	vadd.f32 v11, v14;
	v1 =	vsub.f32 v1, v2  }
0x53f: {  	v63 =	vmul.f32 v17, v53;
	v4 =	vadd.f32 v4, v40;
	v21 =	vld [tilespmem:s17+$0xB3D0];
	v14 =	vadd.f32 v16, v35;
	[tilespmem:s13+$0x113D0] =	vst v0  }
0x540: {  	v16 =	vmul.f32 v31, v53;
	v0 =	vmul.f32 v1, v56;
	v1 =	vadd.f32 v27, v38;
	v27 =	vld [tilespmem:s17+$0x93E0];
	[tilespmem:s13+$0x113E0] =	vst v11  }
0x541: {  	v31 =	vadd.f32 v63, v29;
	v11 =	vsub.f32 v14, v4;
	v50 =	vld [tilespmem:s17+$0xB3E0]  }
0x542: {  	v14 =	vadd.f32 v16, v60;
	v16 =	vmul.f32 v6, v53;
	v35 =	vld [tilespmem:s17+$0xD3E0];
	v0 =	vadd.f32 v0, v2  }
0x543: {  	v52 =	vld [tilespmem:s17+$0xF3E0];
	v2 =	vsub.f32 v31, v1;
	v11 =	vmul.f32 v11, v56  }
0x544: {  	v10 =	vsub.f32 v10, v34;
	v31 =	vmul.f32 v7, v53;
	v16 =	vadd.f32 v16, v39;
	v7 =	vld [tilespmem:$0x1FD50];
	[tilespmem:s13+$0x113F0] =	vst v0  }
0x545: {  	v9 =	vsub.f32 v9, v26;
	v0 =	vmul.f32 v2, v56;
	v4 =	vadd.f32 v11, v4;
	v17 =	vld [tilespmem:s17+$0x93F0]  }
0x546: {  	v45 =	vsub.f32 v45, v22;
	v6 =	vmul.f32 v10, v53;
	v11 =	vsub.f32 v16, v14;
	v57 =	vld [tilespmem:s17+$0xB3F0]  }
0x547: {  	v2 =	vadd.f32 v31, v37;
	v36 =	vld [tilespmem:s17+$0xD3F0];
	v0 =	vadd.f32 v0, v1;
	[tilespmem:s13+$0x11780] =	vst v4  }
0x548: {  	v1 =	vadd.f32 v6, v34;
	v6 =	vmul.f32 v45, v53;
	v4 =	vmul.f32 v11, v56;
	v58 =	vld [tilespmem:s17+$0xF3F0]  }
0x549: {  	v31 =	vmul.f32 v7, v53;
	v7 =	vmul.f32 v9, v53;
	v9 =	vld [tilespmem:$0x1FD70]  }
0x54a: {  	[tilespmem:s13+$0x11790] =	vst v0;
	v0 =	vsub.f32 v1, v2;
	v1 =	vadd.f32 v6, v22;
	v6 =	vld [tilespmem:$0x1FD60]  }
0x54b: {  	v10 =	vld [tilespmem:$0x1FD80];
	v4 =	vadd.f32 v4, v14  }
0x54c: {  	v11 =	vadd.f32 v31, v48;
	v7 =	vadd.f32 v7, v26;
	v40 =	vld [tilespmem:s17+$0x9780]  }
0x54d: {  	v60 =	vld [tilespmem:s17+$0xB780]  }
0x54e: {  	v30 =	vmov v18;
	v18 =	vld [tilespmem:s17+$0xD780];
	[tilespmem:s13+$0x117A0] =	vst v4;
	v7 =	vsub.f32 v7, v11  }
0x54f: {  	v61 =	vld [tilespmem:s17+$0xF780];
	v9 =	vmul.f32 v9, v53;
	v6 =	vmul.f32 v6, v53  }
0x550: {  	v38 =	vld [tilespmem:s17+$0x9790];
	v4 =	vmul.f32 v7, v56  }
0x551: {  	v0 =	vmul.f32 v0, v56;
	v7 =	vadd.f32 v9, v33;
	v9 =	vld [tilespmem:$0x1FD90];
	v6 =	vadd.f32 v6, v13  }
0x552: {  	v4 =	vadd.f32 v4, v11;
	v11 =	vld [tilespmem:$0x1FDB0]  }
0x553: {  	v0 =	vadd.f32 v0, v2;
	v2 =	vsub.f32 v6, v1;
	v6 =	vld [tilespmem:$0x1FDA0]  }
0x554: {  	v63 =	vld [tilespmem:s17+$0xB790]  }
0x555: {  	v10 =	vmul.f32 v10, v53;
	[tilespmem:s13+$0x117B0] =	vst v0;
	v0 =	vmul.f32 v2, v56;
	v2 =	vld [tilespmem:$0x1FDC0];
	_ =	sdelay $0x1  }
0x556: {  	v10 =	vadd.f32 v10, v11  }
0x557: {  	v9 =	vmul.f32 v9, v53;
	v6 =	vmul.f32 v6, v53  }
0x558: {  	v29 =	vld [tilespmem:s17+$0xD790];
	[tilespmem:s13+$0x117C0] =	vst v4;
	v4 =	vsub.f32 v10, v7  }
0x559: {  	v2 =	vadd.f32 v9, v2;
	v6 =	vadd.f32 v6, v54  }
0x55a: {  	v31 =	vld [tilespmem:s17+$0x97A0];
	v1 =	vadd.f32 v0, v1  }
0x55b: {  	v0 =	vld [tilespmem:s17+$0xB7A0];
	v4 =	vmul.f32 v4, v56;
	v6 =	vsub.f32 v6, v2  }
0x55c: {  	v54 =	vld [tilespmem:s17+$0xF790];
	[tilespmem:s13+$0x117D0] =	vst v1  }
0x55d: {  	v39 =	vld [tilespmem:s17+$0xD7A0];
	v4 =	vadd.f32 v4, v7;
	v1 =	vmul.f32 v6, v56  }
0x55e: {  	v37 =	vld [tilespmem:s17+$0x97B0]  }
0x55f: {  	v6 =	vld [tilespmem:s17+$0xF7A0];
	[tilespmem:s13+$0x117E0] =	vst v4;
	v1 =	vadd.f32 v1, v2  }
0x560: {  	v7 =	vld [tilespmem:s17+$0xB7B0]  }
0x561: {  	[tilespmem:s13+$0x117F0] =	vst v1;
	v1 =	vld [tilespmem:$0x1FDD0];
	_ =	sdelay $0x4  }
0x562: {  	v11 =	vsub.f32 v1, v30;
	v1 =	vld [tilespmem:$0x1FDE0];
	_ =	sdelay $0x4  }
0x563: {  	v2 =	vsub.f32 v1, v20;
	v1 =	vld [tilespmem:$0x1FDF0];
	_ =	sdelay $0x3  }
0x564: {  	v4 =	vld [tilespmem:$0x1FE10]  }
0x565: {  	v13 =	vsub.f32 v1, v23;
	v1 =	vld [tilespmem:$0x1FE00]  }
0x566: {  	s13 =	smov.u32 s17  }
0x567: {  	v34 =	vld [tilespmem:s13+$0xD7B0]  }
0x568: {  	v10 =	vld [tilespmem:s13+$0xF7B0]  }
0x569: {  	v48 =	vld [tilespmem:s13+$0x97C0]  }
0x56a: {  	v12 =	vmovc v43;
	v24 =	vmov v23;
	v23 =	vmov v1;
	v43 =	vsub.f32 v4, v1;
	v1 =	vld [tilespmem:$0x1FE20]  }
0x56b: {  	v56 =	vld [tilespmem:s13+$0xB7C0]  }
0x56c: {  	v26 =	vld [tilespmem:s13+$0xD7C0]  }
0x56d: {  	v9 =	vld [tilespmem:s13+$0xF7C0]  }
0x56e: {  	v22 =	vld [tilespmem:s13+$0x97D0]  }
0x56f: {  	p0 =	sne.s32 s15, $0x1F;
	v19 =	vmovc v30;
	v51 =	vsub.f32 v51, v12;
	v30 =	vmov v12;
	v12 =	vsub.f32 v1, v55;
	v1 =	vld [tilespmem:$0x1FE30]  }
.Ltmp2:
0x570: {  	v45 =	vld [tilespmem:s13+$0xB7D0];
	(pc) =	sbr.rel @p0 .LBB2_7-.Ltmp2, $4  }
0x571: {  	v49 =	vld [tilespmem:s13+$0xF7D0]  }
0x572: {  	v33 =	vld [tilespmem:s13+$0x97E0]  }
0x573: {  	v28 =	vmovc v55;
	v5 =	vsub.f32 v5, v42;
	v32 =	vmov v8;
	v8 =	vsub.f32 v3, v8;
	v3 =	vld [tilespmem:s13+$0xB7E0]  }
0x574: {  	v44 =	vmovc v20;
	v59 =	vsub.f32 v62, v41;
	v62 =	vmov s15;
	s15 =	sadd.s32 $0x1, s15;
	v16 =	vmovc v15;
	v20 =	vld [tilespmem:s13+$0xD7D0];
	v55 =	vsub.f32 v1, v15  }
0x575: {  	_ =	sdelay $0x3  }
0x576: {  	v1 =	vld.idx.msk [tilespmem:v62+s9+$0x0], $0xffff  }
0x577: {  	v46 =	vsub.f32 v46, v25;
	v50 =	vsub.f32 v50, v27  }
0x578: {  	v52 =	vsub.f32 v52, v35;
	v53 =	vsub.f32 v57, v17  }
0x579: {  	v57 =	vsub.f32 v60, v40;
	v61 =	vsub.f32 v61, v18  }
0x57a: {  	v0 =	vsub.f32 v0, v31;
	v6 =	vsub.f32 v6, v39  }
0x57b: {  	v7 =	vsub.f32 v7, v37;
	v4 =	vmul.f32 v59, v1;
	v14 =	vmul.f32 v5, v1  }
0x57c: {  	v10 =	vsub.f32 v10, v34;
	v15 =	vmul.f32 v43, v1;
	v12 =	vmul.f32 v12, v1  }
0x57d: {  	v9 =	vsub.f32 v9, v26;
	v13 =	vmul.f32 v13, v1;
	v11 =	vmul.f32 v11, v1  }
0x57e: {  	v3 =	vsub.f32 v3, v33;
	v2 =	vmul.f32 v2, v1;
	v8 =	vmul.f32 v8, v1  }
0x57f: {  	v59 =	vmul.f32 v57, v1;
	v4 =	vadd.f32 v4, v41;
	v14 =	vadd.f32 v14, v42  }
0x580: {  	v0 =	vmul.f32 v0, v1;
	v15 =	vadd.f32 v15, v23;
	v12 =	vadd.f32 v12, v28  }
0x581: {  	v6 =	vmul.f32 v6, v1;
	v13 =	vadd.f32 v13, v24;
	v11 =	vadd.f32 v11, v19  }
0x582: {  	v7 =	vmul.f32 v7, v1;
	v2 =	vadd.f32 v2, v44;
	v44 =	vsub.f32 v21, v47  }
0x583: {  	v42 =	vmul.f32 v55, v1;
	v8 =	vadd.f32 v8, v32;
	v55 =	vsub.f32 v58, v36  }
0x584: {  	v5 =	vld.idx.msk [tilespmem:v62+s10+$0x0], $0xffff;
	v10 =	vmul.f32 v10, v1;
	v62 =	vadd.f32 v59, v40;
	v32 =	vsub.f32 v54, v29  }
0x585: {  	v3 =	vmul.f32 v3, v1;
	v0 =	vadd.f32 v0, v31;
	v6 =	vadd.f32 v6, v39  }
0x586: {  	v41 =	vmul.f32 v51, v1;
	v7 =	vadd.f32 v7, v37;
	v10 =	vadd.f32 v10, v34  }
0x587: {  	v9 =	vmul.f32 v9, v1;
	v3 =	vadd.f32 v3, v33;
	v14 =	vsub.f32 v14, v4  }
0x588: {  	v21 =	vmul.f32 v61, v1;
	v23 =	vadd.f32 v41, v30;
	v12 =	vsub.f32 v12, v15  }
0x589: {  	v60 =	vmovc v18;
	v19 =	vadd.f32 v42, v16;
	v2 =	vsub.f32 v2, v11;
	v16 =	vmul.f32 v44, v1  }
0x58a: {  	v30 =	vmovc v20;
	v20 =	vmul.f32 v55, v1;
	v21 =	vadd.f32 v21, v60;
	v42 =	vsub.f32 v56, v48  }
0x58b: {  	v6 =	vsub.f32 v6, v0;
	v10 =	vsub.f32 v10, v7;
	v14 =	vmul.f32 v14, v5  }
0x58c: {  	v43 =	vsub.f32 v23, v13;
	v12 =	vmul.f32 v12, v5;
	v2 =	vmul.f32 v2, v5  }
0x58d: {  	v51 =	vadd.f32 v16, v47;
	v8 =	vsub.f32 v8, v19;
	v16 =	vmul.f32 v52, v1  }
0x58e: {  	v20 =	vadd.f32 v20, v36;
	v21 =	vsub.f32 v21, v62;
	v47 =	vmovc v26;
	v6 =	vmul.f32 v6, v5  }
0x58f: {  	v40 =	vld [tilespmem:s13+$0x97F0];
	v10 =	vmul.f32 v10, v5;
	v9 =	vadd.f32 v9, v47;
	v4 =	vadd.f32 v14, v4  }
0x590: {  	v41 =	vld [tilespmem:s13+$0xB7F0];
	v12 =	vadd.f32 v12, v15;
	v14 =	vmul.f32 v43, v5;
	v2 =	vadd.f32 v2, v11  }
0x591: {  	v15 =	vmul.f32 v46, v1;
	v16 =	vadd.f32 v16, v35;
	v46 =	vsub.f32 v45, v22  }
0x592: {  	v11 =	vmul.f32 v53, v1;
	v0 =	vadd.f32 v6, v0;
	v13 =	vadd.f32 v14, v13  }
0x593: {  	v14 =	vmul.f32 v50, v1;
	v15 =	vadd.f32 v15, v25;
	v25 =	vsub.f32 v63, v38  }
0x594: {  	v7 =	vadd.f32 v10, v7;
	v11 =	vadd.f32 v11, v17;
	v17 =	vmul.f32 v32, v1  }
0x595: {  	v44 =	vld [tilespmem:s13+$0xF7F0];
	v56 =	vsub.f32 v41, v40;
	v14 =	vadd.f32 v14, v27;
	v35 =	vmul.f32 v25, v1  }
0x596: {  	v36 =	vld [tilespmem:s13+$0xD7E0];
	v8 =	vmul.f32 v8, v5;
	v50 =	vsub.f32 v49, v30;
	v17 =	vadd.f32 v17, v29  }
0x597: {  	v28 =	vmul.f32 v42, v1;
	v58 =	vsub.f32 v16, v14;
	v16 =	vadd.f32 v35, v38;
	v38 =	vld [tilespmem:s13+$0xF7E0]  }
0x598: {  	v21 =	vmul.f32 v21, v5;
	v43 =	vld [tilespmem:s13+$0xD7F0];
	v8 =	vadd.f32 v8, v19;
	v15 =	vsub.f32 v15, v51  }
0x599: {  	v52 =	vmul.f32 v46, v1;
	v54 =	vmul.f32 v50, v1;
	v17 =	vsub.f32 v17, v16  }
0x59a: {  	v18 =	vadd.f32 v21, v62;
	[tilespmem:s13+$0x113B0] =	vst v4;
	v20 =	vsub.f32 v20, v11;
	v15 =	vmul.f32 v15, v5  }
0x59b: {  	[tilespmem:s13+$0x113A0] =	vst v12;
	v55 =	vadd.f32 v52, v22;
	v57 =	vadd.f32 v54, v30;
	v17 =	vmul.f32 v17, v5  }
0x59c: {  	[tilespmem:s13+$0x11380] =	vst v2;
	v20 =	vmul.f32 v20, v5;
	v15 =	vadd.f32 v15, v51;
	v53 =	vsub.f32 v38, v36  }
0x59d: {  	[tilespmem:s13+$0x117A0] =	vst v0;
	v27 =	vmul.f32 v58, v5;
	v16 =	vadd.f32 v17, v16;
	v17 =	vsub.f32 v44, v43  }
0x59e: {  	[tilespmem:s13+$0x117B0] =	vst v7;
	v11 =	vadd.f32 v20, v11;
	v58 =	vmul.f32 v56, v1;
	v12 =	vmul.f32 v53, v1  }
0x59f: {  	[tilespmem:s13+$0x11390] =	vst v13;
	v51 =	vadd.f32 v28, v48;
	v2 =	vsub.f32 v57, v55;
	v1 =	vmul.f32 v17, v1  }
0x5a0: {  	[tilespmem:s13+$0x113C0] =	vst v8;
	v8 =	vadd.f32 v58, v40;
	v12 =	vadd.f32 v12, v36  }
0x5a1: {  	[tilespmem:s13+$0x11780] =	vst v18;
	v9 =	vsub.f32 v9, v51;
	v1 =	vadd.f32 v1, v43  }
0x5a2: {  	v14 =	vadd.f32 v27, v14;
	[tilespmem:s13+$0x113D0] =	vst v15;
	v2 =	vmul.f32 v2, v5;
	v60 =	vsub.f32 v12, v3  }
0x5a3: {  	[tilespmem:s13+$0x113F0] =	vst v11;
	v59 =	vmul.f32 v9, v5;
	v1 =	vsub.f32 v1, v8  }
0x5a4: {  	[tilespmem:s13+$0x113E0] =	vst v14;
	v2 =	vadd.f32 v2, v55;
	v62 =	vmul.f32 v60, v5  }
0x5a5: {  	s0 =	rddreg [dreg:$0x8];
	[tilespmem:s13+$0x11790] =	vst v16;
	v61 =	vadd.f32 v59, v51;
	v1 =	vmul.f32 v1, v5  }
0x5a6: {  	s1 =	rddreg [dreg:$0xd];
	[tilespmem:s13+$0x117D0] =	vst v2;
	v63 =	vadd.f32 v62, v3  }
0x5a7: {  	s0 =	sadd.s32 s0, s1;
	[tilespmem:s13+$0x117C0] =	vst v61;
	v1 =	vadd.f32 v1, v8  }
0x5a8: {  	s29 =	rddreg [dreg:$0x5];
	s7 =	simm.s32 $0x0;
	s0 =	sshll.u32 s0, $0x5;
	[tilespmem:s13+$0x117E0] =	vst v63  }
0x5a9: {  	s30 =	simm.s32 $0x11380;
	s4 =	simm.s32 $0x2;
	s0 =	sadd.s32 s29, s0;
	[tilespmem:s13+$0x117F0] =	vst v1  }
0x5aa: {  	[hbm4b:s0+s7] =	stream.linear.scatter [tilespmem:s30], [sflag:$0x2], $0x2000, $0x38;
	[tilespmem:$0x13380] =	vst v63  }
0x5ab: {  	_ =	swait.ge [sflag:s4], $0x2000  }
0x5ac: {  	s31 =	rddreg [dreg:$0xc]  }
0x5ad: {  	s1 =	sadd.s32 $0x1, s31  }
0x5ae: {  	p0 =	sne.s32 s1, $0x18  }
.Ltmp3:
0x5af: {  	_ = 	snop;
	(pc) =	sbr.rel @p0 .LBB2_2-.Ltmp3, $3  }
0x5b0: {  	_ =	sdelay $0x1  }
0x5b1: {  	[sflag:s4] =	ssyncset.done $0x0  }
0x5b2: {  	[sflag:s4] =	ssyncadd.s32 $0xFFFFE000  }
0x5b3: {  	s3 =	simm.s32 $0x1  }
0x5b4: {  	s13 =	simm.s32 $0x0;
	_ =	swait.ge [sflag:s3], $0x8000  }
0x5b5: {  	s0 =	sand.u32 $0x1800, s13;
	s1 =	sand.u32 $0x380, s13;
	[sflag:s3] =	ssyncset.done $0x0  }
0x5b6: {  	s0 =	sor.u32 s1, s0;
	[sflag:s3] =	ssyncadd.s32 $0xFFFF8000  }
0x5b7: {  	v11 =	vld [tilespmem:s0+$0x1380]  }
0x5b8: {  	v20 =	vld [tilespmem:s0+$0x3380]  }
0x5b9: {  	v12 =	vld [tilespmem:s0+$0x5380]  }
0x5ba: {  	v2 =	vld [tilespmem:s0+$0x7380]  }
0x5bb: {  	v13 =	vld [tilespmem:s0+$0x1390]  }
0x5bc: {  	v3 =	vld [tilespmem:s0+$0x3390]  }
0x5bd: {  	v16 =	vld [tilespmem:s0+$0x5390]  }
0x5be: {  	v23 =	vld [tilespmem:s0+$0x7390]  }
0x5bf: {  	v27 =	vld [tilespmem:s0+$0x13A0]  }
0x5c0: {  	v5 =	vld [tilespmem:s0+$0x33A0]  }
0x5c1: {  	v6 =	vld [tilespmem:s0+$0x53A0]  }
0x5c2: {  	v8 =	vld [tilespmem:s0+$0x73A0]  }
0x5c3: {  	v41 =	vld [tilespmem:s0+$0x13B0]  }
0x5c4: {  	v25 =	vld [tilespmem:s0+$0x33B0]  }
0x5c5: {  	v42 =	vld [tilespmem:s0+$0x53B0]  }
0x5c6: {  	v21 =	vld [tilespmem:s0+$0x73B0]  }
0x5c7: {  	v32 =	vld [tilespmem:s0+$0x13C0]  }
0x5c8: {  	v15 =	vld [tilespmem:s0+$0x33C0]  }
0x5c9: {  	v1 =	vld [tilespmem:s0+$0x53C0]  }
0x5ca: {  	v53 =	vld [tilespmem:s0+$0x73C0]  }
0x5cb: {  	v47 =	vld [tilespmem:s0+$0x13D0]  }
0x5cc: {  	v54 =	vld [tilespmem:s0+$0x33D0]  }
0x5cd: {  	v33 =	vld [tilespmem:s0+$0x53D0]  }
0x5ce: {  	v46 =	vld [tilespmem:s0+$0x73D0]  }
0x5cf: {  	v28 =	vld [tilespmem:s0+$0x13E0]  }
0x5d0: {  	v50 =	vld [tilespmem:s0+$0x33E0]  }
0x5d1: {  	v35 =	vld [tilespmem:s0+$0x53E0]  }
0x5d2: {  	v52 =	vld [tilespmem:s0+$0x73E0]  }
0x5d3: {  	v17 =	vld [tilespmem:s0+$0x13F0]  }
0x5d4: {  	v57 =	vld [tilespmem:s0+$0x33F0]  }
0x5d5: {  	v36 =	vld [tilespmem:s0+$0x53F0]  }
0x5d6: {  	v58 =	vld [tilespmem:s0+$0x73F0]  }
0x5d7: {  	v39 =	vld [tilespmem:s0+$0x1780]  }
0x5d8: {  	v60 =	vld [tilespmem:s0+$0x3780]  }
0x5d9: {  	v18 =	vld [tilespmem:s0+$0x5780]  }
0x5da: {  	v61 =	vld [tilespmem:s0+$0x7780]  }
0x5db: {  	v37 =	vld [tilespmem:s0+$0x1790]  }
0x5dc: {  	v63 =	vld [tilespmem:s0+$0x3790]  }
0x5dd: {  	v40 =	vld [tilespmem:s0+$0x5790]  }
0x5de: {  	v0 =	vld [tilespmem:s0+$0x7790]  }
0x5df: {  	v29 =	vld [tilespmem:s0+$0x17A0]  }
0x5e0: {  	v44 =	vld [tilespmem:s0+$0x37A0]  }
0x5e1: {  	v38 =	vld [tilespmem:s0+$0x57A0]  }
0x5e2: {  	v31 =	vld [tilespmem:s0+$0x77A0]  }
0x5e3: {  	v4 =	vld [tilespmem:s0+$0x17B0]  }
0x5e4: {  	v7 =	vld [tilespmem:s0+$0x37B0]  }
0x5e5: {  	v34 =	vld [tilespmem:s0+$0x57B0]  }
0x5e6: {  	v10 =	vld [tilespmem:s0+$0x77B0]  }
0x5e7: {  	v48 =	vld [tilespmem:s0+$0x17C0]  }
0x5e8: {  	v56 =	vld [tilespmem:s0+$0x37C0]  }
0x5e9: {  	v26 =	vld [tilespmem:s0+$0x57C0]  }
0x5ea: {  	v9 =	vld [tilespmem:s0+$0x77C0]  }
0x5eb: {  	v22 =	vld [tilespmem:s0+$0x17D0]  }
0x5ec: {  	v45 =	vld [tilespmem:s0+$0x37D0];
	v19 =	vmov v11;
	v11 =	vsub.f32 v20, v11;
	v2 =	vsub.f32 v2, v12  }
0x5ed: {  	v49 =	vld [tilespmem:s0+$0x77D0];
	v24 =	vmov v13;
	v13 =	vsub.f32 v3, v13;
	v51 =	vsub.f32 v23, v16  }
0x5ee: {  	v62 =	vmov s13;
	v14 =	vmovc v12;
	v30 =	vmovc v16;
	v20 =	vld [tilespmem:s0+$0x57D0];
	v43 =	vsub.f32 v5, v27;
	v12 =	vsub.f32 v8, v6  }
0x5ef: {  	v23 =	vmovc v27;
	v27 =	vmovc v28;
	v59 =	vsub.f32 v25, v41;
	v25 =	vmov v33;
	v5 =	vsub.f32 v21, v42;
	v33 =	vld [tilespmem:s0+$0x17E0]  }
0x5f0: {  	s14 =	simm.s32 $0x1;
	s15 =	simm.s32 $0x0;
	v28 =	vmovc v6;
	v16 =	vmovc v32;
	v55 =	vsub.f32 v15, v32;
	v32 =	vmov v1;
	v8 =	vsub.f32 v53, v1;
	v3 =	vld [tilespmem:s0+$0x37E0]  }
.LBB2_10:
0x5f1: {  	_ =	sdelay $0x3  }
0x5f2: {  	v53 =	vld.idx.msk [tilespmem:v62+s2+$0x0], $0xffff;
	_ =	sdelay $0x2  }
0x5f3: {  	v21 =	vsub.f32 v54, v47;
	v50 =	vsub.f32 v50, v27  }
0x5f4: {  	[tilespmem:$0x1FC00] =	vst v27;
	v1 =	vmovc v42;
	v42 =	vmov v41;
	v41 =	vld [tilespmem:s0+$0x57E0];
	v27 =	vsub.f32 v57, v17;
	v57 =	vsub.f32 v60, v39;
	s13 =	sadd.s32 $0x80, s13;
	s15 =	sadd.s32 $0x100, s15  }
0x5f5: {  	v15 =	vld [tilespmem:s0+$0x77E0];
	v60 =	vsub.f32 v63, v37;
	v63 =	vsub.f32 v0, v40;
	s1 =	sand.u32 $0x1800, s15;
	s3 =	sand.u32 $0x380, s13;
	v5 =	vmul.f32 v5, v53  }
0x5f6: {  	v54 =	vld [tilespmem:s0+$0x17F0];
	v0 =	vsub.f32 v31, v38;
	v7 =	vsub.f32 v7, v4;
	s16 =	sor.u32 s3, s1  }
0x5f7: {  	[tilespmem:$0x1FBF0] =	vst v25;
	v31 =	vmovc v37;
	v37 =	vmov v4;
	v4 =	vsub.f32 v56, v48;
	v5 =	vadd.f32 v5, v1;
	v1 =	vld [tilespmem:s16+$0x3390]  }
0x5f8: {  	v6 =	vmov v17;
	v17 =	vld [tilespmem:s0+$0x37F0];
	[tilespmem:$0x1FBE0] =	vst v21  }
0x5f9: {  	[tilespmem:$0x1FC20] =	vst v4;
	v4 =	vld [tilespmem:s16+$0x3380]  }
0x5fa: {  	[tilespmem:$0x1FC10] =	vst v0;
	v21 =	vld [tilespmem:s0+$0x57F0]  }
0x5fb: {  	v0 =	vld [tilespmem:s0+$0x77F0];
	v3 =	vsub.f32 v3, v33;
	[tilespmem:$0x1FC90] =	vst v54  }
0x5fc: {  	v46 =	vsub.f32 v46, v25;
	[tilespmem:$0x1FCD0] =	vst v1;
	v1 =	vld [tilespmem:s16+$0x13A0]  }
0x5fd: {  	v25 =	vsub.f32 v52, v35;
	[tilespmem:$0x1FC40] =	vst v3;
	v3 =	vsub.f32 v15, v41  }
0x5fe: {  	v52 =	vsub.f32 v58, v36;
	[tilespmem:$0x1FCB0] =	vst v4;
	v4 =	vsub.f32 v49, v20  }
0x5ff: {  	v58 =	vmovc v36;
	v36 =	vmov v35;
	v35 =	vmov v18;
	v61 =	vsub.f32 v61, v18;
	v18 =	vld [tilespmem:s16+$0x1380];
	[tilespmem:$0x1FC50] =	vst v3  }
0x600: {  	v56 =	vld.idx.msk [tilespmem:v62+s6+$0x0], $0xffff;
	v0 =	vsub.f32 v0, v21;
	v3 =	vmul.f32 v59, v53;
	[tilespmem:$0x1FC30] =	vst v4  }
0x601: {  	v43 =	vmul.f32 v43, v53;
	v4 =	vsub.f32 v17, v54;
	v54 =	vmul.f32 v51, v53;
	[tilespmem:$0x1FCE0] =	vst v1;
	v1 =	vld [tilespmem:s16+$0x33A0]  }
0x602: {  	v62 =	vmul.f32 v13, v53;
	v59 =	vmul.f32 v12, v53;
	[tilespmem:$0x1FC70] =	vst v0;
	v0 =	vld [tilespmem:s16+$0x1390];
	v3 =	vadd.f32 v3, v42  }
0x603: {  	[tilespmem:$0x1FC80] =	vst v41;
	v41 =	vmul.f32 v55, v53;
	v55 =	vld [tilespmem:s16+$0x53A0];
	v42 =	vadd.f32 v43, v23;
	v23 =	vadd.f32 v54, v30  }
0x604: {  	v13 =	vmov v20;
	v43 =	vld [tilespmem:s16+$0x5390];
	v20 =	vadd.f32 v59, v28  }
0x605: {  	v49 =	vld [tilespmem:s16+$0x5380];
	v59 =	vadd.f32 v62, v24;
	v5 =	vsub.f32 v5, v3  }
0x606: {  	v11 =	vmul.f32 v11, v53;
	[tilespmem:$0x1FCF0] =	vst v1;
	v1 =	vld [tilespmem:$0x1FBE0]  }
0x607: {  	v24 =	vsub.f32 v20, v42;
	v5 =	vmul.f32 v5, v56;
	v62 =	vsub.f32 v23, v59;
	v23 =	vmovc v0;
	v0 =	vld [tilespmem:s16+$0x73A0]  }
0x608: {  	v2 =	vmul.f32 v2, v53;
	v11 =	vadd.f32 v11, v19;
	v51 =	vld [tilespmem:s16+$0x7390]  }
0x609: {  	[tilespmem:$0x1FC60] =	vst v4;
	v4 =	vld [tilespmem:s16+$0x7380];
	v24 =	vmul.f32 v24, v56;
	v3 =	vadd.f32 v5, v3;
	v5 =	vmul.f32 v8, v53  }
0x60a: {  	v2 =	vadd.f32 v2, v14;
	v54 =	vadd.f32 v41, v16;
	v41 =	vld [tilespmem:s16+$0x13B0]  }
0x60b: {  	v8 =	vadd.f32 v24, v42;
	[tilespmem:s0+$0x113B0] =	vst v3;
	v3 =	vadd.f32 v5, v32;
	v5 =	vmul.f32 v1, v53;
	v1 =	vld [tilespmem:$0x1FBF0]  }
0x60c: {  	[tilespmem:$0x1FD00] =	vst v0;
	v0 =	vsub.f32 v2, v11;
	v2 =	vmul.f32 v62, v56  }
0x60d: {  	v62 =	vld [tilespmem:s16+$0x33B0];
	[tilespmem:s0+$0x113A0] =	vst v8  }
0x60e: {  	v14 =	vmul.f32 v46, v53;
	v42 =	vld [tilespmem:s16+$0x53B0];
	v2 =	vadd.f32 v2, v59  }
0x60f: {  	v59 =	vadd.f32 v5, v47;
	v5 =	vld [tilespmem:s16+$0x73B0]  }
0x610: {  	[tilespmem:s0+$0x11390] =	vst v2;
	v2 =	vadd.f32 v14, v1;
	v1 =	vld [tilespmem:$0x1FC00];
	_ =	sdelay $0x2  }
0x611: {  	v8 =	vmul.f32 v50, v53;
	_ =	sdelay $0x1  }
0x612: {  	v0 =	vmul.f32 v0, v56;
	v14 =	vadd.f32 v8, v1;
	v1 =	vld [tilespmem:s16+$0x33C0]  }
0x613: {  	v28 =	vmul.f32 v25, v53;
	v3 =	vsub.f32 v3, v54  }
0x614: {  	v0 =	vadd.f32 v0, v11;
	v11 =	vmul.f32 v27, v53  }
0x615: {  	[tilespmem:$0x1FCA0] =	vst v21;
	v21 =	vadd.f32 v28, v36;
	v3 =	vmul.f32 v3, v56;
	v15 =	vld [tilespmem:s16+$0x13C0]  }
0x616: {  	[tilespmem:s0+$0x11380] =	vst v0;
	v0 =	vsub.f32 v2, v59;
	v2 =	vadd.f32 v11, v6;
	v6 =	vld [tilespmem:$0x1FC10]  }
0x617: {  	v11 =	vadd.f32 v3, v54;
	v8 =	vld [tilespmem:s16+$0x53C0];
	v21 =	vsub.f32 v21, v14;
	[tilespmem:$0x1FD10] =	vst v1;
	v1 =	vmul.f32 v52, v53  }
0x618: {  	v3 =	vld [tilespmem:s16+$0x73C0];
	v0 =	vmul.f32 v0, v56  }
0x619: {  	v44 =	vsub.f32 v44, v29;
	v47 =	vld [tilespmem:s16+$0x13D0];
	[tilespmem:s0+$0x113C0] =	vst v11;
	v11 =	vmul.f32 v21, v56;
	v1 =	vadd.f32 v1, v58  }
0x61a: {  	v16 =	vmul.f32 v61, v53;
	[tilespmem:$0x1FCC0] =	vst v4;
	v4 =	vmul.f32 v57, v53;
	v54 =	vld [tilespmem:s16+$0x33D0];
	v0 =	vadd.f32 v0, v59  }
0x61b: {  	v27 =	vmul.f32 v60, v53;
	v25 =	vld [tilespmem:s16+$0x53D0];
	v11 =	vadd.f32 v11, v14;
	v1 =	vsub.f32 v1, v2  }
0x61c: {  	v63 =	vmul.f32 v63, v53;
	v4 =	vadd.f32 v4, v39;
	v46 =	vld [tilespmem:s16+$0x73D0];
	v14 =	vadd.f32 v16, v35;
	[tilespmem:s0+$0x113D0] =	vst v0  }
0x61d: {  	v16 =	vmul.f32 v44, v53;
	v0 =	vmul.f32 v1, v56;
	v1 =	vadd.f32 v27, v31;
	v27 =	vld [tilespmem:s16+$0x13E0];
	[tilespmem:s0+$0x113E0] =	vst v11  }
0x61e: {  	v31 =	vadd.f32 v63, v40;
	v11 =	vsub.f32 v14, v4;
	v50 =	vld [tilespmem:s16+$0x33E0]  }
0x61f: {  	v14 =	vadd.f32 v16, v29;
	v16 =	vmul.f32 v6, v53;
	v35 =	vld [tilespmem:s16+$0x53E0];
	v0 =	vadd.f32 v0, v2  }
0x620: {  	v52 =	vld [tilespmem:s16+$0x73E0];
	v2 =	vsub.f32 v31, v1;
	v11 =	vmul.f32 v11, v56  }
0x621: {  	v10 =	vsub.f32 v10, v34;
	v31 =	vmul.f32 v7, v53;
	v16 =	vadd.f32 v16, v38;
	v7 =	vld [tilespmem:$0x1FC20];
	[tilespmem:s0+$0x113F0] =	vst v0  }
0x622: {  	v9 =	vsub.f32 v9, v26;
	v0 =	vmul.f32 v2, v56;
	v4 =	vadd.f32 v11, v4;
	v17 =	vld [tilespmem:s16+$0x13F0]  }
0x623: {  	v45 =	vsub.f32 v45, v22;
	v6 =	vmul.f32 v10, v53;
	v11 =	vsub.f32 v16, v14;
	v57 =	vld [tilespmem:s16+$0x33F0]  }
0x624: {  	v2 =	vadd.f32 v31, v37;
	v36 =	vld [tilespmem:s16+$0x53F0];
	v0 =	vadd.f32 v0, v1;
	[tilespmem:s0+$0x11780] =	vst v4  }
0x625: {  	v1 =	vadd.f32 v6, v34;
	v6 =	vmul.f32 v45, v53;
	v4 =	vmul.f32 v11, v56;
	v58 =	vld [tilespmem:s16+$0x73F0]  }
0x626: {  	v31 =	vmul.f32 v7, v53;
	v7 =	vmul.f32 v9, v53;
	v9 =	vld [tilespmem:$0x1FC40]  }
0x627: {  	[tilespmem:s0+$0x11790] =	vst v0;
	v0 =	vsub.f32 v1, v2;
	v1 =	vadd.f32 v6, v22;
	v6 =	vld [tilespmem:$0x1FC30]  }
0x628: {  	v4 =	vadd.f32 v4, v14;
	v39 =	vld [tilespmem:s16+$0x1780]  }
0x629: {  	v11 =	vadd.f32 v31, v48;
	v7 =	vadd.f32 v7, v26;
	v60 =	vld [tilespmem:s16+$0x3780]  }
0x62a: {  	v30 =	vmov v18;
	v18 =	vld [tilespmem:s16+$0x5780];
	[tilespmem:s0+$0x117A0] =	vst v4  }
0x62b: {  	v0 =	vmul.f32 v0, v56;
	v7 =	vsub.f32 v7, v11;
	v61 =	vld [tilespmem:s16+$0x7780];
	v9 =	vmul.f32 v9, v53  }
0x62c: {  	v37 =	vld [tilespmem:s16+$0x1790]  }
0x62d: {  	v0 =	vadd.f32 v0, v2;
	v4 =	vmul.f32 v7, v56;
	v7 =	vadd.f32 v9, v33;
	v9 =	vld [tilespmem:$0x1FC60]  }
0x62e: {  	v63 =	vld [tilespmem:s16+$0x3790];
	v6 =	vmul.f32 v6, v53  }
0x62f: {  	[tilespmem:s0+$0x117B0] =	vst v0;
	v0 =	vld [tilespmem:$0x1FC90]  }
0x630: {  	v10 =	vld [tilespmem:$0x1FC50];
	v6 =	vadd.f32 v6, v13  }
0x631: {  	v4 =	vadd.f32 v4, v11;
	v11 =	vld [tilespmem:$0x1FC80]  }
0x632: {  	v2 =	vsub.f32 v6, v1;
	v6 =	vld [tilespmem:$0x1FC70];
	v9 =	vmul.f32 v9, v53;
	_ =	sdelay $0x1  }
0x633: {  	v9 =	vadd.f32 v9, v0;
	v0 =	vld [tilespmem:$0x1FCA0]  }
0x634: {  	v10 =	vmul.f32 v10, v53;
	_ =	sdelay $0x1  }
0x635: {  	v10 =	vadd.f32 v10, v11;
	v6 =	vmul.f32 v6, v53  }
0x636: {  	v2 =	vmul.f32 v2, v56  }
0x637: {  	v40 =	vld [tilespmem:s16+$0x5790];
	[tilespmem:s0+$0x117C0] =	vst v4;
	v4 =	vsub.f32 v10, v7;
	v6 =	vadd.f32 v6, v0  }
0x638: {  	v29 =	vld [tilespmem:s16+$0x17A0];
	v1 =	vadd.f32 v2, v1  }
0x639: {  	v44 =	vld [tilespmem:s16+$0x37A0];
	v4 =	vmul.f32 v4, v56;
	v2 =	vsub.f32 v6, v9  }
0x63a: {  	v0 =	vld [tilespmem:s16+$0x7790];
	[tilespmem:s0+$0x117D0] =	vst v1  }
0x63b: {  	v38 =	vld [tilespmem:s16+$0x57A0];
	v1 =	vmul.f32 v2, v56;
	v2 =	vadd.f32 v4, v7  }
0x63c: {  	v31 =	vld [tilespmem:s16+$0x77A0]  }
0x63d: {  	v4 =	vld [tilespmem:s16+$0x17B0];
	v1 =	vadd.f32 v1, v9;
	[tilespmem:s0+$0x117E0] =	vst v2  }
0x63e: {  	v7 =	vld [tilespmem:s16+$0x37B0]  }
0x63f: {  	[tilespmem:s0+$0x117F0] =	vst v1;
	v1 =	vld [tilespmem:$0x1FCB0];
	_ =	sdelay $0x4  }
0x640: {  	v11 =	vsub.f32 v1, v30;
	v1 =	vld [tilespmem:$0x1FCC0];
	_ =	sdelay $0x3  }
0x641: {  	v20 =	vmov v49  }
0x642: {  	v2 =	vsub.f32 v1, v20;
	v1 =	vld [tilespmem:$0x1FCD0];
	_ =	sdelay $0x3  }
0x643: {  	v6 =	vld [tilespmem:$0x1FCF0]  }
0x644: {  	v13 =	vsub.f32 v1, v23;
	v1 =	vld [tilespmem:$0x1FCE0]  }
0x645: {  	s0 =	smov.u32 s16  }
0x646: {  	v34 =	vld [tilespmem:s0+$0x57B0]  }
0x647: {  	v10 =	vld [tilespmem:s0+$0x77B0]  }
0x648: {  	v48 =	vld [tilespmem:s0+$0x17C0]  }
0x649: {  	v12 =	vmovc v43;
	v24 =	vmov v23;
	v23 =	vmov v1;
	v43 =	vsub.f32 v6, v1;
	v1 =	vld [tilespmem:$0x1FD00]  }
0x64a: {  	v56 =	vld [tilespmem:s0+$0x37C0]  }
0x64b: {  	v26 =	vld [tilespmem:s0+$0x57C0]  }
0x64c: {  	v9 =	vld [tilespmem:s0+$0x77C0]  }
0x64d: {  	v22 =	vld [tilespmem:s0+$0x17D0]  }
0x64e: {  	p0 =	sne.s32 s14, $0x1F;
	v19 =	vmovc v30;
	v51 =	vsub.f32 v51, v12;
	v30 =	vmov v12;
	v12 =	vsub.f32 v1, v55;
	v1 =	vld [tilespmem:$0x1FD10]  }
.Ltmp4:
0x64f: {  	v45 =	vld [tilespmem:s0+$0x37D0];
	(pc) =	sbr.rel @p0 .LBB2_10-.Ltmp4, $4  }
0x650: {  	v49 =	vld [tilespmem:s0+$0x77D0]  }
0x651: {  	v33 =	vld [tilespmem:s0+$0x17E0]  }
0x652: {  	v28 =	vmovc v55;
	v5 =	vsub.f32 v5, v42;
	v32 =	vmov v8;
	v8 =	vsub.f32 v3, v8;
	v3 =	vld [tilespmem:s0+$0x37E0]  }
0x653: {  	v59 =	vsub.f32 v62, v41;
	v62 =	vmov s14;
	s14 =	sadd.s32 $0x1, s14;
	v16 =	vmovc v15;
	v14 =	vmovc v20;
	v20 =	vld [tilespmem:s0+$0x57D0];
	v55 =	vsub.f32 v1, v15  }
0x654: {  	_ =	sdelay $0x3  }
0x655: {  	v1 =	vld.idx.msk [tilespmem:v62+s2+$0x0], $0xffff;
	_ =	sdelay $0x1  }
0x656: {  	v46 =	vsub.f32 v46, v25;
	v50 =	vsub.f32 v50, v27  }
0x657: {  	v53 =	vsub.f32 v52, v35;
	v61 =	vsub.f32 v61, v18  }
0x658: {  	v0 =	vsub.f32 v0, v40;
	v7 =	vsub.f32 v7, v4  }
0x659: {  	v10 =	vsub.f32 v10, v34;
	v9 =	vsub.f32 v9, v26;
	v6 =	vmul.f32 v59, v1  }
0x65a: {  	v45 =	vsub.f32 v45, v22;
	v21 =	vmul.f32 v5, v1;
	v15 =	vmul.f32 v43, v1  }
0x65b: {  	v3 =	vsub.f32 v3, v33;
	v12 =	vmul.f32 v12, v1;
	v13 =	vmul.f32 v13, v1  }
0x65c: {  	v11 =	vmul.f32 v11, v1;
	v2 =	vmul.f32 v2, v1;
	v43 =	vsub.f32 v54, v47  }
0x65d: {  	v8 =	vmul.f32 v8, v1;
	v54 =	vsub.f32 v57, v17;
	v57 =	vsub.f32 v60, v39  }
0x65e: {  	v0 =	vmul.f32 v0, v1;
	v6 =	vadd.f32 v6, v41;
	v21 =	vadd.f32 v21, v42  }
0x65f: {  	v7 =	vmul.f32 v7, v1;
	v15 =	vadd.f32 v15, v23;
	v12 =	vadd.f32 v12, v28  }
0x660: {  	v10 =	vmul.f32 v10, v1;
	v13 =	vadd.f32 v13, v24;
	v11 =	vadd.f32 v11, v19  }
0x661: {  	v3 =	vmul.f32 v3, v1;
	v2 =	vadd.f32 v2, v14;
	v8 =	vadd.f32 v8, v32  }
0x662: {  	v5 =	vld.idx.msk [tilespmem:v62+s6+$0x0], $0xffff;
	v28 =	vmul.f32 v51, v1;
	v0 =	vadd.f32 v0, v40;
	v7 =	vadd.f32 v7, v4  }
0x663: {  	v10 =	vadd.f32 v10, v34;
	v3 =	vadd.f32 v3, v33  }
0x664: {  	v59 =	vmul.f32 v57, v1;
	v21 =	vsub.f32 v21, v6;
	v23 =	vadd.f32 v28, v30  }
0x665: {  	v9 =	vmul.f32 v9, v1;
	v12 =	vsub.f32 v12, v15;
	v2 =	vsub.f32 v2, v11  }
0x666: {  	v30 =	vmul.f32 v55, v1;
	v55 =	vsub.f32 v58, v36;
	v62 =	vadd.f32 v59, v39  }
0x667: {  	v10 =	vsub.f32 v10, v7;
	v21 =	vmul.f32 v21, v5;
	v42 =	vsub.f32 v23, v13  }
0x668: {  	v12 =	vmul.f32 v12, v5;
	v19 =	vadd.f32 v30, v16;
	v16 =	vmul.f32 v43, v1  }
0x669: {  	v40 =	vld [tilespmem:s0+$0x37F0];
	v28 =	vsub.f32 v44, v29;
	v2 =	vmul.f32 v2, v5;
	v10 =	vmul.f32 v10, v5  }
0x66a: {  	v39 =	vld [tilespmem:s0+$0x17F0];
	v41 =	vadd.f32 v21, v6;
	v12 =	vadd.f32 v12, v15;
	v14 =	vmul.f32 v42, v5  }
0x66b: {  	v51 =	vadd.f32 v16, v47;
	v15 =	vmul.f32 v46, v1;
	v2 =	vadd.f32 v2, v11  }
0x66c: {  	v44 =	vld [tilespmem:s0+$0x77F0];
	v8 =	vsub.f32 v8, v19;
	v16 =	vmul.f32 v53, v1;
	v30 =	vmovc v20;
	v6 =	vsub.f32 v63, v37  }
0x66d: {  	v43 =	vld [tilespmem:s0+$0x57F0];
	v11 =	vmul.f32 v54, v1;
	v42 =	vsub.f32 v56, v48;
	v46 =	vmovc v26;
	v59 =	vadd.f32 v10, v7  }
0x66e: {  	v20 =	vmul.f32 v55, v1;
	v47 =	vsub.f32 v49, v30;
	v9 =	vadd.f32 v9, v46  }
0x66f: {  	v54 =	vsub.f32 v40, v39;
	v13 =	vadd.f32 v14, v13;
	v14 =	vmul.f32 v50, v1  }
0x670: {  	v15 =	vadd.f32 v15, v25;
	v16 =	vadd.f32 v16, v35;
	v8 =	vmul.f32 v8, v5  }
0x671: {  	v11 =	vadd.f32 v11, v17;
	v20 =	vadd.f32 v20, v36;
	v32 =	vmul.f32 v6, v1  }
0x672: {  	v35 =	vsub.f32 v31, v38;
	v50 =	vmul.f32 v45, v1;
	v56 =	vsub.f32 v44, v43  }
0x673: {  	v52 =	vmul.f32 v47, v1;
	v14 =	vadd.f32 v14, v27;
	v15 =	vsub.f32 v15, v51  }
0x674: {  	v36 =	vld [tilespmem:s0+$0x57E0];
	v57 =	vmul.f32 v54, v1;
	v8 =	vadd.f32 v8, v19;
	v20 =	vsub.f32 v20, v11  }
0x675: {  	v27 =	vmul.f32 v61, v1;
	v21 =	vadd.f32 v32, v37;
	v37 =	vld [tilespmem:s0+$0x77E0];
	v53 =	vadd.f32 v50, v22  }
0x676: {  	v60 =	vmovc v18;
	v6 =	vmul.f32 v35, v1;
	v55 =	vadd.f32 v52, v30;
	v58 =	vsub.f32 v16, v14  }
0x677: {  	v15 =	vmul.f32 v15, v5;
	v17 =	vadd.f32 v27, v60;
	v16 =	vmul.f32 v28, v1  }
0x678: {  	[tilespmem:s0+$0x11380] =	vst v2;
	v20 =	vmul.f32 v20, v5;
	v0 =	vsub.f32 v0, v21;
	v6 =	vadd.f32 v6, v38  }
0x679: {  	v28 =	vmul.f32 v42, v1;
	[tilespmem:s0+$0x113C0] =	vst v8;
	v8 =	vadd.f32 v57, v39;
	v2 =	vsub.f32 v55, v53  }
0x67a: {  	[tilespmem:s0+$0x113B0] =	vst v41;
	v25 =	vmul.f32 v58, v5;
	v15 =	vadd.f32 v15, v51;
	v51 =	vsub.f32 v37, v36  }
0x67b: {  	[tilespmem:s0+$0x113A0] =	vst v12;
	v16 =	vadd.f32 v16, v29;
	v17 =	vsub.f32 v17, v62;
	v0 =	vmul.f32 v0, v5  }
0x67c: {  	[tilespmem:s0+$0x117B0] =	vst v59;
	v11 =	vadd.f32 v20, v11;
	v49 =	vadd.f32 v28, v48;
	v12 =	vmul.f32 v51, v1  }
0x67d: {  	[tilespmem:s0+$0x11390] =	vst v13;
	v14 =	vadd.f32 v25, v14;
	v0 =	vadd.f32 v0, v21;
	v1 =	vmul.f32 v56, v1  }
0x67e: {  	v2 =	vmul.f32 v2, v5;
	v6 =	vsub.f32 v6, v16;
	[tilespmem:s0+$0x113D0] =	vst v15;
	v12 =	vadd.f32 v12, v36  }
0x67f: {  	v17 =	vmul.f32 v17, v5;
	v9 =	vsub.f32 v9, v49;
	[tilespmem:s0+$0x113F0] =	vst v11;
	v1 =	vadd.f32 v1, v43  }
0x680: {  	v61 =	vadd.f32 v2, v53;
	[tilespmem:s0+$0x113E0] =	vst v14;
	v6 =	vmul.f32 v6, v5;
	v58 =	vsub.f32 v12, v3  }
0x681: {  	v17 =	vadd.f32 v17, v62;
	v9 =	vmul.f32 v9, v5;
	[tilespmem:s0+$0x11790] =	vst v0;
	v1 =	vsub.f32 v1, v8  }
0x682: {  	[tilespmem:s0+$0x117D0] =	vst v61;
	v6 =	vadd.f32 v6, v16;
	v60 =	vmul.f32 v58, v5  }
0x683: {  	[tilespmem:s0+$0x11780] =	vst v17;
	v4 =	vadd.f32 v9, v49;
	v1 =	vmul.f32 v1, v5  }
0x684: {  	[tilespmem:s0+$0x117A0] =	vst v6;
	v62 =	vadd.f32 v60, v3  }
0x685: {  	[tilespmem:s0+$0x117C0] =	vst v4;
	v63 =	vadd.f32 v1, v8  }
0x686: {  	[tilespmem:s0+$0x117E0] =	vst v62  }
0x687: {  	s29 =	rddreg [dreg:$0x9];
	s1 =	simm.s32 $0x11380;
	[tilespmem:s0+$0x117F0] =	vst v63  }
0x688: {  	[hbm4b:s29+s7] =	stream.linear.scatter [tilespmem:s1], [sflag:$0x2], $0x2000, $0x38;
	[tilespmem:$0x13380] =	vst v63  }
0x689: {  	_ =	swait.ge [sflag:s4], $0x2000  }
0x68a: {  	s30 =	rddreg [dreg:$0xb]  }
0x68b: {  	s31 =	rddreg [dreg:$0xa];
	s1 =	sadd.s32 $0x1, s30  }
0x68c: {  	p0 =	sne.s32 s1, s31  }
.Ltmp5:
0x68d: {  	_ = 	snop;
	(pc) =	sbr.rel @p0 .LBB2_1-.Ltmp5, $3  }
0x68e: {  	_ =	sdelay $0x1  }
0x68f: {  	[sflag:s4] =	ssyncset.done $0x0  }
0x690: {  	[sflag:s4] =	ssyncadd.s32 $0xFFFFE000  }
0x691: {  	_ =	sfence.sel $0x180000  }
0x692: {  	[bflag:$0x0] =	sbarrier.arrive $0xFFFF  }
0x693: {  	_ =	strace $0x90000047  }
0x694: {  	s0 =	stileid.u32;
	[bflag:$0x2] =	sbarrier.arrive $0xFFFF  }
0x695: {  	p0 =	sne.s32 s0, $0x0;
	s0 =	rddreg [dreg:$0x3]  }
0x696: {  	s0 =	sadd.s32 @!p0 $0x100000, s0  }
0x697: {  	[sflag:s0] =	ssyncadd.tile.s32 @!p0 $0x1;
	_ =	shalt  }
.Lfunc_end2:
_tile_overlayer_lowered:
.L_overlay_start_2:
0x698: {  	(tag) =	ssettag $0x2  }
0x699: {  	s0 =	rddreg [dreg:$0x0];
	s2 =	stileid.u32  }
0x69a: {  	s1 =	rddreg [dreg:$0x1];
	p0 =	sne.s32 s2, $0x0  }
0x69b: {  	s3 =	rddreg [dreg:$0x2];
	[bflag:$0x3] =	sbarrier.arrive $0xFFFF;
	s2 =	simm.s32 @!p0 $0x1C02  }
0x69c: {  	[timem:s3], [sflag:s2] =	dma.local @!p0 [hbm:s0], s1  }
0x69d: {  	s0 =	simm.s32 @!p0 $0x2  }
0x69e: {  	_ =	swait.ge @!p0 [sflag:s0], s1  }
0x69f: {  	s1 =	ssub.s32 @!p0 $0x0, s1;
	[sflag:s0] =	ssyncset.done @!p0 $0x0  }
0x6a0: {  	[sflag:s0] =	ssyncadd.s32 @!p0 s1  }
0x6a1: {  	[bflag:$0x3] =	sbarrier.arrive $0xFFFF  }
0x6a2: {  	_ =	shalt  }

// kernel: sparse-core-data-format-call.cloned.1.call-start
scs
called_computation_lowered:
.L_overlay_start_0:
0x0: {  	s2 =	sld [smem:$0x3FD9]  }
0x1: {  	s3 =	sld [smem:$0x3FFE];
	_ =	sdelay $0x1  }
0x2: {  	s1 =	srdreg.scid  }
0x3: {  	s0 =	sand.u32 $0x1, s1  }
0x4: {  	s15 =	sshll.u32 s0, $0xA;
	s2 =	sadd.s32 s3, s2  }
0x5: {  	s2 =	sadd.s32 s2, s15  }
0x6: {  	[smem:$0x3FC2] =	sst s2  }
0x7: {  	_ = 	snop  }
0x8: {  	s2 =	sld [smem:$0x3FD0];
	_ =	sdelay $0x2  }
0x9: {  	s16 =	simm.s32 $0xA;
	s4 =	simm.s32 $0x10  }
0xa: {  	[smem:s4], [sflag:s16] =	dma.local [hbm:s2], $0x1  }
0xb: {  	_ =	swait.eq [sflag:s16], $0x1  }
0xc: {  	[sflag:s16] =	ssyncset.done $0x0  }
0xd: {  	[sflag:s16] =	ssyncadd.s32 $0xFFFFFFFF  }
0xe: {  	s17 =	sld [smem:$0x10];
	(tm) =	ssettm $0x1  }
0xf: {  	s18 =	sld [smem:$0x3FFB];
	_ =	sdelay $0x3  }
0x10: {  	_ =	strace s18  }
0x11: {  	s3 =	sld [smem:$0x3FFC];
	_ =	sdelay $0x3  }
0x12: {  	_ =	strace s3  }
0x13: {  	s3 =	sld [smem:$0x3FFD];
	_ =	sdelay $0x3  }
0x14: {  	_ =	strace s3  }
0x15: {  	_ =	strace $0x8FFFFFFF  }
0x16: {  	s19 =	sld [smem:$0x3FDB];
	_ =	sdelay $0x1  }
0x17: {  	s20 =	simm.s32 $_scs_section_size  }
0x18: {  	s5 =	simm.s32 $_size__tile_overlayer_lowered;
	s6 =	simm.s32 $_tile_overlayer_lowered  }
0x19: {  	s23 =	simm.s32 $0x1BFF;
	s22 =	sshll.u32 s6, $0x1;
	s3 =	sadd.s32 s20, s19  }
0x1a: {  	s7 =	simm.s32 $0x0;
	s21 =	sshll.u32 s5, $0x1;
	s5 =	sadd.s32 s22, s3  }
0x1b: {  	[timem:s7], [sflag:s23] =	dma.local [hbm:s5], s21  }
0x1c: {  	_ =	swait.ge [sflag:s23], s21  }
0x1d: {  	s4 =	ssub.s32 $0x0, s21;
	[sflag:s23] =	ssyncset.done $0x0  }
0x1e: {  	[sflag:s23] =	ssyncadd.s32 s4;
	_ =	sdelay $0x1  }
0x1f: {  	s24 =	simm.s32 $0x1B8B  }
0x20: {  	_ =	swait.ge [sflag:s24], $0x1  }
0x21: {  	[sflag:s24] =	ssyncset.done $0x0  }
0x22: {  	s26 =	simm.s32 $0x1B8E;
	s25 =	sld [smem:$0x3FFE];
	[sflag:s24] =	ssyncadd.s32 $0xFFFFFFFF  }
0x23: {  	s27 =	simm.s32 $execute0_lowered;
	[smem:$0x3FD2] =	sst s26  }
0x24: {  	s5 =	sshll.u32 s27, $0x1;
	_ =	strace $0x80000049;
	[dreg:$0x1] =	wrdreg $0xFFFFFFFF  }
0x25: {  	s28 =	simm.s32 $_size_execute0_lowered;
	s3 =	sadd.s32 s3, s5;
	[dreg:$0x0] =	wrdreg $0x0  }
0x26: {  	s5 =	sshll.u32 s28, $0x1;
	[dreg:$0x2] =	wrdreg s3  }
0x27: {  	[dreg:$0x3] =	wrdreg s5  }
0x28: {  	[dreg:$0x4] =	wrdreg $0xC0  }
0x29: {  	_ =	task [dreg:s7], $0x5FFFF  }
0x2a: {  	[dreg:$0x1] =	wrdreg $0xFFFFFFFF  }
0x2b: {  	[dreg:$0x0] =	wrdreg $0x60  }
0x2c: {  	[dreg:$0x2] =	wrdreg s25  }
0x2d: {  	[dreg:$0x3] =	wrdreg s17  }
0x2e: {  	[dreg:$0x4] =	wrdreg $0x9  }
0x2f: {  	_ =	task.clear_ibuf [dreg:s7], $0x5FFFF;
	_ =	strace $0x90000049  }
0x30: {  	s29 =	simm.s32 $0x9;
	_ =	strace $0x8000004B  }
0x31: {  	_ =	swait.ge [sflag:s29], $0x1  }
0x32: {  	[sflag:s29] =	ssyncadd.s32 $0xFFFFFFFF  }
0x33: {  	_ =	strace $0x9000004B  }
0x34: {  	_ =	sfence  }
0x35: {  	s30 =	sld [smem:$0x0];
	_ =	sdelay $0x2  }
0x36: {  	s31 =	sshll.u32 s1, $0xD;
	s1 =	sshrl.u32 s1, $0x2  }
0x37: {  	s3 =	sand.u32 $0x4000, s31;
	s1 =	sadd.s32 s1, s30  }
0x38: {  	s0 =	sor.u32 s3, s0;
	s1 =	sshll.u32 s1, $0x11  }
0x39: {  	s0 =	sor.u32 s1, s0  }
0x3a: {  	s0 =	sadd.s32 $0x8F2B, s0  }
0x3b: {  	[sflag:s0] =	ssyncadd.remote.s32 $0x1  }
0x3c: {  	_ =	sfence.sel $0xFFFF  }
0x3d: {  	[dreg:$0x0] =	wrdreg $0xFFFFFFFF;
	(pc) =	sbr.abs _section_cstart, $3  }
0x3e: {  	[dreg:$0x1] =	wrdreg $0xFFFFFFFF  }
0x3f: {  	_ =	task.clear_ibuf [dreg:s7], $0x2FFFF;
	_ =	strace $0x9FFFFFFF  }
0x40: {  	(tm) =	ssettm $0x7FFFFFFF  }
0x41: {  	_ =	shalt  }
tec
execute0_lowered:
.L_overlay_start_1:
0x0: {  	(tag) =	ssettag $0x1  }
0x1: {  	s0 =	srdreg.scid  }
0x2: {  	s1 =	rddreg [dreg:$0x0];
	s4 =	stileid.u32  }
0x3: {  	_ =	strace $0x8000004A;
	s3 =	simm.s32 $0x1C;
	s30 =	simm.s32 $0x1  }
0x4: {  	s31 =	simm.s32 $0x2;
	s20 =	simm.s32 $0x0;
	s12 =	simm.s32 $0x0  }
0x5: {  	s22 =	simm.s32 $0x0;
	s21 =	simm.s32 $0x0;
	s23 =	simm.s32 $0x0  }
0x6: {  	s13 =	simm.s32 $0x0;
	s14 =	simm.s32 $0x0;
	s0 =	sshll.u32 s0, $0x7  }
0x7: {  	s15 =	simm.s32 $0x0;
	s16 =	simm.s32 $0x0;
	s5 =	sand.u32 $0x80, s0  }
0x8: {  	s19 =	simm.s32 $0x0;
	s7 =	sshrl.u32 s4, $0x3;
	s0 =	ssub.s32 $0x100, s5  }
0x9: {  	s29 =	sshll.u32 s4, $0x7;
	p0 =	seq.s32 s7, $0x0;
	s2 =	sshrl.u32 s0, $0x7  }
0xa: {  	s8 =	sand.u32 $0x380, s29;
	s0 =	sshrl.u32 s0, $0x8;
	s2 =	sand.u32 $0x1, s2  }
.Ltmp0:
0xb: {  	s3 =	simm.s32 @!p0 $0x15;
	s0 =	sadd.s32 s0, s2;
	(pc) =	sbr.rel .LBB1_1-.Ltmp0, $4  }
0xc: {  	[dreg:$0x3] =	wrdreg s7;
	s1 =	sadd.s32 s5, s1;
	s6 =	smul.u32 s3, s0  }
0xd: {  	[sflag:s30] =	ssyncpa.u1 $0x0;
	[dreg:$0x4] =	wrdreg s8;
	s9 =	sadd.s32 $0xA00, s1  }
0xe: {  	[sflag:s31] =	ssyncpa.u1 $0x0;
	[dreg:$0x5] =	wrdreg s9;
	s10 =	sadd.s32 $0x1, s6  }
0xf: {  	s17 =	smov.u32 s7;
	s18 =	smov.u32 s8;
	[dreg:$0x6] =	wrdreg s10  }
.LBB1_11:
0x10: {  	s0 =	sshll.u32 s15, $0x8;
	s1 =	sshll.u32 s23, $0x3;
	s26 =	smul.u32 $0x36B00, s14  }
0x11: {  	s2 =	sshll.u32 s15, $0x7;
	p0 =	sgt.s32 s13, $0x6;
	s27 =	smul.u32 $0x7D00, s13  }
0x12: {  	s4 =	sshll.u32 s15, $0x4;
	s5 =	rddreg [dreg:$0x1];
	s0 =	sand.u32 $0xFFFFF800, s0  }
0x13: {  	s28 =	sshll.u32 s19, $0xE;
	s11 =	sand.u32 $0x300, s2;
	s0 =	sor.u32 s0, s1  }
0x14: {  	s30 =	simm.s32 $0x400;
	s31 =	simm.s32 $0x800;
	s0 =	sor.u32 s11, s0  }
0x15: {  	s8 =	rddreg [dreg:$0x4];
	s2 =	smov.u32 s13;
	s0 =	sshrl.u32 s0, $0x8  }
0x16: {  	s9 =	rddreg [dreg:$0x5];
	s2 =	simm.s32 @!p0 $0x6;
	s23 =	smulhi.u32 $0x83126F, s0  }
0x17: {  	s10 =	rddreg [dreg:$0x6];
	s4 =	sand.u32 $0x10, s4;
	s2 =	sadd.s32 s24, s2  }
0x18: {  	s29 =	sand.u32 $0x4000, s28;
	s3 =	sadd.s32 $0xFFFFFFFA, s2;
	s1 =	sshrl.u32 s23, $0x1  }
0x19: {  	s2 =	ssub.s32 $0x7, s2;
	p0 =	sgt.s32 s3, $0x0;
	s1 =	smul.u32 $0x3E8, s1  }
0x1a: {  	s3 =	sadd.s32 s5, s26;
	s5 =	smov.u32 s7;
	s2 =	simm.s32 @p0 $0x0  }
0x1b: {  	s2 =	smul.u32 s2, s25;
	s0 =	ssub.s32 s0, s1;
	s1 =	sadd.s32 s27, s3  }
0x1c: {  	s7 =	rddreg [dreg:$0x3];
	s0 =	sshll.u32 s0, $0x5;
	s1 =	sadd.s32 s4, s1  }
0x1d: {  	s2 =	sand.u32 $0x3FFFFF80, s2;
	s3 =	sor.u32 $0x8000, s29;
	s0 =	sadd.s32 s0, s1  }
0x1e: {  	[hbm4b:s0+s30] =	stream.strided.scatter [tilespmem:s3], [sflag:$0x2], s2, s31, s30, $0x38;
	[tilespmem:$0x10000] =	vst v63  }
.LBB1_12:
0x1f: {  	p0 =	slt.u32 s19, $0x2  }
0x20: {  	p1 =	sgt.s32 @!p0 s22, $0x6  }
0x21: {  	s0 =	smov.u32 s22;
	s1 =	sshra.s32 @!p0 s22, $0x1F;
	p1 =	por !p1, p0  }
0x22: {  	s1 =	sand.u32 @!p0 s1, s22;
	s0 =	simm.s32 @p1 $0x6  }
0x23: {  	s0 =	ssub.s32 @!p0 s0, s1  }
0x24: {  	s3 =	smov.u32 s20;
	s1 =	sadd.s32 @!p0 $0xFFFFFFFA, s0  }
0x25: {  	s4 =	smov.u32 s17;
	p2 =	sgt.s32 @!p0 s21, $0x368;
	p1 =	sgt.s32 @!p0 s1, $0x0  }
0x26: {  	s2 =	sshra.s32 @!p0 s21, $0x1F;
	s0 =	ssub.s32 @!p0 $0x7, s0;
	p1 =	por !p1, p0  }
0x27: {  	s1 =	smov.u32 s21;
	s0 =	simm.s32 @!p1 $0x0;
	p1 =	por !p2, p0  }
0x28: {  	s2 =	sand.u32 @!p0 s2, s21;
	p2 =	sgt.s32 @!p0 s20, $0x6;
	s1 =	simm.s32 @p1 $0x368  }
0x29: {  	p1 =	por !p2, p0;
	s1 =	ssub.s32 @!p0 s1, s2;
	s2 =	sshra.s32 @!p0 s20, $0x1F  }
0x2a: {  	s3 =	simm.s32 @p1 $0x6;
	s2 =	sand.u32 @!p0 s2, s20;
	s1 =	sadd.s32 @!p0 $0xFFFFFC98, s1  }
0x2b: {  	s2 =	ssub.s32 @!p0 s3, s2;
	p1 =	sgt.s32 @!p0 s1, $0x7F;
	s1 =	sshll.u32 @!p0 s1, $0x7  }
0x2c: {  	s3 =	sadd.s32 @!p0 $0xFFFFFFFA, s2;
	s1 =	ssub.s32 @!p0 $0x4000, s1;
	p1 =	por !p1, p0  }
0x2d: {  	s2 =	ssub.s32 @!p0 $0x7, s2;
	p2 =	sgt.s32 @!p0 s3, $0x0;
	s1 =	simm.s32 @!p1 $0x0  }
0x2e: {  	p1 =	por !p2, p0;
	s0 =	smul.u32 @!p0 s0, s1;
	s1 =	sadd.s32 $0x1, s16  }
0x2f: {  	s3 =	sadd.s32 $0x2, s17;
	s2 =	simm.s32 @!p1 $0x0;
	p1 =	sgt.s32 s1, $0x6  }
0x30: {  	s12 =	sadd.s32 $0x4000, s12;
	s0 =	smul.u32 @!p0 s2, s0;
	s4 =	smov.u32 @p1 s3  }
0x31: {  	s2 =	sadd.s32 $0x400, s18;
	s3 =	smov.u32 s18;
	p2 =	sgt.s32 s4, $0x6  }
0x32: {  	s23 =	smov.u32 s5;
	s22 =	smov.u32 s14;
	s3 =	smov.u32 @p2 s2  }
0x33: {  	s14 =	smov.u32 s17;
	s1 =	simm.s32 @p1 $0x0;
	p1 =	sgt.s32 s3, $0x3E7  }
0x34: {  	s21 =	smov.u32 s15;
	s3 =	smov.u32 @p1 s8;
	p1 =	sne.s32 s19, s10  }
.Ltmp1:
0x35: {  	s15 =	smov.u32 s18;
	s20 =	smov.u32 s13;
	(pc) =	sbr.rel @!p1 .LBB1_13-.Ltmp1, $4  }
0x36: {  	s13 =	smov.u32 s16;
	s0 =	sand.u32 @!p0 $0x3FFFFF80, s0;
	s2 =	simm.s32 @!p0 $0x2  }
0x37: {  	s16 =	smov.u32 s1;
	s4 =	smov.u32 @p2 s7;
	_ =	swait.ge @!p0 [sflag:s2], s0  }
0x38: {  	s0 =	ssub.s32 @!p0 $0x0, s0;
	s17 =	smov.u32 s4;
	[sflag:s2] =	ssyncset.done @!p0 $0x0  }
0x39: {  	s19 =	sadd.s32 $0x1, s19;
	[sflag:s2] =	ssyncadd.s32 @!p0 s0;
	s18 =	smov.u32 s3  }
.LBB1_1:
0x3a: {  	p0 =	sge.u32 s19, s6;
	s0 =	smov.u32 s18;
	s3 =	smov.u32 s17  }
0x3b: {  	s31 =	sadd.s32 $0xFFFFFFFF, s19;
	p1 =	sgt.s32 @!p0 s18, $0x368;
	s1 =	sxor.u32 @!p0 $0xFFFFFFFF, s19  }
0x3c: {  	s2 =	sshra.s32 @!p0 s18, $0x1F;
	s4 =	sshra.s32 @!p0 s17, $0x1F;
	p1 =	por !p1, p0  }
0x3d: {  	s2 =	sand.u32 @!p0 s2, s18;
	s0 =	simm.s32 @p1 $0x368;
	p1 =	sgt.s32 @!p0 s17, $0x6  }
0x3e: {  	s4 =	sand.u32 @!p0 s4, s17;
	p1 =	por !p1, p0;
	s0 =	ssub.s32 @!p0 s0, s2  }
0x3f: {  	s3 =	simm.s32 @p1 $0x6;
	p1 =	sgt.s32 @!p0 s16, $0x7;
	s0 =	sadd.s32 @!p0 $0xFFFFFC98, s0  }
0x40: {  	s2 =	ssub.s32 @!p0 s3, s4;
	p1 =	por !p1, p0;
	s4 =	smov.u32 s16  }
0x41: {  	s3 =	sadd.s32 @!p0 $0xFFFFFFFA, s2;
	s4 =	simm.s32 @p1 $0x7;
	p1 =	sgt.s32 @!p0 s0, $0x7F  }
0x42: {  	s0 =	sshll.u32 @!p0 s0, $0x7;
	p2 =	sgt.s32 @!p0 s3, $0x0;
	s3 =	sshra.s32 @!p0 s16, $0x1F  }
0x43: {  	s2 =	ssub.s32 @!p0 $0x7, s2;
	s0 =	ssub.s32 @!p0 $0x4000, s0;
	s3 =	sand.u32 @!p0 s3, s16  }
0x44: {  	p1 =	por !p1, p0;
	p2 =	por !p2, p0;
	s3 =	ssub.s32 @!p0 s4, s3  }
0x45: {  	s0 =	simm.s32 @!p1 $0x0;
	s2 =	simm.s32 @!p2 $0x0;
	s4 =	sadd.s32 @!p0 $0xFFFFFFF9, s3  }
0x46: {  	s1 =	sshll.u32 @!p0 s1, $0xE;
	s0 =	smul.u32 @!p0 s2, s0;
	p2 =	sgt.s32 @!p0 s4, $0x0  }
0x47: {  	s3 =	ssub.s32 @!p0 $0x8, s3;
	s2 =	smul.u32 @!p0 $0x700, s18;
	p1 =	por !p2, p0  }
0x48: {  	s1 =	sand.u32 @!p0 $0x4000, s1;
	s4 =	sshll.u32 @!p0 s16, $0x4;
	s3 =	simm.s32 @!p1 $0x0  }
0x49: {  	s2 =	sadd.s32 @!p0 s2, s9;
	s0 =	smul.u32 @!p0 s3, s0;
	s3 =	sshll.u32 @!p0 s17, $0x8  }
0x4a: {  	s4 =	sand.u32 @!p0 $0x70, s4;
	s2 =	sadd.s32 @!p0 s3, s2;
	s3 =	simm.s32 @!p0 $0x80  }
0x4b: {  	s0 =	sand.u32 @!p0 $0x3FFFFF80, s0;
	s2 =	sadd.s32 @!p0 s4, s2;
	s4 =	simm.s32 @!p0 $0x3800  }
0x4c: {  	[tilespmem:s1], [sflag:$0x1] =	stream.strided.gather @!p0 [hbm4b:s2+s3], s0, s4, s3, $0x38;
	[tilespmem:$0x10000] =	vst v63  }
0x4d: {  	p0 =	sge.u32 s31, s6  }
.Ltmp2:
0x4e: {  	_ = 	snop;
	(pc) =	sbr.rel @p0 .LBB1_12-.Ltmp2, $1  }
0x4f: {  	_ =	sdelay $0x3  }
0x50: {  	p0 =	sgt.s32 s15, $0x368  }
0x51: {  	s0 =	smov.u32 s15;
	s1 =	sshra.s32 s15, $0x1F;
	s2 =	sshra.s32 s14, $0x1F  }
0x52: {  	s24 =	ssub.s32 $0x0, s13;
	s25 =	sshra.s32 s13, $0x1F;
	p1 =	sgt.s32 s13, $0x7  }
0x53: {  	s4 =	smov.u32 s13;
	s0 =	simm.s32 @!p0 $0x368;
	s1 =	sand.u32 s1, s15  }
0x54: {  	p0 =	sgt.s32 s14, $0x6;
	s0 =	ssub.s32 s0, s1;
	s1 =	smov.u32 s14  }
0x55: {  	s2 =	sand.u32 s2, s14;
	s24 =	sand.u32 s24, s25;
	s1 =	simm.s32 @!p0 $0x6  }
0x56: {  	s4 =	simm.s32 @!p1 $0x7;
	s3 =	sadd.s32 $0xFFFFFC98, s0;
	s1 =	ssub.s32 s1, s2  }
0x57: {  	s0 =	ssub.s32 $0x3E8, s0;
	p0 =	sgt.s32 s3, $0x7F;
	s26 =	sadd.s32 $0xFFFFFFFA, s1  }
0x58: {  	s2 =	sadd.s32 s24, s4;
	s1 =	ssub.s32 $0x7, s1;
	p1 =	sgt.s32 s26, $0x0  }
0x59: {  	s0 =	simm.s32 @p0 $0x0;
	s29 =	sadd.s32 $0xFFFFFFF9, s2;
	s1 =	simm.s32 @p1 $0x0  }
0x5a: {  	p0 =	sgt.s32 s29, $0x0;
	s0 =	smul.u32 s0, s1;
	s1 =	ssub.s32 $0x8, s2  }
0x5b: {  	s2 =	sadd.s32 $0x80, s15;
	s1 =	simm.s32 @p0 $0x0  }
0x5c: {  	p0 =	slt.s32 s2, $0x3E8;
	s25 =	sshll.u32 s0, $0x7;
	s0 =	sadd.s32 $0x1, s14  }
0x5d: {  	s2 =	simm.s32 @!p0 $0x3E8;
	p0 =	slt.s32 s0, $0x7  }
0x5e: {  	s26 =	ssub.s32 s2, s15;
	s2 =	sadd.s32 $0x1, s13;
	s0 =	simm.s32 @!p0 $0x7  }
0x5f: {  	p0 =	slt.s32 s2, $0x7;
	p1 =	slt.s32 s26, $0x1;
	s27 =	ssub.s32 s0, s14  }
0x60: {  	s2 =	simm.s32 @!p0 $0x7;
	p0 =	slt.s32 @!p1 s27, $0x1  }
0x61: {  	s28 =	ssub.s32 s2, s13;
	p0 =	por p1, p0  }
0x62: {  	p1 =	slt.s32 @!p0 s28, $0x1  }
0x63: {  	s1 =	smul.u32 s1, s25;
	p0 =	por p0, p1  }
.Ltmp3:
0x64: {  	_ = 	snop;
	(pc) =	sbr.rel @p0 .LBB1_11-.Ltmp3, $4  }
0x65: {  	s31 =	simm.s32 $0x1;
	s30 =	sand.u32 $0x3FFFFF80, s1  }
0x66: {  	_ =	swait.ge [sflag:s31], s30  }
0x67: {  	s0 =	ssub.s32 $0x0, s30;
	[sflag:s31] =	ssyncset.done $0x0  }
0x68: {  	s7 =	smov.u32 s5;
	[sflag:s31] =	ssyncadd.s32 s0  }
0x69: {  	s0 =	sshll.u32 s12, $0x2  }
0x6a: {  	s0 =	sand.u32 $0x10000, s0  }
0x6b: {  	s29 =	sshrl.u32 s0, $0x2  }
0x6c: {  	s2 =	simm.s32 $0x0;
	s0 =	simm.s32 $0x0;
	s30 =	sor.u32 $0x8000, s29  }
.LBB1_4:
0x6d: {  	s1 =	sand.u32 $0x3F80, s0  }
0x6e: {  	s31 =	smov.u32 s2;
	s10 =	simm.s32 $0x0;
	s4 =	sadd.s32 s1, s30  }
.LBB1_5:
0x6f: {  	s11 =	simm.s32 $0x0;
	s5 =	smov.u32 s4;
	s8 =	simm.s32 $0x0  }
.LBB1_6:
0x70: {  	s1 =	sand.u32 $0x7, s11  }
0x71: {  	s1 =	sadd.s32 s1, s31  }
0x72: {  	s1 =	sshll.u32 s1, $0x9  }
0x73: {  	s1 =	sshra.s32 s1, $0x2  }
0x74: {  	s3 =	simm.s32 $0xFFFFFFF0;
	s9 =	sadd.s32 s1, s29;
	s1 =	smov.u32 s5  }
.LBB1_7:
0x75: {  	s3 =	sadd.s32 $0x10, s3  }
0x76: {  	v0 =	vld [tilespmem:s9+$0x0];
	p0 =	slt.u32 s3, $0x70  }
.Ltmp4:
0x77: {  	_ = 	snop;
	(pc) =	sbr.rel @p0 .LBB1_7-.Ltmp4, $2  }
0x78: {  	_ =	sdelay $0x2  }
0x79: {  	s9 =	sadd.s32 $0x10, s9;
	[tilespmem:s1+$0x0] =	vst v0;
	s1 =	sadd.s32 $0x10, s1  }
0x7a: {  	s8 =	sadd.s32 $0x1, s8  }
0x7b: {  	p0 =	sne.s32 s8, s28  }
.Ltmp5:
0x7c: {  	_ = 	snop;
	(pc) =	sbr.rel @p0 .LBB1_6-.Ltmp5, $2  }
0x7d: {  	_ =	sdelay $0x2  }
0x7e: {  	s5 =	sadd.s32 $0x4000, s5;
	s11 =	sadd.s32 $0x1, s11  }
0x7f: {  	s10 =	sadd.s32 $0x1, s10  }
0x80: {  	p0 =	sne.s32 s10, s27  }
.Ltmp6:
0x81: {  	_ = 	snop;
	(pc) =	sbr.rel @p0 .LBB1_5-.Ltmp6, $2  }
0x82: {  	_ =	sdelay $0x2  }
0x83: {  	s4 =	sadd.s32 $0x4000, s4;
	s31 =	sadd.s32 $0x1, s31  }
0x84: {  	s2 =	sadd.s32 $0x1, s2  }
0x85: {  	p0 =	sne.s32 s2, s26  }
.Ltmp7:
0x86: {  	_ = 	snop;
	(pc) =	sbr.rel @p0 .LBB1_4-.Ltmp7, $4  }
.Ltmp8:
0x87: {  	_ = 	snop;
	(pc) =	sbr.rel @!p0 .LBB1_11-.Ltmp8, $4  }
0x88: {  	_ = 	snop  }
0x89: {  	_ = 	snop  }
0x8a: {  	s0 =	sadd.s32 $0x80, s0  }
0x8b: {  	_ = 	snop  }
.LBB1_13:
0x8c: {  	_ =	sfence.sel $0x180000  }
0x8d: {  	s0 =	simm.s32 $0x1;
	[bflag:$0x0] =	sbarrier.arrive $0xFFFF  }
0x8e: {  	s30 =	simm.s32 $0x2;
	[sflag:s0] =	ssyncpa.u1 $0x1  }
0x8f: {  	[sflag:s30] =	ssyncpa.u1 $0x1  }
0x90: {  	_ =	strace $0x9000004A  }
0x91: {  	s31 =	stileid.u32;
	[bflag:$0x2] =	sbarrier.arrive $0xFFFF  }
0x92: {  	p0 =	sne.s32 s31, $0x0;
	s0 =	rddreg [dreg:$0x2]  }
0x93: {  	s0 =	sadd.s32 @!p0 $0x100000, s0  }
0x94: {  	[sflag:s0] =	ssyncadd.tile.s32 @!p0 $0x1;
	_ =	shalt  }
.Lfunc_end1:
_tile_overlayer_lowered:
.L_overlay_start_2:
0x95: {  	(tag) =	ssettag $0x2  }
0x96: {  	s0 =	rddreg [dreg:$0x0];
	s2 =	stileid.u32  }
0x97: {  	s1 =	rddreg [dreg:$0x1];
	p0 =	sne.s32 s2, $0x0  }
0x98: {  	s3 =	rddreg [dreg:$0x2];
	[bflag:$0x3] =	sbarrier.arrive $0xFFFF;
	s2 =	simm.s32 @!p0 $0x1C01  }
0x99: {  	[timem:s3], [sflag:s2] =	dma.local @!p0 [hbm:s0], s1  }
0x9a: {  	s0 =	simm.s32 @!p0 $0x1  }
0x9b: {  	_ =	swait.ge @!p0 [sflag:s0], s1  }
0x9c: {  	s1 =	ssub.s32 @!p0 $0x0, s1;
	[sflag:s0] =	ssyncset.done @!p0 $0x0  }
0x9d: {  	[sflag:s0] =	ssyncadd.s32 @!p0 s1  }
0x9e: {  	[bflag:$0x3] =	sbarrier.arrive $0xFFFF  }
0x9f: {  	_ =	shalt  }

</sc_bundles>
